<compile_context>
chip_gen: v7x
topology: tpu7x:2x2x1
jax: 0.10.2.dev20260603
libtpu: 0.0.44.dev20260713+nightly
codegen_flags: <defaults>
</compile_context>

<pallas_src>
import functools

import jax
import jax.numpy as jnp
from jax import lax
from jax.experimental import pallas as pl
from jax.experimental.pallas import tpu as pltpu
from jax.experimental.pallas import tpu_sc as plsc

_VOCAB = 1000
_B = 1024
_T = 50
_TCHUNK = _T // 2
_NV = 64
_NQ = 4
_QV = _NV // _NQ
_LANES = 16
_KB = _B // _LANES
_VT = _VOCAB // 8
_BT = _B // 128


def _make_gather():
    mesh = plsc.VectorSubcoreMesh(core_axis_name="c", subcore_axis_name="s")

    @functools.partial(
        pl.kernel,
        mesh=mesh,
        compiler_params=pltpu.CompilerParams(
            use_tc_tiling_on_sc=False, needs_layout_passes=False),
        out_type=jax.ShapeDtypeStruct((_T, _VT, _BT, 8, 128), jnp.float32),
        scratch_types=[
            pltpu.VMEM((_NV * _VOCAB,), jnp.float32),
            pltpu.VMEM((_B,), jnp.int32),
            pltpu.VMEM((_QV // 8, _BT, 8, 128), jnp.float32),
            pltpu.VMEM((_QV // 8, _BT, 8, 128), jnp.float32),
            pltpu.SemaphoreType.DMA,
            pltpu.SemaphoreType.DMA,
            pltpu.SemaphoreType.DMA,
        ],
    )
    def gather_kernel(idxt_hbm, wt_hbm, out_hbm, wt_v, idx_v, bufa, bufb,
                      sem, sa, sb):
        cid = lax.axis_index("c")
        sid = lax.axis_index("s")
        t0 = cid * _TCHUNK
        v0 = jnp.minimum(sid * _NV, _VOCAB - _NV)
        vt0 = v0 // 8

        pltpu.async_copy(wt_hbm.at[pl.ds(v0 * _VOCAB, _NV * _VOCAB)],
                         wt_v, sem).wait()

        bufs = (bufa, bufb)
        sems = (sa, sb)

        def compute_quarter(q, buf):
            @plsc.parallel_loop(0, _KB, 1, unroll=8)
            def _(k):
                bt = k // 8
                co = (k % 8) * _LANES
                iv = idx_v[pl.ds(k * _LANES, _LANES)]
                for vl in range(_QV):
                    voff = (q * _QV + vl) * _VOCAB
                    vals = plsc.load_gather(wt_v, [iv + voff])
                    buf[vl // 8, bt, vl % 8, pl.ds(co, _LANES)] = vals

        def dst(t, q):
            return out_hbm.at[t0 + t, pl.ds(vt0 + q * (_QV // 8), _QV // 8)]

        def t_body(tl, _):
            pltpu.async_copy(idxt_hbm.at[t0 + tl], idx_v, sem).wait()
            for q in range(_NQ):
                buf = bufs[q % 2]
                s = sems[q % 2]
                if q >= 2:
                    pltpu.make_async_copy(buf, dst(tl, q - 2), s).wait()
                else:
                    @pl.when(tl > 0)
                    def _():
                        pltpu.make_async_copy(buf, dst(tl - 1, q), s).wait()
                compute_quarter(q, buf)
                pltpu.async_copy(buf, dst(tl, q), s)
            return 0

        lax.fori_loop(0, _TCHUNK, t_body, 0)
        pltpu.make_async_copy(bufa, dst(_TCHUNK - 1, 2), sa).wait()
        pltpu.make_async_copy(bufb, dst(_TCHUNK - 1, 3), sb).wait()

    return gather_kernel


_gather = _make_gather()


def kernel(idx, W):
    idxt = idx.T.astype(jnp.int32)
    wt = W.T.reshape(-1)
    p5 = _gather(idxt, wt)
    p = p5.transpose(0, 1, 3, 2, 4).reshape(_T, _VOCAB, _B)
    return jnp.transpose(p, (2, 0, 1))

# --- scband reference (transcript-rebuilt; emitter-appended) ---
"""Pipeline reference for scband-bigram-model-81612968559094 (READ-ONLY COPY).

The authoritative reference and input builder live on the scoring server;
editing this copy changes nothing except your own understanding.
"""

import jax, jax.numpy as jnp
import numpy as np

VOCAB = 1000
B, T = 1024, 50

def setup_inputs(seed: int = 0) -> dict:
    key = jax.random.key(seed)
    k1, k2 = jax.random.split(key)
    idx = jax.random.randint(k1, (B, T), 0, VOCAB)
    # learned parameter: token_embedding_table [vocab_size, vocab_size]
    W = jax.random.normal(k2, (VOCAB, VOCAB), dtype=jnp.float32) * 0.02
    return {"idx": idx, "W": W}

def reference(idx, W):
    # BigramModel.forward with targets=None:
    # logits = embedding(idx) -> gather rows of the table; loss = None
    logits = jnp.take(W, idx, axis=0)  # [B, T, vocab]
    return logits

if __name__ == "__main__":
    import jax
    _d = setup_inputs()
    print(jax.jit(kernel)(*tuple(_d.values())))

</pallas_src>

<mosaic_0001>
#map = affine_map<(d0, d1) -> (0, 0)>
#map1 = affine_map<(d0, d1) -> (0)>
#map2 = affine_map<(d0, d1) -> (0, 0, 0, 0, 0)>
module attributes {stable_mosaic.version = 14 : i64} {
  func.func @gather_kernel(%arg0: i32, %arg1: i32, %arg2: memref<50x1024xi32, #tpu.memory_space<hbm>>, %arg3: memref<1000000xf32, #tpu.memory_space<hbm>>, %arg4: memref<50x125x8x8x128xf32, #tpu.memory_space<hbm>>, %arg5: memref<64000xf32, #tpu.memory_space<vmem>>, %arg6: memref<1024xi32, #tpu.memory_space<vmem>>, %arg7: memref<2x8x8x128xf32, #tpu.memory_space<vmem>>, %arg8: memref<2x8x8x128xf32, #tpu.memory_space<vmem>>, %arg9: memref<!tpu.dma_semaphore, #tpu.memory_space<semaphore_mem>>, %arg10: memref<!tpu.dma_semaphore, #tpu.memory_space<semaphore_mem>>, %arg11: memref<!tpu.dma_semaphore, #tpu.memory_space<semaphore_mem>>) attributes {dimension_semantics = [#tpu.dimension_semantics<core_parallel>, #tpu.dimension_semantics<subcore_parallel>], iteration_bounds = array<i64: 2, 16>, scalar_prefetch = 0 : i64, scratch_operands = 7 : i64, tpu.core_type = #tpu.core_type<sc_vector_subcore>, window_params = [{transform_indices = #map}, {transform_indices = #map1}, {transform_indices = #map2}]} {
    %mul3A = arith.constant 25 : i32
    %mul3A_0 = arith.muli %arg0, %mul3A : i32
    %mul3A_1 = arith.constant 64 : i32
    %mul3A_2 = arith.muli %arg1, %mul3A_1 : i32
    %min3A = arith.constant 936 : i32
    %min3A_3 = arith.minsi %mul3A_2, %min3A : i32
    %jit3A = arith.constant 8 : i32
    %div3A = arith.divsi %min3A_3, %jit3A : i32
    %sign3A = arith.constant 0 : i32
    %sign3A_4 = arith.cmpi sgt, %min3A_3, %sign3A : i32
    %sign3A_5 = arith.extui %sign3A_4 : i1 to i32
    %sign3A_6 = arith.constant 0 : i32
    %sign3A_7 = arith.cmpi slt, %min3A_3, %sign3A_6 : i32
    %sign3A_8 = arith.extui %sign3A_7 : i1 to i32
    %sign3A_9 = arith.subi %sign3A_5, %sign3A_8 : i32
    %sign3A_10 = arith.constant 0 : i32
    %sign3A_11 = arith.cmpi sgt, %jit3A, %sign3A_10 : i32
    %sign3A_12 = arith.extui %sign3A_11 : i1 to i32
    %sign3A_13 = arith.constant 0 : i32
    %sign3A_14 = arith.cmpi slt, %jit3A, %sign3A_13 : i32
    %sign3A_15 = arith.extui %sign3A_14 : i1 to i32
    %sign3A_16 = arith.subi %sign3A_12, %sign3A_15 : i32
    %ne3A = arith.cmpi ne, %sign3A_9, %sign3A_16 : i32
    %rem3A = arith.remsi %min3A_3, %jit3A : i32
    %ne3A_17 = arith.constant 0 : i32
    %ne3A_18 = arith.cmpi ne, %rem3A, %ne3A_17 : i32
    %and3A = arith.andi %ne3A, %ne3A_18 : i1
    %sub3A = arith.constant 1 : i32
    %sub3A_19 = arith.subi %div3A, %sub3A : i32
    %select_n3A = arith.select %and3A, %sub3A_19, %div3A : i32
    %mul3A_20 = arith.constant 1000 : i32
    %mul3A_21 = arith.muli %min3A_3, %mul3A_20 : i32
    %dma_start3A = tpu.memref_slice %arg3[%mul3A_21] : memref<1000000xf32, #tpu.memory_space<hbm>> -> memref<64000xf32, #tpu.memory_space<hbm>>
    %dma_start3A_22 = tpu.memref_slice %arg3[%mul3A_21] : memref<1000000xf32, #tpu.memory_space<hbm>> -> memref<64000xf32, #tpu.memory_space<hbm>>
    tpu.enqueue_dma source(%dma_start3A_22 : memref<64000xf32, #tpu.memory_space<hbm>>) target(%arg5 : memref<64000xf32, #tpu.memory_space<vmem>>) target_semaphore(%arg9 : memref<!tpu.dma_semaphore, #tpu.memory_space<semaphore_mem>>)
    %dma_wait3A = tpu.memref_slice %arg3[%mul3A_21] : memref<1000000xf32, #tpu.memory_space<hbm>> -> memref<64000xf32, #tpu.memory_space<hbm>>
    %dma_wait3A_23 = tpu.memref_slice %arg3[%mul3A_21] : memref<1000000xf32, #tpu.memory_space<hbm>> -> memref<64000xf32, #tpu.memory_space<hbm>>
    tpu.wait_dma2 semaphore(%arg9 : memref<!tpu.dma_semaphore, #tpu.memory_space<semaphore_mem>>) src(%dma_wait3A_23 : memref<64000xf32, #tpu.memory_space<hbm>>) dst(%arg5 : memref<64000xf32, #tpu.memory_space<vmem>>)
    %scan3A = arith.constant 0 : i32
    %scan3A_24 = arith.constant 0 : i32
    %scan3A_25 = arith.constant 25 : i32
    %scan3A_26 = arith.addi %scan3A_24, %scan3A_25 : i32
    %scan3A_27 = arith.constant 1 : i32
    %scan3A_28 = scf.for %scan3A_57 = %scan3A_24 to %scan3A_26 step %scan3A_27 iter_args(%scan3A_58 = %scan3A) -> (i32)  : i32 {
      %add3A_59 = arith.addi %mul3A_0, %scan3A_57 : i32
      %dma_start3A_60 = arith.constant 0 : i32
      %dma_start3A_61 = tpu.memref_slice %arg2[%add3A_59, %dma_start3A_60] : memref<50x1024xi32, #tpu.memory_space<hbm>> -> memref<1x1024xi32, #tpu.memory_space<hbm>>
      %dma_start3A_62 = tpu.memref_squeeze %dma_start3A_61 : memref<1x1024xi32, #tpu.memory_space<hbm>> -> memref<1024xi32, #tpu.memory_space<hbm>>
      %dma_start3A_63 = arith.constant 0 : i32
      %dma_start3A_64 = tpu.memref_slice %arg2[%add3A_59, %dma_start3A_63] : memref<50x1024xi32, #tpu.memory_space<hbm>> -> memref<1x1024xi32, #tpu.memory_space<hbm>>
      %dma_start3A_65 = tpu.memref_squeeze %dma_start3A_64 : memref<1x1024xi32, #tpu.memory_space<hbm>> -> memref<1024xi32, #tpu.memory_space<hbm>>
      tpu.enqueue_dma source(%dma_start3A_65 : memref<1024xi32, #tpu.memory_space<hbm>>) target(%arg6 : memref<1024xi32, #tpu.memory_space<vmem>>) target_semaphore(%arg9 : memref<!tpu.dma_semaphore, #tpu.memory_space<semaphore_mem>>)
      %dma_wait3A_66 = arith.constant 0 : i32
      %dma_wait3A_67 = tpu.memref_slice %arg2[%add3A_59, %dma_wait3A_66] : memref<50x1024xi32, #tpu.memory_space<hbm>> -> memref<1x1024xi32, #tpu.memory_space<hbm>>
      %dma_wait3A_68 = tpu.memref_squeeze %dma_wait3A_67 : memref<1x1024xi32, #tpu.memory_space<hbm>> -> memref<1024xi32, #tpu.memory_space<hbm>>
      %dma_wait3A_69 = arith.constant 0 : i32
      %dma_wait3A_70 = tpu.memref_slice %arg2[%add3A_59, %dma_wait3A_69] : memref<50x1024xi32, #tpu.memory_space<hbm>> -> memref<1x1024xi32, #tpu.memory_space<hbm>>
      %dma_wait3A_71 = tpu.memref_squeeze %dma_wait3A_70 : memref<1x1024xi32, #tpu.memory_space<hbm>> -> memref<1024xi32, #tpu.memory_space<hbm>>
      tpu.wait_dma2 semaphore(%arg9 : memref<!tpu.dma_semaphore, #tpu.memory_space<semaphore_mem>>) src(%dma_wait3A_71 : memref<1024xi32, #tpu.memory_space<hbm>>) dst(%arg6 : memref<1024xi32, #tpu.memory_space<vmem>>)
      %gt3A = arith.constant 0 : i32
      %gt3A_72 = arith.cmpi sgt, %scan3A_57, %gt3A : i32
      %convert_element_type3A = arith.extui %gt3A_72 : i1 to i32
      %cond3A = arith.constant 0 : i32
      %cond3A_73 = arith.cmpi ne, %convert_element_type3A, %cond3A : i32
      scf.if %cond3A_73 {
        %sub3A_169 = arith.constant 1 : i32
        %sub3A_170 = arith.subi %scan3A_57, %sub3A_169 : i32
        %add3A_171 = arith.addi %mul3A_0, %sub3A_170 : i32
        %add3A_172 = arith.constant 0 : i32
        %add3A_173 = arith.addi %select_n3A, %add3A_172 : i32
        %dma_wait3A_174 = arith.constant 0 : i32
        %dma_wait3A_175 = arith.constant 0 : i32
        %dma_wait3A_176 = arith.constant 0 : i32
        %dma_wait3A_177 = tpu.memref_slice %arg4[%add3A_171, %add3A_173, %dma_wait3A_174, %dma_wait3A_175, %dma_wait3A_176] : memref<50x125x8x8x128xf32, #tpu.memory_space<hbm>> -> memref<1x2x8x8x128xf32, #tpu.memory_space<hbm>>
        %dma_wait3A_178 = tpu.memref_squeeze %dma_wait3A_177 : memref<1x2x8x8x128xf32, #tpu.memory_space<hbm>> -> memref<2x8x8x128xf32, #tpu.memory_space<hbm>>
        %dma_wait3A_179 = arith.constant 0 : i32
        %dma_wait3A_180 = arith.constant 0 : i32
        %dma_wait3A_181 = arith.constant 0 : i32
        %dma_wait3A_182 = tpu.memref_slice %arg4[%add3A_171, %add3A_173, %dma_wait3A_179, %dma_wait3A_180, %dma_wait3A_181] : memref<50x125x8x8x128xf32, #tpu.memory_space<hbm>> -> memref<1x2x8x8x128xf32, #tpu.memory_space<hbm>>
        %dma_wait3A_183 = tpu.memref_squeeze %dma_wait3A_182 : memref<1x2x8x8x128xf32, #tpu.memory_space<hbm>> -> memref<2x8x8x128xf32, #tpu.memory_space<hbm>>
        tpu.wait_dma2 semaphore(%arg10 : memref<!tpu.dma_semaphore, #tpu.memory_space<semaphore_mem>>) src(%arg7 : memref<2x8x8x128xf32, #tpu.memory_space<vmem>>) dst(%dma_wait3A_183 : memref<2x8x8x128xf32, #tpu.memory_space<hbm>>)
      } else {
      }
      %parallel_loop3A = arith.constant 0 : i32
      %parallel_loop3A_74 = arith.constant 64 : i32
      %parallel_loop3A_75 = arith.constant 1 : i32
      scf.for %parallel_loop3A_169 = %parallel_loop3A to %parallel_loop3A_74 step %parallel_loop3A_75  : i32 {
        %parallel_loop3A_170 = arith.constant 8 : i32
        %parallel_loop3A_171 = arith.divsi %parallel_loop3A_169, %parallel_loop3A_170 : i32
        %parallel_loop3A_172 = arith.constant 0 : i32
        %parallel_loop3A_173 = arith.cmpi sgt, %parallel_loop3A_169, %parallel_loop3A_172 : i32
        %parallel_loop3A_174 = arith.extui %parallel_loop3A_173 : i1 to i32
        %parallel_loop3A_175 = arith.constant 0 : i32
        %parallel_loop3A_176 = arith.cmpi slt, %parallel_loop3A_169, %parallel_loop3A_175 : i32
        %parallel_loop3A_177 = arith.extui %parallel_loop3A_176 : i1 to i32
        %parallel_loop3A_178 = arith.subi %parallel_loop3A_174, %parallel_loop3A_177 : i32
        %parallel_loop3A_179 = arith.constant 0 : i32
        %parallel_loop3A_180 = arith.cmpi sgt, %parallel_loop3A_170, %parallel_loop3A_179 : i32
        %parallel_loop3A_181 = arith.extui %parallel_loop3A_180 : i1 to i32
        %parallel_loop3A_182 = arith.constant 0 : i32
        %parallel_loop3A_183 = arith.cmpi slt, %parallel_loop3A_170, %parallel_loop3A_182 : i32
        %parallel_loop3A_184 = arith.extui %parallel_loop3A_183 : i1 to i32
        %parallel_loop3A_185 = arith.subi %parallel_loop3A_181, %parallel_loop3A_184 : i32
        %parallel_loop3A_186 = arith.cmpi ne, %parallel_loop3A_178, %parallel_loop3A_185 : i32
        %parallel_loop3A_187 = arith.remsi %parallel_loop3A_169, %parallel_loop3A_170 : i32
        %parallel_loop3A_188 = arith.constant 0 : i32
        %parallel_loop3A_189 = arith.cmpi ne, %parallel_loop3A_187, %parallel_loop3A_188 : i32
        %parallel_loop3A_190 = arith.andi %parallel_loop3A_186, %parallel_loop3A_189 : i1
        %parallel_loop3A_191 = arith.constant 1 : i32
        %parallel_loop3A_192 = arith.subi %parallel_loop3A_171, %parallel_loop3A_191 : i32
        %parallel_loop3A_193 = arith.select %parallel_loop3A_190, %parallel_loop3A_192, %parallel_loop3A_171 : i32
        %parallel_loop3A_194 = arith.constant 8 : i32
        %parallel_loop3A_195 = arith.constant 0 : i32
        %parallel_loop3A_196 = arith.cmpi eq, %parallel_loop3A_194, %parallel_loop3A_195 : i32
        %parallel_loop3A_197 = arith.constant 1 : i32
        %parallel_loop3A_198 = arith.select %parallel_loop3A_196, %parallel_loop3A_197, %parallel_loop3A_194 : i32
        %parallel_loop3A_199 = arith.remsi %parallel_loop3A_169, %parallel_loop3A_198 : i32
        %parallel_loop3A_200 = arith.constant 0 : i32
        %parallel_loop3A_201 = arith.cmpi ne, %parallel_loop3A_199, %parallel_loop3A_200 : i32
        %parallel_loop3A_202 = arith.constant 0 : i32
        %parallel_loop3A_203 = arith.cmpi slt, %parallel_loop3A_199, %parallel_loop3A_202 : i32
        %parallel_loop3A_204 = arith.constant 0 : i32
        %parallel_loop3A_205 = arith.cmpi slt, %parallel_loop3A_198, %parallel_loop3A_204 : i32
        %parallel_loop3A_206 = arith.xori %parallel_loop3A_203, %parallel_loop3A_205 : i1
        %parallel_loop3A_207 = arith.andi %parallel_loop3A_206, %parallel_loop3A_201 : i1
        %parallel_loop3A_208 = arith.addi %parallel_loop3A_199, %parallel_loop3A_198 : i32
        %parallel_loop3A_209 = arith.select %parallel_loop3A_207, %parallel_loop3A_208, %parallel_loop3A_199 : i32
        %parallel_loop3A_210 = arith.constant 16 : i32
        %parallel_loop3A_211 = arith.muli %parallel_loop3A_209, %parallel_loop3A_210 : i32
        %parallel_loop3A_212 = arith.constant 16 : i32
        %parallel_loop3A_213 = arith.muli %parallel_loop3A_169, %parallel_loop3A_212 : i32
        %parallel_loop3A_214 = arith.index_cast %parallel_loop3A_213 : i32 to index
        %parallel_loop3A_215 = tpu.vector_load %arg6[%parallel_loop3A_214] {strides = array<i32>} : memref<1024xi32, #tpu.memory_space<vmem>>, vector<16xi32>,
        %parallel_loop3A_216 = arith.constant 0 : i32
        %parallel_loop3A_217 = vector.broadcast %parallel_loop3A_216 : i32 to vector<16xi32>
        %parallel_loop3A_218 = arith.addi %parallel_loop3A_215, %parallel_loop3A_217 : vector<16xi32>
        %parallel_loop3A_219 = tpu.vector_load_idx %arg5[%parallel_loop3A_218] : memref<64000xf32, #tpu.memory_space<vmem>>[vector<16xi32>], vector<16xf32>,
        %parallel_loop3A_220 = arith.constant 0 : i32
        %parallel_loop3A_221 = arith.constant 0 : i32
        %parallel_loop3A_222 = arith.index_cast %parallel_loop3A_220 : i32 to index
        %parallel_loop3A_223 = arith.index_cast %parallel_loop3A_193 : i32 to index
        %parallel_loop3A_224 = arith.index_cast %parallel_loop3A_221 : i32 to index
        %parallel_loop3A_225 = arith.index_cast %parallel_loop3A_211 : i32 to index
        %parallel_loop3A_226 = tpu.vector_load %arg7[%parallel_loop3A_222, %parallel_loop3A_223, %parallel_loop3A_224, %parallel_loop3A_225] {strides = array<i32>} : memref<2x8x8x128xf32, #tpu.memory_space<vmem>>, vector<16xf32>,
        tpu.vector_store %arg7[%parallel_loop3A_222, %parallel_loop3A_223, %parallel_loop3A_224, %parallel_loop3A_225], %parallel_loop3A_219 {strides = array<i32>} : memref<2x8x8x128xf32, #tpu.memory_space<vmem>>, vector<16xf32>,
        %parallel_loop3A_227 = arith.constant 1000 : i32
        %parallel_loop3A_228 = vector.broadcast %parallel_loop3A_227 : i32 to vector<16xi32>
        %parallel_loop3A_229 = arith.addi %parallel_loop3A_215, %parallel_loop3A_228 : vector<16xi32>
        %parallel_loop3A_230 = tpu.vector_load_idx %arg5[%parallel_loop3A_229] : memref<64000xf32, #tpu.memory_space<vmem>>[vector<16xi32>], vector<16xf32>,
        %parallel_loop3A_231 = arith.constant 0 : i32
        %parallel_loop3A_232 = arith.constant 1 : i32
        %parallel_loop3A_233 = arith.index_cast %parallel_loop3A_231 : i32 to index
        %parallel_loop3A_234 = arith.index_cast %parallel_loop3A_193 : i32 to index
        %parallel_loop3A_235 = arith.index_cast %parallel_loop3A_232 : i32 to index
        %parallel_loop3A_236 = arith.index_cast %parallel_loop3A_211 : i32 to index
        %parallel_loop3A_237 = tpu.vector_load %arg7[%parallel_loop3A_233, %parallel_loop3A_234, %parallel_loop3A_235, %parallel_loop3A_236] {strides = array<i32>} : memref<2x8x8x128xf32, #tpu.memory_space<vmem>>, vector<16xf32>,
        tpu.vector_store %arg7[%parallel_loop3A_233, %parallel_loop3A_234, %parallel_loop3A_235, %parallel_loop3A_236], %parallel_loop3A_230 {strides = array<i32>} : memref<2x8x8x128xf32, #tpu.memory_space<vmem>>, vector<16xf32>,
        %parallel_loop3A_238 = arith.constant 2000 : i32
        %parallel_loop3A_239 = vector.broadcast %parallel_loop3A_238 : i32 to vector<16xi32>
        %parallel_loop3A_240 = arith.addi %parallel_loop3A_215, %parallel_loop3A_239 : vector<16xi32>
        %parallel_loop3A_241 = tpu.vector_load_idx %arg5[%parallel_loop3A_240] : memref<64000xf32, #tpu.memory_space<vmem>>[vector<16xi32>], vector<16xf32>,
        %parallel_loop3A_242 = arith.constant 0 : i32
        %parallel_loop3A_243 = arith.constant 2 : i32
        %parallel_loop3A_244 = arith.index_cast %parallel_loop3A_242 : i32 to index
        %parallel_loop3A_245 = arith.index_cast %parallel_loop3A_193 : i32 to index
        %parallel_loop3A_246 = arith.index_cast %parallel_loop3A_243 : i32 to index
        %parallel_loop3A_247 = arith.index_cast %parallel_loop3A_211 : i32 to index
        %parallel_loop3A_248 = tpu.vector_load %arg7[%parallel_loop3A_244, %parallel_loop3A_245, %parallel_loop3A_246, %parallel_loop3A_247] {strides = array<i32>} : memref<2x8x8x128xf32, #tpu.memory_space<vmem>>, vector<16xf32>,
        tpu.vector_store %arg7[%parallel_loop3A_244, %parallel_loop3A_245, %parallel_loop3A_246, %parallel_loop3A_247], %parallel_loop3A_241 {strides = array<i32>} : memref<2x8x8x128xf32, #tpu.memory_space<vmem>>, vector<16xf32>,
        %parallel_loop3A_249 = arith.constant 3000 : i32
        %parallel_loop3A_250 = vector.broadcast %parallel_loop3A_249 : i32 to vector<16xi32>
        %parallel_loop3A_251 = arith.addi %parallel_loop3A_215, %parallel_loop3A_250 : vector<16xi32>
        %parallel_loop3A_252 = tpu.vector_load_idx %arg5[%parallel_loop3A_251] : memref<64000xf32, #tpu.memory_space<vmem>>[vector<16xi32>], vector<16xf32>,
        %parallel_loop3A_253 = arith.constant 0 : i32
        %parallel_loop3A_254 = arith.constant 3 : i32
        %parallel_loop3A_255 = arith.index_cast %parallel_loop3A_253 : i32 to index
        %parallel_loop3A_256 = arith.index_cast %parallel_loop3A_193 : i32 to index
        %parallel_loop3A_257 = arith.index_cast %parallel_loop3A_254 : i32 to index
        %parallel_loop3A_258 = arith.index_cast %parallel_loop3A_211 : i32 to index
        %parallel_loop3A_259 = tpu.vector_load %arg7[%parallel_loop3A_255, %parallel_loop3A_256, %parallel_loop3A_257, %parallel_loop3A_258] {strides = array<i32>} : memref<2x8x8x128xf32, #tpu.memory_space<vmem>>, vector<16xf32>,
        tpu.vector_store %arg7[%parallel_loop3A_255, %parallel_loop3A_256, %parallel_loop3A_257, %parallel_loop3A_258], %parallel_loop3A_252 {strides = array<i32>} : memref<2x8x8x128xf32, #tpu.memory_space<vmem>>, vector<16xf32>,
        %parallel_loop3A_260 = arith.constant 4000 : i32
        %parallel_loop3A_261 = vector.broadcast %parallel_loop3A_260 : i32 to vector<16xi32>
        %parallel_loop3A_262 = arith.addi %parallel_loop3A_215, %parallel_loop3A_261 : vector<16xi32>
        %parallel_loop3A_263 = tpu.vector_load_idx %arg5[%parallel_loop3A_262] : memref<64000xf32, #tpu.memory_space<vmem>>[vector<16xi32>], vector<16xf32>,
        %parallel_loop3A_264 = arith.constant 0 : i32
        %parallel_loop3A_265 = arith.constant 4 : i32
        %parallel_loop3A_266 = arith.index_cast %parallel_loop3A_264 : i32 to index
        %parallel_loop3A_267 = arith.index_cast %parallel_loop3A_193 : i32 to index
        %parallel_loop3A_268 = arith.index_cast %parallel_loop3A_265 : i32 to index
        %parallel_loop3A_269 = arith.index_cast %parallel_loop3A_211 : i32 to index
        %parallel_loop3A_270 = tpu.vector_load %arg7[%parallel_loop3A_266, %parallel_loop3A_267, %parallel_loop3A_268, %parallel_loop3A_269] {strides = array<i32>} : memref<2x8x8x128xf32, #tpu.memory_space<vmem>>, vector<16xf32>,
        tpu.vector_store %arg7[%parallel_loop3A_266, %parallel_loop3A_267, %parallel_loop3A_268, %parallel_loop3A_269], %parallel_loop3A_263 {strides = array<i32>} : memref<2x8x8x128xf32, #tpu.memory_space<vmem>>, vector<16xf32>,
        %parallel_loop3A_271 = arith.constant 5000 : i32
        %parallel_loop3A_272 = vector.broadcast %parallel_loop3A_271 : i32 to vector<16xi32>
        %parallel_loop3A_273 = arith.addi %parallel_loop3A_215, %parallel_loop3A_272 : vector<16xi32>
        %parallel_loop3A_274 = tpu.vector_load_idx %arg5[%parallel_loop3A_273] : memref<64000xf32, #tpu.memory_space<vmem>>[vector<16xi32>], vector<16xf32>,
        %parallel_loop3A_275 = arith.constant 0 : i32
        %parallel_loop3A_276 = arith.constant 5 : i32
        %parallel_loop3A_277 = arith.index_cast %parallel_loop3A_275 : i32 to index
        %parallel_loop3A_278 = arith.index_cast %parallel_loop3A_193 : i32 to index
        %parallel_loop3A_279 = arith.index_cast %parallel_loop3A_276 : i32 to index
        %parallel_loop3A_280 = arith.index_cast %parallel_loop3A_211 : i32 to index
        %parallel_loop3A_281 = tpu.vector_load %arg7[%parallel_loop3A_277, %parallel_loop3A_278, %parallel_loop3A_279, %parallel_loop3A_280] {strides = array<i32>} : memref<2x8x8x128xf32, #tpu.memory_space<vmem>>, vector<16xf32>,
        tpu.vector_store %arg7[%parallel_loop3A_277, %parallel_loop3A_278, %parallel_loop3A_279, %parallel_loop3A_280], %parallel_loop3A_274 {strides = array<i32>} : memref<2x8x8x128xf32, #tpu.memory_space<vmem>>, vector<16xf32>,
        %parallel_loop3A_282 = arith.constant 6000 : i32
        %parallel_loop3A_283 = vector.broadcast %parallel_loop3A_282 : i32 to vector<16xi32>
        %parallel_loop3A_284 = arith.addi %parallel_loop3A_215, %parallel_loop3A_283 : vector<16xi32>
        %parallel_loop3A_285 = tpu.vector_load_idx %arg5[%parallel_loop3A_284] : memref<64000xf32, #tpu.memory_space<vmem>>[vector<16xi32>], vector<16xf32>,
        %parallel_loop3A_286 = arith.constant 0 : i32
        %parallel_loop3A_287 = arith.constant 6 : i32
        %parallel_loop3A_288 = arith.index_cast %parallel_loop3A_286 : i32 to index
        %parallel_loop3A_289 = arith.index_cast %parallel_loop3A_193 : i32 to index
        %parallel_loop3A_290 = arith.index_cast %parallel_loop3A_287 : i32 to index
        %parallel_loop3A_291 = arith.index_cast %parallel_loop3A_211 : i32 to index
        %parallel_loop3A_292 = tpu.vector_load %arg7[%parallel_loop3A_288, %parallel_loop3A_289, %parallel_loop3A_290, %parallel_loop3A_291] {strides = array<i32>} : memref<2x8x8x128xf32, #tpu.memory_space<vmem>>, vector<16xf32>,
        tpu.vector_store %arg7[%parallel_loop3A_288, %parallel_loop3A_289, %parallel_loop3A_290, %parallel_loop3A_291], %parallel_loop3A_285 {strides = array<i32>} : memref<2x8x8x128xf32, #tpu.memory_space<vmem>>, vector<16xf32>,
        %parallel_loop3A_293 = arith.constant 7000 : i32
        %parallel_loop3A_294 = vector.broadcast %parallel_loop3A_293 : i32 to vector<16xi32>
        %parallel_loop3A_295 = arith.addi %parallel_loop3A_215, %parallel_loop3A_294 : vector<16xi32>
        %parallel_loop3A_296 = tpu.vector_load_idx %arg5[%parallel_loop3A_295] : memref<64000xf32, #tpu.memory_space<vmem>>[vector<16xi32>], vector<16xf32>,
        %parallel_loop3A_297 = arith.constant 0 : i32
        %parallel_loop3A_298 = arith.constant 7 : i32
        %parallel_loop3A_299 = arith.index_cast %parallel_loop3A_297 : i32 to index
        %parallel_loop3A_300 = arith.index_cast %parallel_loop3A_193 : i32 to index
        %parallel_loop3A_301 = arith.index_cast %parallel_loop3A_298 : i32 to index
        %parallel_loop3A_302 = arith.index_cast %parallel_loop3A_211 : i32 to index
        %parallel_loop3A_303 = tpu.vector_load %arg7[%parallel_loop3A_299, %parallel_loop3A_300, %parallel_loop3A_301, %parallel_loop3A_302] {strides = array<i32>} : memref<2x8x8x128xf32, #tpu.memory_space<vmem>>, vector<16xf32>,
        tpu.vector_store %arg7[%parallel_loop3A_299, %parallel_loop3A_300, %parallel_loop3A_301, %parallel_loop3A_302], %parallel_loop3A_296 {strides = array<i32>} : memref<2x8x8x128xf32, #tpu.memory_space<vmem>>, vector<16xf32>,
        %parallel_loop3A_304 = arith.constant 8000 : i32
        %parallel_loop3A_305 = vector.broadcast %parallel_loop3A_304 : i32 to vector<16xi32>
        %parallel_loop3A_306 = arith.addi %parallel_loop3A_215, %parallel_loop3A_305 : vector<16xi32>
        %parallel_loop3A_307 = tpu.vector_load_idx %arg5[%parallel_loop3A_306] : memref<64000xf32, #tpu.memory_space<vmem>>[vector<16xi32>], vector<16xf32>,
        %parallel_loop3A_308 = arith.constant 1 : i32
        %parallel_loop3A_309 = arith.constant 0 : i32
        %parallel_loop3A_310 = arith.index_cast %parallel_loop3A_308 : i32 to index
        %parallel_loop3A_311 = arith.index_cast %parallel_loop3A_193 : i32 to index
        %parallel_loop3A_312 = arith.index_cast %parallel_loop3A_309 : i32 to index
        %parallel_loop3A_313 = arith.index_cast %parallel_loop3A_211 : i32 to index
        %parallel_loop3A_314 = tpu.vector_load %arg7[%parallel_loop3A_310, %parallel_loop3A_311, %parallel_loop3A_312, %parallel_loop3A_313] {strides = array<i32>} : memref<2x8x8x128xf32, #tpu.memory_space<vmem>>, vector<16xf32>,
        tpu.vector_store %arg7[%parallel_loop3A_310, %parallel_loop3A_311, %parallel_loop3A_312, %parallel_loop3A_313], %parallel_loop3A_307 {strides = array<i32>} : memref<2x8x8x128xf32, #tpu.memory_space<vmem>>, vector<16xf32>,
        %parallel_loop3A_315 = arith.constant 9000 : i32
        %parallel_loop3A_316 = vector.broadcast %parallel_loop3A_315 : i32 to vector<16xi32>
        %parallel_loop3A_317 = arith.addi %parallel_loop3A_215, %parallel_loop3A_316 : vector<16xi32>
        %parallel_loop3A_318 = tpu.vector_load_idx %arg5[%parallel_loop3A_317] : memref<64000xf32, #tpu.memory_space<vmem>>[vector<16xi32>], vector<16xf32>,
        %parallel_loop3A_319 = arith.constant 1 : i32
        %parallel_loop3A_320 = arith.constant 1 : i32
        %parallel_loop3A_321 = arith.index_cast %parallel_loop3A_319 : i32 to index
        %parallel_loop3A_322 = arith.index_cast %parallel_loop3A_193 : i32 to index
        %parallel_loop3A_323 = arith.index_cast %parallel_loop3A_320 : i32 to index
        %parallel_loop3A_324 = arith.index_cast %parallel_loop3A_211 : i32 to index
        %parallel_loop3A_325 = tpu.vector_load %arg7[%parallel_loop3A_321, %parallel_loop3A_322, %parallel_loop3A_323, %parallel_loop3A_324] {strides = array<i32>} : memref<2x8x8x128xf32, #tpu.memory_space<vmem>>, vector<16xf32>,
        tpu.vector_store %arg7[%parallel_loop3A_321, %parallel_loop3A_322, %parallel_loop3A_323, %parallel_loop3A_324], %parallel_loop3A_318 {strides = array<i32>} : memref<2x8x8x128xf32, #tpu.memory_space<vmem>>, vector<16xf32>,
        %parallel_loop3A_326 = arith.constant 10000 : i32
        %parallel_loop3A_327 = vector.broadcast %parallel_loop3A_326 : i32 to vector<16xi32>
        %parallel_loop3A_328 = arith.addi %parallel_loop3A_215, %parallel_loop3A_327 : vector<16xi32>
        %parallel_loop3A_329 = tpu.vector_load_idx %arg5[%parallel_loop3A_328] : memref<64000xf32, #tpu.memory_space<vmem>>[vector<16xi32>], vector<16xf32>,
        %parallel_loop3A_330 = arith.constant 1 : i32
        %parallel_loop3A_331 = arith.constant 2 : i32
        %parallel_loop3A_332 = arith.index_cast %parallel_loop3A_330 : i32 to index
        %parallel_loop3A_333 = arith.index_cast %parallel_loop3A_193 : i32 to index
        %parallel_loop3A_334 = arith.index_cast %parallel_loop3A_331 : i32 to index
        %parallel_loop3A_335 = arith.index_cast %parallel_loop3A_211 : i32 to index
        %parallel_loop3A_336 = tpu.vector_load %arg7[%parallel_loop3A_332, %parallel_loop3A_333, %parallel_loop3A_334, %parallel_loop3A_335] {strides = array<i32>} : memref<2x8x8x128xf32, #tpu.memory_space<vmem>>, vector<16xf32>,
        tpu.vector_store %arg7[%parallel_loop3A_332, %parallel_loop3A_333, %parallel_loop3A_334, %parallel_loop3A_335], %parallel_loop3A_329 {strides = array<i32>} : memref<2x8x8x128xf32, #tpu.memory_space<vmem>>, vector<16xf32>,
        %parallel_loop3A_337 = arith.constant 11000 : i32
        %parallel_loop3A_338 = vector.broadcast %parallel_loop3A_337 : i32 to vector<16xi32>
        %parallel_loop3A_339 = arith.addi %parallel_loop3A_215, %parallel_loop3A_338 : vector<16xi32>
        %parallel_loop3A_340 = tpu.vector_load_idx %arg5[%parallel_loop3A_339] : memref<64000xf32, #tpu.memory_space<vmem>>[vector<16xi32>], vector<16xf32>,
        %parallel_loop3A_341 = arith.constant 1 : i32
        %parallel_loop3A_342 = arith.constant 3 : i32
        %parallel_loop3A_343 = arith.index_cast %parallel_loop3A_341 : i32 to index
        %parallel_loop3A_344 = arith.index_cast %parallel_loop3A_193 : i32 to index
        %parallel_loop3A_345 = arith.index_cast %parallel_loop3A_342 : i32 to index
        %parallel_loop3A_346 = arith.index_cast %parallel_loop3A_211 : i32 to index
        %parallel_loop3A_347 = tpu.vector_load %arg7[%parallel_loop3A_343, %parallel_loop3A_344, %parallel_loop3A_345, %parallel_loop3A_346] {strides = array<i32>} : memref<2x8x8x128xf32, #tpu.memory_space<vmem>>, vector<16xf32>,
        tpu.vector_store %arg7[%parallel_loop3A_343, %parallel_loop3A_344, %parallel_loop3A_345, %parallel_loop3A_346], %parallel_loop3A_340 {strides = array<i32>} : memref<2x8x8x128xf32, #tpu.memory_space<vmem>>, vector<16xf32>,
        %parallel_loop3A_348 = arith.constant 12000 : i32
        %parallel_loop3A_349 = vector.broadcast %parallel_loop3A_348 : i32 to vector<16xi32>
        %parallel_loop3A_350 = arith.addi %parallel_loop3A_215, %parallel_loop3A_349 : vector<16xi32>
        %parallel_loop3A_351 = tpu.vector_load_idx %arg5[%parallel_loop3A_350] : memref<64000xf32, #tpu.memory_space<vmem>>[vector<16xi32>], vector<16xf32>,
        %parallel_loop3A_352 = arith.constant 1 : i32
        %parallel_loop3A_353 = arith.constant 4 : i32
        %parallel_loop3A_354 = arith.index_cast %parallel_loop3A_352 : i32 to index
        %parallel_loop3A_355 = arith.index_cast %parallel_loop3A_193 : i32 to index
        %parallel_loop3A_356 = arith.index_cast %parallel_loop3A_353 : i32 to index
        %parallel_loop3A_357 = arith.index_cast %parallel_loop3A_211 : i32 to index
        %parallel_loop3A_358 = tpu.vector_load %arg7[%parallel_loop3A_354, %parallel_loop3A_355, %parallel_loop3A_356, %parallel_loop3A_357] {strides = array<i32>} : memref<2x8x8x128xf32, #tpu.memory_space<vmem>>, vector<16xf32>,
        tpu.vector_store %arg7[%parallel_loop3A_354, %parallel_loop3A_355, %parallel_loop3A_356, %parallel_loop3A_357], %parallel_loop3A_351 {strides = array<i32>} : memref<2x8x8x128xf32, #tpu.memory_space<vmem>>, vector<16xf32>,
        %parallel_loop3A_359 = arith.constant 13000 : i32
        %parallel_loop3A_360 = vector.broadcast %parallel_loop3A_359 : i32 to vector<16xi32>
        %parallel_loop3A_361 = arith.addi %parallel_loop3A_215, %parallel_loop3A_360 : vector<16xi32>
        %parallel_loop3A_362 = tpu.vector_load_idx %arg5[%parallel_loop3A_361] : memref<64000xf32, #tpu.memory_space<vmem>>[vector<16xi32>], vector<16xf32>,
        %parallel_loop3A_363 = arith.constant 1 : i32
        %parallel_loop3A_364 = arith.constant 5 : i32
        %parallel_loop3A_365 = arith.index_cast %parallel_loop3A_363 : i32 to index
        %parallel_loop3A_366 = arith.index_cast %parallel_loop3A_193 : i32 to index
        %parallel_loop3A_367 = arith.index_cast %parallel_loop3A_364 : i32 to index
        %parallel_loop3A_368 = arith.index_cast %parallel_loop3A_211 : i32 to index
        %parallel_loop3A_369 = tpu.vector_load %arg7[%parallel_loop3A_365, %parallel_loop3A_366, %parallel_loop3A_367, %parallel_loop3A_368] {strides = array<i32>} : memref<2x8x8x128xf32, #tpu.memory_space<vmem>>, vector<16xf32>,
        tpu.vector_store %arg7[%parallel_loop3A_365, %parallel_loop3A_366, %parallel_loop3A_367, %parallel_loop3A_368], %parallel_loop3A_362 {strides = array<i32>} : memref<2x8x8x128xf32, #tpu.memory_space<vmem>>, vector<16xf32>,
        %parallel_loop3A_370 = arith.constant 14000 : i32
        %parallel_loop3A_371 = vector.broadcast %parallel_loop3A_370 : i32 to vector<16xi32>
        %parallel_loop3A_372 = arith.addi %parallel_loop3A_215, %parallel_loop3A_371 : vector<16xi32>
        %parallel_loop3A_373 = tpu.vector_load_idx %arg5[%parallel_loop3A_372] : memref<64000xf32, #tpu.memory_space<vmem>>[vector<16xi32>], vector<16xf32>,
        %parallel_loop3A_374 = arith.constant 1 : i32
        %parallel_loop3A_375 = arith.constant 6 : i32
        %parallel_loop3A_376 = arith.index_cast %parallel_loop3A_374 : i32 to index
        %parallel_loop3A_377 = arith.index_cast %parallel_loop3A_193 : i32 to index
        %parallel_loop3A_378 = arith.index_cast %parallel_loop3A_375 : i32 to index
        %parallel_loop3A_379 = arith.index_cast %parallel_loop3A_211 : i32 to index
        %parallel_loop3A_380 = tpu.vector_load %arg7[%parallel_loop3A_376, %parallel_loop3A_377, %parallel_loop3A_378, %parallel_loop3A_379] {strides = array<i32>} : memref<2x8x8x128xf32, #tpu.memory_space<vmem>>, vector<16xf32>,
        tpu.vector_store %arg7[%parallel_loop3A_376, %parallel_loop3A_377, %parallel_loop3A_378, %parallel_loop3A_379], %parallel_loop3A_373 {strides = array<i32>} : memref<2x8x8x128xf32, #tpu.memory_space<vmem>>, vector<16xf32>,
        %parallel_loop3A_381 = arith.constant 15000 : i32
        %parallel_loop3A_382 = vector.broadcast %parallel_loop3A_381 : i32 to vector<16xi32>
        %parallel_loop3A_383 = arith.addi %parallel_loop3A_215, %parallel_loop3A_382 : vector<16xi32>
        %parallel_loop3A_384 = tpu.vector_load_idx %arg5[%parallel_loop3A_383] : memref<64000xf32, #tpu.memory_space<vmem>>[vector<16xi32>], vector<16xf32>,
        %parallel_loop3A_385 = arith.constant 1 : i32
        %parallel_loop3A_386 = arith.constant 7 : i32
        %parallel_loop3A_387 = arith.index_cast %parallel_loop3A_385 : i32 to index
        %parallel_loop3A_388 = arith.index_cast %parallel_loop3A_193 : i32 to index
        %parallel_loop3A_389 = arith.index_cast %parallel_loop3A_386 : i32 to index
        %parallel_loop3A_390 = arith.index_cast %parallel_loop3A_211 : i32 to index
        %parallel_loop3A_391 = tpu.vector_load %arg7[%parallel_loop3A_387, %parallel_loop3A_388, %parallel_loop3A_389, %parallel_loop3A_390] {strides = array<i32>} : memref<2x8x8x128xf32, #tpu.memory_space<vmem>>, vector<16xf32>,
        tpu.vector_store %arg7[%parallel_loop3A_387, %parallel_loop3A_388, %parallel_loop3A_389, %parallel_loop3A_390], %parallel_loop3A_384 {strides = array<i32>} : memref<2x8x8x128xf32, #tpu.memory_space<vmem>>, vector<16xf32>,
      } {sc.loop_unroll_factor = 8 : i64, sc.parallel_access}
      %add3A_76 = arith.addi %mul3A_0, %scan3A_57 : i32
      %add3A_77 = arith.constant 0 : i32
      %add3A_78 = arith.addi %select_n3A, %add3A_77 : i32
      %dma_start3A_79 = arith.constant 0 : i32
      %dma_start3A_80 = arith.constant 0 : i32
      %dma_start3A_81 = arith.constant 0 : i32
      %dma_start3A_82 = tpu.memref_slice %arg4[%add3A_76, %add3A_78, %dma_start3A_79, %dma_start3A_80, %dma_start3A_81] : memref<50x125x8x8x128xf32, #tpu.memory_space<hbm>> -> memref<1x2x8x8x128xf32, #tpu.memory_space<hbm>>
      %dma_start3A_83 = tpu.memref_squeeze %dma_start3A_82 : memref<1x2x8x8x128xf32, #tpu.memory_space<hbm>> -> memref<2x8x8x128xf32, #tpu.memory_space<hbm>>
      %dma_start3A_84 = arith.constant 0 : i32
      %dma_start3A_85 = arith.constant 0 : i32
      %dma_start3A_86 = arith.constant 0 : i32
      %dma_start3A_87 = tpu.memref_slice %arg4[%add3A_76, %add3A_78, %dma_start3A_84, %dma_start3A_85, %dma_start3A_86] : memref<50x125x8x8x128xf32, #tpu.memory_space<hbm>> -> memref<1x2x8x8x128xf32, #tpu.memory_space<hbm>>
      %dma_start3A_88 = tpu.memref_squeeze %dma_start3A_87 : memref<1x2x8x8x128xf32, #tpu.memory_space<hbm>> -> memref<2x8x8x128xf32, #tpu.memory_space<hbm>>
      tpu.enqueue_dma source(%arg7 : memref<2x8x8x128xf32, #tpu.memory_space<vmem>>) target(%dma_start3A_88 : memref<2x8x8x128xf32, #tpu.memory_space<hbm>>) target_semaphore(%arg10 : memref<!tpu.dma_semaphore, #tpu.memory_space<semaphore_mem>>)
      %gt3A_89 = arith.constant 0 : i32
      %gt3A_90 = arith.cmpi sgt, %scan3A_57, %gt3A_89 : i32
      %convert_element_type3A_91 = arith.extui %gt3A_90 : i1 to i32
      %cond3A_92 = arith.constant 0 : i32
      %cond3A_93 = arith.cmpi ne, %convert_element_type3A_91, %cond3A_92 : i32
      scf.if %cond3A_93 {
        %sub3A_169 = arith.constant 1 : i32
        %sub3A_170 = arith.subi %scan3A_57, %sub3A_169 : i32
        %add3A_171 = arith.addi %mul3A_0, %sub3A_170 : i32
        %add3A_172 = arith.constant 2 : i32
        %add3A_173 = arith.addi %select_n3A, %add3A_172 : i32
        %dma_wait3A_174 = arith.constant 0 : i32
        %dma_wait3A_175 = arith.constant 0 : i32
        %dma_wait3A_176 = arith.constant 0 : i32
        %dma_wait3A_177 = tpu.memref_slice %arg4[%add3A_171, %add3A_173, %dma_wait3A_174, %dma_wait3A_175, %dma_wait3A_176] : memref<50x125x8x8x128xf32, #tpu.memory_space<hbm>> -> memref<1x2x8x8x128xf32, #tpu.memory_space<hbm>>
        %dma_wait3A_178 = tpu.memref_squeeze %dma_wait3A_177 : memref<1x2x8x8x128xf32, #tpu.memory_space<hbm>> -> memref<2x8x8x128xf32, #tpu.memory_space<hbm>>
        %dma_wait3A_179 = arith.constant 0 : i32
        %dma_wait3A_180 = arith.constant 0 : i32
        %dma_wait3A_181 = arith.constant 0 : i32
        %dma_wait3A_182 = tpu.memref_slice %arg4[%add3A_171, %add3A_173, %dma_wait3A_179, %dma_wait3A_180, %dma_wait3A_181] : memref<50x125x8x8x128xf32, #tpu.memory_space<hbm>> -> memref<1x2x8x8x128xf32, #tpu.memory_space<hbm>>
        %dma_wait3A_183 = tpu.memref_squeeze %dma_wait3A_182 : memref<1x2x8x8x128xf32, #tpu.memory_space<hbm>> -> memref<2x8x8x128xf32, #tpu.memory_space<hbm>>
        tpu.wait_dma2 semaphore(%arg11 : memref<!tpu.dma_semaphore, #tpu.memory_space<semaphore_mem>>) src(%arg8 : memref<2x8x8x128xf32, #tpu.memory_space<vmem>>) dst(%dma_wait3A_183 : memref<2x8x8x128xf32, #tpu.memory_space<hbm>>)
      } else {
      }
      %parallel_loop3A_94 = arith.constant 0 : i32
      %parallel_loop3A_95 = arith.constant 64 : i32
      %parallel_loop3A_96 = arith.constant 1 : i32
      scf.for %parallel_loop3A_169 = %parallel_loop3A_94 to %parallel_loop3A_95 step %parallel_loop3A_96  : i32 {
        %parallel_loop3A_170 = arith.constant 8 : i32
        %parallel_loop3A_171 = arith.divsi %parallel_loop3A_169, %parallel_loop3A_170 : i32
        %parallel_loop3A_172 = arith.constant 0 : i32
        %parallel_loop3A_173 = arith.cmpi sgt, %parallel_loop3A_169, %parallel_loop3A_172 : i32
        %parallel_loop3A_174 = arith.extui %parallel_loop3A_173 : i1 to i32
        %parallel_loop3A_175 = arith.constant 0 : i32
        %parallel_loop3A_176 = arith.cmpi slt, %parallel_loop3A_169, %parallel_loop3A_175 : i32
        %parallel_loop3A_177 = arith.extui %parallel_loop3A_176 : i1 to i32
        %parallel_loop3A_178 = arith.subi %parallel_loop3A_174, %parallel_loop3A_177 : i32
        %parallel_loop3A_179 = arith.constant 0 : i32
        %parallel_loop3A_180 = arith.cmpi sgt, %parallel_loop3A_170, %parallel_loop3A_179 : i32
        %parallel_loop3A_181 = arith.extui %parallel_loop3A_180 : i1 to i32
        %parallel_loop3A_182 = arith.constant 0 : i32
        %parallel_loop3A_183 = arith.cmpi slt, %parallel_loop3A_170, %parallel_loop3A_182 : i32
        %parallel_loop3A_184 = arith.extui %parallel_loop3A_183 : i1 to i32
        %parallel_loop3A_185 = arith.subi %parallel_loop3A_181, %parallel_loop3A_184 : i32
        %parallel_loop3A_186 = arith.cmpi ne, %parallel_loop3A_178, %parallel_loop3A_185 : i32
        %parallel_loop3A_187 = arith.remsi %parallel_loop3A_169, %parallel_loop3A_170 : i32
        %parallel_loop3A_188 = arith.constant 0 : i32
        %parallel_loop3A_189 = arith.cmpi ne, %parallel_loop3A_187, %parallel_loop3A_188 : i32
        %parallel_loop3A_190 = arith.andi %parallel_loop3A_186, %parallel_loop3A_189 : i1
        %parallel_loop3A_191 = arith.constant 1 : i32
        %parallel_loop3A_192 = arith.subi %parallel_loop3A_171, %parallel_loop3A_191 : i32
        %parallel_loop3A_193 = arith.select %parallel_loop3A_190, %parallel_loop3A_192, %parallel_loop3A_171 : i32
        %parallel_loop3A_194 = arith.constant 8 : i32
        %parallel_loop3A_195 = arith.constant 0 : i32
        %parallel_loop3A_196 = arith.cmpi eq, %parallel_loop3A_194, %parallel_loop3A_195 : i32
        %parallel_loop3A_197 = arith.constant 1 : i32
        %parallel_loop3A_198 = arith.select %parallel_loop3A_196, %parallel_loop3A_197, %parallel_loop3A_194 : i32
        %parallel_loop3A_199 = arith.remsi %parallel_loop3A_169, %parallel_loop3A_198 : i32
        %parallel_loop3A_200 = arith.constant 0 : i32
        %parallel_loop3A_201 = arith.cmpi ne, %parallel_loop3A_199, %parallel_loop3A_200 : i32
        %parallel_loop3A_202 = arith.constant 0 : i32
        %parallel_loop3A_203 = arith.cmpi slt, %parallel_loop3A_199, %parallel_loop3A_202 : i32
        %parallel_loop3A_204 = arith.constant 0 : i32
        %parallel_loop3A_205 = arith.cmpi slt, %parallel_loop3A_198, %parallel_loop3A_204 : i32
        %parallel_loop3A_206 = arith.xori %parallel_loop3A_203, %parallel_loop3A_205 : i1
        %parallel_loop3A_207 = arith.andi %parallel_loop3A_206, %parallel_loop3A_201 : i1
        %parallel_loop3A_208 = arith.addi %parallel_loop3A_199, %parallel_loop3A_198 : i32
        %parallel_loop3A_209 = arith.select %parallel_loop3A_207, %parallel_loop3A_208, %parallel_loop3A_199 : i32
        %parallel_loop3A_210 = arith.constant 16 : i32
        %parallel_loop3A_211 = arith.muli %parallel_loop3A_209, %parallel_loop3A_210 : i32
        %parallel_loop3A_212 = arith.constant 16 : i32
        %parallel_loop3A_213 = arith.muli %parallel_loop3A_169, %parallel_loop3A_212 : i32
        %parallel_loop3A_214 = arith.index_cast %parallel_loop3A_213 : i32 to index
        %parallel_loop3A_215 = tpu.vector_load %arg6[%parallel_loop3A_214] {strides = array<i32>} : memref<1024xi32, #tpu.memory_space<vmem>>, vector<16xi32>,
        %parallel_loop3A_216 = arith.constant 16000 : i32
        %parallel_loop3A_217 = vector.broadcast %parallel_loop3A_216 : i32 to vector<16xi32>
        %parallel_loop3A_218 = arith.addi %parallel_loop3A_215, %parallel_loop3A_217 : vector<16xi32>
        %parallel_loop3A_219 = tpu.vector_load_idx %arg5[%parallel_loop3A_218] : memref<64000xf32, #tpu.memory_space<vmem>>[vector<16xi32>], vector<16xf32>,
        %parallel_loop3A_220 = arith.constant 0 : i32
        %parallel_loop3A_221 = arith.constant 0 : i32
        %parallel_loop3A_222 = arith.index_cast %parallel_loop3A_220 : i32 to index
        %parallel_loop3A_223 = arith.index_cast %parallel_loop3A_193 : i32 to index
        %parallel_loop3A_224 = arith.index_cast %parallel_loop3A_221 : i32 to index
        %parallel_loop3A_225 = arith.index_cast %parallel_loop3A_211 : i32 to index
        %parallel_loop3A_226 = tpu.vector_load %arg8[%parallel_loop3A_222, %parallel_loop3A_223, %parallel_loop3A_224, %parallel_loop3A_225] {strides = array<i32>} : memref<2x8x8x128xf32, #tpu.memory_space<vmem>>, vector<16xf32>,
        tpu.vector_store %arg8[%parallel_loop3A_222, %parallel_loop3A_223, %parallel_loop3A_224, %parallel_loop3A_225], %parallel_loop3A_219 {strides = array<i32>} : memref<2x8x8x128xf32, #tpu.memory_space<vmem>>, vector<16xf32>,
        %parallel_loop3A_227 = arith.constant 17000 : i32
        %parallel_loop3A_228 = vector.broadcast %parallel_loop3A_227 : i32 to vector<16xi32>
        %parallel_loop3A_229 = arith.addi %parallel_loop3A_215, %parallel_loop3A_228 : vector<16xi32>
        %parallel_loop3A_230 = tpu.vector_load_idx %arg5[%parallel_loop3A_229] : memref<64000xf32, #tpu.memory_space<vmem>>[vector<16xi32>], vector<16xf32>,
        %parallel_loop3A_231 = arith.constant 0 : i32
        %parallel_loop3A_232 = arith.constant 1 : i32
        %parallel_loop3A_233 = arith.index_cast %parallel_loop3A_231 : i32 to index
        %parallel_loop3A_234 = arith.index_cast %parallel_loop3A_193 : i32 to index
        %parallel_loop3A_235 = arith.index_cast %parallel_loop3A_232 : i32 to index
        %parallel_loop3A_236 = arith.index_cast %parallel_loop3A_211 : i32 to index
        %parallel_loop3A_237 = tpu.vector_load %arg8[%parallel_loop3A_233, %parallel_loop3A_234, %parallel_loop3A_235, %parallel_loop3A_236] {strides = array<i32>} : memref<2x8x8x128xf32, #tpu.memory_space<vmem>>, vector<16xf32>,
        tpu.vector_store %arg8[%parallel_loop3A_233, %parallel_loop3A_234, %parallel_loop3A_235, %parallel_loop3A_236], %parallel_loop3A_230 {strides = array<i32>} : memref<2x8x8x128xf32, #tpu.memory_space<vmem>>, vector<16xf32>,
        %parallel_loop3A_238 = arith.constant 18000 : i32
        %parallel_loop3A_239 = vector.broadcast %parallel_loop3A_238 : i32 to vector<16xi32>
        %parallel_loop3A_240 = arith.addi %parallel_loop3A_215, %parallel_loop3A_239 : vector<16xi32>
        %parallel_loop3A_241 = tpu.vector_load_idx %arg5[%parallel_loop3A_240] : memref<64000xf32, #tpu.memory_space<vmem>>[vector<16xi32>], vector<16xf32>,
        %parallel_loop3A_242 = arith.constant 0 : i32
        %parallel_loop3A_243 = arith.constant 2 : i32
        %parallel_loop3A_244 = arith.index_cast %parallel_loop3A_242 : i32 to index
        %parallel_loop3A_245 = arith.index_cast %parallel_loop3A_193 : i32 to index
        %parallel_loop3A_246 = arith.index_cast %parallel_loop3A_243 : i32 to index
        %parallel_loop3A_247 = arith.index_cast %parallel_loop3A_211 : i32 to index
        %parallel_loop3A_248 = tpu.vector_load %arg8[%parallel_loop3A_244, %parallel_loop3A_245, %parallel_loop3A_246, %parallel_loop3A_247] {strides = array<i32>} : memref<2x8x8x128xf32, #tpu.memory_space<vmem>>, vector<16xf32>,
        tpu.vector_store %arg8[%parallel_loop3A_244, %parallel_loop3A_245, %parallel_loop3A_246, %parallel_loop3A_247], %parallel_loop3A_241 {strides = array<i32>} : memref<2x8x8x128xf32, #tpu.memory_space<vmem>>, vector<16xf32>,
        %parallel_loop3A_249 = arith.constant 19000 : i32
        %parallel_loop3A_250 = vector.broadcast %parallel_loop3A_249 : i32 to vector<16xi32>
        %parallel_loop3A_251 = arith.addi %parallel_loop3A_215, %parallel_loop3A_250 : vector<16xi32>
        %parallel_loop3A_252 = tpu.vector_load_idx %arg5[%parallel_loop3A_251] : memref<64000xf32, #tpu.memory_space<vmem>>[vector<16xi32>], vector<16xf32>,
        %parallel_loop3A_253 = arith.constant 0 : i32
        %parallel_loop3A_254 = arith.constant 3 : i32
        %parallel_loop3A_255 = arith.index_cast %parallel_loop3A_253 : i32 to index
        %parallel_loop3A_256 = arith.index_cast %parallel_loop3A_193 : i32 to index
        %parallel_loop3A_257 = arith.index_cast %parallel_loop3A_254 : i32 to index
        %parallel_loop3A_258 = arith.index_cast %parallel_loop3A_211 : i32 to index
        %parallel_loop3A_259 = tpu.vector_load %arg8[%parallel_loop3A_255, %parallel_loop3A_256, %parallel_loop3A_257, %parallel_loop3A_258] {strides = array<i32>} : memref<2x8x8x128xf32, #tpu.memory_space<vmem>>, vector<16xf32>,
        tpu.vector_store %arg8[%parallel_loop3A_255, %parallel_loop3A_256, %parallel_loop3A_257, %parallel_loop3A_258], %parallel_loop3A_252 {strides = array<i32>} : memref<2x8x8x128xf32, #tpu.memory_space<vmem>>, vector<16xf32>,
        %parallel_loop3A_260 = arith.constant 20000 : i32
        %parallel_loop3A_261 = vector.broadcast %parallel_loop3A_260 : i32 to vector<16xi32>
        %parallel_loop3A_262 = arith.addi %parallel_loop3A_215, %parallel_loop3A_261 : vector<16xi32>
        %parallel_loop3A_263 = tpu.vector_load_idx %arg5[%parallel_loop3A_262] : memref<64000xf32, #tpu.memory_space<vmem>>[vector<16xi32>], vector<16xf32>,
        %parallel_loop3A_264 = arith.constant 0 : i32
        %parallel_loop3A_265 = arith.constant 4 : i32
        %parallel_loop3A_266 = arith.index_cast %parallel_loop3A_264 : i32 to index
        %parallel_loop3A_267 = arith.index_cast %parallel_loop3A_193 : i32 to index
        %parallel_loop3A_268 = arith.index_cast %parallel_loop3A_265 : i32 to index
        %parallel_loop3A_269 = arith.index_cast %parallel_loop3A_211 : i32 to index
        %parallel_loop3A_270 = tpu.vector_load %arg8[%parallel_loop3A_266, %parallel_loop3A_267, %parallel_loop3A_268, %parallel_loop3A_269] {strides = array<i32>} : memref<2x8x8x128xf32, #tpu.memory_space<vmem>>, vector<16xf32>,
        tpu.vector_store %arg8[%parallel_loop3A_266, %parallel_loop3A_267, %parallel_loop3A_268, %parallel_loop3A_269], %parallel_loop3A_263 {strides = array<i32>} : memref<2x8x8x128xf32, #tpu.memory_space<vmem>>, vector<16xf32>,
        %parallel_loop3A_271 = arith.constant 21000 : i32
        %parallel_loop3A_272 = vector.broadcast %parallel_loop3A_271 : i32 to vector<16xi32>
        %parallel_loop3A_273 = arith.addi %parallel_loop3A_215, %parallel_loop3A_272 : vector<16xi32>
        %parallel_loop3A_274 = tpu.vector_load_idx %arg5[%parallel_loop3A_273] : memref<64000xf32, #tpu.memory_space<vmem>>[vector<16xi32>], vector<16xf32>,
        %parallel_loop3A_275 = arith.constant 0 : i32
        %parallel_loop3A_276 = arith.constant 5 : i32
        %parallel_loop3A_277 = arith.index_cast %parallel_loop3A_275 : i32 to index
        %parallel_loop3A_278 = arith.index_cast %parallel_loop3A_193 : i32 to index
        %parallel_loop3A_279 = arith.index_cast %parallel_loop3A_276 : i32 to index
        %parallel_loop3A_280 = arith.index_cast %parallel_loop3A_211 : i32 to index
        %parallel_loop3A_281 = tpu.vector_load %arg8[%parallel_loop3A_277, %parallel_loop3A_278, %parallel_loop3A_279, %parallel_loop3A_280] {strides = array<i32>} : memref<2x8x8x128xf32, #tpu.memory_space<vmem>>, vector<16xf32>,
        tpu.vector_store %arg8[%parallel_loop3A_277, %parallel_loop3A_278, %parallel_loop3A_279, %parallel_loop3A_280], %parallel_loop3A_274 {strides = array<i32>} : memref<2x8x8x128xf32, #tpu.memory_space<vmem>>, vector<16xf32>,
        %parallel_loop3A_282 = arith.constant 22000 : i32
        %parallel_loop3A_283 = vector.broadcast %parallel_loop3A_282 : i32 to vector<16xi32>
        %parallel_loop3A_284 = arith.addi %parallel_loop3A_215, %parallel_loop3A_283 : vector<16xi32>
        %parallel_loop3A_285 = tpu.vector_load_idx %arg5[%parallel_loop3A_284] : memref<64000xf32, #tpu.memory_space<vmem>>[vector<16xi32>], vector<16xf32>,
        %parallel_loop3A_286 = arith.constant 0 : i32
        %parallel_loop3A_287 = arith.constant 6 : i32
        %parallel_loop3A_288 = arith.index_cast %parallel_loop3A_286 : i32 to index
        %parallel_loop3A_289 = arith.index_cast %parallel_loop3A_193 : i32 to index
        %parallel_loop3A_290 = arith.index_cast %parallel_loop3A_287 : i32 to index
        %parallel_loop3A_291 = arith.index_cast %parallel_loop3A_211 : i32 to index
        %parallel_loop3A_292 = tpu.vector_load %arg8[%parallel_loop3A_288, %parallel_loop3A_289, %parallel_loop3A_290, %parallel_loop3A_291] {strides = array<i32>} : memref<2x8x8x128xf32, #tpu.memory_space<vmem>>, vector<16xf32>,
        tpu.vector_store %arg8[%parallel_loop3A_288, %parallel_loop3A_289, %parallel_loop3A_290, %parallel_loop3A_291], %parallel_loop3A_285 {strides = array<i32>} : memref<2x8x8x128xf32, #tpu.memory_space<vmem>>, vector<16xf32>,
        %parallel_loop3A_293 = arith.constant 23000 : i32
        %parallel_loop3A_294 = vector.broadcast %parallel_loop3A_293 : i32 to vector<16xi32>
        %parallel_loop3A_295 = arith.addi %parallel_loop3A_215, %parallel_loop3A_294 : vector<16xi32>
        %parallel_loop3A_296 = tpu.vector_load_idx %arg5[%parallel_loop3A_295] : memref<64000xf32, #tpu.memory_space<vmem>>[vector<16xi32>], vector<16xf32>,
        %parallel_loop3A_297 = arith.constant 0 : i32
        %parallel_loop3A_298 = arith.constant 7 : i32
        %parallel_loop3A_299 = arith.index_cast %parallel_loop3A_297 : i32 to index
        %parallel_loop3A_300 = arith.index_cast %parallel_loop3A_193 : i32 to index
        %parallel_loop3A_301 = arith.index_cast %parallel_loop3A_298 : i32 to index
        %parallel_loop3A_302 = arith.index_cast %parallel_loop3A_211 : i32 to index
        %parallel_loop3A_303 = tpu.vector_load %arg8[%parallel_loop3A_299, %parallel_loop3A_300, %parallel_loop3A_301, %parallel_loop3A_302] {strides = array<i32>} : memref<2x8x8x128xf32, #tpu.memory_space<vmem>>, vector<16xf32>,
        tpu.vector_store %arg8[%parallel_loop3A_299, %parallel_loop3A_300, %parallel_loop3A_301, %parallel_loop3A_302], %parallel_loop3A_296 {strides = array<i32>} : memref<2x8x8x128xf32, #tpu.memory_space<vmem>>, vector<16xf32>,
        %parallel_loop3A_304 = arith.constant 24000 : i32
        %parallel_loop3A_305 = vector.broadcast %parallel_loop3A_304 : i32 to vector<16xi32>
        %parallel_loop3A_306 = arith.addi %parallel_loop3A_215, %parallel_loop3A_305 : vector<16xi32>
        %parallel_loop3A_307 = tpu.vector_load_idx %arg5[%parallel_loop3A_306] : memref<64000xf32, #tpu.memory_space<vmem>>[vector<16xi32>], vector<16xf32>,
        %parallel_loop3A_308 = arith.constant 1 : i32
        %parallel_loop3A_309 = arith.constant 0 : i32
        %parallel_loop3A_310 = arith.index_cast %parallel_loop3A_308 : i32 to index
        %parallel_loop3A_311 = arith.index_cast %parallel_loop3A_193 : i32 to index
        %parallel_loop3A_312 = arith.index_cast %parallel_loop3A_309 : i32 to index
        %parallel_loop3A_313 = arith.index_cast %parallel_loop3A_211 : i32 to index
        %parallel_loop3A_314 = tpu.vector_load %arg8[%parallel_loop3A_310, %parallel_loop3A_311, %parallel_loop3A_312, %parallel_loop3A_313] {strides = array<i32>} : memref<2x8x8x128xf32, #tpu.memory_space<vmem>>, vector<16xf32>,
        tpu.vector_store %arg8[%parallel_loop3A_310, %parallel_loop3A_311, %parallel_loop3A_312, %parallel_loop3A_313], %parallel_loop3A_307 {strides = array<i32>} : memref<2x8x8x128xf32, #tpu.memory_space<vmem>>, vector<16xf32>,
        %parallel_loop3A_315 = arith.constant 25000 : i32
        %parallel_loop3A_316 = vector.broadcast %parallel_loop3A_315 : i32 to vector<16xi32>
        %parallel_loop3A_317 = arith.addi %parallel_loop3A_215, %parallel_loop3A_316 : vector<16xi32>
        %parallel_loop3A_318 = tpu.vector_load_idx %arg5[%parallel_loop3A_317] : memref<64000xf32, #tpu.memory_space<vmem>>[vector<16xi32>], vector<16xf32>,
        %parallel_loop3A_319 = arith.constant 1 : i32
        %parallel_loop3A_320 = arith.constant 1 : i32
        %parallel_loop3A_321 = arith.index_cast %parallel_loop3A_319 : i32 to index
        %parallel_loop3A_322 = arith.index_cast %parallel_loop3A_193 : i32 to index
        %parallel_loop3A_323 = arith.index_cast %parallel_loop3A_320 : i32 to index
        %parallel_loop3A_324 = arith.index_cast %parallel_loop3A_211 : i32 to index
        %parallel_loop3A_325 = tpu.vector_load %arg8[%parallel_loop3A_321, %parallel_loop3A_322, %parallel_loop3A_323, %parallel_loop3A_324] {strides = array<i32>} : memref<2x8x8x128xf32, #tpu.memory_space<vmem>>, vector<16xf32>,
        tpu.vector_store %arg8[%parallel_loop3A_321, %parallel_loop3A_322, %parallel_loop3A_323, %parallel_loop3A_324], %parallel_loop3A_318 {strides = array<i32>} : memref<2x8x8x128xf32, #tpu.memory_space<vmem>>, vector<16xf32>,
        %parallel_loop3A_326 = arith.constant 26000 : i32
        %parallel_loop3A_327 = vector.broadcast %parallel_loop3A_326 : i32 to vector<16xi32>
        %parallel_loop3A_328 = arith.addi %parallel_loop3A_215, %parallel_loop3A_327 : vector<16xi32>
        %parallel_loop3A_329 = tpu.vector_load_idx %arg5[%parallel_loop3A_328] : memref<64000xf32, #tpu.memory_space<vmem>>[vector<16xi32>], vector<16xf32>,
        %parallel_loop3A_330 = arith.constant 1 : i32
        %parallel_loop3A_331 = arith.constant 2 : i32
        %parallel_loop3A_332 = arith.index_cast %parallel_loop3A_330 : i32 to index
        %parallel_loop3A_333 = arith.index_cast %parallel_loop3A_193 : i32 to index
        %parallel_loop3A_334 = arith.index_cast %parallel_loop3A_331 : i32 to index
        %parallel_loop3A_335 = arith.index_cast %parallel_loop3A_211 : i32 to index
        %parallel_loop3A_336 = tpu.vector_load %arg8[%parallel_loop3A_332, %parallel_loop3A_333, %parallel_loop3A_334, %parallel_loop3A_335] {strides = array<i32>} : memref<2x8x8x128xf32, #tpu.memory_space<vmem>>, vector<16xf32>,
        tpu.vector_store %arg8[%parallel_loop3A_332, %parallel_loop3A_333, %parallel_loop3A_334, %parallel_loop3A_335], %parallel_loop3A_329 {strides = array<i32>} : memref<2x8x8x128xf32, #tpu.memory_space<vmem>>, vector<16xf32>,
        %parallel_loop3A_337 = arith.constant 27000 : i32
        %parallel_loop3A_338 = vector.broadcast %parallel_loop3A_337 : i32 to vector<16xi32>
        %parallel_loop3A_339 = arith.addi %parallel_loop3A_215, %parallel_loop3A_338 : vector<16xi32>
        %parallel_loop3A_340 = tpu.vector_load_idx %arg5[%parallel_loop3A_339] : memref<64000xf32, #tpu.memory_space<vmem>>[vector<16xi32>], vector<16xf32>,
        %parallel_loop3A_341 = arith.constant 1 : i32
        %parallel_loop3A_342 = arith.constant 3 : i32
        %parallel_loop3A_343 = arith.index_cast %parallel_loop3A_341 : i32 to index
        %parallel_loop3A_344 = arith.index_cast %parallel_loop3A_193 : i32 to index
        %parallel_loop3A_345 = arith.index_cast %parallel_loop3A_342 : i32 to index
        %parallel_loop3A_346 = arith.index_cast %parallel_loop3A_211 : i32 to index
        %parallel_loop3A_347 = tpu.vector_load %arg8[%parallel_loop3A_343, %parallel_loop3A_344, %parallel_loop3A_345, %parallel_loop3A_346] {strides = array<i32>} : memref<2x8x8x128xf32, #tpu.memory_space<vmem>>, vector<16xf32>,
        tpu.vector_store %arg8[%parallel_loop3A_343, %parallel_loop3A_344, %parallel_loop3A_345, %parallel_loop3A_346], %parallel_loop3A_340 {strides = array<i32>} : memref<2x8x8x128xf32, #tpu.memory_space<vmem>>, vector<16xf32>,
        %parallel_loop3A_348 = arith.constant 28000 : i32
        %parallel_loop3A_349 = vector.broadcast %parallel_loop3A_348 : i32 to vector<16xi32>
        %parallel_loop3A_350 = arith.addi %parallel_loop3A_215, %parallel_loop3A_349 : vector<16xi32>
        %parallel_loop3A_351 = tpu.vector_load_idx %arg5[%parallel_loop3A_350] : memref<64000xf32, #tpu.memory_space<vmem>>[vector<16xi32>], vector<16xf32>,
        %parallel_loop3A_352 = arith.constant 1 : i32
        %parallel_loop3A_353 = arith.constant 4 : i32
        %parallel_loop3A_354 = arith.index_cast %parallel_loop3A_352 : i32 to index
        %parallel_loop3A_355 = arith.index_cast %parallel_loop3A_193 : i32 to index
        %parallel_loop3A_356 = arith.index_cast %parallel_loop3A_353 : i32 to index
        %parallel_loop3A_357 = arith.index_cast %parallel_loop3A_211 : i32 to index
        %parallel_loop3A_358 = tpu.vector_load %arg8[%parallel_loop3A_354, %parallel_loop3A_355, %parallel_loop3A_356, %parallel_loop3A_357] {strides = array<i32>} : memref<2x8x8x128xf32, #tpu.memory_space<vmem>>, vector<16xf32>,
        tpu.vector_store %arg8[%parallel_loop3A_354, %parallel_loop3A_355, %parallel_loop3A_356, %parallel_loop3A_357], %parallel_loop3A_351 {strides = array<i32>} : memref<2x8x8x128xf32, #tpu.memory_space<vmem>>, vector<16xf32>,
        %parallel_loop3A_359 = arith.constant 29000 : i32
        %parallel_loop3A_360 = vector.broadcast %parallel_loop3A_359 : i32 to vector<16xi32>
        %parallel_loop3A_361 = arith.addi %parallel_loop3A_215, %parallel_loop3A_360 : vector<16xi32>
        %parallel_loop3A_362 = tpu.vector_load_idx %arg5[%parallel_loop3A_361] : memref<64000xf32, #tpu.memory_space<vmem>>[vector<16xi32>], vector<16xf32>,
        %parallel_loop3A_363 = arith.constant 1 : i32
        %parallel_loop3A_364 = arith.constant 5 : i32
        %parallel_loop3A_365 = arith.index_cast %parallel_loop3A_363 : i32 to index
        %parallel_loop3A_366 = arith.index_cast %parallel_loop3A_193 : i32 to index
        %parallel_loop3A_367 = arith.index_cast %parallel_loop3A_364 : i32 to index
        %parallel_loop3A_368 = arith.index_cast %parallel_loop3A_211 : i32 to index
        %parallel_loop3A_369 = tpu.vector_load %arg8[%parallel_loop3A_365, %parallel_loop3A_366, %parallel_loop3A_367, %parallel_loop3A_368] {strides = array<i32>} : memref<2x8x8x128xf32, #tpu.memory_space<vmem>>, vector<16xf32>,
        tpu.vector_store %arg8[%parallel_loop3A_365, %parallel_loop3A_366, %parallel_loop3A_367, %parallel_loop3A_368], %parallel_loop3A_362 {strides = array<i32>} : memref<2x8x8x128xf32, #tpu.memory_space<vmem>>, vector<16xf32>,
        %parallel_loop3A_370 = arith.constant 30000 : i32
        %parallel_loop3A_371 = vector.broadcast %parallel_loop3A_370 : i32 to vector<16xi32>
        %parallel_loop3A_372 = arith.addi %parallel_loop3A_215, %parallel_loop3A_371 : vector<16xi32>
        %parallel_loop3A_373 = tpu.vector_load_idx %arg5[%parallel_loop3A_372] : memref<64000xf32, #tpu.memory_space<vmem>>[vector<16xi32>], vector<16xf32>,
        %parallel_loop3A_374 = arith.constant 1 : i32
        %parallel_loop3A_375 = arith.constant 6 : i32
        %parallel_loop3A_376 = arith.index_cast %parallel_loop3A_374 : i32 to index
        %parallel_loop3A_377 = arith.index_cast %parallel_loop3A_193 : i32 to index
        %parallel_loop3A_378 = arith.index_cast %parallel_loop3A_375 : i32 to index
        %parallel_loop3A_379 = arith.index_cast %parallel_loop3A_211 : i32 to index
        %parallel_loop3A_380 = tpu.vector_load %arg8[%parallel_loop3A_376, %parallel_loop3A_377, %parallel_loop3A_378, %parallel_loop3A_379] {strides = array<i32>} : memref<2x8x8x128xf32, #tpu.memory_space<vmem>>, vector<16xf32>,
        tpu.vector_store %arg8[%parallel_loop3A_376, %parallel_loop3A_377, %parallel_loop3A_378, %parallel_loop3A_379], %parallel_loop3A_373 {strides = array<i32>} : memref<2x8x8x128xf32, #tpu.memory_space<vmem>>, vector<16xf32>,
        %parallel_loop3A_381 = arith.constant 31000 : i32
        %parallel_loop3A_382 = vector.broadcast %parallel_loop3A_381 : i32 to vector<16xi32>
        %parallel_loop3A_383 = arith.addi %parallel_loop3A_215, %parallel_loop3A_382 : vector<16xi32>
        %parallel_loop3A_384 = tpu.vector_load_idx %arg5[%parallel_loop3A_383] : memref<64000xf32, #tpu.memory_space<vmem>>[vector<16xi32>], vector<16xf32>,
        %parallel_loop3A_385 = arith.constant 1 : i32
        %parallel_loop3A_386 = arith.constant 7 : i32
        %parallel_loop3A_387 = arith.index_cast %parallel_loop3A_385 : i32 to index
        %parallel_loop3A_388 = arith.index_cast %parallel_loop3A_193 : i32 to index
        %parallel_loop3A_389 = arith.index_cast %parallel_loop3A_386 : i32 to index
        %parallel_loop3A_390 = arith.index_cast %parallel_loop3A_211 : i32 to index
        %parallel_loop3A_391 = tpu.vector_load %arg8[%parallel_loop3A_387, %parallel_loop3A_388, %parallel_loop3A_389, %parallel_loop3A_390] {strides = array<i32>} : memref<2x8x8x128xf32, #tpu.memory_space<vmem>>, vector<16xf32>,
        tpu.vector_store %arg8[%parallel_loop3A_387, %parallel_loop3A_388, %parallel_loop3A_389, %parallel_loop3A_390], %parallel_loop3A_384 {strides = array<i32>} : memref<2x8x8x128xf32, #tpu.memory_space<vmem>>, vector<16xf32>,
      } {sc.loop_unroll_factor = 8 : i64, sc.parallel_access}
      %add3A_97 = arith.addi %mul3A_0, %scan3A_57 : i32
      %add3A_98 = arith.constant 2 : i32
      %add3A_99 = arith.addi %select_n3A, %add3A_98 : i32
      %dma_start3A_100 = arith.constant 0 : i32
      %dma_start3A_101 = arith.constant 0 : i32
      %dma_start3A_102 = arith.constant 0 : i32
      %dma_start3A_103 = tpu.memref_slice %arg4[%add3A_97, %add3A_99, %dma_start3A_100, %dma_start3A_101, %dma_start3A_102] : memref<50x125x8x8x128xf32, #tpu.memory_space<hbm>> -> memref<1x2x8x8x128xf32, #tpu.memory_space<hbm>>
      %dma_start3A_104 = tpu.memref_squeeze %dma_start3A_103 : memref<1x2x8x8x128xf32, #tpu.memory_space<hbm>> -> memref<2x8x8x128xf32, #tpu.memory_space<hbm>>
      %dma_start3A_105 = arith.constant 0 : i32
      %dma_start3A_106 = arith.constant 0 : i32
      %dma_start3A_107 = arith.constant 0 : i32
      %dma_start3A_108 = tpu.memref_slice %arg4[%add3A_97, %add3A_99, %dma_start3A_105, %dma_start3A_106, %dma_start3A_107] : memref<50x125x8x8x128xf32, #tpu.memory_space<hbm>> -> memref<1x2x8x8x128xf32, #tpu.memory_space<hbm>>
      %dma_start3A_109 = tpu.memref_squeeze %dma_start3A_108 : memref<1x2x8x8x128xf32, #tpu.memory_space<hbm>> -> memref<2x8x8x128xf32, #tpu.memory_space<hbm>>
      tpu.enqueue_dma source(%arg8 : memref<2x8x8x128xf32, #tpu.memory_space<vmem>>) target(%dma_start3A_109 : memref<2x8x8x128xf32, #tpu.memory_space<hbm>>) target_semaphore(%arg11 : memref<!tpu.dma_semaphore, #tpu.memory_space<semaphore_mem>>)
      %add3A_110 = arith.addi %mul3A_0, %scan3A_57 : i32
      %add3A_111 = arith.constant 0 : i32
      %add3A_112 = arith.addi %select_n3A, %add3A_111 : i32
      %dma_wait3A_113 = arith.constant 0 : i32
      %dma_wait3A_114 = arith.constant 0 : i32
      %dma_wait3A_115 = arith.constant 0 : i32
      %dma_wait3A_116 = tpu.memref_slice %arg4[%add3A_110, %add3A_112, %dma_wait3A_113, %dma_wait3A_114, %dma_wait3A_115] : memref<50x125x8x8x128xf32, #tpu.memory_space<hbm>> -> memref<1x2x8x8x128xf32, #tpu.memory_space<hbm>>
      %dma_wait3A_117 = tpu.memref_squeeze %dma_wait3A_116 : memref<1x2x8x8x128xf32, #tpu.memory_space<hbm>> -> memref<2x8x8x128xf32, #tpu.memory_space<hbm>>
      %dma_wait3A_118 = arith.constant 0 : i32
      %dma_wait3A_119 = arith.constant 0 : i32
      %dma_wait3A_120 = arith.constant 0 : i32
      %dma_wait3A_121 = tpu.memref_slice %arg4[%add3A_110, %add3A_112, %dma_wait3A_118, %dma_wait3A_119, %dma_wait3A_120] : memref<50x125x8x8x128xf32, #tpu.memory_space<hbm>> -> memref<1x2x8x8x128xf32, #tpu.memory_space<hbm>>
      %dma_wait3A_122 = tpu.memref_squeeze %dma_wait3A_121 : memref<1x2x8x8x128xf32, #tpu.memory_space<hbm>> -> memref<2x8x8x128xf32, #tpu.memory_space<hbm>>
      tpu.wait_dma2 semaphore(%arg10 : memref<!tpu.dma_semaphore, #tpu.memory_space<semaphore_mem>>) src(%arg7 : memref<2x8x8x128xf32, #tpu.memory_space<vmem>>) dst(%dma_wait3A_122 : memref<2x8x8x128xf32, #tpu.memory_space<hbm>>)
      %parallel_loop3A_123 = arith.constant 0 : i32
      %parallel_loop3A_124 = arith.constant 64 : i32
      %parallel_loop3A_125 = arith.constant 1 : i32
      scf.for %parallel_loop3A_169 = %parallel_loop3A_123 to %parallel_loop3A_124 step %parallel_loop3A_125  : i32 {
        %parallel_loop3A_170 = arith.constant 8 : i32
        %parallel_loop3A_171 = arith.divsi %parallel_loop3A_169, %parallel_loop3A_170 : i32
        %parallel_loop3A_172 = arith.constant 0 : i32
        %parallel_loop3A_173 = arith.cmpi sgt, %parallel_loop3A_169, %parallel_loop3A_172 : i32
        %parallel_loop3A_174 = arith.extui %parallel_loop3A_173 : i1 to i32
        %parallel_loop3A_175 = arith.constant 0 : i32
        %parallel_loop3A_176 = arith.cmpi slt, %parallel_loop3A_169, %parallel_loop3A_175 : i32
        %parallel_loop3A_177 = arith.extui %parallel_loop3A_176 : i1 to i32
        %parallel_loop3A_178 = arith.subi %parallel_loop3A_174, %parallel_loop3A_177 : i32
        %parallel_loop3A_179 = arith.constant 0 : i32
        %parallel_loop3A_180 = arith.cmpi sgt, %parallel_loop3A_170, %parallel_loop3A_179 : i32
        %parallel_loop3A_181 = arith.extui %parallel_loop3A_180 : i1 to i32
        %parallel_loop3A_182 = arith.constant 0 : i32
        %parallel_loop3A_183 = arith.cmpi slt, %parallel_loop3A_170, %parallel_loop3A_182 : i32
        %parallel_loop3A_184 = arith.extui %parallel_loop3A_183 : i1 to i32
        %parallel_loop3A_185 = arith.subi %parallel_loop3A_181, %parallel_loop3A_184 : i32
        %parallel_loop3A_186 = arith.cmpi ne, %parallel_loop3A_178, %parallel_loop3A_185 : i32
        %parallel_loop3A_187 = arith.remsi %parallel_loop3A_169, %parallel_loop3A_170 : i32
        %parallel_loop3A_188 = arith.constant 0 : i32
        %parallel_loop3A_189 = arith.cmpi ne, %parallel_loop3A_187, %parallel_loop3A_188 : i32
        %parallel_loop3A_190 = arith.andi %parallel_loop3A_186, %parallel_loop3A_189 : i1
        %parallel_loop3A_191 = arith.constant 1 : i32
        %parallel_loop3A_192 = arith.subi %parallel_loop3A_171, %parallel_loop3A_191 : i32
        %parallel_loop3A_193 = arith.select %parallel_loop3A_190, %parallel_loop3A_192, %parallel_loop3A_171 : i32
        %parallel_loop3A_194 = arith.constant 8 : i32
        %parallel_loop3A_195 = arith.constant 0 : i32
        %parallel_loop3A_196 = arith.cmpi eq, %parallel_loop3A_194, %parallel_loop3A_195 : i32
        %parallel_loop3A_197 = arith.constant 1 : i32
        %parallel_loop3A_198 = arith.select %parallel_loop3A_196, %parallel_loop3A_197, %parallel_loop3A_194 : i32
        %parallel_loop3A_199 = arith.remsi %parallel_loop3A_169, %parallel_loop3A_198 : i32
        %parallel_loop3A_200 = arith.constant 0 : i32
        %parallel_loop3A_201 = arith.cmpi ne, %parallel_loop3A_199, %parallel_loop3A_200 : i32
        %parallel_loop3A_202 = arith.constant 0 : i32
        %parallel_loop3A_203 = arith.cmpi slt, %parallel_loop3A_199, %parallel_loop3A_202 : i32
        %parallel_loop3A_204 = arith.constant 0 : i32
        %parallel_loop3A_205 = arith.cmpi slt, %parallel_loop3A_198, %parallel_loop3A_204 : i32
        %parallel_loop3A_206 = arith.xori %parallel_loop3A_203, %parallel_loop3A_205 : i1
        %parallel_loop3A_207 = arith.andi %parallel_loop3A_206, %parallel_loop3A_201 : i1
        %parallel_loop3A_208 = arith.addi %parallel_loop3A_199, %parallel_loop3A_198 : i32
        %parallel_loop3A_209 = arith.select %parallel_loop3A_207, %parallel_loop3A_208, %parallel_loop3A_199 : i32
        %parallel_loop3A_210 = arith.constant 16 : i32
        %parallel_loop3A_211 = arith.muli %parallel_loop3A_209, %parallel_loop3A_210 : i32
        %parallel_loop3A_212 = arith.constant 16 : i32
        %parallel_loop3A_213 = arith.muli %parallel_loop3A_169, %parallel_loop3A_212 : i32
        %parallel_loop3A_214 = arith.index_cast %parallel_loop3A_213 : i32 to index
        %parallel_loop3A_215 = tpu.vector_load %arg6[%parallel_loop3A_214] {strides = array<i32>} : memref<1024xi32, #tpu.memory_space<vmem>>, vector<16xi32>,
        %parallel_loop3A_216 = arith.constant 32000 : i32
        %parallel_loop3A_217 = vector.broadcast %parallel_loop3A_216 : i32 to vector<16xi32>
        %parallel_loop3A_218 = arith.addi %parallel_loop3A_215, %parallel_loop3A_217 : vector<16xi32>
        %parallel_loop3A_219 = tpu.vector_load_idx %arg5[%parallel_loop3A_218] : memref<64000xf32, #tpu.memory_space<vmem>>[vector<16xi32>], vector<16xf32>,
        %parallel_loop3A_220 = arith.constant 0 : i32
        %parallel_loop3A_221 = arith.constant 0 : i32
        %parallel_loop3A_222 = arith.index_cast %parallel_loop3A_220 : i32 to index
        %parallel_loop3A_223 = arith.index_cast %parallel_loop3A_193 : i32 to index
        %parallel_loop3A_224 = arith.index_cast %parallel_loop3A_221 : i32 to index
        %parallel_loop3A_225 = arith.index_cast %parallel_loop3A_211 : i32 to index
        %parallel_loop3A_226 = tpu.vector_load %arg7[%parallel_loop3A_222, %parallel_loop3A_223, %parallel_loop3A_224, %parallel_loop3A_225] {strides = array<i32>} : memref<2x8x8x128xf32, #tpu.memory_space<vmem>>, vector<16xf32>,
        tpu.vector_store %arg7[%parallel_loop3A_222, %parallel_loop3A_223, %parallel_loop3A_224, %parallel_loop3A_225], %parallel_loop3A_219 {strides = array<i32>} : memref<2x8x8x128xf32, #tpu.memory_space<vmem>>, vector<16xf32>,
        %parallel_loop3A_227 = arith.constant 33000 : i32
        %parallel_loop3A_228 = vector.broadcast %parallel_loop3A_227 : i32 to vector<16xi32>
        %parallel_loop3A_229 = arith.addi %parallel_loop3A_215, %parallel_loop3A_228 : vector<16xi32>
        %parallel_loop3A_230 = tpu.vector_load_idx %arg5[%parallel_loop3A_229] : memref<64000xf32, #tpu.memory_space<vmem>>[vector<16xi32>], vector<16xf32>,
        %parallel_loop3A_231 = arith.constant 0 : i32
        %parallel_loop3A_232 = arith.constant 1 : i32
        %parallel_loop3A_233 = arith.index_cast %parallel_loop3A_231 : i32 to index
        %parallel_loop3A_234 = arith.index_cast %parallel_loop3A_193 : i32 to index
        %parallel_loop3A_235 = arith.index_cast %parallel_loop3A_232 : i32 to index
        %parallel_loop3A_236 = arith.index_cast %parallel_loop3A_211 : i32 to index
        %parallel_loop3A_237 = tpu.vector_load %arg7[%parallel_loop3A_233, %parallel_loop3A_234, %parallel_loop3A_235, %parallel_loop3A_236] {strides = array<i32>} : memref<2x8x8x128xf32, #tpu.memory_space<vmem>>, vector<16xf32>,
        tpu.vector_store %arg7[%parallel_loop3A_233, %parallel_loop3A_234, %parallel_loop3A_235, %parallel_loop3A_236], %parallel_loop3A_230 {strides = array<i32>} : memref<2x8x8x128xf32, #tpu.memory_space<vmem>>, vector<16xf32>,
        %parallel_loop3A_238 = arith.constant 34000 : i32
        %parallel_loop3A_239 = vector.broadcast %parallel_loop3A_238 : i32 to vector<16xi32>
        %parallel_loop3A_240 = arith.addi %parallel_loop3A_215, %parallel_loop3A_239 : vector<16xi32>
        %parallel_loop3A_241 = tpu.vector_load_idx %arg5[%parallel_loop3A_240] : memref<64000xf32, #tpu.memory_space<vmem>>[vector<16xi32>], vector<16xf32>,
        %parallel_loop3A_242 = arith.constant 0 : i32
        %parallel_loop3A_243 = arith.constant 2 : i32
        %parallel_loop3A_244 = arith.index_cast %parallel_loop3A_242 : i32 to index
        %parallel_loop3A_245 = arith.index_cast %parallel_loop3A_193 : i32 to index
        %parallel_loop3A_246 = arith.index_cast %parallel_loop3A_243 : i32 to index
        %parallel_loop3A_247 = arith.index_cast %parallel_loop3A_211 : i32 to index
        %parallel_loop3A_248 = tpu.vector_load %arg7[%parallel_loop3A_244, %parallel_loop3A_245, %parallel_loop3A_246, %parallel_loop3A_247] {strides = array<i32>} : memref<2x8x8x128xf32, #tpu.memory_space<vmem>>, vector<16xf32>,
        tpu.vector_store %arg7[%parallel_loop3A_244, %parallel_loop3A_245, %parallel_loop3A_246, %parallel_loop3A_247], %parallel_loop3A_241 {strides = array<i32>} : memref<2x8x8x128xf32, #tpu.memory_space<vmem>>, vector<16xf32>,
        %parallel_loop3A_249 = arith.constant 35000 : i32
        %parallel_loop3A_250 = vector.broadcast %parallel_loop3A_249 : i32 to vector<16xi32>
        %parallel_loop3A_251 = arith.addi %parallel_loop3A_215, %parallel_loop3A_250 : vector<16xi32>
        %parallel_loop3A_252 = tpu.vector_load_idx %arg5[%parallel_loop3A_251] : memref<64000xf32, #tpu.memory_space<vmem>>[vector<16xi32>], vector<16xf32>,
        %parallel_loop3A_253 = arith.constant 0 : i32
        %parallel_loop3A_254 = arith.constant 3 : i32
        %parallel_loop3A_255 = arith.index_cast %parallel_loop3A_253 : i32 to index
        %parallel_loop3A_256 = arith.index_cast %parallel_loop3A_193 : i32 to index
        %parallel_loop3A_257 = arith.index_cast %parallel_loop3A_254 : i32 to index
        %parallel_loop3A_258 = arith.index_cast %parallel_loop3A_211 : i32 to index
        %parallel_loop3A_259 = tpu.vector_load %arg7[%parallel_loop3A_255, %parallel_loop3A_256, %parallel_loop3A_257, %parallel_loop3A_258] {strides = array<i32>} : memref<2x8x8x128xf32, #tpu.memory_space<vmem>>, vector<16xf32>,
        tpu.vector_store %arg7[%parallel_loop3A_255, %parallel_loop3A_256, %parallel_loop3A_257, %parallel_loop3A_258], %parallel_loop3A_252 {strides = array<i32>} : memref<2x8x8x128xf32, #tpu.memory_space<vmem>>, vector<16xf32>,
        %parallel_loop3A_260 = arith.constant 36000 : i32
        %parallel_loop3A_261 = vector.broadcast %parallel_loop3A_260 : i32 to vector<16xi32>
        %parallel_loop3A_262 = arith.addi %parallel_loop3A_215, %parallel_loop3A_261 : vector<16xi32>
        %parallel_loop3A_263 = tpu.vector_load_idx %arg5[%parallel_loop3A_262] : memref<64000xf32, #tpu.memory_space<vmem>>[vector<16xi32>], vector<16xf32>,
        %parallel_loop3A_264 = arith.constant 0 : i32
        %parallel_loop3A_265 = arith.constant 4 : i32
        %parallel_loop3A_266 = arith.index_cast %parallel_loop3A_264 : i32 to index
        %parallel_loop3A_267 = arith.index_cast %parallel_loop3A_193 : i32 to index
        %parallel_loop3A_268 = arith.index_cast %parallel_loop3A_265 : i32 to index
        %parallel_loop3A_269 = arith.index_cast %parallel_loop3A_211 : i32 to index
        %parallel_loop3A_270 = tpu.vector_load %arg7[%parallel_loop3A_266, %parallel_loop3A_267, %parallel_loop3A_268, %parallel_loop3A_269] {strides = array<i32>} : memref<2x8x8x128xf32, #tpu.memory_space<vmem>>, vector<16xf32>,
        tpu.vector_store %arg7[%parallel_loop3A_266, %parallel_loop3A_267, %parallel_loop3A_268, %parallel_loop3A_269], %parallel_loop3A_263 {strides = array<i32>} : memref<2x8x8x128xf32, #tpu.memory_space<vmem>>, vector<16xf32>,
        %parallel_loop3A_271 = arith.constant 37000 : i32
        %parallel_loop3A_272 = vector.broadcast %parallel_loop3A_271 : i32 to vector<16xi32>
        %parallel_loop3A_273 = arith.addi %parallel_loop3A_215, %parallel_loop3A_272 : vector<16xi32>
        %parallel_loop3A_274 = tpu.vector_load_idx %arg5[%parallel_loop3A_273] : memref<64000xf32, #tpu.memory_space<vmem>>[vector<16xi32>], vector<16xf32>,
        %parallel_loop3A_275 = arith.constant 0 : i32
        %parallel_loop3A_276 = arith.constant 5 : i32
        %parallel_loop3A_277 = arith.index_cast %parallel_loop3A_275 : i32 to index
        %parallel_loop3A_278 = arith.index_cast %parallel_loop3A_193 : i32 to index
        %parallel_loop3A_279 = arith.index_cast %parallel_loop3A_276 : i32 to index
        %parallel_loop3A_280 = arith.index_cast %parallel_loop3A_211 : i32 to index
        %parallel_loop3A_281 = tpu.vector_load %arg7[%parallel_loop3A_277, %parallel_loop3A_278, %parallel_loop3A_279, %parallel_loop3A_280] {strides = array<i32>} : memref<2x8x8x128xf32, #tpu.memory_space<vmem>>, vector<16xf32>,
        tpu.vector_store %arg7[%parallel_loop3A_277, %parallel_loop3A_278, %parallel_loop3A_279, %parallel_loop3A_280], %parallel_loop3A_274 {strides = array<i32>} : memref<2x8x8x128xf32, #tpu.memory_space<vmem>>, vector<16xf32>,
        %parallel_loop3A_282 = arith.constant 38000 : i32
        %parallel_loop3A_283 = vector.broadcast %parallel_loop3A_282 : i32 to vector<16xi32>
        %parallel_loop3A_284 = arith.addi %parallel_loop3A_215, %parallel_loop3A_283 : vector<16xi32>
        %parallel_loop3A_285 = tpu.vector_load_idx %arg5[%parallel_loop3A_284] : memref<64000xf32, #tpu.memory_space<vmem>>[vector<16xi32>], vector<16xf32>,
        %parallel_loop3A_286 = arith.constant 0 : i32
        %parallel_loop3A_287 = arith.constant 6 : i32
        %parallel_loop3A_288 = arith.index_cast %parallel_loop3A_286 : i32 to index
        %parallel_loop3A_289 = arith.index_cast %parallel_loop3A_193 : i32 to index
        %parallel_loop3A_290 = arith.index_cast %parallel_loop3A_287 : i32 to index
        %parallel_loop3A_291 = arith.index_cast %parallel_loop3A_211 : i32 to index
        %parallel_loop3A_292 = tpu.vector_load %arg7[%parallel_loop3A_288, %parallel_loop3A_289, %parallel_loop3A_290, %parallel_loop3A_291] {strides = array<i32>} : memref<2x8x8x128xf32, #tpu.memory_space<vmem>>, vector<16xf32>,
        tpu.vector_store %arg7[%parallel_loop3A_288, %parallel_loop3A_289, %parallel_loop3A_290, %parallel_loop3A_291], %parallel_loop3A_285 {strides = array<i32>} : memref<2x8x8x128xf32, #tpu.memory_space<vmem>>, vector<16xf32>,
        %parallel_loop3A_293 = arith.constant 39000 : i32
        %parallel_loop3A_294 = vector.broadcast %parallel_loop3A_293 : i32 to vector<16xi32>
        %parallel_loop3A_295 = arith.addi %parallel_loop3A_215, %parallel_loop3A_294 : vector<16xi32>
        %parallel_loop3A_296 = tpu.vector_load_idx %arg5[%parallel_loop3A_295] : memref<64000xf32, #tpu.memory_space<vmem>>[vector<16xi32>], vector<16xf32>,
        %parallel_loop3A_297 = arith.constant 0 : i32
        %parallel_loop3A_298 = arith.constant 7 : i32
        %parallel_loop3A_299 = arith.index_cast %parallel_loop3A_297 : i32 to index
        %parallel_loop3A_300 = arith.index_cast %parallel_loop3A_193 : i32 to index
        %parallel_loop3A_301 = arith.index_cast %parallel_loop3A_298 : i32 to index
        %parallel_loop3A_302 = arith.index_cast %parallel_loop3A_211 : i32 to index
        %parallel_loop3A_303 = tpu.vector_load %arg7[%parallel_loop3A_299, %parallel_loop3A_300, %parallel_loop3A_301, %parallel_loop3A_302] {strides = array<i32>} : memref<2x8x8x128xf32, #tpu.memory_space<vmem>>, vector<16xf32>,
        tpu.vector_store %arg7[%parallel_loop3A_299, %parallel_loop3A_300, %parallel_loop3A_301, %parallel_loop3A_302], %parallel_loop3A_296 {strides = array<i32>} : memref<2x8x8x128xf32, #tpu.memory_space<vmem>>, vector<16xf32>,
        %parallel_loop3A_304 = arith.constant 40000 : i32
        %parallel_loop3A_305 = vector.broadcast %parallel_loop3A_304 : i32 to vector<16xi32>
        %parallel_loop3A_306 = arith.addi %parallel_loop3A_215, %parallel_loop3A_305 : vector<16xi32>
        %parallel_loop3A_307 = tpu.vector_load_idx %arg5[%parallel_loop3A_306] : memref<64000xf32, #tpu.memory_space<vmem>>[vector<16xi32>], vector<16xf32>,
        %parallel_loop3A_308 = arith.constant 1 : i32
        %parallel_loop3A_309 = arith.constant 0 : i32
        %parallel_loop3A_310 = arith.index_cast %parallel_loop3A_308 : i32 to index
        %parallel_loop3A_311 = arith.index_cast %parallel_loop3A_193 : i32 to index
        %parallel_loop3A_312 = arith.index_cast %parallel_loop3A_309 : i32 to index
        %parallel_loop3A_313 = arith.index_cast %parallel_loop3A_211 : i32 to index
        %parallel_loop3A_314 = tpu.vector_load %arg7[%parallel_loop3A_310, %parallel_loop3A_311, %parallel_loop3A_312, %parallel_loop3A_313] {strides = array<i32>} : memref<2x8x8x128xf32, #tpu.memory_space<vmem>>, vector<16xf32>,
        tpu.vector_store %arg7[%parallel_loop3A_310, %parallel_loop3A_311, %parallel_loop3A_312, %parallel_loop3A_313], %parallel_loop3A_307 {strides = array<i32>} : memref<2x8x8x128xf32, #tpu.memory_space<vmem>>, vector<16xf32>,
        %parallel_loop3A_315 = arith.constant 41000 : i32
        %parallel_loop3A_316 = vector.broadcast %parallel_loop3A_315 : i32 to vector<16xi32>
        %parallel_loop3A_317 = arith.addi %parallel_loop3A_215, %parallel_loop3A_316 : vector<16xi32>
        %parallel_loop3A_318 = tpu.vector_load_idx %arg5[%parallel_loop3A_317] : memref<64000xf32, #tpu.memory_space<vmem>>[vector<16xi32>], vector<16xf32>,
        %parallel_loop3A_319 = arith.constant 1 : i32
        %parallel_loop3A_320 = arith.constant 1 : i32
        %parallel_loop3A_321 = arith.index_cast %parallel_loop3A_319 : i32 to index
        %parallel_loop3A_322 = arith.index_cast %parallel_loop3A_193 : i32 to index
        %parallel_loop3A_323 = arith.index_cast %parallel_loop3A_320 : i32 to index
        %parallel_loop3A_324 = arith.index_cast %parallel_loop3A_211 : i32 to index
        %parallel_loop3A_325 = tpu.vector_load %arg7[%parallel_loop3A_321, %parallel_loop3A_322, %parallel_loop3A_323, %parallel_loop3A_324] {strides = array<i32>} : memref<2x8x8x128xf32, #tpu.memory_space<vmem>>, vector<16xf32>,
        tpu.vector_store %arg7[%parallel_loop3A_321, %parallel_loop3A_322, %parallel_loop3A_323, %parallel_loop3A_324], %parallel_loop3A_318 {strides = array<i32>} : memref<2x8x8x128xf32, #tpu.memory_space<vmem>>, vector<16xf32>,
        %parallel_loop3A_326 = arith.constant 42000 : i32
        %parallel_loop3A_327 = vector.broadcast %parallel_loop3A_326 : i32 to vector<16xi32>
        %parallel_loop3A_328 = arith.addi %parallel_loop3A_215, %parallel_loop3A_327 : vector<16xi32>
        %parallel_loop3A_329 = tpu.vector_load_idx %arg5[%parallel_loop3A_328] : memref<64000xf32, #tpu.memory_space<vmem>>[vector<16xi32>], vector<16xf32>,
        %parallel_loop3A_330 = arith.constant 1 : i32
        %parallel_loop3A_331 = arith.constant 2 : i32
        %parallel_loop3A_332 = arith.index_cast %parallel_loop3A_330 : i32 to index
        %parallel_loop3A_333 = arith.index_cast %parallel_loop3A_193 : i32 to index
        %parallel_loop3A_334 = arith.index_cast %parallel_loop3A_331 : i32 to index
        %parallel_loop3A_335 = arith.index_cast %parallel_loop3A_211 : i32 to index
        %parallel_loop3A_336 = tpu.vector_load %arg7[%parallel_loop3A_332, %parallel_loop3A_333, %parallel_loop3A_334, %parallel_loop3A_335] {strides = array<i32>} : memref<2x8x8x128xf32, #tpu.memory_space<vmem>>, vector<16xf32>,
        tpu.vector_store %arg7[%parallel_loop3A_332, %parallel_loop3A_333, %parallel_loop3A_334, %parallel_loop3A_335], %parallel_loop3A_329 {strides = array<i32>} : memref<2x8x8x128xf32, #tpu.memory_space<vmem>>, vector<16xf32>,
        %parallel_loop3A_337 = arith.constant 43000 : i32
        %parallel_loop3A_338 = vector.broadcast %parallel_loop3A_337 : i32 to vector<16xi32>
        %parallel_loop3A_339 = arith.addi %parallel_loop3A_215, %parallel_loop3A_338 : vector<16xi32>
        %parallel_loop3A_340 = tpu.vector_load_idx %arg5[%parallel_loop3A_339] : memref<64000xf32, #tpu.memory_space<vmem>>[vector<16xi32>], vector<16xf32>,
        %parallel_loop3A_341 = arith.constant 1 : i32
        %parallel_loop3A_342 = arith.constant 3 : i32
        %parallel_loop3A_343 = arith.index_cast %parallel_loop3A_341 : i32 to index
        %parallel_loop3A_344 = arith.index_cast %parallel_loop3A_193 : i32 to index
        %parallel_loop3A_345 = arith.index_cast %parallel_loop3A_342 : i32 to index
        %parallel_loop3A_346 = arith.index_cast %parallel_loop3A_211 : i32 to index
        %parallel_loop3A_347 = tpu.vector_load %arg7[%parallel_loop3A_343, %parallel_loop3A_344, %parallel_loop3A_345, %parallel_loop3A_346] {strides = array<i32>} : memref<2x8x8x128xf32, #tpu.memory_space<vmem>>, vector<16xf32>,
        tpu.vector_store %arg7[%parallel_loop3A_343, %parallel_loop3A_344, %parallel_loop3A_345, %parallel_loop3A_346], %parallel_loop3A_340 {strides = array<i32>} : memref<2x8x8x128xf32, #tpu.memory_space<vmem>>, vector<16xf32>,
        %parallel_loop3A_348 = arith.constant 44000 : i32
        %parallel_loop3A_349 = vector.broadcast %parallel_loop3A_348 : i32 to vector<16xi32>
        %parallel_loop3A_350 = arith.addi %parallel_loop3A_215, %parallel_loop3A_349 : vector<16xi32>
        %parallel_loop3A_351 = tpu.vector_load_idx %arg5[%parallel_loop3A_350] : memref<64000xf32, #tpu.memory_space<vmem>>[vector<16xi32>], vector<16xf32>,
        %parallel_loop3A_352 = arith.constant 1 : i32
        %parallel_loop3A_353 = arith.constant 4 : i32
        %parallel_loop3A_354 = arith.index_cast %parallel_loop3A_352 : i32 to index
        %parallel_loop3A_355 = arith.index_cast %parallel_loop3A_193 : i32 to index
        %parallel_loop3A_356 = arith.index_cast %parallel_loop3A_353 : i32 to index
        %parallel_loop3A_357 = arith.index_cast %parallel_loop3A_211 : i32 to index
        %parallel_loop3A_358 = tpu.vector_load %arg7[%parallel_loop3A_354, %parallel_loop3A_355, %parallel_loop3A_356, %parallel_loop3A_357] {strides = array<i32>} : memref<2x8x8x128xf32, #tpu.memory_space<vmem>>, vector<16xf32>,
        tpu.vector_store %arg7[%parallel_loop3A_354, %parallel_loop3A_355, %parallel_loop3A_356, %parallel_loop3A_357], %parallel_loop3A_351 {strides = array<i32>} : memref<2x8x8x128xf32, #tpu.memory_space<vmem>>, vector<16xf32>,
        %parallel_loop3A_359 = arith.constant 45000 : i32
        %parallel_loop3A_360 = vector.broadcast %parallel_loop3A_359 : i32 to vector<16xi32>
        %parallel_loop3A_361 = arith.addi %parallel_loop3A_215, %parallel_loop3A_360 : vector<16xi32>
        %parallel_loop3A_362 = tpu.vector_load_idx %arg5[%parallel_loop3A_361] : memref<64000xf32, #tpu.memory_space<vmem>>[vector<16xi32>], vector<16xf32>,
        %parallel_loop3A_363 = arith.constant 1 : i32
        %parallel_loop3A_364 = arith.constant 5 : i32
        %parallel_loop3A_365 = arith.index_cast %parallel_loop3A_363 : i32 to index
        %parallel_loop3A_366 = arith.index_cast %parallel_loop3A_193 : i32 to index
        %parallel_loop3A_367 = arith.index_cast %parallel_loop3A_364 : i32 to index
        %parallel_loop3A_368 = arith.index_cast %parallel_loop3A_211 : i32 to index
        %parallel_loop3A_369 = tpu.vector_load %arg7[%parallel_loop3A_365, %parallel_loop3A_366, %parallel_loop3A_367, %parallel_loop3A_368] {strides = array<i32>} : memref<2x8x8x128xf32, #tpu.memory_space<vmem>>, vector<16xf32>,
        tpu.vector_store %arg7[%parallel_loop3A_365, %parallel_loop3A_366, %parallel_loop3A_367, %parallel_loop3A_368], %parallel_loop3A_362 {strides = array<i32>} : memref<2x8x8x128xf32, #tpu.memory_space<vmem>>, vector<16xf32>,
        %parallel_loop3A_370 = arith.constant 46000 : i32
        %parallel_loop3A_371 = vector.broadcast %parallel_loop3A_370 : i32 to vector<16xi32>
        %parallel_loop3A_372 = arith.addi %parallel_loop3A_215, %parallel_loop3A_371 : vector<16xi32>
        %parallel_loop3A_373 = tpu.vector_load_idx %arg5[%parallel_loop3A_372] : memref<64000xf32, #tpu.memory_space<vmem>>[vector<16xi32>], vector<16xf32>,
        %parallel_loop3A_374 = arith.constant 1 : i32
        %parallel_loop3A_375 = arith.constant 6 : i32
        %parallel_loop3A_376 = arith.index_cast %parallel_loop3A_374 : i32 to index
        %parallel_loop3A_377 = arith.index_cast %parallel_loop3A_193 : i32 to index
        %parallel_loop3A_378 = arith.index_cast %parallel_loop3A_375 : i32 to index
        %parallel_loop3A_379 = arith.index_cast %parallel_loop3A_211 : i32 to index
        %parallel_loop3A_380 = tpu.vector_load %arg7[%parallel_loop3A_376, %parallel_loop3A_377, %parallel_loop3A_378, %parallel_loop3A_379] {strides = array<i32>} : memref<2x8x8x128xf32, #tpu.memory_space<vmem>>, vector<16xf32>,
        tpu.vector_store %arg7[%parallel_loop3A_376, %parallel_loop3A_377, %parallel_loop3A_378, %parallel_loop3A_379], %parallel_loop3A_373 {strides = array<i32>} : memref<2x8x8x128xf32, #tpu.memory_space<vmem>>, vector<16xf32>,
        %parallel_loop3A_381 = arith.constant 47000 : i32
        %parallel_loop3A_382 = vector.broadcast %parallel_loop3A_381 : i32 to vector<16xi32>
        %parallel_loop3A_383 = arith.addi %parallel_loop3A_215, %parallel_loop3A_382 : vector<16xi32>
        %parallel_loop3A_384 = tpu.vector_load_idx %arg5[%parallel_loop3A_383] : memref<64000xf32, #tpu.memory_space<vmem>>[vector<16xi32>], vector<16xf32>,
        %parallel_loop3A_385 = arith.constant 1 : i32
        %parallel_loop3A_386 = arith.constant 7 : i32
        %parallel_loop3A_387 = arith.index_cast %parallel_loop3A_385 : i32 to index
        %parallel_loop3A_388 = arith.index_cast %parallel_loop3A_193 : i32 to index
        %parallel_loop3A_389 = arith.index_cast %parallel_loop3A_386 : i32 to index
        %parallel_loop3A_390 = arith.index_cast %parallel_loop3A_211 : i32 to index
        %parallel_loop3A_391 = tpu.vector_load %arg7[%parallel_loop3A_387, %parallel_loop3A_388, %parallel_loop3A_389, %parallel_loop3A_390] {strides = array<i32>} : memref<2x8x8x128xf32, #tpu.memory_space<vmem>>, vector<16xf32>,
        tpu.vector_store %arg7[%parallel_loop3A_387, %parallel_loop3A_388, %parallel_loop3A_389, %parallel_loop3A_390], %parallel_loop3A_384 {strides = array<i32>} : memref<2x8x8x128xf32, #tpu.memory_space<vmem>>, vector<16xf32>,
      } {sc.loop_unroll_factor = 8 : i64, sc.parallel_access}
      %add3A_126 = arith.addi %mul3A_0, %scan3A_57 : i32
      %add3A_127 = arith.constant 4 : i32
      %add3A_128 = arith.addi %select_n3A, %add3A_127 : i32
      %dma_start3A_129 = arith.constant 0 : i32
      %dma_start3A_130 = arith.constant 0 : i32
      %dma_start3A_131 = arith.constant 0 : i32
      %dma_start3A_132 = tpu.memref_slice %arg4[%add3A_126, %add3A_128, %dma_start3A_129, %dma_start3A_130, %dma_start3A_131] : memref<50x125x8x8x128xf32, #tpu.memory_space<hbm>> -> memref<1x2x8x8x128xf32, #tpu.memory_space<hbm>>
      %dma_start3A_133 = tpu.memref_squeeze %dma_start3A_132 : memref<1x2x8x8x128xf32, #tpu.memory_space<hbm>> -> memref<2x8x8x128xf32, #tpu.memory_space<hbm>>
      %dma_start3A_134 = arith.constant 0 : i32
      %dma_start3A_135 = arith.constant 0 : i32
      %dma_start3A_136 = arith.constant 0 : i32
      %dma_start3A_137 = tpu.memref_slice %arg4[%add3A_126, %add3A_128, %dma_start3A_134, %dma_start3A_135, %dma_start3A_136] : memref<50x125x8x8x128xf32, #tpu.memory_space<hbm>> -> memref<1x2x8x8x128xf32, #tpu.memory_space<hbm>>
      %dma_start3A_138 = tpu.memref_squeeze %dma_start3A_137 : memref<1x2x8x8x128xf32, #tpu.memory_space<hbm>> -> memref<2x8x8x128xf32, #tpu.memory_space<hbm>>
      tpu.enqueue_dma source(%arg7 : memref<2x8x8x128xf32, #tpu.memory_space<vmem>>) target(%dma_start3A_138 : memref<2x8x8x128xf32, #tpu.memory_space<hbm>>) target_semaphore(%arg10 : memref<!tpu.dma_semaphore, #tpu.memory_space<semaphore_mem>>)
      %add3A_139 = arith.addi %mul3A_0, %scan3A_57 : i32
      %add3A_140 = arith.constant 2 : i32
      %add3A_141 = arith.addi %select_n3A, %add3A_140 : i32
      %dma_wait3A_142 = arith.constant 0 : i32
      %dma_wait3A_143 = arith.constant 0 : i32
      %dma_wait3A_144 = arith.constant 0 : i32
      %dma_wait3A_145 = tpu.memref_slice %arg4[%add3A_139, %add3A_141, %dma_wait3A_142, %dma_wait3A_143, %dma_wait3A_144] : memref<50x125x8x8x128xf32, #tpu.memory_space<hbm>> -> memref<1x2x8x8x128xf32, #tpu.memory_space<hbm>>
      %dma_wait3A_146 = tpu.memref_squeeze %dma_wait3A_145 : memref<1x2x8x8x128xf32, #tpu.memory_space<hbm>> -> memref<2x8x8x128xf32, #tpu.memory_space<hbm>>
      %dma_wait3A_147 = arith.constant 0 : i32
      %dma_wait3A_148 = arith.constant 0 : i32
      %dma_wait3A_149 = arith.constant 0 : i32
      %dma_wait3A_150 = tpu.memref_slice %arg4[%add3A_139, %add3A_141, %dma_wait3A_147, %dma_wait3A_148, %dma_wait3A_149] : memref<50x125x8x8x128xf32, #tpu.memory_space<hbm>> -> memref<1x2x8x8x128xf32, #tpu.memory_space<hbm>>
      %dma_wait3A_151 = tpu.memref_squeeze %dma_wait3A_150 : memref<1x2x8x8x128xf32, #tpu.memory_space<hbm>> -> memref<2x8x8x128xf32, #tpu.memory_space<hbm>>
      tpu.wait_dma2 semaphore(%arg11 : memref<!tpu.dma_semaphore, #tpu.memory_space<semaphore_mem>>) src(%arg8 : memref<2x8x8x128xf32, #tpu.memory_space<vmem>>) dst(%dma_wait3A_151 : memref<2x8x8x128xf32, #tpu.memory_space<hbm>>)
      %parallel_loop3A_152 = arith.constant 0 : i32
      %parallel_loop3A_153 = arith.constant 64 : i32
      %parallel_loop3A_154 = arith.constant 1 : i32
      scf.for %parallel_loop3A_169 = %parallel_loop3A_152 to %parallel_loop3A_153 step %parallel_loop3A_154  : i32 {
        %parallel_loop3A_170 = arith.constant 8 : i32
        %parallel_loop3A_171 = arith.divsi %parallel_loop3A_169, %parallel_loop3A_170 : i32
        %parallel_loop3A_172 = arith.constant 0 : i32
        %parallel_loop3A_173 = arith.cmpi sgt, %parallel_loop3A_169, %parallel_loop3A_172 : i32
        %parallel_loop3A_174 = arith.extui %parallel_loop3A_173 : i1 to i32
        %parallel_loop3A_175 = arith.constant 0 : i32
        %parallel_loop3A_176 = arith.cmpi slt, %parallel_loop3A_169, %parallel_loop3A_175 : i32
        %parallel_loop3A_177 = arith.extui %parallel_loop3A_176 : i1 to i32
        %parallel_loop3A_178 = arith.subi %parallel_loop3A_174, %parallel_loop3A_177 : i32
        %parallel_loop3A_179 = arith.constant 0 : i32
        %parallel_loop3A_180 = arith.cmpi sgt, %parallel_loop3A_170, %parallel_loop3A_179 : i32
        %parallel_loop3A_181 = arith.extui %parallel_loop3A_180 : i1 to i32
        %parallel_loop3A_182 = arith.constant 0 : i32
        %parallel_loop3A_183 = arith.cmpi slt, %parallel_loop3A_170, %parallel_loop3A_182 : i32
        %parallel_loop3A_184 = arith.extui %parallel_loop3A_183 : i1 to i32
        %parallel_loop3A_185 = arith.subi %parallel_loop3A_181, %parallel_loop3A_184 : i32
        %parallel_loop3A_186 = arith.cmpi ne, %parallel_loop3A_178, %parallel_loop3A_185 : i32
        %parallel_loop3A_187 = arith.remsi %parallel_loop3A_169, %parallel_loop3A_170 : i32
        %parallel_loop3A_188 = arith.constant 0 : i32
        %parallel_loop3A_189 = arith.cmpi ne, %parallel_loop3A_187, %parallel_loop3A_188 : i32
        %parallel_loop3A_190 = arith.andi %parallel_loop3A_186, %parallel_loop3A_189 : i1
        %parallel_loop3A_191 = arith.constant 1 : i32
        %parallel_loop3A_192 = arith.subi %parallel_loop3A_171, %parallel_loop3A_191 : i32
        %parallel_loop3A_193 = arith.select %parallel_loop3A_190, %parallel_loop3A_192, %parallel_loop3A_171 : i32
        %parallel_loop3A_194 = arith.constant 8 : i32
        %parallel_loop3A_195 = arith.constant 0 : i32
        %parallel_loop3A_196 = arith.cmpi eq, %parallel_loop3A_194, %parallel_loop3A_195 : i32
        %parallel_loop3A_197 = arith.constant 1 : i32
        %parallel_loop3A_198 = arith.select %parallel_loop3A_196, %parallel_loop3A_197, %parallel_loop3A_194 : i32
        %parallel_loop3A_199 = arith.remsi %parallel_loop3A_169, %parallel_loop3A_198 : i32
        %parallel_loop3A_200 = arith.constant 0 : i32
        %parallel_loop3A_201 = arith.cmpi ne, %parallel_loop3A_199, %parallel_loop3A_200 : i32
        %parallel_loop3A_202 = arith.constant 0 : i32
        %parallel_loop3A_203 = arith.cmpi slt, %parallel_loop3A_199, %parallel_loop3A_202 : i32
        %parallel_loop3A_204 = arith.constant 0 : i32
        %parallel_loop3A_205 = arith.cmpi slt, %parallel_loop3A_198, %parallel_loop3A_204 : i32
        %parallel_loop3A_206 = arith.xori %parallel_loop3A_203, %parallel_loop3A_205 : i1
        %parallel_loop3A_207 = arith.andi %parallel_loop3A_206, %parallel_loop3A_201 : i1
        %parallel_loop3A_208 = arith.addi %parallel_loop3A_199, %parallel_loop3A_198 : i32
        %parallel_loop3A_209 = arith.select %parallel_loop3A_207, %parallel_loop3A_208, %parallel_loop3A_199 : i32
        %parallel_loop3A_210 = arith.constant 16 : i32
        %parallel_loop3A_211 = arith.muli %parallel_loop3A_209, %parallel_loop3A_210 : i32
        %parallel_loop3A_212 = arith.constant 16 : i32
        %parallel_loop3A_213 = arith.muli %parallel_loop3A_169, %parallel_loop3A_212 : i32
        %parallel_loop3A_214 = arith.index_cast %parallel_loop3A_213 : i32 to index
        %parallel_loop3A_215 = tpu.vector_load %arg6[%parallel_loop3A_214] {strides = array<i32>} : memref<1024xi32, #tpu.memory_space<vmem>>, vector<16xi32>,
        %parallel_loop3A_216 = arith.constant 48000 : i32
        %parallel_loop3A_217 = vector.broadcast %parallel_loop3A_216 : i32 to vector<16xi32>
        %parallel_loop3A_218 = arith.addi %parallel_loop3A_215, %parallel_loop3A_217 : vector<16xi32>
        %parallel_loop3A_219 = tpu.vector_load_idx %arg5[%parallel_loop3A_218] : memref<64000xf32, #tpu.memory_space<vmem>>[vector<16xi32>], vector<16xf32>,
        %parallel_loop3A_220 = arith.constant 0 : i32
        %parallel_loop3A_221 = arith.constant 0 : i32
        %parallel_loop3A_222 = arith.index_cast %parallel_loop3A_220 : i32 to index
        %parallel_loop3A_223 = arith.index_cast %parallel_loop3A_193 : i32 to index
        %parallel_loop3A_224 = arith.index_cast %parallel_loop3A_221 : i32 to index
        %parallel_loop3A_225 = arith.index_cast %parallel_loop3A_211 : i32 to index
        %parallel_loop3A_226 = tpu.vector_load %arg8[%parallel_loop3A_222, %parallel_loop3A_223, %parallel_loop3A_224, %parallel_loop3A_225] {strides = array<i32>} : memref<2x8x8x128xf32, #tpu.memory_space<vmem>>, vector<16xf32>,
        tpu.vector_store %arg8[%parallel_loop3A_222, %parallel_loop3A_223, %parallel_loop3A_224, %parallel_loop3A_225], %parallel_loop3A_219 {strides = array<i32>} : memref<2x8x8x128xf32, #tpu.memory_space<vmem>>, vector<16xf32>,
        %parallel_loop3A_227 = arith.constant 49000 : i32
        %parallel_loop3A_228 = vector.broadcast %parallel_loop3A_227 : i32 to vector<16xi32>
        %parallel_loop3A_229 = arith.addi %parallel_loop3A_215, %parallel_loop3A_228 : vector<16xi32>
        %parallel_loop3A_230 = tpu.vector_load_idx %arg5[%parallel_loop3A_229] : memref<64000xf32, #tpu.memory_space<vmem>>[vector<16xi32>], vector<16xf32>,
        %parallel_loop3A_231 = arith.constant 0 : i32
        %parallel_loop3A_232 = arith.constant 1 : i32
        %parallel_loop3A_233 = arith.index_cast %parallel_loop3A_231 : i32 to index
        %parallel_loop3A_234 = arith.index_cast %parallel_loop3A_193 : i32 to index
        %parallel_loop3A_235 = arith.index_cast %parallel_loop3A_232 : i32 to index
        %parallel_loop3A_236 = arith.index_cast %parallel_loop3A_211 : i32 to index
        %parallel_loop3A_237 = tpu.vector_load %arg8[%parallel_loop3A_233, %parallel_loop3A_234, %parallel_loop3A_235, %parallel_loop3A_236] {strides = array<i32>} : memref<2x8x8x128xf32, #tpu.memory_space<vmem>>, vector<16xf32>,
        tpu.vector_store %arg8[%parallel_loop3A_233, %parallel_loop3A_234, %parallel_loop3A_235, %parallel_loop3A_236], %parallel_loop3A_230 {strides = array<i32>} : memref<2x8x8x128xf32, #tpu.memory_space<vmem>>, vector<16xf32>,
        %parallel_loop3A_238 = arith.constant 50000 : i32
        %parallel_loop3A_239 = vector.broadcast %parallel_loop3A_238 : i32 to vector<16xi32>
        %parallel_loop3A_240 = arith.addi %parallel_loop3A_215, %parallel_loop3A_239 : vector<16xi32>
        %parallel_loop3A_241 = tpu.vector_load_idx %arg5[%parallel_loop3A_240] : memref<64000xf32, #tpu.memory_space<vmem>>[vector<16xi32>], vector<16xf32>,
        %parallel_loop3A_242 = arith.constant 0 : i32
        %parallel_loop3A_243 = arith.constant 2 : i32
        %parallel_loop3A_244 = arith.index_cast %parallel_loop3A_242 : i32 to index
        %parallel_loop3A_245 = arith.index_cast %parallel_loop3A_193 : i32 to index
        %parallel_loop3A_246 = arith.index_cast %parallel_loop3A_243 : i32 to index
        %parallel_loop3A_247 = arith.index_cast %parallel_loop3A_211 : i32 to index
        %parallel_loop3A_248 = tpu.vector_load %arg8[%parallel_loop3A_244, %parallel_loop3A_245, %parallel_loop3A_246, %parallel_loop3A_247] {strides = array<i32>} : memref<2x8x8x128xf32, #tpu.memory_space<vmem>>, vector<16xf32>,
        tpu.vector_store %arg8[%parallel_loop3A_244, %parallel_loop3A_245, %parallel_loop3A_246, %parallel_loop3A_247], %parallel_loop3A_241 {strides = array<i32>} : memref<2x8x8x128xf32, #tpu.memory_space<vmem>>, vector<16xf32>,
        %parallel_loop3A_249 = arith.constant 51000 : i32
        %parallel_loop3A_250 = vector.broadcast %parallel_loop3A_249 : i32 to vector<16xi32>
        %parallel_loop3A_251 = arith.addi %parallel_loop3A_215, %parallel_loop3A_250 : vector<16xi32>
        %parallel_loop3A_252 = tpu.vector_load_idx %arg5[%parallel_loop3A_251] : memref<64000xf32, #tpu.memory_space<vmem>>[vector<16xi32>], vector<16xf32>,
        %parallel_loop3A_253 = arith.constant 0 : i32
        %parallel_loop3A_254 = arith.constant 3 : i32
        %parallel_loop3A_255 = arith.index_cast %parallel_loop3A_253 : i32 to index
        %parallel_loop3A_256 = arith.index_cast %parallel_loop3A_193 : i32 to index
        %parallel_loop3A_257 = arith.index_cast %parallel_loop3A_254 : i32 to index
        %parallel_loop3A_258 = arith.index_cast %parallel_loop3A_211 : i32 to index
        %parallel_loop3A_259 = tpu.vector_load %arg8[%parallel_loop3A_255, %parallel_loop3A_256, %parallel_loop3A_257, %parallel_loop3A_258] {strides = array<i32>} : memref<2x8x8x128xf32, #tpu.memory_space<vmem>>, vector<16xf32>,
        tpu.vector_store %arg8[%parallel_loop3A_255, %parallel_loop3A_256, %parallel_loop3A_257, %parallel_loop3A_258], %parallel_loop3A_252 {strides = array<i32>} : memref<2x8x8x128xf32, #tpu.memory_space<vmem>>, vector<16xf32>,
        %parallel_loop3A_260 = arith.constant 52000 : i32
        %parallel_loop3A_261 = vector.broadcast %parallel_loop3A_260 : i32 to vector<16xi32>
        %parallel_loop3A_262 = arith.addi %parallel_loop3A_215, %parallel_loop3A_261 : vector<16xi32>
        %parallel_loop3A_263 = tpu.vector_load_idx %arg5[%parallel_loop3A_262] : memref<64000xf32, #tpu.memory_space<vmem>>[vector<16xi32>], vector<16xf32>,
        %parallel_loop3A_264 = arith.constant 0 : i32
        %parallel_loop3A_265 = arith.constant 4 : i32
        %parallel_loop3A_266 = arith.index_cast %parallel_loop3A_264 : i32 to index
        %parallel_loop3A_267 = arith.index_cast %parallel_loop3A_193 : i32 to index
        %parallel_loop3A_268 = arith.index_cast %parallel_loop3A_265 : i32 to index
        %parallel_loop3A_269 = arith.index_cast %parallel_loop3A_211 : i32 to index
        %parallel_loop3A_270 = tpu.vector_load %arg8[%parallel_loop3A_266, %parallel_loop3A_267, %parallel_loop3A_268, %parallel_loop3A_269] {strides = array<i32>} : memref<2x8x8x128xf32, #tpu.memory_space<vmem>>, vector<16xf32>,
        tpu.vector_store %arg8[%parallel_loop3A_266, %parallel_loop3A_267, %parallel_loop3A_268, %parallel_loop3A_269], %parallel_loop3A_263 {strides = array<i32>} : memref<2x8x8x128xf32, #tpu.memory_space<vmem>>, vector<16xf32>,
        %parallel_loop3A_271 = arith.constant 53000 : i32
        %parallel_loop3A_272 = vector.broadcast %parallel_loop3A_271 : i32 to vector<16xi32>
        %parallel_loop3A_273 = arith.addi %parallel_loop3A_215, %parallel_loop3A_272 : vector<16xi32>
        %parallel_loop3A_274 = tpu.vector_load_idx %arg5[%parallel_loop3A_273] : memref<64000xf32, #tpu.memory_space<vmem>>[vector<16xi32>], vector<16xf32>,
        %parallel_loop3A_275 = arith.constant 0 : i32
        %parallel_loop3A_276 = arith.constant 5 : i32
        %parallel_loop3A_277 = arith.index_cast %parallel_loop3A_275 : i32 to index
        %parallel_loop3A_278 = arith.index_cast %parallel_loop3A_193 : i32 to index
        %parallel_loop3A_279 = arith.index_cast %parallel_loop3A_276 : i32 to index
        %parallel_loop3A_280 = arith.index_cast %parallel_loop3A_211 : i32 to index
        %parallel_loop3A_281 = tpu.vector_load %arg8[%parallel_loop3A_277, %parallel_loop3A_278, %parallel_loop3A_279, %parallel_loop3A_280] {strides = array<i32>} : memref<2x8x8x128xf32, #tpu.memory_space<vmem>>, vector<16xf32>,
        tpu.vector_store %arg8[%parallel_loop3A_277, %parallel_loop3A_278, %parallel_loop3A_279, %parallel_loop3A_280], %parallel_loop3A_274 {strides = array<i32>} : memref<2x8x8x128xf32, #tpu.memory_space<vmem>>, vector<16xf32>,
        %parallel_loop3A_282 = arith.constant 54000 : i32
        %parallel_loop3A_283 = vector.broadcast %parallel_loop3A_282 : i32 to vector<16xi32>
        %parallel_loop3A_284 = arith.addi %parallel_loop3A_215, %parallel_loop3A_283 : vector<16xi32>
        %parallel_loop3A_285 = tpu.vector_load_idx %arg5[%parallel_loop3A_284] : memref<64000xf32, #tpu.memory_space<vmem>>[vector<16xi32>], vector<16xf32>,
        %parallel_loop3A_286 = arith.constant 0 : i32
        %parallel_loop3A_287 = arith.constant 6 : i32
        %parallel_loop3A_288 = arith.index_cast %parallel_loop3A_286 : i32 to index
        %parallel_loop3A_289 = arith.index_cast %parallel_loop3A_193 : i32 to index
        %parallel_loop3A_290 = arith.index_cast %parallel_loop3A_287 : i32 to index
        %parallel_loop3A_291 = arith.index_cast %parallel_loop3A_211 : i32 to index
        %parallel_loop3A_292 = tpu.vector_load %arg8[%parallel_loop3A_288, %parallel_loop3A_289, %parallel_loop3A_290, %parallel_loop3A_291] {strides = array<i32>} : memref<2x8x8x128xf32, #tpu.memory_space<vmem>>, vector<16xf32>,
        tpu.vector_store %arg8[%parallel_loop3A_288, %parallel_loop3A_289, %parallel_loop3A_290, %parallel_loop3A_291], %parallel_loop3A_285 {strides = array<i32>} : memref<2x8x8x128xf32, #tpu.memory_space<vmem>>, vector<16xf32>,
        %parallel_loop3A_293 = arith.constant 55000 : i32
        %parallel_loop3A_294 = vector.broadcast %parallel_loop3A_293 : i32 to vector<16xi32>
        %parallel_loop3A_295 = arith.addi %parallel_loop3A_215, %parallel_loop3A_294 : vector<16xi32>
        %parallel_loop3A_296 = tpu.vector_load_idx %arg5[%parallel_loop3A_295] : memref<64000xf32, #tpu.memory_space<vmem>>[vector<16xi32>], vector<16xf32>,
        %parallel_loop3A_297 = arith.constant 0 : i32
        %parallel_loop3A_298 = arith.constant 7 : i32
        %parallel_loop3A_299 = arith.index_cast %parallel_loop3A_297 : i32 to index
        %parallel_loop3A_300 = arith.index_cast %parallel_loop3A_193 : i32 to index
        %parallel_loop3A_301 = arith.index_cast %parallel_loop3A_298 : i32 to index
        %parallel_loop3A_302 = arith.index_cast %parallel_loop3A_211 : i32 to index
        %parallel_loop3A_303 = tpu.vector_load %arg8[%parallel_loop3A_299, %parallel_loop3A_300, %parallel_loop3A_301, %parallel_loop3A_302] {strides = array<i32>} : memref<2x8x8x128xf32, #tpu.memory_space<vmem>>, vector<16xf32>,
        tpu.vector_store %arg8[%parallel_loop3A_299, %parallel_loop3A_300, %parallel_loop3A_301, %parallel_loop3A_302], %parallel_loop3A_296 {strides = array<i32>} : memref<2x8x8x128xf32, #tpu.memory_space<vmem>>, vector<16xf32>,
        %parallel_loop3A_304 = arith.constant 56000 : i32
        %parallel_loop3A_305 = vector.broadcast %parallel_loop3A_304 : i32 to vector<16xi32>
        %parallel_loop3A_306 = arith.addi %parallel_loop3A_215, %parallel_loop3A_305 : vector<16xi32>
        %parallel_loop3A_307 = tpu.vector_load_idx %arg5[%parallel_loop3A_306] : memref<64000xf32, #tpu.memory_space<vmem>>[vector<16xi32>], vector<16xf32>,
        %parallel_loop3A_308 = arith.constant 1 : i32
        %parallel_loop3A_309 = arith.constant 0 : i32
        %parallel_loop3A_310 = arith.index_cast %parallel_loop3A_308 : i32 to index
        %parallel_loop3A_311 = arith.index_cast %parallel_loop3A_193 : i32 to index
        %parallel_loop3A_312 = arith.index_cast %parallel_loop3A_309 : i32 to index
        %parallel_loop3A_313 = arith.index_cast %parallel_loop3A_211 : i32 to index
        %parallel_loop3A_314 = tpu.vector_load %arg8[%parallel_loop3A_310, %parallel_loop3A_311, %parallel_loop3A_312, %parallel_loop3A_313] {strides = array<i32>} : memref<2x8x8x128xf32, #tpu.memory_space<vmem>>, vector<16xf32>,
        tpu.vector_store %arg8[%parallel_loop3A_310, %parallel_loop3A_311, %parallel_loop3A_312, %parallel_loop3A_313], %parallel_loop3A_307 {strides = array<i32>} : memref<2x8x8x128xf32, #tpu.memory_space<vmem>>, vector<16xf32>,
        %parallel_loop3A_315 = arith.constant 57000 : i32
        %parallel_loop3A_316 = vector.broadcast %parallel_loop3A_315 : i32 to vector<16xi32>
        %parallel_loop3A_317 = arith.addi %parallel_loop3A_215, %parallel_loop3A_316 : vector<16xi32>
        %parallel_loop3A_318 = tpu.vector_load_idx %arg5[%parallel_loop3A_317] : memref<64000xf32, #tpu.memory_space<vmem>>[vector<16xi32>], vector<16xf32>,
        %parallel_loop3A_319 = arith.constant 1 : i32
        %parallel_loop3A_320 = arith.constant 1 : i32
        %parallel_loop3A_321 = arith.index_cast %parallel_loop3A_319 : i32 to index
        %parallel_loop3A_322 = arith.index_cast %parallel_loop3A_193 : i32 to index
        %parallel_loop3A_323 = arith.index_cast %parallel_loop3A_320 : i32 to index
        %parallel_loop3A_324 = arith.index_cast %parallel_loop3A_211 : i32 to index
        %parallel_loop3A_325 = tpu.vector_load %arg8[%parallel_loop3A_321, %parallel_loop3A_322, %parallel_loop3A_323, %parallel_loop3A_324] {strides = array<i32>} : memref<2x8x8x128xf32, #tpu.memory_space<vmem>>, vector<16xf32>,
        tpu.vector_store %arg8[%parallel_loop3A_321, %parallel_loop3A_322, %parallel_loop3A_323, %parallel_loop3A_324], %parallel_loop3A_318 {strides = array<i32>} : memref<2x8x8x128xf32, #tpu.memory_space<vmem>>, vector<16xf32>,
        %parallel_loop3A_326 = arith.constant 58000 : i32
        %parallel_loop3A_327 = vector.broadcast %parallel_loop3A_326 : i32 to vector<16xi32>
        %parallel_loop3A_328 = arith.addi %parallel_loop3A_215, %parallel_loop3A_327 : vector<16xi32>
        %parallel_loop3A_329 = tpu.vector_load_idx %arg5[%parallel_loop3A_328] : memref<64000xf32, #tpu.memory_space<vmem>>[vector<16xi32>], vector<16xf32>,
        %parallel_loop3A_330 = arith.constant 1 : i32
        %parallel_loop3A_331 = arith.constant 2 : i32
        %parallel_loop3A_332 = arith.index_cast %parallel_loop3A_330 : i32 to index
        %parallel_loop3A_333 = arith.index_cast %parallel_loop3A_193 : i32 to index
        %parallel_loop3A_334 = arith.index_cast %parallel_loop3A_331 : i32 to index
        %parallel_loop3A_335 = arith.index_cast %parallel_loop3A_211 : i32 to index
        %parallel_loop3A_336 = tpu.vector_load %arg8[%parallel_loop3A_332, %parallel_loop3A_333, %parallel_loop3A_334, %parallel_loop3A_335] {strides = array<i32>} : memref<2x8x8x128xf32, #tpu.memory_space<vmem>>, vector<16xf32>,
        tpu.vector_store %arg8[%parallel_loop3A_332, %parallel_loop3A_333, %parallel_loop3A_334, %parallel_loop3A_335], %parallel_loop3A_329 {strides = array<i32>} : memref<2x8x8x128xf32, #tpu.memory_space<vmem>>, vector<16xf32>,
        %parallel_loop3A_337 = arith.constant 59000 : i32
        %parallel_loop3A_338 = vector.broadcast %parallel_loop3A_337 : i32 to vector<16xi32>
        %parallel_loop3A_339 = arith.addi %parallel_loop3A_215, %parallel_loop3A_338 : vector<16xi32>
        %parallel_loop3A_340 = tpu.vector_load_idx %arg5[%parallel_loop3A_339] : memref<64000xf32, #tpu.memory_space<vmem>>[vector<16xi32>], vector<16xf32>,
        %parallel_loop3A_341 = arith.constant 1 : i32
        %parallel_loop3A_342 = arith.constant 3 : i32
        %parallel_loop3A_343 = arith.index_cast %parallel_loop3A_341 : i32 to index
        %parallel_loop3A_344 = arith.index_cast %parallel_loop3A_193 : i32 to index
        %parallel_loop3A_345 = arith.index_cast %parallel_loop3A_342 : i32 to index
        %parallel_loop3A_346 = arith.index_cast %parallel_loop3A_211 : i32 to index
        %parallel_loop3A_347 = tpu.vector_load %arg8[%parallel_loop3A_343, %parallel_loop3A_344, %parallel_loop3A_345, %parallel_loop3A_346] {strides = array<i32>} : memref<2x8x8x128xf32, #tpu.memory_space<vmem>>, vector<16xf32>,
        tpu.vector_store %arg8[%parallel_loop3A_343, %parallel_loop3A_344, %parallel_loop3A_345, %parallel_loop3A_346], %parallel_loop3A_340 {strides = array<i32>} : memref<2x8x8x128xf32, #tpu.memory_space<vmem>>, vector<16xf32>,
        %parallel_loop3A_348 = arith.constant 60000 : i32
        %parallel_loop3A_349 = vector.broadcast %parallel_loop3A_348 : i32 to vector<16xi32>
        %parallel_loop3A_350 = arith.addi %parallel_loop3A_215, %parallel_loop3A_349 : vector<16xi32>
        %parallel_loop3A_351 = tpu.vector_load_idx %arg5[%parallel_loop3A_350] : memref<64000xf32, #tpu.memory_space<vmem>>[vector<16xi32>], vector<16xf32>,
        %parallel_loop3A_352 = arith.constant 1 : i32
        %parallel_loop3A_353 = arith.constant 4 : i32
        %parallel_loop3A_354 = arith.index_cast %parallel_loop3A_352 : i32 to index
        %parallel_loop3A_355 = arith.index_cast %parallel_loop3A_193 : i32 to index
        %parallel_loop3A_356 = arith.index_cast %parallel_loop3A_353 : i32 to index
        %parallel_loop3A_357 = arith.index_cast %parallel_loop3A_211 : i32 to index
        %parallel_loop3A_358 = tpu.vector_load %arg8[%parallel_loop3A_354, %parallel_loop3A_355, %parallel_loop3A_356, %parallel_loop3A_357] {strides = array<i32>} : memref<2x8x8x128xf32, #tpu.memory_space<vmem>>, vector<16xf32>,
        tpu.vector_store %arg8[%parallel_loop3A_354, %parallel_loop3A_355, %parallel_loop3A_356, %parallel_loop3A_357], %parallel_loop3A_351 {strides = array<i32>} : memref<2x8x8x128xf32, #tpu.memory_space<vmem>>, vector<16xf32>,
        %parallel_loop3A_359 = arith.constant 61000 : i32
        %parallel_loop3A_360 = vector.broadcast %parallel_loop3A_359 : i32 to vector<16xi32>
        %parallel_loop3A_361 = arith.addi %parallel_loop3A_215, %parallel_loop3A_360 : vector<16xi32>
        %parallel_loop3A_362 = tpu.vector_load_idx %arg5[%parallel_loop3A_361] : memref<64000xf32, #tpu.memory_space<vmem>>[vector<16xi32>], vector<16xf32>,
        %parallel_loop3A_363 = arith.constant 1 : i32
        %parallel_loop3A_364 = arith.constant 5 : i32
        %parallel_loop3A_365 = arith.index_cast %parallel_loop3A_363 : i32 to index
        %parallel_loop3A_366 = arith.index_cast %parallel_loop3A_193 : i32 to index
        %parallel_loop3A_367 = arith.index_cast %parallel_loop3A_364 : i32 to index
        %parallel_loop3A_368 = arith.index_cast %parallel_loop3A_211 : i32 to index
        %parallel_loop3A_369 = tpu.vector_load %arg8[%parallel_loop3A_365, %parallel_loop3A_366, %parallel_loop3A_367, %parallel_loop3A_368] {strides = array<i32>} : memref<2x8x8x128xf32, #tpu.memory_space<vmem>>, vector<16xf32>,
        tpu.vector_store %arg8[%parallel_loop3A_365, %parallel_loop3A_366, %parallel_loop3A_367, %parallel_loop3A_368], %parallel_loop3A_362 {strides = array<i32>} : memref<2x8x8x128xf32, #tpu.memory_space<vmem>>, vector<16xf32>,
        %parallel_loop3A_370 = arith.constant 62000 : i32
        %parallel_loop3A_371 = vector.broadcast %parallel_loop3A_370 : i32 to vector<16xi32>
        %parallel_loop3A_372 = arith.addi %parallel_loop3A_215, %parallel_loop3A_371 : vector<16xi32>
        %parallel_loop3A_373 = tpu.vector_load_idx %arg5[%parallel_loop3A_372] : memref<64000xf32, #tpu.memory_space<vmem>>[vector<16xi32>], vector<16xf32>,
        %parallel_loop3A_374 = arith.constant 1 : i32
        %parallel_loop3A_375 = arith.constant 6 : i32
        %parallel_loop3A_376 = arith.index_cast %parallel_loop3A_374 : i32 to index
        %parallel_loop3A_377 = arith.index_cast %parallel_loop3A_193 : i32 to index
        %parallel_loop3A_378 = arith.index_cast %parallel_loop3A_375 : i32 to index
        %parallel_loop3A_379 = arith.index_cast %parallel_loop3A_211 : i32 to index
        %parallel_loop3A_380 = tpu.vector_load %arg8[%parallel_loop3A_376, %parallel_loop3A_377, %parallel_loop3A_378, %parallel_loop3A_379] {strides = array<i32>} : memref<2x8x8x128xf32, #tpu.memory_space<vmem>>, vector<16xf32>,
        tpu.vector_store %arg8[%parallel_loop3A_376, %parallel_loop3A_377, %parallel_loop3A_378, %parallel_loop3A_379], %parallel_loop3A_373 {strides = array<i32>} : memref<2x8x8x128xf32, #tpu.memory_space<vmem>>, vector<16xf32>,
        %parallel_loop3A_381 = arith.constant 63000 : i32
        %parallel_loop3A_382 = vector.broadcast %parallel_loop3A_381 : i32 to vector<16xi32>
        %parallel_loop3A_383 = arith.addi %parallel_loop3A_215, %parallel_loop3A_382 : vector<16xi32>
        %parallel_loop3A_384 = tpu.vector_load_idx %arg5[%parallel_loop3A_383] : memref<64000xf32, #tpu.memory_space<vmem>>[vector<16xi32>], vector<16xf32>,
        %parallel_loop3A_385 = arith.constant 1 : i32
        %parallel_loop3A_386 = arith.constant 7 : i32
        %parallel_loop3A_387 = arith.index_cast %parallel_loop3A_385 : i32 to index
        %parallel_loop3A_388 = arith.index_cast %parallel_loop3A_193 : i32 to index
        %parallel_loop3A_389 = arith.index_cast %parallel_loop3A_386 : i32 to index
        %parallel_loop3A_390 = arith.index_cast %parallel_loop3A_211 : i32 to index
        %parallel_loop3A_391 = tpu.vector_load %arg8[%parallel_loop3A_387, %parallel_loop3A_388, %parallel_loop3A_389, %parallel_loop3A_390] {strides = array<i32>} : memref<2x8x8x128xf32, #tpu.memory_space<vmem>>, vector<16xf32>,
        tpu.vector_store %arg8[%parallel_loop3A_387, %parallel_loop3A_388, %parallel_loop3A_389, %parallel_loop3A_390], %parallel_loop3A_384 {strides = array<i32>} : memref<2x8x8x128xf32, #tpu.memory_space<vmem>>, vector<16xf32>,
      } {sc.loop_unroll_factor = 8 : i64, sc.parallel_access}
      %add3A_155 = arith.addi %mul3A_0, %scan3A_57 : i32
      %add3A_156 = arith.constant 6 : i32
      %add3A_157 = arith.addi %select_n3A, %add3A_156 : i32
      %dma_start3A_158 = arith.constant 0 : i32
      %dma_start3A_159 = arith.constant 0 : i32
      %dma_start3A_160 = arith.constant 0 : i32
      %dma_start3A_161 = tpu.memref_slice %arg4[%add3A_155, %add3A_157, %dma_start3A_158, %dma_start3A_159, %dma_start3A_160] : memref<50x125x8x8x128xf32, #tpu.memory_space<hbm>> -> memref<1x2x8x8x128xf32, #tpu.memory_space<hbm>>
      %dma_start3A_162 = tpu.memref_squeeze %dma_start3A_161 : memref<1x2x8x8x128xf32, #tpu.memory_space<hbm>> -> memref<2x8x8x128xf32, #tpu.memory_space<hbm>>
      %dma_start3A_163 = arith.constant 0 : i32
      %dma_start3A_164 = arith.constant 0 : i32
      %dma_start3A_165 = arith.constant 0 : i32
      %dma_start3A_166 = tpu.memref_slice %arg4[%add3A_155, %add3A_157, %dma_start3A_163, %dma_start3A_164, %dma_start3A_165] : memref<50x125x8x8x128xf32, #tpu.memory_space<hbm>> -> memref<1x2x8x8x128xf32, #tpu.memory_space<hbm>>
      %dma_start3A_167 = tpu.memref_squeeze %dma_start3A_166 : memref<1x2x8x8x128xf32, #tpu.memory_space<hbm>> -> memref<2x8x8x128xf32, #tpu.memory_space<hbm>>
      tpu.enqueue_dma source(%arg8 : memref<2x8x8x128xf32, #tpu.memory_space<vmem>>) target(%dma_start3A_167 : memref<2x8x8x128xf32, #tpu.memory_space<hbm>>) target_semaphore(%arg11 : memref<!tpu.dma_semaphore, #tpu.memory_space<semaphore_mem>>)
      %scan3A_168 = arith.constant 0 : i32
      scf.yield %scan3A_168 : i32
    }
    %scan3A_29 = arith.constant 25 : i32
    %add3A = arith.constant 24 : i32
    %add3A_30 = arith.addi %mul3A_0, %add3A : i32
    %add3A_31 = arith.constant 4 : i32
    %add3A_32 = arith.addi %select_n3A, %add3A_31 : i32
    %dma_wait3A_33 = arith.constant 0 : i32
    %dma_wait3A_34 = arith.constant 0 : i32
    %dma_wait3A_35 = arith.constant 0 : i32
    %dma_wait3A_36 = tpu.memref_slice %arg4[%add3A_30, %add3A_32, %dma_wait3A_33, %dma_wait3A_34, %dma_wait3A_35] : memref<50x125x8x8x128xf32, #tpu.memory_space<hbm>> -> memref<1x2x8x8x128xf32, #tpu.memory_space<hbm>>
    %dma_wait3A_37 = tpu.memref_squeeze %dma_wait3A_36 : memref<1x2x8x8x128xf32, #tpu.memory_space<hbm>> -> memref<2x8x8x128xf32, #tpu.memory_space<hbm>>
    %dma_wait3A_38 = arith.constant 0 : i32
    %dma_wait3A_39 = arith.constant 0 : i32
    %dma_wait3A_40 = arith.constant 0 : i32
    %dma_wait3A_41 = tpu.memref_slice %arg4[%add3A_30, %add3A_32, %dma_wait3A_38, %dma_wait3A_39, %dma_wait3A_40] : memref<50x125x8x8x128xf32, #tpu.memory_space<hbm>> -> memref<1x2x8x8x128xf32, #tpu.memory_space<hbm>>
    %dma_wait3A_42 = tpu.memref_squeeze %dma_wait3A_41 : memref<1x2x8x8x128xf32, #tpu.memory_space<hbm>> -> memref<2x8x8x128xf32, #tpu.memory_space<hbm>>
    tpu.wait_dma2 semaphore(%arg10 : memref<!tpu.dma_semaphore, #tpu.memory_space<semaphore_mem>>) src(%arg7 : memref<2x8x8x128xf32, #tpu.memory_space<vmem>>) dst(%dma_wait3A_42 : memref<2x8x8x128xf32, #tpu.memory_space<hbm>>)
    %add3A_43 = arith.constant 24 : i32
    %add3A_44 = arith.addi %mul3A_0, %add3A_43 : i32
    %add3A_45 = arith.constant 6 : i32
    %add3A_46 = arith.addi %select_n3A, %add3A_45 : i32
    %dma_wait3A_47 = arith.constant 0 : i32
    %dma_wait3A_48 = arith.constant 0 : i32
    %dma_wait3A_49 = arith.constant 0 : i32
    %dma_wait3A_50 = tpu.memref_slice %arg4[%add3A_44, %add3A_46, %dma_wait3A_47, %dma_wait3A_48, %dma_wait3A_49] : memref<50x125x8x8x128xf32, #tpu.memory_space<hbm>> -> memref<1x2x8x8x128xf32, #tpu.memory_space<hbm>>
    %dma_wait3A_51 = tpu.memref_squeeze %dma_wait3A_50 : memref<1x2x8x8x128xf32, #tpu.memory_space<hbm>> -> memref<2x8x8x128xf32, #tpu.memory_space<hbm>>
    %dma_wait3A_52 = arith.constant 0 : i32
    %dma_wait3A_53 = arith.constant 0 : i32
    %dma_wait3A_54 = arith.constant 0 : i32
    %dma_wait3A_55 = tpu.memref_slice %arg4[%add3A_44, %add3A_46, %dma_wait3A_52, %dma_wait3A_53, %dma_wait3A_54] : memref<50x125x8x8x128xf32, #tpu.memory_space<hbm>> -> memref<1x2x8x8x128xf32, #tpu.memory_space<hbm>>
    %dma_wait3A_56 = tpu.memref_squeeze %dma_wait3A_55 : memref<1x2x8x8x128xf32, #tpu.memory_space<hbm>> -> memref<2x8x8x128xf32, #tpu.memory_space<hbm>>
    tpu.wait_dma2 semaphore(%arg11 : memref<!tpu.dma_semaphore, #tpu.memory_space<semaphore_mem>>) src(%arg8 : memref<2x8x8x128xf32, #tpu.memory_space<vmem>>) dst(%dma_wait3A_56 : memref<2x8x8x128xf32, #tpu.memory_space<hbm>>)
    return
  }
}

</mosaic_0001>

<sc_bundles>
// kernel: kernel.3.cloned.1.call-start
scs
__scs_entry_jumppad:
0x0: {  	(pc) =	sbr.rel $0x88, $3  }
0x1: {  	(tag) =	ssettag $0x0;
	lr =	simm.s32 $0x1  }
0x2: {  	[smem:$0x3F9F] =	sst lr;
	_ =	strace $0xD0000000  }
0x3: {  	_ = 	snop  }
0x4: {  	_ = 	snop  }
0x5: {  	_ = 	snop  }
0x6: {  	_ = 	snop  }
0x7: {  	_ = 	snop  }
__scs_overlays_trampoline_lowered:
0x8: {  	[smem:$0x3FAE] =	sst s0  }
0x9: {  	[smem:$0x3FAF] =	sst s1  }
0xa: {  	[smem:$0x3FB0] =	sst s2  }
0xb: {  	[smem:$0x3FB1] =	sst s3  }
0xc: {  	[smem:$0x3FB2] =	sst s4  }
0xd: {  	[smem:$0x3FB3] =	sst s5  }
0xe: {  	[smem:$0x3FB4] =	sst s6  }
0xf: {  	[smem:$0x3FB5] =	sst s7  }
0x10: {  	[smem:$0x3FB6] =	sst s8  }
0x11: {  	[smem:$0x3FB7] =	sst s9;
	s0 =	simm.s32 @!p0 $0x0  }
0x12: {  	s1 =	sld [smem:$0x3F9D];
	s0 =	simm.s32 @p0 $0x1  }
0x13: {  	[smem:$0x3FB8] =	sst s0;
	s0 =	simm.s32 @!p1 $0x0  }
0x14: {  	s2 =	sld [smem:$0x3F9C];
	s0 =	simm.s32 @p1 $0x1  }
0x15: {  	[smem:$0x3FB9] =	sst s0;
	s0 =	simm.s32 @!p2 $0x0  }
0x16: {  	s3 =	sld [smem:$0x3FDB];
	s0 =	simm.s32 @p2 $0x1  }
0x17: {  	s4 =	simm.s32 $0x1BF5;
	[smem:$0x3FBB] =	sst s0  }
0x18: {  	s0 =	sld [smem:$0x3F9E];
	_ =	swait.ge [sflag:s4], $0x0  }
0x19: {  	s7 =	sld [smem:$0x3F9F]  }
0x1a: {  	s8 =	sadd.s32 $0xFFFFE003, lr  }
0x1b: {  	s9 =	sadd.s32 $0xFFFFFEF7, lr;
	s5 =	simm.s32 $0xFFFFFFFF;
	p2 =	slt.u32 s8, $0xFFFFF086  }
0x1c: {  	p1 =	slt.u32 s9, $0xF7A;
	s5 =	simm.s32 @!p2 $0x0  }
0x1d: {  	s5 =	simm.s32 @p1 $0x1;
	p0 =	seq.s32 s7, s2  }
0x1e: {  	s7 =	smul.u32 @!p0 $0xF7A, s2;
	p2 =	seq.s32 @!p0 s5, $0x0  }
0x1f: {  	s9 =	smul.u32 $0xF7A, s1;
	s8 =	simm.s32 @!p0 $0x1BF5;
	p2 =	por !p2, p0  }
0x20: {  	[sflag:s8] =	ssyncset.s32 @!p0 $0xFFFFF086;
	s6 =	sadd.s32 @!p0 s3, s7;
	s7 =	simm.s32 @!p0 $0x108  }
0x21: {  	s3 =	sadd.s32 s3, s9;
	s6 =	sadd.s32 @!p0 $0x88, s6;
	s7 =	simm.s32 @p2 $0x1082  }
0x22: {  	[simem:s7], [sflag:s8] =	dma.local @!p0 [hbm:s6], $0xF7A  }
0x23: {  	s9 =	sor.u32 $0xD0000000, s2;
	s6 =	simm.s32 $0x108;
	_ =	swait.ge @!p0 [sflag:s8], $0x0  }
0x24: {  	s3 =	sadd.s32 $0x88, s3;
	s6 =	simm.s32 @!p1 $0x1082;
	[sflag:s4] =	ssyncset.s32 $0xFFFFF086  }
0x25: {  	[simem:s6], [sflag:s4] =	dma.local [hbm:s3], $0xF7A  }
0x26: {  	[smem:$0x3F9F] =	sst s1;
	(tag) =	ssettag s2;
	_ =	strace s9  }
0x27: {  	s1 =	sld [smem:$0x3FAF]  }
0x28: {  	s2 =	sld [smem:$0x3FB0]  }
0x29: {  	s4 =	sld [smem:$0x3FB2]  }
0x2a: {  	p0 =	seq.s32 s5, $0x0;
	s5 =	sld [smem:$0x3FB3]  }
0x2b: {  	s6 =	sld [smem:$0x3FB4]  }
0x2c: {  	s7 =	sld [smem:$0x3FB5]  }
0x2d: {  	s3 =	simm.s32 $0x108;
	s8 =	sld [smem:$0x3FB6]  }
0x2e: {  	s3 =	simm.s32 @!p0 $0x1082;
	s9 =	sld [smem:$0x3FB7]  }
0x2f: {  	lr =	sadd.s32 s0, s3;
	s0 =	sld [smem:$0x3FAE]  }
0x30: {  	s3 =	sld [smem:$0x3FB1]  }
0x31: {  	[smem:$0x3FBA] =	sst s10  }
0x32: {  	s10 =	sld [smem:$0x3FB8];
	_ =	sdelay $0x3  }
0x33: {  	p0 =	seq.s32 s10, $0x1;
	s10 =	sld [smem:$0x3FBA];
	_ =	sdelay $0x3  }
0x34: {  	[smem:$0x3FBA] =	sst s10  }
0x35: {  	s10 =	sld [smem:$0x3FB9];
	_ =	sdelay $0x3  }
0x36: {  	p1 =	seq.s32 s10, $0x1;
	s10 =	sld [smem:$0x3FBA];
	_ =	sdelay $0x3  }
0x37: {  	[smem:$0x3FBA] =	sst s10  }
0x38: {  	s10 =	sld [smem:$0x3FBB]  }
0x39: {  	_ = 	snop;
	(pc) =	sbr.ind lr, $3  }
0x3a: {  	_ = 	snop  }
0x3b: {  	_ = 	snop  }
0x3c: {  	p2 =	seq.s32 s10, $0x1;
	s10 =	sld [smem:$0x3FBA]  }
0x3d: {  	_ =	shalt  }
0x3e: {  	_ =	shalt  }
0x3f: {  	_ =	shalt  }
0x40: {  	_ =	shalt  }
0x41: {  	_ =	shalt  }
0x42: {  	_ =	shalt  }
0x43: {  	_ =	shalt  }
0x44: {  	_ =	shalt  }
0x45: {  	_ =	shalt  }
0x46: {  	_ =	shalt  }
0x47: {  	_ =	shalt  }
0x48: {  	_ =	shalt  }
0x49: {  	_ =	shalt  }
0x4a: {  	_ =	shalt  }
0x4b: {  	_ =	shalt  }
0x4c: {  	_ =	shalt  }
0x4d: {  	_ =	shalt  }
0x4e: {  	_ =	shalt  }
0x4f: {  	_ =	shalt  }
0x50: {  	_ =	shalt  }
0x51: {  	_ =	shalt  }
0x52: {  	_ =	shalt  }
0x53: {  	_ =	shalt  }
0x54: {  	_ =	shalt  }
0x55: {  	_ =	shalt  }
0x56: {  	_ =	shalt  }
0x57: {  	_ =	shalt  }
0x58: {  	_ =	shalt  }
0x59: {  	_ =	shalt  }
0x5a: {  	_ =	shalt  }
0x5b: {  	_ =	shalt  }
0x5c: {  	_ =	shalt  }
0x5d: {  	_ =	shalt  }
0x5e: {  	_ =	shalt  }
0x5f: {  	_ =	shalt  }
0x60: {  	_ =	shalt  }
0x61: {  	_ =	shalt  }
0x62: {  	_ =	shalt  }
0x63: {  	_ =	shalt  }
0x64: {  	_ =	shalt  }
0x65: {  	_ =	shalt  }
0x66: {  	_ =	shalt  }
0x67: {  	_ =	shalt  }
0x68: {  	_ =	shalt  }
0x69: {  	_ =	shalt  }
0x6a: {  	_ =	shalt  }
0x6b: {  	_ =	shalt  }
0x6c: {  	_ =	shalt  }
0x6d: {  	_ =	shalt  }
0x6e: {  	_ =	shalt  }
0x6f: {  	_ =	shalt  }
0x70: {  	_ =	shalt  }
0x71: {  	_ =	shalt  }
0x72: {  	_ =	shalt  }
0x73: {  	_ =	shalt  }
0x74: {  	_ =	shalt  }
0x75: {  	_ =	shalt  }
0x76: {  	_ =	shalt  }
0x77: {  	_ =	shalt  }
0x78: {  	_ =	shalt  }
0x79: {  	_ =	shalt  }
0x7a: {  	_ =	shalt  }
0x7b: {  	_ =	shalt  }
0x7c: {  	_ =	shalt  }
0x7d: {  	_ =	shalt  }
0x7e: {  	_ =	shalt  }
0x7f: {  	_ =	shalt  }
0x80: {  	_ =	shalt  }
0x81: {  	_ =	shalt  }
0x82: {  	_ =	shalt  }
0x83: {  	_ =	shalt  }
0x84: {  	_ =	shalt  }
0x85: {  	_ =	shalt  }
0x86: {  	_ =	shalt  }
0x87: {  	_ =	shalt  }
.Lfunc_end0:
.L_simem_size_0:
called_computation_lowered:
.L_overlay_start_0:
0x88: {  	s2 =	sld [smem:$0x3FD9]  }
0x89: {  	s3 =	sld [smem:$0x3FFE];
	_ =	sdelay $0x1  }
0x8a: {  	s1 =	srdreg.scid  }
0x8b: {  	s0 =	sand.u32 $0x1, s1  }
0x8c: {  	s17 =	sshll.u32 s0, $0xA;
	s2 =	sadd.s32 s3, s2  }
0x8d: {  	s2 =	sadd.s32 s2, s17  }
0x8e: {  	[smem:$0x3FC6] =	sst s2  }
0x8f: {  	_ = 	snop  }
0x90: {  	s2 =	sld [smem:$0x3FD0];
	(tm) =	ssettm $0x1  }
0x91: {  	s18 =	sld [smem:$0x3FFB];
	_ =	sdelay $0x3  }
0x92: {  	_ =	strace s18  }
0x93: {  	s3 =	sld [smem:$0x3FFC];
	_ =	sdelay $0x3  }
0x94: {  	_ =	strace s3  }
0x95: {  	s3 =	sld [smem:$0x3FFD];
	_ =	sdelay $0x3  }
0x96: {  	_ =	strace s3  }
0x97: {  	_ =	strace $0x8FFFFFFF  }
0x98: {  	s19 =	sld [smem:$0x3FDB];
	_ =	sdelay $0x1  }
0x99: {  	s4 =	simm.s32 $_scs_section_size  }
0x9a: {  	s5 =	simm.s32 $_size__tile_overlayer_lowered;
	s6 =	simm.s32 $_tile_overlayer_lowered  }
0x9b: {  	s22 =	simm.s32 $0x1BFF;
	s21 =	sshll.u32 s6, $0x1;
	s3 =	sadd.s32 s4, s19  }
0x9c: {  	s7 =	simm.s32 $0x0;
	s20 =	sshll.u32 s5, $0x1;
	s5 =	sadd.s32 s21, s3  }
0x9d: {  	[timem:s7], [sflag:s22] =	dma.local [hbm:s5], s20  }
0x9e: {  	_ =	swait.ge [sflag:s22], s20  }
0x9f: {  	s4 =	ssub.s32 $0x0, s20;
	[sflag:s22] =	ssyncset.done $0x0  }
0xa0: {  	[sflag:s22] =	ssyncadd.s32 s4;
	_ =	sdelay $0x1  }
0xa1: {  	s23 =	simm.s32 $0x1B8B  }
0xa2: {  	_ =	swait.ge [sflag:s23], $0x1  }
0xa3: {  	[sflag:s23] =	ssyncset.done $0x0  }
0xa4: {  	s25 =	simm.s32 $0x1B8E;
	s24 =	sld [smem:$0x3FFE];
	[sflag:s23] =	ssyncadd.s32 $0xFFFFFFFF  }
0xa5: {  	s26 =	simm.s32 $execute0_lowered;
	[smem:$0x3FD2] =	sst s25  }
0xa6: {  	s5 =	sshll.u32 s26, $0x1;
	_ =	strace $0x80000046;
	[dreg:$0x1] =	wrdreg $0xFFFFFFFF  }
0xa7: {  	s28 =	simm.s32 $_size_execute0_lowered;
	s3 =	sadd.s32 s3, s5;
	[dreg:$0x0] =	wrdreg $0x0  }
0xa8: {  	s5 =	sshll.u32 s28, $0x1;
	[dreg:$0x2] =	wrdreg s3  }
0xa9: {  	[dreg:$0x3] =	wrdreg s5  }
0xaa: {  	[dreg:$0x4] =	wrdreg $0xC0  }
0xab: {  	_ =	task [dreg:s7], $0x5FFFF  }
0xac: {  	[dreg:$0x1] =	wrdreg $0xFFFFFFFF  }
0xad: {  	[dreg:$0x0] =	wrdreg $0x60  }
0xae: {  	[dreg:$0x2] =	wrdreg s24  }
0xaf: {  	[dreg:$0x3] =	wrdreg s2  }
0xb0: {  	[dreg:$0x4] =	wrdreg $0x9  }
0xb1: {  	_ =	task.clear_ibuf [dreg:s7], $0x5FFFF;
	_ =	strace $0x90000046  }
0xb2: {  	s29 =	simm.s32 $0x9;
	_ =	strace $0x80000048  }
0xb3: {  	_ =	swait.ge [sflag:s29], $0x1  }
0xb4: {  	[sflag:s29] =	ssyncadd.s32 $0xFFFFFFFF  }
0xb5: {  	_ =	strace $0x90000048  }
0xb6: {  	_ =	sfence  }
0xb7: {  	s30 =	sld [smem:$0x0];
	_ =	sdelay $0x2  }
0xb8: {  	s31 =	sshll.u32 s1, $0xD;
	s1 =	sshrl.u32 s1, $0x2  }
0xb9: {  	s3 =	sand.u32 $0x4000, s31;
	s1 =	sadd.s32 s1, s30  }
0xba: {  	s0 =	sor.u32 s3, s0;
	s1 =	sshll.u32 s1, $0x11  }
0xbb: {  	s0 =	sor.u32 s1, s0  }
0xbc: {  	s0 =	sadd.s32 $0x8F2B, s0  }
0xbd: {  	[sflag:s0] =	ssyncadd.remote.s32 $0x1  }
0xbe: {  	_ =	sfence.sel $0xFFFF  }
0xbf: {  	[dreg:$0x0] =	wrdreg $0xFFFFFFFF;
	(pc) =	sbr.abs _section_cstart, $3  }
0xc0: {  	[dreg:$0x1] =	wrdreg $0xFFFFFFFF  }
0xc1: {  	_ =	task.clear_ibuf [dreg:s7], $0x2FFFF;
	_ =	strace $0x9FFFFFFF  }
0xc2: {  	(tm) =	ssettm $0x7FFFFFFF  }
0xc3: {  	_ =	shalt  }
tec
execute0_lowered:
.L_overlay_start_1:
0x0: {  	(tag) =	ssettag $0x1  }
0x1: {  	s5 =	rddreg [dreg:$0x0]  }
0x2: {  	s2 =	rddreg [dreg:$0x1]  }
0x3: {  	s1 =	stileid.u32;
	s0 =	rddreg [dreg:$0x2]  }
0x4: {  	s3 =	simm.s32 $0x0;
	s30 =	srdreg.scid;
	s12 =	simm.s32 $0x1  }
0x5: {  	s13 =	simm.s32 $0xFA00;
	s14 =	simm.s32 $0xFE00;
	s15 =	simm.s32 $0x13E00  }
0x6: {  	s16 =	simm.s32 $0x2;
	s17 =	simm.s32 $0x3;
	s18 =	simm.s32 $0x0  }
0x7: {  	s4 =	sshll.u32 s1, $0x6;
	[smem:$0x7FF] =	sst s3;
	s8 =	sand.u32 $0x1, s30  }
0x8: {  	s6 =	smin.u32 s4, $0x3A8;
	_ =	strace $0x80000047;
	s9 =	ssub.s32 $0x2, s8  }
0x9: {  	s7 =	smul.u32 $0x7D, s6;
	s31 =	sshrl.u32 s9, $0x1;
	s6 =	sshll.u32 s6, $0xA  }
0xa: {  	s4 =	sadd.s32 $0x400, s5;
	s11 =	ssub.s32 s9, s31;
	s9 =	sadd.s32 $0x8000, s6  }
0xb: {  	s10 =	sadd.s32 $0xC000, s6;
	s7 =	sadd.s32 s7, s5;
	s5 =	smul.u32 $0x19, s8  }
0xc: {  	s8 =	sor.u32 $0x4000, s6;
	s11 =	smax.u32 s11, $0x1;
	s7 =	sadd.s32 $0x1E00, s7  }
.LBB2_1:
0xd: {  	[tilespmem:s3], [sflag:$0x1] =	stream.linear.gather [hbm4b:s7+s3], $0xFA00, $0x38;
	[tilespmem:$0x17E00] =	vst v63  }
0xe: {  	_ =	swait.ge [sflag:s12], $0xFA00  }
0xf: {  	[sflag:s12] =	ssyncset.done $0x0  }
0x10: {  	s19 =	simm.s32 $0x0;
	[sflag:s12] =	ssyncadd.s32 $0xFFFF0600  }
.LBB2_2:
0x11: {  	s20 =	sadd.s32 s5, s19  }
0x12: {  	s21 =	sshll.u32 s20, $0x7  }
0x13: {  	s21 =	sadd.s32 s4, s21  }
0x14: {  	[tilespmem:s13], [sflag:$0x1] =	stream.linear.gather [hbm4b:s21+s3], $0x400, $0x38;
	[tilespmem:$0x17E00] =	vst v63  }
0x15: {  	_ =	swait.ge [sflag:s12], $0x400  }
0x16: {  	p0 =	seq.s32 s19, $0x0;
	[sflag:s12] =	ssyncset.done $0x0  }
0x17: {  	s21 =	simm.s32 @!p0 $0x2;
	[sflag:s12] =	ssyncadd.s32 $0xFFFFFC00  }
0x18: {  	_ =	swait.ge @!p0 [sflag:s21], $0x4000  }
0x19: {  	[sflag:s21] =	ssyncset.done @!p0 $0x0  }
0x1a: {  	s31 =	simm.s32 $0xFA40;
	[sflag:s21] =	ssyncadd.s32 @!p0 $0xFFFFC000  }
0x1b: {  	v7 =	vld [tilespmem:s31+$0x30]  }
0x1c: {  	v5 =	vld [tilespmem:s31+$0xFFFFFFD0]  }
0x1d: {  	v4 =	vld [tilespmem:s31+$0xFFFFFFE0]  }
0x1e: {  	v3 =	vld [tilespmem:s31+$0xFFFFFFF0]  }
0x1f: {  	v2 =	vld [tilespmem:s31+$0x0]  }
0x20: {  	v1 =	vld [tilespmem:s31+$0x10]  }
0x21: {  	v0 =	vld [tilespmem:s31+$0x20]  }
0x22: {  	v6 =	vld [tilespmem:s31+$0xFFFFFFC0]  }
0x23: {  	v8 =	vld.idx.msk [tilespmem:v7+s3+$0x0], $0xffff  }
0x24: {  	v9 =	vld.idx.msk [tilespmem:v5+s3+$0x0], $0xffff  }
0x25: {  	v10 =	vld.idx.msk [tilespmem:v4+s3+$0x0], $0xffff  }
0x26: {  	v11 =	vadd.s32 $0x3E8, v7;
	v12 =	vld.idx.msk [tilespmem:v3+s3+$0x0], $0xffff  }
0x27: {  	s21 =	simm.s32 $0x11E00;
	v13 =	vadd.s32 $0x3E8, v5;
	v14 =	vld.idx.msk [tilespmem:v2+s3+$0x0], $0xffff  }
0x28: {  	v15 =	vadd.s32 $0x3E8, v4;
	v16 =	vld.idx.msk [tilespmem:v1+s3+$0x0], $0xffff;
	[tilespmem:s21+$0xFFFFE070] =	vst v8  }
0x29: {  	v17 =	vadd.s32 $0x3E8, v3;
	v18 =	vld.idx.msk [tilespmem:v0+s3+$0x0], $0xffff;
	[tilespmem:s21+$0xFFFFE010] =	vst v9  }
0x2a: {  	v38 =	vadd.s32 $0x3E8, v0;
	[tilespmem:s21+$0xFFFFE020] =	vst v10;
	v10 =	vld.idx.msk [tilespmem:v6+s3+$0x0], $0xffff  }
0x2b: {  	v8 =	vadd.s32 $0x3E8, v2;
	[tilespmem:s21+$0xFFFFE030] =	vst v12;
	v9 =	vld.idx.msk [tilespmem:v11+s3+$0x0], $0xffff  }
0x2c: {  	[tilespmem:s21+$0xFFFFE040] =	vst v14;
	v11 =	vadd.s32 $0x3E8, v1;
	v13 =	vld.idx.msk [tilespmem:v13+s3+$0x0], $0xffff  }
0x2d: {  	v37 =	vadd.s32 $0x3E8, v6;
	[tilespmem:s21+$0xFFFFE050] =	vst v16;
	v15 =	vld.idx.msk [tilespmem:v15+s3+$0x0], $0xffff  }
0x2e: {  	v36 =	vadd.s32 $0x7D0, v7;
	[tilespmem:s21+$0xFFFFE060] =	vst v18;
	v17 =	vld.idx.msk [tilespmem:v17+s3+$0x0], $0xffff  }
0x2f: {  	v39 =	vadd.s32 $0x7D0, v5;
	v41 =	vld.idx.msk [tilespmem:v38+s3+$0x0], $0xffff;
	[tilespmem:s21+$0xFFFFE000] =	vst v10  }
0x30: {  	v8 =	vld.idx.msk [tilespmem:v8+s3+$0x0], $0xffff;
	v10 =	vadd.s32 $0x7D0, v3;
	[tilespmem:s21+$0xFFFFE0F0] =	vst v9  }
0x31: {  	v9 =	vadd.s32 $0x7D0, v4;
	v11 =	vld.idx.msk [tilespmem:v11+s3+$0x0], $0xffff;
	[tilespmem:s21+$0xFFFFE090] =	vst v13  }
0x32: {  	v40 =	vadd.s32 $0x7D0, v2;
	v14 =	vld.idx.msk [tilespmem:v37+s3+$0x0], $0xffff;
	[tilespmem:s21+$0xFFFFE0A0] =	vst v15  }
0x33: {  	v43 =	vadd.s32 $0x7D0, v6;
	[tilespmem:s21+$0xFFFFE0B0] =	vst v17;
	v12 =	vld.idx.msk [tilespmem:v36+s3+$0x0], $0xffff  }
0x34: {  	v42 =	vadd.s32 $0xBB8, v7;
	[tilespmem:s21+$0xFFFFE0E0] =	vst v41;
	v18 =	vld.idx.msk [tilespmem:v39+s3+$0x0], $0xffff  }
0x35: {  	v44 =	vadd.s32 $0xBB8, v5;
	[tilespmem:s21+$0xFFFFE0C0] =	vst v8;
	v10 =	vld.idx.msk [tilespmem:v10+s3+$0x0], $0xffff  }
0x36: {  	v8 =	vadd.s32 $0x7D0, v1;
	v9 =	vld.idx.msk [tilespmem:v9+s3+$0x0], $0xffff;
	[tilespmem:s21+$0xFFFFE0D0] =	vst v11  }
0x37: {  	v11 =	vadd.s32 $0x7D0, v0;
	v13 =	vld.idx.msk [tilespmem:v40+s3+$0x0], $0xffff;
	[tilespmem:s21+$0xFFFFE080] =	vst v14  }
0x38: {  	v46 =	vadd.s32 $0xBB8, v3;
	[tilespmem:s21+$0xFFFFE170] =	vst v12;
	v17 =	vld.idx.msk [tilespmem:v43+s3+$0x0], $0xffff  }
0x39: {  	v45 =	vadd.s32 $0xBB8, v4;
	[tilespmem:s21+$0xFFFFE110] =	vst v18;
	v16 =	vld.idx.msk [tilespmem:v42+s3+$0x0], $0xffff  }
0x3a: {  	v47 =	vadd.s32 $0xFA0, v7;
	v12 =	vld.idx.msk [tilespmem:v44+s3+$0x0], $0xffff;
	[tilespmem:s21+$0xFFFFE130] =	vst v10  }
0x3b: {  	v50 =	vadd.s32 $0xFA0, v5;
	v8 =	vld.idx.msk [tilespmem:v8+s3+$0x0], $0xffff;
	[tilespmem:s21+$0xFFFFE120] =	vst v9  }
0x3c: {  	v10 =	vadd.s32 $0xBB8, v2;
	v11 =	vld.idx.msk [tilespmem:v11+s3+$0x0], $0xffff;
	[tilespmem:s21+$0xFFFFE140] =	vst v13  }
0x3d: {  	v9 =	vadd.s32 $0xBB8, v6;
	v15 =	vld.idx.msk [tilespmem:v46+s3+$0x0], $0xffff;
	[tilespmem:s21+$0xFFFFE100] =	vst v17  }
0x3e: {  	v48 =	vadd.s32 $0xBB8, v1;
	v14 =	vld.idx.msk [tilespmem:v45+s3+$0x0], $0xffff;
	[tilespmem:s21+$0xFFFFE1F0] =	vst v16  }
0x3f: {  	v49 =	vadd.s32 $0xBB8, v0;
	[tilespmem:s21+$0xFFFFE190] =	vst v12;
	v18 =	vld.idx.msk [tilespmem:v47+s3+$0x0], $0xffff  }
0x40: {  	v52 =	vadd.s32 $0xFA0, v3;
	v17 =	vld.idx.msk [tilespmem:v50+s3+$0x0], $0xffff;
	[tilespmem:s21+$0xFFFFE150] =	vst v8  }
0x41: {  	v8 =	vadd.s32 $0xFA0, v4;
	v10 =	vld.idx.msk [tilespmem:v10+s3+$0x0], $0xffff;
	[tilespmem:s21+$0xFFFFE160] =	vst v11  }
0x42: {  	v9 =	vld.idx.msk [tilespmem:v9+s3+$0x0], $0xffff;
	v11 =	vadd.s32 $0x1388, v7;
	[tilespmem:s21+$0xFFFFE1B0] =	vst v15  }
0x43: {  	v53 =	vadd.s32 $0xFA0, v2;
	v13 =	vld.idx.msk [tilespmem:v48+s3+$0x0], $0xffff;
	[tilespmem:s21+$0xFFFFE1A0] =	vst v14  }
0x44: {  	v51 =	vadd.s32 $0xFA0, v6;
	v16 =	vld.idx.msk [tilespmem:v49+s3+$0x0], $0xffff;
	[tilespmem:s21+$0xFFFFE270] =	vst v18  }
0x45: {  	v54 =	vadd.s32 $0xFA0, v1;
	v14 =	vld.idx.msk [tilespmem:v52+s3+$0x0], $0xffff;
	[tilespmem:s21+$0xFFFFE210] =	vst v17  }
0x46: {  	v8 =	vld.idx.msk [tilespmem:v8+s3+$0x0], $0xffff;
	[tilespmem:s21+$0xFFFFE1C0] =	vst v10;
	v10 =	vadd.s32 $0x1388, v5  }
0x47: {  	[tilespmem:s21+$0xFFFFE180] =	vst v9;
	v9 =	vadd.s32 $0xFA0, v0;
	v11 =	vld.idx.msk [tilespmem:v11+s3+$0x0], $0xffff  }
0x48: {  	v57 =	vadd.s32 $0x1388, v4;
	[tilespmem:s21+$0xFFFFE1D0] =	vst v13;
	v15 =	vld.idx.msk [tilespmem:v53+s3+$0x0], $0xffff  }
0x49: {  	v55 =	vadd.s32 $0x1770, v7;
	v12 =	vld.idx.msk [tilespmem:v51+s3+$0x0], $0xffff;
	[tilespmem:s21+$0xFFFFE1E0] =	vst v16  }
0x4a: {  	v56 =	vadd.s32 $0x1388, v6;
	v18 =	vld.idx.msk [tilespmem:v54+s3+$0x0], $0xffff;
	[tilespmem:s21+$0xFFFFE230] =	vst v14  }
0x4b: {  	v58 =	vadd.s32 $0x1388, v1;
	[tilespmem:s21+$0xFFFFE220] =	vst v8;
	v10 =	vld.idx.msk [tilespmem:v10+s3+$0x0], $0xffff  }
0x4c: {  	v8 =	vadd.s32 $0x1388, v3;
	v9 =	vld.idx.msk [tilespmem:v9+s3+$0x0], $0xffff;
	[tilespmem:s21+$0xFFFFE2F0] =	vst v11  }
0x4d: {  	v11 =	vadd.s32 $0x1388, v2;
	v17 =	vld.idx.msk [tilespmem:v57+s3+$0x0], $0xffff;
	[tilespmem:s21+$0xFFFFE240] =	vst v15  }
0x4e: {  	v59 =	vadd.s32 $0x1388, v0;
	[tilespmem:s21+$0xFFFFE200] =	vst v12;
	v13 =	vld.idx.msk [tilespmem:v55+s3+$0x0], $0xffff  }
0x4f: {  	v60 =	vadd.s32 $0x1B58, v7;
	[tilespmem:s21+$0xFFFFE250] =	vst v18;
	v16 =	vld.idx.msk [tilespmem:v56+s3+$0x0], $0xffff  }
0x50: {  	v61 =	vadd.s32 $0x1770, v6;
	v12 =	vld.idx.msk [tilespmem:v58+s3+$0x0], $0xffff;
	[tilespmem:s21+$0xFFFFE290] =	vst v10  }
0x51: {  	v21 =	vadd.s32 $0x1770, v1;
	v8 =	vld.idx.msk [tilespmem:v8+s3+$0x0], $0xffff;
	[tilespmem:s21+$0xFFFFE260] =	vst v9  }
0x52: {  	v10 =	vadd.s32 $0x1770, v4;
	v11 =	vld.idx.msk [tilespmem:v11+s3+$0x0], $0xffff;
	[tilespmem:s21+$0xFFFFE2A0] =	vst v17  }
0x53: {  	v9 =	vadd.s32 $0x1770, v5;
	[tilespmem:s21+$0xFFFFE370] =	vst v13;
	v14 =	vld.idx.msk [tilespmem:v59+s3+$0x0], $0xffff  }
0x54: {  	v62 =	vadd.s32 $0x1770, v3;
	[tilespmem:s21+$0xFFFFE280] =	vst v16;
	v15 =	vld.idx.msk [tilespmem:v60+s3+$0x0], $0xffff  }
0x55: {  	v63 =	vadd.s32 $0x1770, v2;
	[tilespmem:s21+$0xFFFFE2D0] =	vst v12;
	v18 =	vld.idx.msk [tilespmem:v61+s3+$0x0], $0xffff  }
0x56: {  	v17 =	vld.idx.msk [tilespmem:v21+s3+$0x0], $0xffff;
	[tilespmem:s21+$0xFFFFE2B0] =	vst v8;
	v8 =	vadd.s32 $0x1F40, v7  }
0x57: {  	v22 =	vadd.s32 $0x1B58, v6;
	v10 =	vld.idx.msk [tilespmem:v10+s3+$0x0], $0xffff;
	[tilespmem:s21+$0xFFFFE2C0] =	vst v11  }
0x58: {  	v9 =	vld.idx.msk [tilespmem:v9+s3+$0x0], $0xffff;
	v11 =	vadd.s32 $0x1770, v0;
	[tilespmem:s21+$0xFFFFE2E0] =	vst v14  }
0x59: {  	v24 =	vadd.s32 $0x1B58, v4;
	v13 =	vld.idx.msk [tilespmem:v62+s3+$0x0], $0xffff;
	[tilespmem:s21+$0xFFFFE3F0] =	vst v15  }
0x5a: {  	v26 =	vadd.s32 $0x1B58, v1;
	v16 =	vld.idx.msk [tilespmem:v63+s3+$0x0], $0xffff;
	[tilespmem:s21+$0xFFFFE300] =	vst v18  }
0x5b: {  	v23 =	vadd.s32 $0x1B58, v5;
	[tilespmem:s21+$0xFFFFE350] =	vst v17;
	v8 =	vld.idx.msk [tilespmem:v8+s3+$0x0], $0xffff  }
0x5c: {  	v25 =	vadd.s32 $0x1B58, v3;
	v12 =	vld.idx.msk [tilespmem:v22+s3+$0x0], $0xffff;
	[tilespmem:s21+$0xFFFFE320] =	vst v10  }
0x5d: {  	[tilespmem:s21+$0xFFFFE310] =	vst v9;
	v9 =	vadd.s32 $0x1B58, v2;
	v11 =	vld.idx.msk [tilespmem:v11+s3+$0x0], $0xffff  }
0x5e: {  	v10 =	vadd.s32 $0x2328, v7;
	[tilespmem:s21+$0xFFFFE330] =	vst v13;
	v15 =	vld.idx.msk [tilespmem:v24+s3+$0x0], $0xffff  }
0x5f: {  	v28 =	vadd.s32 $0x1F40, v6;
	v13 =	vld.idx.msk [tilespmem:v26+s3+$0x0], $0xffff;
	[tilespmem:s21+$0xFFFFE340] =	vst v16  }
0x60: {  	v27 =	vadd.s32 $0x1B58, v0;
	v14 =	vld.idx.msk [tilespmem:v23+s3+$0x0], $0xffff;
	[tilespmem:s21+$0x70] =	vst v8  }
0x61: {  	v33 =	vadd.s32 $0x1F40, v1;
	v18 =	vld.idx.msk [tilespmem:v25+s3+$0x0], $0xffff;
	[tilespmem:s21+$0xFFFFE380] =	vst v12  }
0x62: {  	v29 =	vadd.s32 $0x1F40, v3;
	v9 =	vld.idx.msk [tilespmem:v9+s3+$0x0], $0xffff;
	[tilespmem:s21+$0xFFFFE360] =	vst v11  }
0x63: {  	v8 =	vadd.s32 $0x1F40, v5;
	v10 =	vld.idx.msk [tilespmem:v10+s3+$0x0], $0xffff;
	[tilespmem:s21+$0xFFFFE3A0] =	vst v15  }
0x64: {  	v11 =	vadd.s32 $0x1F40, v4;
	v17 =	vld.idx.msk [tilespmem:v28+s3+$0x0], $0xffff;
	[tilespmem:s21+$0xFFFFE3D0] =	vst v13  }
0x65: {  	v31 =	vadd.s32 $0x2710, v7;
	[tilespmem:s21+$0xFFFFE390] =	vst v14;
	v30 =	vld.idx.msk [tilespmem:v27+s3+$0x0], $0xffff  }
0x66: {  	v32 =	vadd.s32 $0x1F40, v2;
	[tilespmem:s21+$0xFFFFE3B0] =	vst v18;
	v36 =	vld.idx.msk [tilespmem:v33+s3+$0x0], $0xffff  }
0x67: {  	v38 =	vadd.s32 $0x2328, v1;
	v12 =	vld.idx.msk [tilespmem:v29+s3+$0x0], $0xffff;
	[tilespmem:s21+$0xFFFFE3C0] =	vst v9  }
0x68: {  	v8 =	vld.idx.msk [tilespmem:v8+s3+$0x0], $0xffff;
	v9 =	vadd.s32 $0x1F40, v0;
	[tilespmem:s21+$0xF0] =	vst v10  }
0x69: {  	v11 =	vld.idx.msk [tilespmem:v11+s3+$0x0], $0xffff;
	v10 =	vadd.s32 $0x2328, v6;
	[tilespmem:s21+$0x0] =	vst v17  }
0x6a: {  	v34 =	vadd.s32 $0x2328, v5;
	v16 =	vld.idx.msk [tilespmem:v31+s3+$0x0], $0xffff;
	[tilespmem:s21+$0xFFFFE3E0] =	vst v30  }
0x6b: {  	v35 =	vadd.s32 $0x2328, v4;
	v15 =	vld.idx.msk [tilespmem:v32+s3+$0x0], $0xffff;
	[tilespmem:s21+$0x50] =	vst v36  }
0x6c: {  	v37 =	vadd.s32 $0x2AF8, v7;
	[tilespmem:s21+$0x30] =	vst v12;
	v12 =	vld.idx.msk [tilespmem:v38+s3+$0x0], $0xffff  }
0x6d: {  	[tilespmem:s21+$0x10] =	vst v8;
	v8 =	vadd.s32 $0x2328, v3;
	v9 =	vld.idx.msk [tilespmem:v9+s3+$0x0], $0xffff  }
0x6e: {  	[tilespmem:s21+$0x20] =	vst v11;
	v11 =	vadd.s32 $0x2328, v2;
	v10 =	vld.idx.msk [tilespmem:v10+s3+$0x0], $0xffff  }
0x6f: {  	v39 =	vadd.s32 $0x2328, v0;
	v13 =	vld.idx.msk [tilespmem:v34+s3+$0x0], $0xffff;
	[tilespmem:s21+$0x170] =	vst v16  }
0x70: {  	v40 =	vadd.s32 $0x2710, v6;
	v14 =	vld.idx.msk [tilespmem:v35+s3+$0x0], $0xffff;
	[tilespmem:s21+$0x40] =	vst v15  }
0x71: {  	v41 =	vadd.s32 $0x2710, v5;
	v18 =	vld.idx.msk [tilespmem:v37+s3+$0x0], $0xffff;
	[tilespmem:s21+$0xD0] =	vst v12  }
0x72: {  	v44 =	vadd.s32 $0x2710, v1;
	v8 =	vld.idx.msk [tilespmem:v8+s3+$0x0], $0xffff;
	[tilespmem:s21+$0x60] =	vst v9  }
0x73: {  	v11 =	vld.idx.msk [tilespmem:v11+s3+$0x0], $0xffff;
	v9 =	vadd.s32 $0x2EE0, v7;
	[tilespmem:s21+$0x80] =	vst v10  }
0x74: {  	v10 =	vadd.s32 $0x2710, v4;
	[tilespmem:s21+$0x90] =	vst v13;
	v16 =	vld.idx.msk [tilespmem:v39+s3+$0x0], $0xffff  }
0x75: {  	v42 =	vadd.s32 $0x2710, v3;
	[tilespmem:s21+$0xA0] =	vst v14;
	v15 =	vld.idx.msk [tilespmem:v40+s3+$0x0], $0xffff  }
0x76: {  	v43 =	vadd.s32 $0x2710, v2;
	v17 =	vld.idx.msk [tilespmem:v41+s3+$0x0], $0xffff;
	[tilespmem:s21+$0x1F0] =	vst v18  }
0x77: {  	v46 =	vadd.s32 $0x2AF8, v5;
	v18 =	vld.idx.msk [tilespmem:v44+s3+$0x0], $0xffff;
	[tilespmem:s21+$0xB0] =	vst v8  }
0x78: {  	v8 =	vadd.s32 $0x2710, v0;
	v9 =	vld.idx.msk [tilespmem:v9+s3+$0x0], $0xffff;
	[tilespmem:s21+$0xC0] =	vst v11  }
0x79: {  	v11 =	vadd.s32 $0x2AF8, v6;
	v10 =	vld.idx.msk [tilespmem:v10+s3+$0x0], $0xffff;
	[tilespmem:s21+$0xE0] =	vst v16  }
0x7a: {  	v45 =	vadd.s32 $0x32C8, v7;
	v13 =	vld.idx.msk [tilespmem:v42+s3+$0x0], $0xffff;
	[tilespmem:s21+$0x100] =	vst v15  }
0x7b: {  	v47 =	vadd.s32 $0x2AF8, v4;
	v14 =	vld.idx.msk [tilespmem:v43+s3+$0x0], $0xffff;
	[tilespmem:s21+$0x110] =	vst v17  }
0x7c: {  	v48 =	vadd.s32 $0x2AF8, v3;
	v16 =	vld.idx.msk [tilespmem:v46+s3+$0x0], $0xffff;
	[tilespmem:s21+$0x150] =	vst v18  }
0x7d: {  	v8 =	vld.idx.msk [tilespmem:v8+s3+$0x0], $0xffff;
	[tilespmem:s21+$0x270] =	vst v9;
	v9 =	vadd.s32 $0x2AF8, v2  }
0x7e: {  	v11 =	vld.idx.msk [tilespmem:v11+s3+$0x0], $0xffff;
	[tilespmem:s21+$0x120] =	vst v10;
	v10 =	vadd.s32 $0x2AF8, v1  }
0x7f: {  	v49 =	vadd.s32 $0x2AF8, v0;
	[tilespmem:s21+$0x130] =	vst v13;
	v12 =	vld.idx.msk [tilespmem:v45+s3+$0x0], $0xffff  }
0x80: {  	v51 =	vadd.s32 $0x2EE0, v6;
	v15 =	vld.idx.msk [tilespmem:v47+s3+$0x0], $0xffff;
	[tilespmem:s21+$0x140] =	vst v14  }
0x81: {  	v50 =	vadd.s32 $0x36B0, v7;
	v17 =	vld.idx.msk [tilespmem:v48+s3+$0x0], $0xffff;
	[tilespmem:s21+$0x190] =	vst v16  }
0x82: {  	v52 =	vadd.s32 $0x2EE0, v3;
	[tilespmem:s21+$0x160] =	vst v8;
	v9 =	vld.idx.msk [tilespmem:v9+s3+$0x0], $0xffff  }
0x83: {  	v8 =	vadd.s32 $0x2EE0, v5;
	[tilespmem:s21+$0x180] =	vst v11;
	v10 =	vld.idx.msk [tilespmem:v10+s3+$0x0], $0xffff  }
0x84: {  	v11 =	vadd.s32 $0x2EE0, v4;
	v13 =	vld.idx.msk [tilespmem:v49+s3+$0x0], $0xffff;
	[tilespmem:s21+$0x2F0] =	vst v12  }
0x85: {  	v53 =	vadd.s32 $0x2EE0, v2;
	[tilespmem:s21+$0x1A0] =	vst v15;
	v18 =	vld.idx.msk [tilespmem:v51+s3+$0x0], $0xffff  }
0x86: {  	v54 =	vadd.s32 $0x2EE0, v1;
	[tilespmem:s21+$0x1B0] =	vst v17;
	v14 =	vld.idx.msk [tilespmem:v50+s3+$0x0], $0xffff  }
0x87: {  	v7 =	vadd.s32 $0x3A98, v7;
	v12 =	vld.idx.msk [tilespmem:v52+s3+$0x0], $0xffff;
	[tilespmem:s21+$0x1C0] =	vst v9  }
0x88: {  	v57 =	vadd.s32 $0x32C8, v3;
	v8 =	vld.idx.msk [tilespmem:v8+s3+$0x0], $0xffff;
	[tilespmem:s21+$0x1D0] =	vst v10  }
0x89: {  	v9 =	vadd.s32 $0x2EE0, v0;
	v11 =	vld.idx.msk [tilespmem:v11+s3+$0x0], $0xffff;
	[tilespmem:s21+$0x1E0] =	vst v13  }
0x8a: {  	v10 =	vadd.s32 $0x32C8, v6;
	v16 =	vld.idx.msk [tilespmem:v53+s3+$0x0], $0xffff;
	[tilespmem:s21+$0x200] =	vst v18  }
0x8b: {  	v55 =	vadd.s32 $0x32C8, v5;
	v15 =	vld.idx.msk [tilespmem:v54+s3+$0x0], $0xffff;
	[tilespmem:s21+$0x370] =	vst v14  }
0x8c: {  	v56 =	vadd.s32 $0x32C8, v4;
	[tilespmem:s21+$0x230] =	vst v12;
	v7 =	vld.idx.msk [tilespmem:v7+s3+$0x0], $0xffff  }
0x8d: {  	v17 =	vld.idx.msk [tilespmem:v57+s3+$0x0], $0xffff;
	[tilespmem:s21+$0x210] =	vst v8;
	v8 =	vadd.s32 $0x32C8, v2  }
0x8e: {  	v9 =	vld.idx.msk [tilespmem:v9+s3+$0x0], $0xffff;
	[tilespmem:s21+$0x220] =	vst v11;
	v11 =	vadd.s32 $0x32C8, v1  }
0x8f: {  	v58 =	vadd.s32 $0x32C8, v0;
	v10 =	vld.idx.msk [tilespmem:v10+s3+$0x0], $0xffff  }
0x90: {  	v59 =	vadd.s32 $0x36B0, v6;
	v13 =	vld.idx.msk [tilespmem:v55+s3+$0x0], $0xffff;
	[tilespmem:s21+$0x240] =	vst v16  }
0x91: {  	v60 =	vadd.s32 $0x36B0, v5;
	v14 =	vld.idx.msk [tilespmem:v56+s3+$0x0], $0xffff;
	[tilespmem:s21+$0x250] =	vst v15  }
0x92: {  	[tilespmem:s21+$0x3F0] =	vst v7;
	v7 =	vadd.s32 $0x36B0, v4;
	v8 =	vld.idx.msk [tilespmem:v8+s3+$0x0], $0xffff  }
0x93: {  	[tilespmem:s21+$0x260] =	vst v9;
	v9 =	vadd.s32 $0x36B0, v3;
	v11 =	vld.idx.msk [tilespmem:v11+s3+$0x0], $0xffff  }
0x94: {  	[tilespmem:s21+$0x280] =	vst v10;
	v10 =	vadd.s32 $0x36B0, v2;
	v12 =	vld.idx.msk [tilespmem:v58+s3+$0x0], $0xffff  }
0x95: {  	v61 =	vadd.s32 $0x36B0, v1;
	[tilespmem:s21+$0x290] =	vst v13;
	v16 =	vld.idx.msk [tilespmem:v59+s3+$0x0], $0xffff  }
0x96: {  	v62 =	vadd.s32 $0x36B0, v0;
	[tilespmem:s21+$0x2A0] =	vst v14;
	v15 =	vld.idx.msk [tilespmem:v60+s3+$0x0], $0xffff  }
0x97: {  	v6 =	vadd.s32 $0x3A98, v6;
	[tilespmem:s21+$0x2B0] =	vst v17;
	v7 =	vld.idx.msk [tilespmem:v7+s3+$0x0], $0xffff  }
0x98: {  	v5 =	vadd.s32 $0x3A98, v5;
	[tilespmem:s21+$0x2C0] =	vst v8;
	v8 =	vld.idx.msk [tilespmem:v9+s3+$0x0], $0xffff  }
0x99: {  	v4 =	vadd.s32 $0x3A98, v4;
	[tilespmem:s21+$0x2D0] =	vst v11;
	v9 =	vld.idx.msk [tilespmem:v10+s3+$0x0], $0xffff  }
0x9a: {  	v3 =	vadd.s32 $0x3A98, v3;
	[tilespmem:s21+$0x2E0] =	vst v12;
	v10 =	vld.idx.msk [tilespmem:v61+s3+$0x0], $0xffff  }
0x9b: {  	v11 =	vadd.s32 $0x3A98, v2;
	[tilespmem:s21+$0x300] =	vst v16;
	v12 =	vld.idx.msk [tilespmem:v62+s3+$0x0], $0xffff  }
0x9c: {  	v1 =	vadd.s32 $0x3A98, v1;
	[tilespmem:s21+$0x310] =	vst v15;
	v6 =	vld.idx.msk [tilespmem:v6+s3+$0x0], $0xffff  }
0x9d: {  	v63 =	vadd.s32 $0x3A98, v0;
	v2 =	vld.idx.msk [tilespmem:v5+s3+$0x0], $0xffff;
	[tilespmem:s21+$0x320] =	vst v7  }
0x9e: {  	v0 =	vld.idx.msk [tilespmem:v4+s3+$0x0], $0xffff;
	[tilespmem:s21+$0x330] =	vst v8  }
0x9f: {  	[tilespmem:s21+$0x340] =	vst v9;
	v3 =	vld.idx.msk [tilespmem:v3+s3+$0x0], $0xffff  }
0xa0: {  	[tilespmem:s21+$0x350] =	vst v10;
	v7 =	vld.idx.msk [tilespmem:v11+s3+$0x0], $0xffff  }
0xa1: {  	[tilespmem:s21+$0x360] =	vst v12;
	v8 =	vld.idx.msk [tilespmem:v1+s3+$0x0], $0xffff  }
0xa2: {  	s22 =	simm.s32 $0x0;
	s23 =	simm.s32 $0xFAC0;
	[tilespmem:s21+$0x380] =	vst v6;
	v1 =	vld.idx.msk [tilespmem:v63+s3+$0x0], $0xffff  }
.LBB2_3:
0xa3: {  	_ = 	snop  }
0xa4: {  	v6 =	vld [tilespmem:s23+$0x30];
	[tilespmem:s21+$0x390] =	vst v2  }
0xa5: {  	[tilespmem:s21+$0x3A0] =	vst v0;
	v0 =	vld [tilespmem:s23+$0xFFFFFFC0]  }
0xa6: {  	v2 =	vld [tilespmem:s23+$0xFFFFFFD0]  }
0xa7: {  	[tilespmem:s21+$0x3B0] =	vst v3;
	v5 =	vld [tilespmem:s23+$0xFFFFFFE0]  }
0xa8: {  	[tilespmem:s21+$0x3C0] =	vst v7;
	v3 =	vld [tilespmem:s23+$0xFFFFFFF0]  }
0xa9: {  	[tilespmem:s21+$0x3D0] =	vst v8;
	v4 =	vld [tilespmem:s23+$0x0]  }
0xaa: {  	[tilespmem:s21+$0x3E0] =	vst v1;
	v59 =	vld [tilespmem:s23+$0x10]  }
0xab: {  	v1 =	vld [tilespmem:s23+$0x20];
	_ =	sdelay $0x1  }
0xac: {  	v17 =	vld.idx.msk [tilespmem:v6+s3+$0x0], $0xffff  }
0xad: {  	v47 =	vld.idx.msk [tilespmem:v0+s3+$0x0], $0xffff  }
0xae: {  	v8 =	vadd.s32 $0x2328, v0;
	v18 =	vld.idx.msk [tilespmem:v2+s3+$0x0], $0xffff  }
0xaf: {  	v25 =	vadd.s32 $0x3E8, v6;
	v7 =	vadd.s32 $0x1B58, v1;
	[tilespmem:$0x1FE00] =	vst v8;
	v23 =	vld.idx.msk [tilespmem:v5+s3+$0x0], $0xffff  }
0xb0: {  	s21 =	sadd.s32 $0x400, s21;
	v53 =	vadd.s32 $0x3E8, v0;
	[tilespmem:$0x1FDF0] =	vst v7;
	v27 =	vld.idx.msk [tilespmem:v3+s3+$0x0], $0xffff  }
0xb1: {  	v22 =	vadd.s32 $0x3E8, v2;
	v41 =	vld.idx.msk [tilespmem:v4+s3+$0x0], $0xffff;
	[tilespmem:s21+$0xFFFFE070] =	vst v17  }
0xb2: {  	v29 =	vadd.s32 $0x3E8, v5;
	v43 =	vld.idx.msk [tilespmem:v59+s3+$0x0], $0xffff;
	[tilespmem:s21+$0xFFFFE000] =	vst v47  }
0xb3: {  	v31 =	vadd.s32 $0x3E8, v3;
	v45 =	vld.idx.msk [tilespmem:v1+s3+$0x0], $0xffff;
	[tilespmem:s21+$0xFFFFE010] =	vst v18  }
0xb4: {  	v32 =	vadd.s32 $0x3E8, v4;
	v46 =	vld.idx.msk [tilespmem:v25+s3+$0x0], $0xffff;
	[tilespmem:s21+$0xFFFFE020] =	vst v23  }
0xb5: {  	v40 =	vadd.s32 $0x3E8, v59;
	[tilespmem:s21+$0xFFFFE030] =	vst v27;
	v11 =	vld.idx.msk [tilespmem:v53+s3+$0x0], $0xffff  }
0xb6: {  	[tilespmem:s21+$0xFFFFE040] =	vst v41;
	v48 =	vld.idx.msk [tilespmem:v22+s3+$0x0], $0xffff  }
0xb7: {  	v42 =	vadd.s32 $0x3E8, v1;
	[tilespmem:s21+$0xFFFFE050] =	vst v43;
	v50 =	vld.idx.msk [tilespmem:v29+s3+$0x0], $0xffff  }
0xb8: {  	v49 =	vadd.s32 $0x7D0, v6;
	[tilespmem:s21+$0xFFFFE060] =	vst v45;
	v51 =	vld.idx.msk [tilespmem:v31+s3+$0x0], $0xffff  }
0xb9: {  	v12 =	vld.idx.msk [tilespmem:v32+s3+$0x0], $0xffff;
	[tilespmem:s21+$0xFFFFE0F0] =	vst v46  }
0xba: {  	v44 =	vld.idx.msk [tilespmem:v40+s3+$0x0], $0xffff;
	[tilespmem:s21+$0xFFFFE080] =	vst v11  }
0xbb: {  	[tilespmem:s21+$0xFFFFE090] =	vst v48  }
0xbc: {  	v9 =	vld.idx.msk [tilespmem:v42+s3+$0x0], $0xffff;
	[tilespmem:s21+$0xFFFFE0A0] =	vst v50  }
0xbd: {  	v10 =	vld.idx.msk [tilespmem:v49+s3+$0x0], $0xffff;
	[tilespmem:s21+$0xFFFFE0B0] =	vst v51  }
0xbe: {  	[tilespmem:s21+$0xFFFFE0C0] =	vst v12  }
0xbf: {  	v36 =	vadd.s32 $0x7D0, v2;
	v11 =	vadd.s32 $0x2710, v4;
	[tilespmem:s21+$0xFFFFE0D0] =	vst v44  }
0xc0: {  	[tilespmem:$0x1FE80] =	vst v11  }
0xc1: {  	[tilespmem:s21+$0xFFFFE0E0] =	vst v9  }
0xc2: {  	v13 =	vadd.s32 $0x7D0, v0;
	v11 =	vadd.s32 $0x2710, v59;
	[tilespmem:s21+$0xFFFFE170] =	vst v10  }
0xc3: {  	v44 =	vadd.s32 $0x2AF8, v59;
	[tilespmem:$0x1FE90] =	vst v11  }
0xc4: {  	v8 =	vld.idx.msk [tilespmem:v36+s3+$0x0], $0xffff;
	v36 =	vadd.s32 $0x2328, v5;
	[tilespmem:$0x1FEF0] =	vst v44  }
0xc5: {  	v37 =	vadd.s32 $0x7D0, v5;
	v44 =	vadd.s32 $0x2EE0, v2;
	[tilespmem:$0x1FE10] =	vst v36  }
0xc6: {  	v38 =	vadd.s32 $0x7D0, v3;
	v36 =	vadd.s32 $0x2328, v3;
	[tilespmem:$0x1FF20] =	vst v44  }
0xc7: {  	v39 =	vadd.s32 $0x7D0, v4;
	v13 =	vld.idx.msk [tilespmem:v13+s3+$0x0], $0xffff;
	v44 =	vadd.s32 $0x2EE0, v4;
	[tilespmem:$0x1FE20] =	vst v36  }
0xc8: {  	v14 =	vadd.s32 $0x7D0, v1;
	v36 =	vadd.s32 $0x2328, v59;
	[tilespmem:$0x1FF50] =	vst v44  }
0xc9: {  	v44 =	vadd.s32 $0x2EE0, v1;
	[tilespmem:$0x1FE30] =	vst v36  }
0xca: {  	v37 =	vld.idx.msk [tilespmem:v37+s3+$0x0], $0xffff;
	v36 =	vadd.s32 $0x2328, v1;
	[tilespmem:$0x1FF70] =	vst v44  }
0xcb: {  	v12 =	vld.idx.msk [tilespmem:v38+s3+$0x0], $0xffff;
	[tilespmem:$0x1FE40] =	vst v36  }
0xcc: {  	v7 =	vadd.s32 $0xBB8, v6;
	v39 =	vld.idx.msk [tilespmem:v39+s3+$0x0], $0xffff;
	v36 =	vadd.s32 $0x2710, v0;
	[tilespmem:s21+$0xFFFFE100] =	vst v13  }
0xcd: {  	v14 =	vld.idx.msk [tilespmem:v14+s3+$0x0], $0xffff;
	[tilespmem:$0x1FE50] =	vst v36  }
0xce: {  	[tilespmem:s21+$0xFFFFE110] =	vst v8  }
0xcf: {  	[tilespmem:s21+$0xFFFFE120] =	vst v37  }
0xd0: {  	[tilespmem:s21+$0xFFFFE130] =	vst v12  }
0xd1: {  	v11 =	vld.idx.msk [tilespmem:v7+s3+$0x0], $0xffff;
	[tilespmem:s21+$0xFFFFE140] =	vst v39  }
0xd2: {  	v36 =	vadd.s32 $0x2710, v2;
	[tilespmem:s21+$0xFFFFE160] =	vst v14  }
0xd3: {  	v8 =	vadd.s32 $0x2AF8, v5;
	[tilespmem:$0x1FE60] =	vst v36  }
0xd4: {  	v37 =	vadd.s32 $0x2AF8, v4;
	[tilespmem:$0x1FEC0] =	vst v8  }
0xd5: {  	[tilespmem:$0x1FEE0] =	vst v37  }
0xd6: {  	v36 =	vadd.s32 $0x2710, v5;
	[tilespmem:s21+$0xFFFFE1F0] =	vst v11  }
0xd7: {  	v8 =	vadd.s32 $0x2AF8, v3;
	[tilespmem:$0x1FE70] =	vst v36  }
0xd8: {  	v19 =	vadd.s32 $0xBB8, v5;
	v37 =	vadd.s32 $0x2EE0, v0;
	[tilespmem:$0x1FED0] =	vst v8  }
0xd9: {  	v21 =	vadd.s32 $0xBB8, v3;
	v11 =	vadd.s32 $0x32C8, v5;
	[tilespmem:$0x1FF10] =	vst v37  }
0xda: {  	v24 =	vadd.s32 $0xBB8, v1;
	v36 =	vadd.s32 $0x2AF8, v1;
	[tilespmem:$0x1FFA0] =	vst v11  }
0xdb: {  	v15 =	vadd.s32 $0x7D0, v59;
	v37 =	vadd.s32 $0x2EE0, v3;
	[tilespmem:$0x1FF00] =	vst v36  }
0xdc: {  	v20 =	vadd.s32 $0xBB8, v2;
	v11 =	vadd.s32 $0x32C8, v3;
	[tilespmem:$0x1FF40] =	vst v37  }
0xdd: {  	v12 =	vld.idx.msk [tilespmem:v19+s3+$0x0], $0xffff;
	v36 =	vadd.s32 $0x2EE0, v5;
	[tilespmem:$0x1FFB0] =	vst v11  }
0xde: {  	v19 =	vld.idx.msk [tilespmem:v21+s3+$0x0], $0xffff;
	v37 =	vadd.s32 $0x32C8, v0;
	[tilespmem:$0x1FF30] =	vst v36  }
0xdf: {  	v16 =	vadd.s32 $0xBB8, v0;
	v9 =	vadd.s32 $0xFA0, v6;
	v44 =	vld.idx.msk [tilespmem:v24+s3+$0x0], $0xffff;
	v11 =	vadd.s32 $0x32C8, v4;
	[tilespmem:$0x1FF80] =	vst v37  }
0xe0: {  	v54 =	vadd.s32 $0xFA0, v0;
	v56 =	vadd.s32 $0x1388, v0;
	v8 =	vld.idx.msk [tilespmem:v15+s3+$0x0], $0xffff;
	v36 =	vadd.s32 $0x2EE0, v59;
	[tilespmem:$0x1FFC0] =	vst v11  }
0xe1: {  	v57 =	vadd.s32 $0x1770, v0;
	v61 =	vadd.s32 $0x1B58, v0;
	v30 =	vadd.s32 $0xFA0, v5;
	v15 =	vld.idx.msk [tilespmem:v20+s3+$0x0], $0xffff;
	[tilespmem:$0x1FF60] =	vst v36  }
0xe2: {  	v33 =	vadd.s32 $0xBB8, v4;
	v28 =	vadd.s32 $0xBB8, v59;
	v26 =	vadd.s32 $0xFA0, v2;
	[tilespmem:s21+$0xFFFFE1A0] =	vst v12  }
0xe3: {  	v62 =	vadd.s32 $0x1B58, v5;
	v23 =	vadd.s32 $0x1388, v5;
	v53 =	vadd.s32 $0x1F40, v5;
	[tilespmem:s21+$0xFFFFE1B0] =	vst v19  }
0xe4: {  	v29 =	vadd.s32 $0x1770, v5;
	v46 =	vadd.s32 $0x1F40, v0;
	v7 =	vadd.s32 $0x2AF8, v0;
	v9 =	vld.idx.msk [tilespmem:v9+s3+$0x0], $0xffff;
	[tilespmem:s21+$0xFFFFE1E0] =	vst v44  }
0xe5: {  	v13 =	vadd.s32 $0x1388, v6;
	v21 =	vadd.s32 $0x36B0, v0;
	v20 =	vadd.s32 $0x3A98, v0;
	v11 =	vld.idx.msk [tilespmem:v16+s3+$0x0], $0xffff;
	[tilespmem:s21+$0xFFFFE150] =	vst v8  }
0xe6: {  	v0 =	vadd.s32 $0x3A98, v5;
	v37 =	vadd.s32 $0x36B0, v5;
	v8 =	vadd.s32 $0x32C8, v59;
	[tilespmem:s21+$0xFFFFE190] =	vst v15;
	v5 =	vld.idx.msk [tilespmem:v30+s3+$0x0], $0xffff  }
0xe7: {  	v35 =	vadd.s32 $0xFA0, v1;
	[tilespmem:$0x1FFD0] =	vst v8;
	v8 =	vadd.s32 $0x32C8, v1;
	v36 =	vld.idx.msk [tilespmem:v28+s3+$0x0], $0xffff  }
0xe8: {  	v34 =	vadd.s32 $0xFA0, v3;
	[tilespmem:$0x1FFE0] =	vst v8;
	v8 =	vld.idx.msk [tilespmem:v33+s3+$0x0], $0xffff  }
0xe9: {  	v18 =	vadd.s32 $0xFA0, v59;
	[tilespmem:s21+$0xFFFFE270] =	vst v9;
	v15 =	vld.idx.msk [tilespmem:v26+s3+$0x0], $0xffff  }
0xea: {  	v17 =	vadd.s32 $0x1388, v2;
	v9 =	vld.idx.msk [tilespmem:v13+s3+$0x0], $0xffff;
	[tilespmem:s21+$0xFFFFE180] =	vst v11  }
0xeb: {  	v52 =	vadd.s32 $0xFA0, v4;
	v63 =	vadd.s32 $0x1B58, v4;
	v11 =	vld.idx.msk [tilespmem:v54+s3+$0x0], $0xffff;
	[tilespmem:s21+$0xFFFFE220] =	vst v5  }
0xec: {  	v25 =	vadd.s32 $0x1388, v4;
	v27 =	vadd.s32 $0x1388, v59;
	v54 =	vadd.s32 $0x1770, v6;
	v5 =	vld.idx.msk [tilespmem:v35+s3+$0x0], $0xffff;
	[tilespmem:s21+$0xFFFFE1D0] =	vst v36  }
0xed: {  	v41 =	vadd.s32 $0x1770, v4;
	v22 =	vadd.s32 $0x1388, v1;
	v32 =	vadd.s32 $0x1770, v59;
	[tilespmem:s21+$0xFFFFE1C0] =	vst v8;
	v8 =	vld.idx.msk [tilespmem:v34+s3+$0x0], $0xffff  }
0xee: {  	v40 =	vadd.s32 $0x1B58, v59;
	v42 =	vadd.s32 $0x1F40, v59;
	v33 =	vadd.s32 $0x36B0, v3;
	[tilespmem:s21+$0xFFFFE210] =	vst v15;
	v18 =	vld.idx.msk [tilespmem:v18+s3+$0x0], $0xffff  }
0xef: {  	v50 =	vadd.s32 $0x1F40, v4;
	v38 =	vadd.s32 $0x2328, v4;
	v19 =	vadd.s32 $0x3A98, v4;
	[tilespmem:$0x1FFF0] =	vst v33;
	v15 =	vld.idx.msk [tilespmem:v17+s3+$0x0], $0xffff  }
0xf0: {  	v28 =	vadd.s32 $0x36B0, v59;
	v33 =	vadd.s32 $0x36B0, v4;
	v4 =	vadd.s32 $0x3A98, v59;
	[tilespmem:s21+$0xFFFFE2F0] =	vst v9;
	v59 =	vld.idx.msk [tilespmem:v52+s3+$0x0], $0xffff  }
0xf1: {  	v9 =	vld.idx.msk [tilespmem:v54+s3+$0x0], $0xffff  }
0xf2: {  	v55 =	vadd.s32 $0x1388, v3;
	[tilespmem:s21+$0xFFFFE200] =	vst v11;
	v52 =	vld [tilespmem:$0x1FE00]  }
0xf3: {  	v11 =	vld.idx.msk [tilespmem:v56+s3+$0x0], $0xffff  }
0xf4: {  	v56 =	vld [tilespmem:$0x1FE50];
	[tilespmem:s21+$0xFFFFE260] =	vst v5  }
0xf5: {  	v26 =	vld.idx.msk [tilespmem:v22+s3+$0x0], $0xffff  }
0xf6: {  	[tilespmem:s21+$0xFFFFE230] =	vst v8;
	v8 =	vld.idx.msk [tilespmem:v23+s3+$0x0], $0xffff  }
0xf7: {  	[tilespmem:s21+$0xFFFFE250] =	vst v18;
	v24 =	vld.idx.msk [tilespmem:v55+s3+$0x0], $0xffff  }
0xf8: {  	v5 =	vld.idx.msk [tilespmem:v27+s3+$0x0], $0xffff  }
0xf9: {  	[tilespmem:$0x1FEA0] =	vst v7;
	v23 =	vadd.s32 $0x1B58, v6;
	v55 =	vld [tilespmem:$0x1FE30]  }
0xfa: {  	v58 =	vadd.s32 $0x1770, v2;
	[tilespmem:s21+$0xFFFFE240] =	vst v59;
	v59 =	vld [tilespmem:$0x1FEA0]  }
0xfb: {  	v25 =	vld.idx.msk [tilespmem:v25+s3+$0x0], $0xffff;
	[tilespmem:s21+$0xFFFFE280] =	vst v11  }
0xfc: {  	v11 =	vld.idx.msk [tilespmem:v57+s3+$0x0], $0xffff  }
0xfd: {  	v31 =	vadd.s32 $0x1770, v3;
	[tilespmem:s21+$0xFFFFE370] =	vst v9;
	v57 =	vld [tilespmem:$0x1FE60]  }
0xfe: {  	[tilespmem:s21+$0xFFFFE290] =	vst v15;
	v9 =	vld.idx.msk [tilespmem:v23+s3+$0x0], $0xffff  }
0xff: {  	[tilespmem:s21+$0xFFFFE2A0] =	vst v8;
	v8 =	vld.idx.msk [tilespmem:v58+s3+$0x0], $0xffff  }
0x100: {  	v58 =	vld [tilespmem:$0x1FE80]  }
0x101: {  	[tilespmem:s21+$0xFFFFE2B0] =	vst v24;
	v30 =	vld.idx.msk [tilespmem:v29+s3+$0x0], $0xffff  }
0x102: {  	v43 =	vadd.s32 $0x1770, v1;
	[tilespmem:s21+$0xFFFFE2D0] =	vst v5;
	v34 =	vld.idx.msk [tilespmem:v31+s3+$0x0], $0xffff  }
0x103: {  	v27 =	vadd.s32 $0x1F40, v6;
	[tilespmem:s21+$0xFFFFE2C0] =	vst v25;
	v35 =	vld.idx.msk [tilespmem:v32+s3+$0x0], $0xffff  }
0x104: {  	v45 =	vadd.s32 $0x1B58, v2;
	v5 =	vld.idx.msk [tilespmem:v41+s3+$0x0], $0xffff;
	[tilespmem:s21+$0xFFFFE300] =	vst v11  }
0x105: {  	[tilespmem:s21+$0xFFFFE2E0] =	vst v26;
	v11 =	vld.idx.msk [tilespmem:v61+s3+$0x0], $0xffff  }
0x106: {  	v61 =	vld [tilespmem:$0x1FF00];
	[tilespmem:s21+$0xFFFFE3F0] =	vst v9  }
0x107: {  	v60 =	vadd.s32 $0x1B58, v3;
	[tilespmem:s21+$0xFFFFE310] =	vst v8;
	v8 =	vld.idx.msk [tilespmem:v43+s3+$0x0], $0xffff  }
0x108: {  	v9 =	vld.idx.msk [tilespmem:v27+s3+$0x0], $0xffff  }
0x109: {  	[tilespmem:s21+$0xFFFFE320] =	vst v30;
	v41 =	vld.idx.msk [tilespmem:v45+s3+$0x0], $0xffff  }
0x10a: {  	v43 =	vld.idx.msk [tilespmem:v62+s3+$0x0], $0xffff  }
0x10b: {  	[tilespmem:s21+$0xFFFFE330] =	vst v34;
	v62 =	vld [tilespmem:$0x1FF60]  }
0x10c: {  	[tilespmem:s21+$0xFFFFE340] =	vst v5;
	v5 =	vld.idx.msk [tilespmem:v60+s3+$0x0], $0xffff  }
0x10d: {  	v47 =	vadd.s32 $0x1F40, v2;
	v60 =	vld [tilespmem:$0x1FED0]  }
0x10e: {  	[tilespmem:s21+$0xFFFFE350] =	vst v35;
	v44 =	vld.idx.msk [tilespmem:v63+s3+$0x0], $0xffff  }
0x10f: {  	v36 =	vadd.s32 $0x2328, v6;
	[tilespmem:s21+$0xFFFFE380] =	vst v11;
	v11 =	vld [tilespmem:$0x1FDF0]  }
0x110: {  	v46 =	vld.idx.msk [tilespmem:v46+s3+$0x0], $0xffff;
	[tilespmem:s21+$0x70] =	vst v9  }
0x111: {  	v9 =	vld.idx.msk [tilespmem:v40+s3+$0x0], $0xffff;
	[tilespmem:s21+$0xFFFFE390] =	vst v41  }
0x112: {  	v48 =	vadd.s32 $0x1F40, v3;
	[tilespmem:s21+$0xFFFFE3A0] =	vst v43;
	v47 =	vld.idx.msk [tilespmem:v47+s3+$0x0], $0xffff  }
0x113: {  	v49 =	vadd.s32 $0x2328, v2;
	[tilespmem:s21+$0xFFFFE3B0] =	vst v5;
	v5 =	vld.idx.msk [tilespmem:v53+s3+$0x0], $0xffff  }
0x114: {  	[tilespmem:s21+$0xFFFFE360] =	vst v8;
	v8 =	vld.idx.msk [tilespmem:v36+s3+$0x0], $0xffff  }
0x115: {  	v53 =	vld [tilespmem:$0x1FE10];
	[tilespmem:s21+$0xFFFFE3C0] =	vst v44  }
0x116: {  	[tilespmem:s21+$0xFFFFE3D0] =	vst v9;
	v9 =	vld.idx.msk [tilespmem:v50+s3+$0x0], $0xffff  }
0x117: {  	v45 =	vadd.s32 $0x2710, v6;
	v48 =	vld.idx.msk [tilespmem:v48+s3+$0x0], $0xffff;
	[tilespmem:s21+$0x10] =	vst v47  }
0x118: {  	[tilespmem:s21+$0x20] =	vst v5;
	v5 =	vld.idx.msk [tilespmem:v49+s3+$0x0], $0xffff  }
0x119: {  	[tilespmem:s21+$0x0] =	vst v46;
	v11 =	vld.idx.msk [tilespmem:v11+s3+$0x0], $0xffff  }
0x11a: {  	v51 =	vadd.s32 $0x1F40, v1;
	v14 =	vld.idx.msk [tilespmem:v52+s3+$0x0], $0xffff;
	[tilespmem:s21+$0xF0] =	vst v8  }
0x11b: {  	[tilespmem:s21+$0x40] =	vst v9;
	v9 =	vld [tilespmem:$0x1FE20]  }
0x11c: {  	v8 =	vld.idx.msk [tilespmem:v45+s3+$0x0], $0xffff  }
0x11d: {  	v50 =	vadd.s32 $0x2AF8, v6;
	[tilespmem:s21+$0x90] =	vst v5;
	v5 =	vld [tilespmem:$0x1FE40]  }
0x11e: {  	[tilespmem:s21+$0xFFFFE3E0] =	vst v11;
	v11 =	vld.idx.msk [tilespmem:v42+s3+$0x0], $0xffff  }
0x11f: {  	v51 =	vld.idx.msk [tilespmem:v51+s3+$0x0], $0xffff  }
0x120: {  	v15 =	vld.idx.msk [tilespmem:v53+s3+$0x0], $0xffff;
	[tilespmem:s21+$0x80] =	vst v14  }
0x121: {  	v14 =	vld.idx.msk [tilespmem:v56+s3+$0x0], $0xffff;
	[tilespmem:s21+$0x170] =	vst v8  }
0x122: {  	[tilespmem:s21+$0x30] =	vst v48;
	v8 =	vld.idx.msk [tilespmem:v50+s3+$0x0], $0xffff  }
0x123: {  	[tilespmem:s21+$0x50] =	vst v11;
	v9 =	vld.idx.msk [tilespmem:v9+s3+$0x0], $0xffff  }
0x124: {  	v7 =	vadd.s32 $0x2AF8, v2;
	v54 =	vadd.s32 $0x2EE0, v6;
	v11 =	vld.idx.msk [tilespmem:v38+s3+$0x0], $0xffff;
	[tilespmem:s21+$0x60] =	vst v51  }
0x125: {  	[tilespmem:$0x1FEB0] =	vst v7;
	v5 =	vld.idx.msk [tilespmem:v5+s3+$0x0], $0xffff  }
0x126: {  	[tilespmem:s21+$0xA0] =	vst v15;
	v15 =	vld.idx.msk [tilespmem:v57+s3+$0x0], $0xffff  }
0x127: {  	v7 =	vadd.s32 $0x2710, v1;
	v13 =	vld.idx.msk [tilespmem:v55+s3+$0x0], $0xffff;
	[tilespmem:s21+$0x1F0] =	vst v8  }
0x128: {  	[tilespmem:s21+$0xB0] =	vst v9;
	v9 =	vld [tilespmem:$0x1FE70]  }
0x129: {  	v10 =	vadd.s32 $0x2710, v3;
	v8 =	vld.idx.msk [tilespmem:v54+s3+$0x0], $0xffff;
	[tilespmem:s21+$0xC0] =	vst v11  }
0x12a: {  	v11 =	vadd.s32 $0x32C8, v6;
	[tilespmem:s21+$0xE0] =	vst v5;
	v5 =	vld [tilespmem:$0x1FE90]  }
0x12b: {  	v12 =	vld.idx.msk [tilespmem:v58+s3+$0x0], $0xffff  }
0x12c: {  	[tilespmem:s21+$0x100] =	vst v14;
	v7 =	vld.idx.msk [tilespmem:v7+s3+$0x0], $0xffff  }
0x12d: {  	[tilespmem:s21+$0xD0] =	vst v13;
	v13 =	vld.idx.msk [tilespmem:v59+s3+$0x0], $0xffff  }
0x12e: {  	v10 =	vld.idx.msk [tilespmem:v10+s3+$0x0], $0xffff;
	[tilespmem:s21+$0x270] =	vst v8  }
0x12f: {  	v8 =	vld.idx.msk [tilespmem:v11+s3+$0x0], $0xffff  }
0x130: {  	v9 =	vld.idx.msk [tilespmem:v9+s3+$0x0], $0xffff  }
0x131: {  	v11 =	vadd.s32 $0x36B0, v6;
	[tilespmem:s21+$0x160] =	vst v7;
	v7 =	vld [tilespmem:$0x1FEF0]  }
0x132: {  	[tilespmem:s21+$0x140] =	vst v12;
	v5 =	vld.idx.msk [tilespmem:v5+s3+$0x0], $0xffff  }
0x133: {  	[tilespmem:s21+$0x130] =	vst v10;
	v10 =	vld [tilespmem:$0x1FEC0]  }
0x134: {  	v12 =	vld.idx.msk [tilespmem:v60+s3+$0x0], $0xffff;
	[tilespmem:s21+$0x2F0] =	vst v8  }
0x135: {  	[tilespmem:s21+$0x120] =	vst v9;
	v9 =	vld [tilespmem:$0x1FEB0]  }
0x136: {  	v8 =	vld.idx.msk [tilespmem:v11+s3+$0x0], $0xffff  }
0x137: {  	[tilespmem:s21+$0x150] =	vst v5;
	v5 =	vld [tilespmem:$0x1FEE0]  }
0x138: {  	[tilespmem:s21+$0x180] =	vst v13;
	v13 =	vld.idx.msk [tilespmem:v61+s3+$0x0], $0xffff  }
0x139: {  	v7 =	vld.idx.msk [tilespmem:v7+s3+$0x0], $0xffff  }
0x13a: {  	v11 =	vld [tilespmem:$0x1FF30]  }
0x13b: {  	[tilespmem:s21+$0x110] =	vst v15;
	v6 =	vadd.s32 $0x3A98, v6;
	v10 =	vld.idx.msk [tilespmem:v10+s3+$0x0], $0xffff  }
0x13c: {  	[tilespmem:s21+$0x370] =	vst v8;
	v8 =	vld [tilespmem:$0x1FF70]  }
0x13d: {  	v9 =	vld.idx.msk [tilespmem:v9+s3+$0x0], $0xffff  }
0x13e: {  	[tilespmem:s21+$0x1D0] =	vst v7;
	v7 =	vld [tilespmem:$0x1FF50]  }
0x13f: {  	v5 =	vld.idx.msk [tilespmem:v5+s3+$0x0], $0xffff  }
0x140: {  	v6 =	vld.idx.msk [tilespmem:v6+s3+$0x0], $0xffff  }
0x141: {  	[tilespmem:s21+$0x1A0] =	vst v10;
	v10 =	vld [tilespmem:$0x1FF20]  }
0x142: {  	[tilespmem:s21+$0x190] =	vst v9;
	v9 =	vld [tilespmem:$0x1FF10]  }
0x143: {  	v11 =	vld.idx.msk [tilespmem:v11+s3+$0x0], $0xffff  }
0x144: {  	[tilespmem:s21+$0x1C0] =	vst v5;
	v5 =	vld [tilespmem:$0x1FF40]  }
0x145: {  	[tilespmem:s21+$0x3F0] =	vst v6;
	v6 =	vld [tilespmem:$0x1FFD0]  }
0x146: {  	[tilespmem:s21+$0x1B0] =	vst v12;
	v7 =	vld.idx.msk [tilespmem:v7+s3+$0x0], $0xffff  }
0x147: {  	[tilespmem:s21+$0x1E0] =	vst v13;
	v12 =	vld.idx.msk [tilespmem:v62+s3+$0x0], $0xffff  }
0x148: {  	v8 =	vld.idx.msk [tilespmem:v8+s3+$0x0], $0xffff  }
0x149: {  	v10 =	vld.idx.msk [tilespmem:v10+s3+$0x0], $0xffff  }
0x14a: {  	v9 =	vld.idx.msk [tilespmem:v9+s3+$0x0], $0xffff  }
0x14b: {  	v39 =	vadd.s32 $0x32C8, v2;
	[tilespmem:s21+$0x240] =	vst v7;
	v7 =	vld [tilespmem:$0x1FFB0]  }
0x14c: {  	[tilespmem:$0x1FF90] =	vst v39;
	v5 =	vld.idx.msk [tilespmem:v5+s3+$0x0], $0xffff  }
0x14d: {  	[tilespmem:s21+$0x220] =	vst v11;
	v11 =	vld [tilespmem:$0x1FFC0]  }
0x14e: {  	[tilespmem:s21+$0x210] =	vst v10;
	v10 =	vld [tilespmem:$0x1FF90]  }
0x14f: {  	[tilespmem:s21+$0x200] =	vst v9;
	v9 =	vld [tilespmem:$0x1FF80];
	_ =	sdelay $0x1  }
0x150: {  	[tilespmem:s21+$0x230] =	vst v5;
	v5 =	vld [tilespmem:$0x1FFA0]  }
0x151: {  	[tilespmem:s21+$0x260] =	vst v8;
	v8 =	vld [tilespmem:$0x1FFE0]  }
0x152: {  	[tilespmem:s21+$0x250] =	vst v12;
	v7 =	vld.idx.msk [tilespmem:v7+s3+$0x0], $0xffff  }
0x153: {  	v6 =	vld.idx.msk [tilespmem:v6+s3+$0x0], $0xffff  }
0x154: {  	v11 =	vld.idx.msk [tilespmem:v11+s3+$0x0], $0xffff  }
0x155: {  	v10 =	vld.idx.msk [tilespmem:v10+s3+$0x0], $0xffff  }
0x156: {  	v9 =	vld.idx.msk [tilespmem:v9+s3+$0x0], $0xffff  }
0x157: {  	[tilespmem:s21+$0x2B0] =	vst v7;
	v7 =	vld [tilespmem:$0x1FFF0]  }
0x158: {  	v39 =	vadd.s32 $0x36B0, v2;
	[tilespmem:s21+$0x2D0] =	vst v6;
	v5 =	vld.idx.msk [tilespmem:v5+s3+$0x0], $0xffff  }
0x159: {  	v6 =	vld.idx.msk [tilespmem:v28+s3+$0x0], $0xffff  }
0x15a: {  	v8 =	vld.idx.msk [tilespmem:v8+s3+$0x0], $0xffff;
	[tilespmem:s21+$0x2C0] =	vst v11  }
0x15b: {  	v11 =	vld.idx.msk [tilespmem:v33+s3+$0x0], $0xffff;
	[tilespmem:s21+$0x280] =	vst v9  }
0x15c: {  	v16 =	vadd.s32 $0x3A98, v2;
	v2 =	vadd.s32 $0x36B0, v1;
	[tilespmem:s21+$0x290] =	vst v10;
	v9 =	vld.idx.msk [tilespmem:v21+s3+$0x0], $0xffff  }
0x15d: {  	v10 =	vld.idx.msk [tilespmem:v39+s3+$0x0], $0xffff;
	[tilespmem:s21+$0x2A0] =	vst v5  }
0x15e: {  	[tilespmem:s21+$0x350] =	vst v6;
	v5 =	vld.idx.msk [tilespmem:v37+s3+$0x0], $0xffff  }
0x15f: {  	[tilespmem:s21+$0x2E0] =	vst v8;
	v7 =	vld.idx.msk [tilespmem:v7+s3+$0x0], $0xffff  }
0x160: {  	v8 =	vld.idx.msk [tilespmem:v4+s3+$0x0], $0xffff;
	[tilespmem:s21+$0x340] =	vst v11  }
0x161: {  	s22 =	sadd.s32 $0x8, s22;
	v3 =	vadd.s32 $0x3A98, v3;
	[tilespmem:s21+$0x300] =	vst v9;
	v9 =	vld.idx.msk [tilespmem:v2+s3+$0x0], $0xffff  }
0x162: {  	p1 =	slt.u32 s22, $0x38;
	v1 =	vadd.s32 $0x3A98, v1;
	[tilespmem:s21+$0x310] =	vst v10;
	v63 =	vld.idx.msk [tilespmem:v20+s3+$0x0], $0xffff  }
.Ltmp0:
0x163: {  	v2 =	vld.idx.msk [tilespmem:v16+s3+$0x0], $0xffff;
	[tilespmem:s21+$0x320] =	vst v5;
	(pc) =	sbr.rel @p1 .LBB2_3-.Ltmp0, $4  }
0x164: {  	[tilespmem:s21+$0x330] =	vst v7;
	v7 =	vld.idx.msk [tilespmem:v19+s3+$0x0], $0xffff  }
0x165: {  	v0 =	vld.idx.msk [tilespmem:v0+s3+$0x0], $0xffff  }
0x166: {  	v3 =	vld.idx.msk [tilespmem:v3+s3+$0x0], $0xffff;
	[tilespmem:s21+$0x360] =	vst v9  }
0x167: {  	s23 =	sadd.s32 $0x80, s23;
	[tilespmem:s21+$0x380] =	vst v63;
	v1 =	vld.idx.msk [tilespmem:v1+s3+$0x0], $0xffff  }
0x168: {  	[tilespmem:s21+$0x390] =	vst v2  }
0x169: {  	s20 =	smul.u32 $0xFA000, s20;
	[tilespmem:s21+$0x3D0] =	vst v8  }
0x16a: {  	[tilespmem:s21+$0x3C0] =	vst v7  }
0x16b: {  	[tilespmem:s21+$0x3A0] =	vst v0;
	s22 =	sadd.s32 s6, s20  }
0x16c: {  	[tilespmem:s21+$0x3B0] =	vst v3;
	s22 =	sshrl.u32 s22, $0x3  }
0x16d: {  	[tilespmem:s21+$0x3E0] =	vst v1;
	s30 =	sadd.s32 s2, s22;
	s21 =	simm.s32 @!p0 $0x3  }
0x16e: {  	[hbm4b:s30+s3] =	stream.linear.scatter [tilespmem:s14], [sflag:$0x2], $0x4000, $0x38;
	[tilespmem:$0x17E00] =	vst v63  }
0x16f: {  	_ =	swait.ge @!p0 [sflag:s21], $0x4000  }
0x170: {  	[sflag:s21] =	ssyncset.done @!p0 $0x0  }
0x171: {  	s31 =	simm.s32 $0xFA40;
	[sflag:s21] =	ssyncadd.s32 @!p0 $0xFFFFC000  }
0x172: {  	v7 =	vld [tilespmem:s31+$0x30]  }
0x173: {  	v5 =	vld [tilespmem:s31+$0xFFFFFFD0]  }
0x174: {  	v4 =	vld [tilespmem:s31+$0xFFFFFFE0]  }
0x175: {  	v3 =	vld [tilespmem:s31+$0xFFFFFFF0]  }
0x176: {  	v2 =	vld [tilespmem:s31+$0x0]  }
0x177: {  	v6 =	vld [tilespmem:s31+$0xFFFFFFC0];
	v8 =	vadd.s32 $0x3E80, v7  }
0x178: {  	v0 =	vld [tilespmem:s31+$0x10];
	v9 =	vadd.s32 $0x3E80, v5  }
0x179: {  	v1 =	vld [tilespmem:s31+$0x20];
	v10 =	vadd.s32 $0x3E80, v4  }
0x17a: {  	v11 =	vadd.s32 $0x3E80, v3  }
0x17b: {  	v12 =	vadd.s32 $0x3E80, v2  }
0x17c: {  	v16 =	vadd.s32 $0x3E80, v6;
	v8 =	vld.idx.msk [tilespmem:v8+s3+$0x0], $0xffff  }
0x17d: {  	v13 =	vadd.s32 $0x3E80, v0;
	v9 =	vld.idx.msk [tilespmem:v9+s3+$0x0], $0xffff  }
0x17e: {  	v14 =	vadd.s32 $0x3E80, v1;
	v10 =	vld.idx.msk [tilespmem:v10+s3+$0x0], $0xffff  }
0x17f: {  	v15 =	vadd.s32 $0x4268, v7;
	v11 =	vld.idx.msk [tilespmem:v11+s3+$0x0], $0xffff  }
0x180: {  	s21 =	simm.s32 $0x15E00;
	v17 =	vadd.s32 $0x4268, v5;
	v12 =	vld.idx.msk [tilespmem:v12+s3+$0x0], $0xffff  }
0x181: {  	v18 =	vadd.s32 $0x4268, v4;
	v16 =	vld.idx.msk [tilespmem:v16+s3+$0x0], $0xffff;
	[tilespmem:s21+$0xFFFFE070] =	vst v8  }
0x182: {  	v35 =	vadd.s32 $0x4268, v6;
	v13 =	vld.idx.msk [tilespmem:v13+s3+$0x0], $0xffff;
	[tilespmem:s21+$0xFFFFE010] =	vst v9  }
0x183: {  	v14 =	vld.idx.msk [tilespmem:v14+s3+$0x0], $0xffff;
	v8 =	vadd.s32 $0x4268, v3;
	[tilespmem:s21+$0xFFFFE020] =	vst v10  }
0x184: {  	v9 =	vadd.s32 $0x4268, v2;
	[tilespmem:s21+$0xFFFFE030] =	vst v11;
	v15 =	vld.idx.msk [tilespmem:v15+s3+$0x0], $0xffff  }
0x185: {  	v10 =	vadd.s32 $0x4268, v0;
	[tilespmem:s21+$0xFFFFE040] =	vst v12;
	v17 =	vld.idx.msk [tilespmem:v17+s3+$0x0], $0xffff  }
0x186: {  	v11 =	vadd.s32 $0x4650, v7;
	[tilespmem:s21+$0xFFFFE000] =	vst v16;
	v18 =	vld.idx.msk [tilespmem:v18+s3+$0x0], $0xffff  }
0x187: {  	v38 =	vadd.s32 $0x4650, v4;
	[tilespmem:s21+$0xFFFFE050] =	vst v13;
	v12 =	vld.idx.msk [tilespmem:v35+s3+$0x0], $0xffff  }
0x188: {  	v36 =	vadd.s32 $0x4268, v1;
	[tilespmem:s21+$0xFFFFE060] =	vst v14;
	v8 =	vld.idx.msk [tilespmem:v8+s3+$0x0], $0xffff  }
0x189: {  	v37 =	vadd.s32 $0x4650, v5;
	v9 =	vld.idx.msk [tilespmem:v9+s3+$0x0], $0xffff;
	[tilespmem:s21+$0xFFFFE0F0] =	vst v15  }
0x18a: {  	v39 =	vadd.s32 $0x4650, v3;
	v10 =	vld.idx.msk [tilespmem:v10+s3+$0x0], $0xffff;
	[tilespmem:s21+$0xFFFFE090] =	vst v17  }
0x18b: {  	v40 =	vadd.s32 $0x4650, v2;
	[tilespmem:s21+$0xFFFFE0A0] =	vst v18;
	v11 =	vld.idx.msk [tilespmem:v11+s3+$0x0], $0xffff  }
0x18c: {  	v41 =	vadd.s32 $0x4A38, v7;
	[tilespmem:s21+$0xFFFFE080] =	vst v12;
	v15 =	vld.idx.msk [tilespmem:v38+s3+$0x0], $0xffff  }
0x18d: {  	v42 =	vadd.s32 $0x4A38, v4;
	v13 =	vld.idx.msk [tilespmem:v36+s3+$0x0], $0xffff;
	[tilespmem:s21+$0xFFFFE0B0] =	vst v8  }
0x18e: {  	v14 =	vld.idx.msk [tilespmem:v37+s3+$0x0], $0xffff;
	v8 =	vadd.s32 $0x4650, v6;
	[tilespmem:s21+$0xFFFFE0C0] =	vst v9  }
0x18f: {  	v9 =	vadd.s32 $0x4650, v0;
	[tilespmem:s21+$0xFFFFE0D0] =	vst v10;
	v16 =	vld.idx.msk [tilespmem:v39+s3+$0x0], $0xffff  }
0x190: {  	v10 =	vadd.s32 $0x4650, v1;
	v17 =	vld.idx.msk [tilespmem:v40+s3+$0x0], $0xffff;
	[tilespmem:s21+$0xFFFFE170] =	vst v11  }
0x191: {  	v11 =	vadd.s32 $0x4A38, v5;
	[tilespmem:s21+$0xFFFFE120] =	vst v15;
	v18 =	vld.idx.msk [tilespmem:v41+s3+$0x0], $0xffff  }
0x192: {  	v43 =	vadd.s32 $0x4A38, v3;
	[tilespmem:s21+$0xFFFFE0E0] =	vst v13;
	v12 =	vld.idx.msk [tilespmem:v42+s3+$0x0], $0xffff  }
0x193: {  	v46 =	vadd.s32 $0x4A38, v2;
	[tilespmem:s21+$0xFFFFE110] =	vst v14;
	v8 =	vld.idx.msk [tilespmem:v8+s3+$0x0], $0xffff  }
0x194: {  	v44 =	vadd.s32 $0x4E20, v7;
	v9 =	vld.idx.msk [tilespmem:v9+s3+$0x0], $0xffff;
	[tilespmem:s21+$0xFFFFE130] =	vst v16  }
0x195: {  	v45 =	vadd.s32 $0x4A38, v6;
	v10 =	vld.idx.msk [tilespmem:v10+s3+$0x0], $0xffff;
	[tilespmem:s21+$0xFFFFE140] =	vst v17  }
0x196: {  	v47 =	vadd.s32 $0x4A38, v0;
	v11 =	vld.idx.msk [tilespmem:v11+s3+$0x0], $0xffff;
	[tilespmem:s21+$0xFFFFE1F0] =	vst v18  }
0x197: {  	v48 =	vadd.s32 $0x4A38, v1;
	v13 =	vld.idx.msk [tilespmem:v43+s3+$0x0], $0xffff;
	[tilespmem:s21+$0xFFFFE1A0] =	vst v12  }
0x198: {  	v49 =	vadd.s32 $0x4E20, v3;
	v16 =	vld.idx.msk [tilespmem:v46+s3+$0x0], $0xffff;
	[tilespmem:s21+$0xFFFFE100] =	vst v8  }
0x199: {  	v14 =	vld.idx.msk [tilespmem:v44+s3+$0x0], $0xffff;
	v8 =	vadd.s32 $0x4E20, v5;
	[tilespmem:s21+$0xFFFFE150] =	vst v9  }
0x19a: {  	v9 =	vadd.s32 $0x4E20, v4;
	[tilespmem:s21+$0xFFFFE160] =	vst v10;
	v15 =	vld.idx.msk [tilespmem:v45+s3+$0x0], $0xffff  }
0x19b: {  	v10 =	vadd.s32 $0x5208, v7;
	v17 =	vld.idx.msk [tilespmem:v47+s3+$0x0], $0xffff;
	[tilespmem:s21+$0xFFFFE190] =	vst v11  }
0x19c: {  	v18 =	vld.idx.msk [tilespmem:v48+s3+$0x0], $0xffff;
	v11 =	vadd.s32 $0x4E20, v6;
	[tilespmem:s21+$0xFFFFE1B0] =	vst v13  }
0x19d: {  	v52 =	vadd.s32 $0x4E20, v1;
	[tilespmem:s21+$0xFFFFE1C0] =	vst v16;
	v12 =	vld.idx.msk [tilespmem:v49+s3+$0x0], $0xffff  }
0x19e: {  	v50 =	vadd.s32 $0x4E20, v2;
	[tilespmem:s21+$0xFFFFE270] =	vst v14;
	v8 =	vld.idx.msk [tilespmem:v8+s3+$0x0], $0xffff  }
0x19f: {  	v51 =	vadd.s32 $0x4E20, v0;
	v9 =	vld.idx.msk [tilespmem:v9+s3+$0x0], $0xffff;
	[tilespmem:s21+$0xFFFFE180] =	vst v15  }
0x1a0: {  	v53 =	vadd.s32 $0x5208, v5;
	v10 =	vld.idx.msk [tilespmem:v10+s3+$0x0], $0xffff;
	[tilespmem:s21+$0xFFFFE1D0] =	vst v17  }
0x1a1: {  	v54 =	vadd.s32 $0x55F0, v7;
	[tilespmem:s21+$0xFFFFE1E0] =	vst v18;
	v11 =	vld.idx.msk [tilespmem:v11+s3+$0x0], $0xffff  }
0x1a2: {  	v55 =	vadd.s32 $0x5208, v6;
	v15 =	vld.idx.msk [tilespmem:v52+s3+$0x0], $0xffff;
	[tilespmem:s21+$0xFFFFE230] =	vst v12  }
0x1a3: {  	v56 =	vadd.s32 $0x5208, v1;
	v13 =	vld.idx.msk [tilespmem:v50+s3+$0x0], $0xffff;
	[tilespmem:s21+$0xFFFFE210] =	vst v8  }
0x1a4: {  	v14 =	vld.idx.msk [tilespmem:v51+s3+$0x0], $0xffff;
	v8 =	vadd.s32 $0x5208, v4;
	[tilespmem:s21+$0xFFFFE220] =	vst v9  }
0x1a5: {  	v9 =	vadd.s32 $0x5208, v3;
	[tilespmem:s21+$0xFFFFE2F0] =	vst v10;
	v16 =	vld.idx.msk [tilespmem:v53+s3+$0x0], $0xffff  }
0x1a6: {  	v10 =	vadd.s32 $0x5208, v2;
	v17 =	vld.idx.msk [tilespmem:v54+s3+$0x0], $0xffff;
	[tilespmem:s21+$0xFFFFE200] =	vst v11  }
0x1a7: {  	v11 =	vadd.s32 $0x5208, v0;
	[tilespmem:s21+$0xFFFFE260] =	vst v15;
	v18 =	vld.idx.msk [tilespmem:v55+s3+$0x0], $0xffff  }
0x1a8: {  	v59 =	vadd.s32 $0x55F0, v5;
	[tilespmem:s21+$0xFFFFE240] =	vst v13;
	v12 =	vld.idx.msk [tilespmem:v56+s3+$0x0], $0xffff  }
0x1a9: {  	v57 =	vadd.s32 $0x59D8, v7;
	[tilespmem:s21+$0xFFFFE250] =	vst v14;
	v8 =	vld.idx.msk [tilespmem:v8+s3+$0x0], $0xffff  }
0x1aa: {  	v58 =	vadd.s32 $0x55F0, v6;
	v9 =	vld.idx.msk [tilespmem:v9+s3+$0x0], $0xffff;
	[tilespmem:s21+$0xFFFFE290] =	vst v16  }
0x1ab: {  	v60 =	vadd.s32 $0x55F0, v4;
	v10 =	vld.idx.msk [tilespmem:v10+s3+$0x0], $0xffff;
	[tilespmem:s21+$0xFFFFE370] =	vst v17  }
0x1ac: {  	v61 =	vadd.s32 $0x55F0, v3;
	v11 =	vld.idx.msk [tilespmem:v11+s3+$0x0], $0xffff;
	[tilespmem:s21+$0xFFFFE280] =	vst v18  }
0x1ad: {  	v62 =	vadd.s32 $0x55F0, v2;
	v15 =	vld.idx.msk [tilespmem:v59+s3+$0x0], $0xffff;
	[tilespmem:s21+$0xFFFFE2E0] =	vst v12  }
0x1ae: {  	v63 =	vadd.s32 $0x59D8, v5;
	v13 =	vld.idx.msk [tilespmem:v57+s3+$0x0], $0xffff;
	[tilespmem:s21+$0xFFFFE2A0] =	vst v8  }
0x1af: {  	v14 =	vld.idx.msk [tilespmem:v58+s3+$0x0], $0xffff;
	v8 =	vadd.s32 $0x55F0, v0;
	[tilespmem:s21+$0xFFFFE2B0] =	vst v9  }
0x1b0: {  	v9 =	vadd.s32 $0x5DC0, v7;
	[tilespmem:s21+$0xFFFFE2C0] =	vst v10;
	v16 =	vld.idx.msk [tilespmem:v60+s3+$0x0], $0xffff  }
0x1b1: {  	v10 =	vadd.s32 $0x55F0, v1;
	v17 =	vld.idx.msk [tilespmem:v61+s3+$0x0], $0xffff;
	[tilespmem:s21+$0xFFFFE2D0] =	vst v11  }
0x1b2: {  	v18 =	vld.idx.msk [tilespmem:v62+s3+$0x0], $0xffff;
	v11 =	vadd.s32 $0x59D8, v6;
	[tilespmem:s21+$0xFFFFE310] =	vst v15  }
0x1b3: {  	v23 =	vadd.s32 $0x59D8, v2;
	[tilespmem:s21+$0xFFFFE3F0] =	vst v13;
	v12 =	vld.idx.msk [tilespmem:v63+s3+$0x0], $0xffff  }
0x1b4: {  	v21 =	vadd.s32 $0x59D8, v4;
	[tilespmem:s21+$0xFFFFE300] =	vst v14;
	v8 =	vld.idx.msk [tilespmem:v8+s3+$0x0], $0xffff  }
0x1b5: {  	v22 =	vadd.s32 $0x59D8, v3;
	v9 =	vld.idx.msk [tilespmem:v9+s3+$0x0], $0xffff;
	[tilespmem:s21+$0xFFFFE320] =	vst v16  }
0x1b6: {  	v24 =	vadd.s32 $0x61A8, v7;
	v10 =	vld.idx.msk [tilespmem:v10+s3+$0x0], $0xffff;
	[tilespmem:s21+$0xFFFFE330] =	vst v17  }
0x1b7: {  	v25 =	vadd.s32 $0x59D8, v0;
	[tilespmem:s21+$0xFFFFE340] =	vst v18;
	v11 =	vld.idx.msk [tilespmem:v11+s3+$0x0], $0xffff  }
0x1b8: {  	v26 =	vadd.s32 $0x59D8, v1;
	v15 =	vld.idx.msk [tilespmem:v23+s3+$0x0], $0xffff;
	[tilespmem:s21+$0xFFFFE390] =	vst v12  }
0x1b9: {  	v29 =	vadd.s32 $0x5DC0, v2;
	v13 =	vld.idx.msk [tilespmem:v21+s3+$0x0], $0xffff;
	[tilespmem:s21+$0xFFFFE350] =	vst v8  }
0x1ba: {  	v14 =	vld.idx.msk [tilespmem:v22+s3+$0x0], $0xffff;
	v8 =	vadd.s32 $0x5DC0, v6;
	[tilespmem:s21+$0x70] =	vst v9  }
0x1bb: {  	v9 =	vadd.s32 $0x5DC0, v5;
	[tilespmem:s21+$0xFFFFE360] =	vst v10;
	v16 =	vld.idx.msk [tilespmem:v24+s3+$0x0], $0xffff  }
0x1bc: {  	v10 =	vadd.s32 $0x5DC0, v4;
	v17 =	vld.idx.msk [tilespmem:v25+s3+$0x0], $0xffff;
	[tilespmem:s21+$0xFFFFE380] =	vst v11  }
0x1bd: {  	v27 =	vld.idx.msk [tilespmem:v26+s3+$0x0], $0xffff;
	v11 =	vadd.s32 $0x5DC0, v3;
	[tilespmem:s21+$0xFFFFE3C0] =	vst v15  }
0x1be: {  	v28 =	vadd.s32 $0x6590, v7;
	[tilespmem:s21+$0xFFFFE3A0] =	vst v13;
	v13 =	vld.idx.msk [tilespmem:v29+s3+$0x0], $0xffff  }
0x1bf: {  	v31 =	vadd.s32 $0x5DC0, v1;
	[tilespmem:s21+$0xFFFFE3B0] =	vst v14;
	v8 =	vld.idx.msk [tilespmem:v8+s3+$0x0], $0xffff  }
0x1c0: {  	v30 =	vadd.s32 $0x5DC0, v0;
	v9 =	vld.idx.msk [tilespmem:v9+s3+$0x0], $0xffff;
	[tilespmem:s21+$0xF0] =	vst v16  }
0x1c1: {  	v32 =	vadd.s32 $0x61A8, v6;
	v10 =	vld.idx.msk [tilespmem:v10+s3+$0x0], $0xffff;
	[tilespmem:s21+$0xFFFFE3D0] =	vst v17  }
0x1c2: {  	v33 =	vadd.s32 $0x61A8, v5;
	[tilespmem:s21+$0xFFFFE3E0] =	vst v27;
	v11 =	vld.idx.msk [tilespmem:v11+s3+$0x0], $0xffff  }
0x1c3: {  	v34 =	vadd.s32 $0x61A8, v4;
	v18 =	vld.idx.msk [tilespmem:v28+s3+$0x0], $0xffff;
	[tilespmem:s21+$0x40] =	vst v13  }
0x1c4: {  	v35 =	vadd.s32 $0x6978, v7;
	v15 =	vld.idx.msk [tilespmem:v31+s3+$0x0], $0xffff;
	[tilespmem:s21+$0x0] =	vst v8  }
0x1c5: {  	v36 =	vadd.s32 $0x61A8, v1;
	v8 =	vld.idx.msk [tilespmem:v30+s3+$0x0], $0xffff;
	[tilespmem:s21+$0x10] =	vst v9  }
0x1c6: {  	v9 =	vadd.s32 $0x61A8, v3;
	[tilespmem:s21+$0x20] =	vst v10;
	v16 =	vld.idx.msk [tilespmem:v32+s3+$0x0], $0xffff  }
0x1c7: {  	v10 =	vadd.s32 $0x61A8, v2;
	v17 =	vld.idx.msk [tilespmem:v33+s3+$0x0], $0xffff;
	[tilespmem:s21+$0x30] =	vst v11  }
0x1c8: {  	v12 =	vld.idx.msk [tilespmem:v34+s3+$0x0], $0xffff;
	v11 =	vadd.s32 $0x61A8, v0;
	[tilespmem:s21+$0x170] =	vst v18  }
0x1c9: {  	v37 =	vadd.s32 $0x6590, v6;
	[tilespmem:s21+$0x60] =	vst v15;
	v14 =	vld.idx.msk [tilespmem:v35+s3+$0x0], $0xffff  }
0x1ca: {  	v39 =	vadd.s32 $0x6590, v4;
	v18 =	vld.idx.msk [tilespmem:v36+s3+$0x0], $0xffff;
	[tilespmem:s21+$0x50] =	vst v8  }
0x1cb: {  	v38 =	vadd.s32 $0x6D60, v7;
	v9 =	vld.idx.msk [tilespmem:v9+s3+$0x0], $0xffff;
	[tilespmem:s21+$0x80] =	vst v16  }
0x1cc: {  	v8 =	vadd.s32 $0x6590, v5;
	v10 =	vld.idx.msk [tilespmem:v10+s3+$0x0], $0xffff;
	[tilespmem:s21+$0x90] =	vst v17  }
0x1cd: {  	v40 =	vadd.s32 $0x6590, v3;
	[tilespmem:s21+$0xA0] =	vst v12;
	v11 =	vld.idx.msk [tilespmem:v11+s3+$0x0], $0xffff  }
0x1ce: {  	v41 =	vadd.s32 $0x6590, v2;
	v13 =	vld.idx.msk [tilespmem:v37+s3+$0x0], $0xffff;
	[tilespmem:s21+$0x1F0] =	vst v14  }
0x1cf: {  	v42 =	vadd.s32 $0x6590, v0;
	v16 =	vld.idx.msk [tilespmem:v39+s3+$0x0], $0xffff;
	[tilespmem:s21+$0xE0] =	vst v18  }
0x1d0: {  	v44 =	vadd.s32 $0x6978, v4;
	v15 =	vld.idx.msk [tilespmem:v38+s3+$0x0], $0xffff;
	[tilespmem:s21+$0xB0] =	vst v9  }
0x1d1: {  	v8 =	vld.idx.msk [tilespmem:v8+s3+$0x0], $0xffff;
	v9 =	vadd.s32 $0x6590, v1;
	[tilespmem:s21+$0xC0] =	vst v10  }
0x1d2: {  	v10 =	vadd.s32 $0x6978, v6;
	v17 =	vld.idx.msk [tilespmem:v40+s3+$0x0], $0xffff;
	[tilespmem:s21+$0xD0] =	vst v11  }
0x1d3: {  	v43 =	vadd.s32 $0x6978, v5;
	v12 =	vld.idx.msk [tilespmem:v41+s3+$0x0], $0xffff;
	[tilespmem:s21+$0x100] =	vst v13  }
0x1d4: {  	v11 =	vadd.s32 $0x7148, v7;
	[tilespmem:s21+$0x120] =	vst v16;
	v14 =	vld.idx.msk [tilespmem:v42+s3+$0x0], $0xffff  }
0x1d5: {  	v45 =	vadd.s32 $0x6978, v2;
	v13 =	vld.idx.msk [tilespmem:v44+s3+$0x0], $0xffff;
	[tilespmem:s21+$0x270] =	vst v15  }
0x1d6: {  	v46 =	vadd.s32 $0x6978, v0;
	[tilespmem:s21+$0x110] =	vst v8;
	v9 =	vld.idx.msk [tilespmem:v9+s3+$0x0], $0xffff  }
0x1d7: {  	v8 =	vadd.s32 $0x6978, v3;
	v10 =	vld.idx.msk [tilespmem:v10+s3+$0x0], $0xffff;
	[tilespmem:s21+$0x130] =	vst v17  }
0x1d8: {  	v47 =	vadd.s32 $0x6978, v1;
	v18 =	vld.idx.msk [tilespmem:v43+s3+$0x0], $0xffff;
	[tilespmem:s21+$0x140] =	vst v12  }
0x1d9: {  	v49 =	vadd.s32 $0x6D60, v6;
	v11 =	vld.idx.msk [tilespmem:v11+s3+$0x0], $0xffff;
	[tilespmem:s21+$0x150] =	vst v14  }
0x1da: {  	v48 =	vadd.s32 $0x7530, v7;
	v15 =	vld.idx.msk [tilespmem:v45+s3+$0x0], $0xffff;
	[tilespmem:s21+$0x1A0] =	vst v13  }
0x1db: {  	v50 =	vadd.s32 $0x6D60, v2;
	v16 =	vld.idx.msk [tilespmem:v46+s3+$0x0], $0xffff;
	[tilespmem:s21+$0x160] =	vst v9  }
0x1dc: {  	v8 =	vld.idx.msk [tilespmem:v8+s3+$0x0], $0xffff;
	v9 =	vadd.s32 $0x6D60, v5;
	[tilespmem:s21+$0x180] =	vst v10  }
0x1dd: {  	v10 =	vadd.s32 $0x6D60, v4;
	v17 =	vld.idx.msk [tilespmem:v47+s3+$0x0], $0xffff;
	[tilespmem:s21+$0x190] =	vst v18  }
0x1de: {  	v51 =	vadd.s32 $0x6D60, v0;
	v14 =	vld.idx.msk [tilespmem:v49+s3+$0x0], $0xffff;
	[tilespmem:s21+$0x2F0] =	vst v11  }
0x1df: {  	v11 =	vadd.s32 $0x6D60, v3;
	[tilespmem:s21+$0x1C0] =	vst v15;
	v12 =	vld.idx.msk [tilespmem:v48+s3+$0x0], $0xffff  }
0x1e0: {  	v52 =	vadd.s32 $0x7148, v6;
	v54 =	vld.idx.msk [tilespmem:v50+s3+$0x0], $0xffff;
	[tilespmem:s21+$0x1D0] =	vst v16  }
0x1e1: {  	v7 =	vadd.s32 $0x7918, v7;
	[tilespmem:s21+$0x1B0] =	vst v8;
	v8 =	vld.idx.msk [tilespmem:v9+s3+$0x0], $0xffff  }
0x1e2: {  	v9 =	vadd.s32 $0x6D60, v1;
	v10 =	vld.idx.msk [tilespmem:v10+s3+$0x0], $0xffff;
	[tilespmem:s21+$0x1E0] =	vst v17  }
0x1e3: {  	v53 =	vadd.s32 $0x7148, v5;
	v13 =	vld.idx.msk [tilespmem:v51+s3+$0x0], $0xffff;
	[tilespmem:s21+$0x200] =	vst v14  }
0x1e4: {  	v55 =	vadd.s32 $0x7148, v4;
	v11 =	vld.idx.msk [tilespmem:v11+s3+$0x0], $0xffff;
	[tilespmem:s21+$0x370] =	vst v12  }
0x1e5: {  	v56 =	vadd.s32 $0x7148, v3;
	v15 =	vld.idx.msk [tilespmem:v52+s3+$0x0], $0xffff;
	[tilespmem:s21+$0x240] =	vst v54  }
0x1e6: {  	v57 =	vadd.s32 $0x7530, v6;
	v7 =	vld.idx.msk [tilespmem:v7+s3+$0x0], $0xffff;
	[tilespmem:s21+$0x210] =	vst v8  }
0x1e7: {  	v8 =	vadd.s32 $0x7148, v2;
	v9 =	vld.idx.msk [tilespmem:v9+s3+$0x0], $0xffff;
	[tilespmem:s21+$0x220] =	vst v10  }
0x1e8: {  	v10 =	vadd.s32 $0x7148, v0;
	[tilespmem:s21+$0x250] =	vst v13;
	v16 =	vld.idx.msk [tilespmem:v53+s3+$0x0], $0xffff  }
0x1e9: {  	v12 =	vld.idx.msk [tilespmem:v55+s3+$0x0], $0xffff;
	[tilespmem:s21+$0x230] =	vst v11;
	v11 =	vadd.s32 $0x7148, v1  }
0x1ea: {  	v58 =	vadd.s32 $0x7530, v5;
	[tilespmem:s21+$0x280] =	vst v15;
	v14 =	vld.idx.msk [tilespmem:v56+s3+$0x0], $0xffff  }
0x1eb: {  	v17 =	vld.idx.msk [tilespmem:v57+s3+$0x0], $0xffff;
	[tilespmem:s21+$0x3F0] =	vst v7;
	v7 =	vadd.s32 $0x7530, v4  }
0x1ec: {  	v8 =	vld.idx.msk [tilespmem:v8+s3+$0x0], $0xffff;
	[tilespmem:s21+$0x260] =	vst v9;
	v9 =	vadd.s32 $0x7530, v3  }
0x1ed: {  	v59 =	vadd.s32 $0x7530, v2;
	v10 =	vld.idx.msk [tilespmem:v10+s3+$0x0], $0xffff;
	[tilespmem:s21+$0x290] =	vst v16  }
0x1ee: {  	v60 =	vadd.s32 $0x7530, v0;
	[tilespmem:s21+$0x2A0] =	vst v12;
	v11 =	vld.idx.msk [tilespmem:v11+s3+$0x0], $0xffff  }
0x1ef: {  	v6 =	vadd.s32 $0x7918, v6;
	v13 =	vld.idx.msk [tilespmem:v58+s3+$0x0], $0xffff;
	[tilespmem:s21+$0x2B0] =	vst v14  }
0x1f0: {  	v61 =	vadd.s32 $0x7530, v1;
	[tilespmem:s21+$0x300] =	vst v17;
	v7 =	vld.idx.msk [tilespmem:v7+s3+$0x0], $0xffff  }
0x1f1: {  	v5 =	vadd.s32 $0x7918, v5;
	[tilespmem:s21+$0x2C0] =	vst v8;
	v9 =	vld.idx.msk [tilespmem:v9+s3+$0x0], $0xffff  }
0x1f2: {  	v4 =	vadd.s32 $0x7918, v4;
	[tilespmem:s21+$0x2D0] =	vst v10;
	v10 =	vld.idx.msk [tilespmem:v59+s3+$0x0], $0xffff  }
0x1f3: {  	v62 =	vld.idx.msk [tilespmem:v60+s3+$0x0], $0xffff;
	[tilespmem:s21+$0x2E0] =	vst v11;
	v11 =	vadd.s32 $0x7918, v3  }
0x1f4: {  	v63 =	vadd.s32 $0x7918, v2;
	v3 =	vld.idx.msk [tilespmem:v6+s3+$0x0], $0xffff  }
0x1f5: {  	[tilespmem:s21+$0x310] =	vst v13;
	v8 =	vld.idx.msk [tilespmem:v61+s3+$0x0], $0xffff  }
0x1f6: {  	v6 =	vld.idx.msk [tilespmem:v5+s3+$0x0], $0xffff;
	[tilespmem:s21+$0x320] =	vst v7  }
0x1f7: {  	[tilespmem:s21+$0x330] =	vst v9;
	v7 =	vld.idx.msk [tilespmem:v4+s3+$0x0], $0xffff  }
0x1f8: {  	[tilespmem:s21+$0x340] =	vst v10;
	v9 =	vld.idx.msk [tilespmem:v11+s3+$0x0], $0xffff  }
0x1f9: {  	s23 =	simm.s32 $0xFAC0;
	s22 =	simm.s32 $0x0;
	v2 =	vadd.s32 $0x7918, v0;
	v0 =	vadd.s32 $0x7918, v1;
	[tilespmem:s21+$0x350] =	vst v62;
	v10 =	vld.idx.msk [tilespmem:v63+s3+$0x0], $0xffff  }
.LBB2_5:
0x1fa: {  	v1 =	vld [tilespmem:s23+$0x30]  }
0x1fb: {  	v4 =	vld [tilespmem:s23+$0xFFFFFFD0]  }
0x1fc: {  	v5 =	vld [tilespmem:s23+$0xFFFFFFE0]  }
0x1fd: {  	v47 =	vld [tilespmem:s23+$0xFFFFFFF0]  }
0x1fe: {  	v48 =	vld [tilespmem:s23+$0x0];
	[tilespmem:s21+$0x360] =	vst v8  }
0x1ff: {  	v51 =	vld [tilespmem:s23+$0x10];
	[tilespmem:s21+$0x380] =	vst v3  }
0x200: {  	v11 =	vld.idx.msk [tilespmem:v2+s3+$0x0], $0xffff;
	[tilespmem:s21+$0x390] =	vst v6  }
0x201: {  	[tilespmem:s21+$0x3A0] =	vst v7;
	v6 =	vadd.s32 $0x3E80, v1;
	v55 =	vld [tilespmem:s23+$0x20]  }
0x202: {  	[tilespmem:s21+$0x3B0] =	vst v9;
	v7 =	vadd.s32 $0x3E80, v4;
	v9 =	vld [tilespmem:s23+$0xFFFFFFC0]  }
0x203: {  	v8 =	vadd.s32 $0x3E80, v5;
	v14 =	vld.idx.msk [tilespmem:v0+s3+$0x0], $0xffff  }
0x204: {  	[tilespmem:s21+$0x3C0] =	vst v10;
	v10 =	vadd.s32 $0x3E80, v47  }
0x205: {  	v12 =	vadd.s32 $0x3E80, v48  }
0x206: {  	v13 =	vadd.s32 $0x3E80, v51;
	[tilespmem:s21+$0x3D0] =	vst v11;
	v0 =	vadd.s32 $0x5DC0, v4;
	v15 =	vld.idx.msk [tilespmem:v6+s3+$0x0], $0xffff  }
0x207: {  	[tilespmem:$0x1FC00] =	vst v0;
	v17 =	vld.idx.msk [tilespmem:v7+s3+$0x0], $0xffff;
	v18 =	vadd.s32 $0x3E80, v55  }
0x208: {  	v22 =	vadd.s32 $0x3E80, v9;
	v23 =	vld.idx.msk [tilespmem:v8+s3+$0x0], $0xffff;
	[tilespmem:s21+$0x3E0] =	vst v14;
	v2 =	vadd.s32 $0x61A8, v9  }
0x209: {  	v24 =	vadd.s32 $0x4268, v1;
	v27 =	vld.idx.msk [tilespmem:v10+s3+$0x0], $0xffff;
	[tilespmem:$0x1FC10] =	vst v2;
	v2 =	vadd.s32 $0x61A8, v4  }
0x20a: {  	v21 =	vadd.s32 $0x4268, v4;
	v28 =	vld.idx.msk [tilespmem:v12+s3+$0x0], $0xffff;
	s21 =	sadd.s32 $0x400, s21;
	[tilespmem:$0x1FC20] =	vst v2  }
0x20b: {  	v25 =	vadd.s32 $0x4268, v5;
	v34 =	vld.idx.msk [tilespmem:v13+s3+$0x0], $0xffff;
	[tilespmem:s21+$0xFFFFE070] =	vst v15  }
0x20c: {  	v29 =	vadd.s32 $0x4268, v47;
	v36 =	vld.idx.msk [tilespmem:v18+s3+$0x0], $0xffff;
	[tilespmem:s21+$0xFFFFE010] =	vst v17  }
0x20d: {  	v32 =	vadd.s32 $0x4268, v48;
	v45 =	vld.idx.msk [tilespmem:v22+s3+$0x0], $0xffff;
	[tilespmem:s21+$0xFFFFE020] =	vst v23  }
0x20e: {  	v35 =	vadd.s32 $0x4268, v51;
	[tilespmem:s21+$0xFFFFE030] =	vst v27;
	v44 =	vld.idx.msk [tilespmem:v24+s3+$0x0], $0xffff  }
0x20f: {  	[tilespmem:s21+$0xFFFFE040] =	vst v28;
	v46 =	vld.idx.msk [tilespmem:v21+s3+$0x0], $0xffff  }
0x210: {  	[tilespmem:s21+$0xFFFFE050] =	vst v34;
	v50 =	vld.idx.msk [tilespmem:v25+s3+$0x0], $0xffff  }
0x211: {  	v52 =	vld.idx.msk [tilespmem:v29+s3+$0x0], $0xffff;
	[tilespmem:s21+$0xFFFFE060] =	vst v36  }
0x212: {  	v43 =	vadd.s32 $0x4268, v9;
	v38 =	vld.idx.msk [tilespmem:v32+s3+$0x0], $0xffff;
	[tilespmem:s21+$0xFFFFE000] =	vst v45  }
0x213: {  	v42 =	vadd.s32 $0x4268, v55;
	v7 =	vld.idx.msk [tilespmem:v35+s3+$0x0], $0xffff;
	[tilespmem:s21+$0xFFFFE0F0] =	vst v44  }
0x214: {  	v49 =	vadd.s32 $0x4650, v1;
	[tilespmem:s21+$0xFFFFE090] =	vst v46  }
0x215: {  	[tilespmem:s21+$0xFFFFE0A0] =	vst v50  }
0x216: {  	v53 =	vadd.s32 $0x4650, v4;
	[tilespmem:s21+$0xFFFFE0B0] =	vst v52  }
0x217: {  	v39 =	vadd.s32 $0x4650, v5;
	v3 =	vld.idx.msk [tilespmem:v43+s3+$0x0], $0xffff;
	[tilespmem:s21+$0xFFFFE0C0] =	vst v38  }
0x218: {  	v40 =	vadd.s32 $0x4650, v47;
	v6 =	vld.idx.msk [tilespmem:v42+s3+$0x0], $0xffff;
	[tilespmem:s21+$0xFFFFE0D0] =	vst v7;
	v7 =	vadd.s32 $0x61A8, v51  }
0x219: {  	v10 =	vld.idx.msk [tilespmem:v49+s3+$0x0], $0xffff;
	[tilespmem:$0x1FC30] =	vst v7;
	v7 =	vadd.s32 $0x6590, v9  }
0x21a: {  	[tilespmem:$0x1FC40] =	vst v7;
	v7 =	vadd.s32 $0x6590, v4  }
0x21b: {  	v8 =	vld.idx.msk [tilespmem:v53+s3+$0x0], $0xffff;
	[tilespmem:$0x1FC50] =	vst v7  }
0x21c: {  	v2 =	vld.idx.msk [tilespmem:v39+s3+$0x0], $0xffff;
	[tilespmem:s21+$0xFFFFE080] =	vst v3  }
0x21d: {  	v11 =	vld.idx.msk [tilespmem:v40+s3+$0x0], $0xffff;
	[tilespmem:s21+$0xFFFFE0E0] =	vst v6  }
0x21e: {  	v6 =	vadd.s32 $0x6590, v55;
	[tilespmem:s21+$0xFFFFE170] =	vst v10  }
0x21f: {  	[tilespmem:$0x1FC90] =	vst v6  }
0x220: {  	v41 =	vadd.s32 $0x4650, v48;
	[tilespmem:s21+$0xFFFFE110] =	vst v8  }
0x221: {  	[tilespmem:s21+$0xFFFFE120] =	vst v2  }
0x222: {  	v10 =	vadd.s32 $0x6590, v47;
	[tilespmem:s21+$0xFFFFE130] =	vst v11  }
0x223: {  	v6 =	vadd.s32 $0x6978, v4;
	[tilespmem:$0x1FC60] =	vst v10  }
0x224: {  	v2 =	vadd.s32 $0x6978, v47;
	[tilespmem:$0x1FCB0] =	vst v6  }
0x225: {  	v16 =	vadd.s32 $0x4650, v9;
	v7 =	vld.idx.msk [tilespmem:v41+s3+$0x0], $0xffff;
	v11 =	vadd.s32 $0x6978, v55;
	[tilespmem:$0x1FCD0] =	vst v2  }
0x226: {  	v0 =	vadd.s32 $0x4A38, v1;
	v10 =	vadd.s32 $0x6590, v48;
	[tilespmem:$0x1FD00] =	vst v11  }
0x227: {  	v20 =	vadd.s32 $0x4A38, v5;
	v6 =	vadd.s32 $0x6978, v5;
	[tilespmem:$0x1FC70] =	vst v10  }
0x228: {  	v2 =	vadd.s32 $0x6978, v48;
	[tilespmem:$0x1FCC0] =	vst v6  }
0x229: {  	[tilespmem:$0x1FCE0] =	vst v2  }
0x22a: {  	v26 =	vadd.s32 $0x4650, v51;
	v10 =	vld.idx.msk [tilespmem:v16+s3+$0x0], $0xffff;
	v16 =	vadd.s32 $0x6978, v9;
	[tilespmem:s21+$0xFFFFE140] =	vst v7  }
0x22b: {  	v0 =	vld.idx.msk [tilespmem:v0+s3+$0x0], $0xffff;
	v2 =	vadd.s32 $0x6978, v51;
	[tilespmem:$0x1FCA0] =	vst v16  }
0x22c: {  	v30 =	vadd.s32 $0x4650, v55;
	v11 =	vld.idx.msk [tilespmem:v20+s3+$0x0], $0xffff;
	v7 =	vadd.s32 $0x6D60, v48;
	[tilespmem:$0x1FCF0] =	vst v2  }
0x22d: {  	v16 =	vadd.s32 $0x6590, v51;
	[tilespmem:$0x1FD50] =	vst v7  }
0x22e: {  	v19 =	vadd.s32 $0x4A38, v4;
	v7 =	vadd.s32 $0x7148, v9;
	[tilespmem:$0x1FC80] =	vst v16  }
0x22f: {  	v31 =	vadd.s32 $0x4A38, v47;
	v6 =	vld.idx.msk [tilespmem:v26+s3+$0x0], $0xffff;
	[tilespmem:$0x1FD80] =	vst v7  }
0x230: {  	[tilespmem:s21+$0xFFFFE1F0] =	vst v0  }
0x231: {  	v8 =	vadd.s32 $0x4E20, v1;
	v2 =	vld.idx.msk [tilespmem:v30+s3+$0x0], $0xffff;
	[tilespmem:s21+$0xFFFFE1A0] =	vst v11  }
0x232: {  	v12 =	vadd.s32 $0x4A38, v48;
	v0 =	vadd.s32 $0x7148, v4;
	[tilespmem:s21+$0xFFFFE100] =	vst v10  }
0x233: {  	v33 =	vadd.s32 $0x4A38, v9;
	v16 =	vld.idx.msk [tilespmem:v19+s3+$0x0], $0xffff;
	[tilespmem:$0x1FD90] =	vst v0  }
0x234: {  	v13 =	vadd.s32 $0x4A38, v51;
	v7 =	vld.idx.msk [tilespmem:v31+s3+$0x0], $0xffff;
	v0 =	vadd.s32 $0x7148, v5;
	[tilespmem:s21+$0xFFFFE150] =	vst v6  }
0x235: {  	v37 =	vadd.s32 $0x4A38, v55;
	[tilespmem:$0x1FDA0] =	vst v0  }
0x236: {  	v54 =	vadd.s32 $0x4E20, v5;
	v8 =	vld.idx.msk [tilespmem:v8+s3+$0x0], $0xffff;
	v0 =	vadd.s32 $0x7148, v47;
	[tilespmem:s21+$0xFFFFE160] =	vst v2  }
0x237: {  	v14 =	vadd.s32 $0x4E20, v4;
	v6 =	vld.idx.msk [tilespmem:v12+s3+$0x0], $0xffff;
	[tilespmem:$0x1FDB0] =	vst v0  }
0x238: {  	v56 =	vadd.s32 $0x4E20, v47;
	v10 =	vld.idx.msk [tilespmem:v33+s3+$0x0], $0xffff;
	[tilespmem:s21+$0xFFFFE190] =	vst v16  }
0x239: {  	v58 =	vadd.s32 $0x4E20, v9;
	v13 =	vld.idx.msk [tilespmem:v13+s3+$0x0], $0xffff;
	v0 =	vadd.s32 $0x7148, v48;
	[tilespmem:s21+$0xFFFFE1B0] =	vst v7  }
0x23a: {  	v57 =	vadd.s32 $0x4E20, v55;
	v12 =	vadd.s32 $0x5208, v1;
	v11 =	vld.idx.msk [tilespmem:v37+s3+$0x0], $0xffff;
	[tilespmem:$0x1FDC0] =	vst v0;
	v0 =	vadd.s32 $0x7148, v51  }
0x23b: {  	v15 =	vadd.s32 $0x4E20, v48;
	v18 =	vadd.s32 $0x4E20, v51;
	v7 =	vld.idx.msk [tilespmem:v54+s3+$0x0], $0xffff;
	[tilespmem:$0x1FDD0] =	vst v0;
	v0 =	vadd.s32 $0x7530, v5  }
0x23c: {  	v25 =	vadd.s32 $0x5208, v55;
	v36 =	vadd.s32 $0x55F0, v55;
	v43 =	vadd.s32 $0x59D8, v55;
	v14 =	vld.idx.msk [tilespmem:v14+s3+$0x0], $0xffff;
	[tilespmem:$0x1FDE0] =	vst v0  }
0x23d: {  	v53 =	vadd.s32 $0x5DC0, v55;
	v41 =	vadd.s32 $0x61A8, v55;
	v20 =	vadd.s32 $0x7530, v55;
	[tilespmem:s21+$0xFFFFE1C0] =	vst v6;
	v6 =	vld.idx.msk [tilespmem:v56+s3+$0x0], $0xffff  }
0x23e: {  	v31 =	vadd.s32 $0x6D60, v55;
	v33 =	vadd.s32 $0x7148, v55;
	v0 =	vadd.s32 $0x7918, v55;
	[tilespmem:s21+$0xFFFFE270] =	vst v8;
	v55 =	vld [tilespmem:$0x1FC30]  }
0x23f: {  	[tilespmem:s21+$0xFFFFE180] =	vst v10;
	v8 =	vld.idx.msk [tilespmem:v12+s3+$0x0], $0xffff  }
0x240: {  	v17 =	vadd.s32 $0x5208, v4;
	v10 =	vld.idx.msk [tilespmem:v58+s3+$0x0], $0xffff  }
0x241: {  	v23 =	vadd.s32 $0x5208, v5;
	[tilespmem:s21+$0xFFFFE1D0] =	vst v13;
	v58 =	vld.idx.msk [tilespmem:v15+s3+$0x0], $0xffff  }
0x242: {  	v24 =	vadd.s32 $0x5208, v47;
	[tilespmem:s21+$0xFFFFE1E0] =	vst v11;
	v11 =	vld.idx.msk [tilespmem:v18+s3+$0x0], $0xffff  }
0x243: {  	v56 =	vadd.s32 $0x55F0, v1;
	[tilespmem:s21+$0xFFFFE220] =	vst v7;
	v7 =	vld.idx.msk [tilespmem:v57+s3+$0x0], $0xffff  }
0x244: {  	[tilespmem:s21+$0xFFFFE210] =	vst v14;
	v57 =	vld [tilespmem:$0x1FC50]  }
0x245: {  	v14 =	vld.idx.msk [tilespmem:v17+s3+$0x0], $0xffff  }
0x246: {  	v22 =	vadd.s32 $0x5208, v9;
	[tilespmem:s21+$0xFFFFE230] =	vst v6;
	v6 =	vld.idx.msk [tilespmem:v23+s3+$0x0], $0xffff  }
0x247: {  	v27 =	vadd.s32 $0x5208, v48;
	[tilespmem:s21+$0xFFFFE2F0] =	vst v8;
	v24 =	vld.idx.msk [tilespmem:v24+s3+$0x0], $0xffff  }
0x248: {  	v21 =	vadd.s32 $0x5208, v51;
	v8 =	vld.idx.msk [tilespmem:v56+s3+$0x0], $0xffff  }
0x249: {  	[tilespmem:s21+$0xFFFFE200] =	vst v10;
	v56 =	vld [tilespmem:$0x1FC40]  }
0x24a: {  	v28 =	vadd.s32 $0x55F0, v4;
	v30 =	vadd.s32 $0x6D60, v9;
	[tilespmem:s21+$0xFFFFE240] =	vst v58;
	v58 =	vld [tilespmem:$0x1FC90]  }
0x24b: {  	v60 =	vadd.s32 $0x55F0, v5;
	[tilespmem:$0x1FD10] =	vst v30;
	v10 =	vld.idx.msk [tilespmem:v22+s3+$0x0], $0xffff  }
0x24c: {  	[tilespmem:s21+$0xFFFFE250] =	vst v11;
	v11 =	vld.idx.msk [tilespmem:v27+s3+$0x0], $0xffff  }
0x24d: {  	v23 =	vadd.s32 $0x59D8, v1;
	[tilespmem:s21+$0xFFFFE260] =	vst v7;
	v7 =	vld.idx.msk [tilespmem:v21+s3+$0x0], $0xffff  }
0x24e: {  	v61 =	vadd.s32 $0x55F0, v47;
	[tilespmem:s21+$0xFFFFE290] =	vst v14;
	v25 =	vld.idx.msk [tilespmem:v25+s3+$0x0], $0xffff  }
0x24f: {  	v29 =	vadd.s32 $0x55F0, v48;
	v30 =	vadd.s32 $0x6D60, v5;
	[tilespmem:s21+$0xFFFFE2A0] =	vst v6;
	v6 =	vld.idx.msk [tilespmem:v28+s3+$0x0], $0xffff  }
0x250: {  	[tilespmem:$0x1FD30] =	vst v30;
	v28 =	vld.idx.msk [tilespmem:v60+s3+$0x0], $0xffff  }
0x251: {  	v59 =	vadd.s32 $0x55F0, v9;
	v60 =	vld [tilespmem:$0x1FCF0];
	[tilespmem:s21+$0xFFFFE370] =	vst v8  }
0x252: {  	v32 =	vadd.s32 $0x55F0, v51;
	[tilespmem:s21+$0xFFFFE2B0] =	vst v24;
	v8 =	vld.idx.msk [tilespmem:v23+s3+$0x0], $0xffff  }
0x253: {  	v63 =	vadd.s32 $0x59D8, v5;
	[tilespmem:s21+$0xFFFFE2C0] =	vst v11;
	v11 =	vld.idx.msk [tilespmem:v61+s3+$0x0], $0xffff  }
0x254: {  	v35 =	vadd.s32 $0x59D8, v47;
	[tilespmem:s21+$0xFFFFE2D0] =	vst v7;
	v7 =	vld.idx.msk [tilespmem:v29+s3+$0x0], $0xffff  }
0x255: {  	[tilespmem:s21+$0xFFFFE280] =	vst v10;
	v61 =	vld [tilespmem:$0x1FD00]  }
0x256: {  	v62 =	vadd.s32 $0x59D8, v4;
	v10 =	vld.idx.msk [tilespmem:v59+s3+$0x0], $0xffff;
	[tilespmem:s21+$0xFFFFE2E0] =	vst v25  }
0x257: {  	v27 =	vadd.s32 $0x5DC0, v1;
	v32 =	vld.idx.msk [tilespmem:v32+s3+$0x0], $0xffff;
	[tilespmem:s21+$0xFFFFE320] =	vst v28  }
0x258: {  	[tilespmem:s21+$0xFFFFE330] =	vst v11;
	v11 =	vld.idx.msk [tilespmem:v63+s3+$0x0], $0xffff  }
0x259: {  	v46 =	vadd.s32 $0x5DC0, v5;
	[tilespmem:s21+$0xFFFFE340] =	vst v7;
	v7 =	vld.idx.msk [tilespmem:v35+s3+$0x0], $0xffff  }
0x25a: {  	v34 =	vadd.s32 $0x59D8, v9;
	[tilespmem:s21+$0xFFFFE310] =	vst v6;
	v6 =	vld.idx.msk [tilespmem:v36+s3+$0x0], $0xffff  }
0x25b: {  	v37 =	vld.idx.msk [tilespmem:v62+s3+$0x0], $0xffff;
	[tilespmem:s21+$0xFFFFE3F0] =	vst v8  }
0x25c: {  	v44 =	vadd.s32 $0x59D8, v48;
	[tilespmem:s21+$0xFFFFE300] =	vst v10;
	v8 =	vld.idx.msk [tilespmem:v27+s3+$0x0], $0xffff  }
0x25d: {  	v45 =	vadd.s32 $0x59D8, v51;
	[tilespmem:s21+$0xFFFFE3A0] =	vst v11;
	v11 =	vld [tilespmem:$0x1FC00]  }
0x25e: {  	[tilespmem:s21+$0xFFFFE3B0] =	vst v7;
	v7 =	vld.idx.msk [tilespmem:v46+s3+$0x0], $0xffff  }
0x25f: {  	[tilespmem:s21+$0xFFFFE350] =	vst v32;
	v10 =	vld.idx.msk [tilespmem:v34+s3+$0x0], $0xffff  }
0x260: {  	v59 =	vld [tilespmem:$0x1FCA0];
	[tilespmem:s21+$0xFFFFE360] =	vst v6  }
0x261: {  	v44 =	vld.idx.msk [tilespmem:v44+s3+$0x0], $0xffff;
	[tilespmem:s21+$0xFFFFE390] =	vst v37  }
0x262: {  	v36 =	vadd.s32 $0x61A8, v1;
	[tilespmem:s21+$0x70] =	vst v8;
	v8 =	vld.idx.msk [tilespmem:v45+s3+$0x0], $0xffff  }
0x263: {  	v50 =	vadd.s32 $0x5DC0, v47;
	[tilespmem:s21+$0x20] =	vst v7;
	v7 =	vld [tilespmem:$0x1FC20]  }
0x264: {  	v42 =	vadd.s32 $0x5DC0, v48;
	v30 =	vadd.s32 $0x6D60, v51;
	[tilespmem:s21+$0xFFFFE380] =	vst v10;
	v10 =	vld.idx.msk [tilespmem:v43+s3+$0x0], $0xffff  }
0x265: {  	[tilespmem:$0x1FD60] =	vst v30;
	v11 =	vld.idx.msk [tilespmem:v11+s3+$0x0], $0xffff  }
0x266: {  	[tilespmem:$0x1FD70] =	vst v31;
	v62 =	vld [tilespmem:$0x1FD60]  }
0x267: {  	v52 =	vadd.s32 $0x5DC0, v51;
	v49 =	vadd.s32 $0x5DC0, v9;
	v31 =	vadd.s32 $0x7530, v9;
	v6 =	vld.idx.msk [tilespmem:v36+s3+$0x0], $0xffff;
	[tilespmem:s21+$0xFFFFE3C0] =	vst v44  }
0x268: {  	v2 =	vadd.s32 $0x7918, v51;
	v16 =	vadd.s32 $0x7918, v9;
	v9 =	vadd.s32 $0x7530, v51;
	v51 =	vld.idx.msk [tilespmem:v50+s3+$0x0], $0xffff;
	[tilespmem:s21+$0xFFFFE3D0] =	vst v8  }
0x269: {  	v45 =	vadd.s32 $0x6590, v1;
	v8 =	vld.idx.msk [tilespmem:v42+s3+$0x0], $0xffff;
	[tilespmem:s21+$0xFFFFE3E0] =	vst v10  }
0x26a: {  	v38 =	vadd.s32 $0x61A8, v47;
	[tilespmem:s21+$0x10] =	vst v11;
	v11 =	vld.idx.msk [tilespmem:v53+s3+$0x0], $0xffff  }
0x26b: {  	v7 =	vld.idx.msk [tilespmem:v7+s3+$0x0], $0xffff  }
0x26c: {  	v49 =	vld.idx.msk [tilespmem:v49+s3+$0x0], $0xffff;
	[tilespmem:s21+$0xF0] =	vst v6  }
0x26d: {  	v39 =	vadd.s32 $0x61A8, v5;
	v10 =	vld.idx.msk [tilespmem:v52+s3+$0x0], $0xffff;
	[tilespmem:s21+$0x30] =	vst v51  }
0x26e: {  	v40 =	vadd.s32 $0x61A8, v48;
	v6 =	vld.idx.msk [tilespmem:v45+s3+$0x0], $0xffff;
	[tilespmem:s21+$0x40] =	vst v8  }
0x26f: {  	v52 =	vadd.s32 $0x6978, v1;
	v8 =	vld.idx.msk [tilespmem:v38+s3+$0x0], $0xffff;
	[tilespmem:s21+$0x60] =	vst v11  }
0x270: {  	[tilespmem:s21+$0x90] =	vst v7;
	v7 =	vld.idx.msk [tilespmem:v41+s3+$0x0], $0xffff  }
0x271: {  	v53 =	vld [tilespmem:$0x1FC10]  }
0x272: {  	v54 =	vld.idx.msk [tilespmem:v39+s3+$0x0], $0xffff;
	[tilespmem:s21+$0x50] =	vst v10  }
0x273: {  	v3 =	vadd.s32 $0x6590, v5;
	v10 =	vld.idx.msk [tilespmem:v40+s3+$0x0], $0xffff;
	[tilespmem:s21+$0x170] =	vst v6  }
0x274: {  	v6 =	vld.idx.msk [tilespmem:v52+s3+$0x0], $0xffff  }
0x275: {  	v11 =	vadd.s32 $0x6D60, v1;
	[tilespmem:s21+$0xE0] =	vst v7;
	v7 =	vld [tilespmem:$0x1FC80]  }
0x276: {  	[tilespmem:s21+$0xB0] =	vst v8;
	v8 =	vld [tilespmem:$0x1FC60]  }
0x277: {  	[tilespmem:s21+$0xA0] =	vst v54;
	v12 =	vld.idx.msk [tilespmem:v55+s3+$0x0], $0xffff  }
0x278: {  	[tilespmem:s21+$0x0] =	vst v49;
	v3 =	vld.idx.msk [tilespmem:v3+s3+$0x0], $0xffff  }
0x279: {  	[tilespmem:s21+$0x1F0] =	vst v6;
	v13 =	vld.idx.msk [tilespmem:v53+s3+$0x0], $0xffff  }
0x27a: {  	v6 =	vld.idx.msk [tilespmem:v11+s3+$0x0], $0xffff  }
0x27b: {  	[tilespmem:s21+$0xC0] =	vst v10;
	v11 =	vld [tilespmem:$0x1FC70]  }
0x27c: {  	v10 =	vadd.s32 $0x7148, v1;
	[tilespmem:s21+$0xD0] =	vst v12;
	v14 =	vld.idx.msk [tilespmem:v57+s3+$0x0], $0xffff  }
0x27d: {  	v7 =	vld.idx.msk [tilespmem:v7+s3+$0x0], $0xffff  }
0x27e: {  	v8 =	vld.idx.msk [tilespmem:v8+s3+$0x0], $0xffff;
	[tilespmem:s21+$0x80] =	vst v13  }
0x27f: {  	v13 =	vld.idx.msk [tilespmem:v56+s3+$0x0], $0xffff  }
0x280: {  	[tilespmem:s21+$0x270] =	vst v6;
	v6 =	vld [tilespmem:$0x1FCB0]  }
0x281: {  	[tilespmem:s21+$0x120] =	vst v3;
	v3 =	vld.idx.msk [tilespmem:v10+s3+$0x0], $0xffff  }
0x282: {  	v10 =	vadd.s32 $0x7530, v1;
	[tilespmem:s21+$0x150] =	vst v7;
	v7 =	vld [tilespmem:$0x1FCE0]  }
0x283: {  	v11 =	vld.idx.msk [tilespmem:v11+s3+$0x0], $0xffff  }
0x284: {  	[tilespmem:s21+$0x130] =	vst v8;
	v8 =	vld [tilespmem:$0x1FCC0]  }
0x285: {  	v12 =	vld.idx.msk [tilespmem:v58+s3+$0x0], $0xffff;
	[tilespmem:s21+$0x100] =	vst v13  }
0x286: {  	v13 =	vld.idx.msk [tilespmem:v59+s3+$0x0], $0xffff;
	[tilespmem:s21+$0x2F0] =	vst v3  }
0x287: {  	v3 =	vld.idx.msk [tilespmem:v10+s3+$0x0], $0xffff  }
0x288: {  	[tilespmem:s21+$0x140] =	vst v11;
	v11 =	vld [tilespmem:$0x1FCD0]  }
0x289: {  	v10 =	vld [tilespmem:$0x1FD30]  }
0x28a: {  	v26 =	vadd.s32 $0x6D60, v4;
	[tilespmem:s21+$0x110] =	vst v14;
	v7 =	vld.idx.msk [tilespmem:v7+s3+$0x0], $0xffff  }
0x28b: {  	[tilespmem:$0x1FD20] =	vst v26;
	v26 =	vadd.s32 $0x6D60, v47;
	v6 =	vld.idx.msk [tilespmem:v6+s3+$0x0], $0xffff  }
0x28c: {  	[tilespmem:$0x1FD40] =	vst v26;
	v8 =	vld.idx.msk [tilespmem:v8+s3+$0x0], $0xffff  }
0x28d: {  	[tilespmem:s21+$0x160] =	vst v12;
	v12 =	vld.idx.msk [tilespmem:v60+s3+$0x0], $0xffff  }
0x28e: {  	[tilespmem:s21+$0x180] =	vst v13;
	v13 =	vld.idx.msk [tilespmem:v61+s3+$0x0], $0xffff  }
0x28f: {  	v1 =	vadd.s32 $0x7918, v1;
	[tilespmem:s21+$0x1C0] =	vst v7;
	v7 =	vld [tilespmem:$0x1FD40]  }
0x290: {  	v11 =	vld.idx.msk [tilespmem:v11+s3+$0x0], $0xffff  }
0x291: {  	[tilespmem:s21+$0x190] =	vst v6;
	v6 =	vld [tilespmem:$0x1FD10]  }
0x292: {  	[tilespmem:s21+$0x1A0] =	vst v8;
	v8 =	vld [tilespmem:$0x1FD20]  }
0x293: {  	[tilespmem:s21+$0x370] =	vst v3;
	v3 =	vld [tilespmem:$0x1FD70]  }
0x294: {  	v1 =	vld.idx.msk [tilespmem:v1+s3+$0x0], $0xffff  }
0x295: {  	[tilespmem:s21+$0x1B0] =	vst v11;
	v11 =	vld [tilespmem:$0x1FD50]  }
0x296: {  	v10 =	vld.idx.msk [tilespmem:v10+s3+$0x0], $0xffff  }
0x297: {  	[tilespmem:s21+$0x1D0] =	vst v12;
	v7 =	vld.idx.msk [tilespmem:v7+s3+$0x0], $0xffff  }
0x298: {  	v12 =	vld.idx.msk [tilespmem:v62+s3+$0x0], $0xffff  }
0x299: {  	v6 =	vld.idx.msk [tilespmem:v6+s3+$0x0], $0xffff  }
0x29a: {  	v8 =	vld.idx.msk [tilespmem:v8+s3+$0x0], $0xffff  }
0x29b: {  	[tilespmem:s21+$0x3F0] =	vst v1;
	v1 =	vld [tilespmem:$0x1FDD0]  }
0x29c: {  	[tilespmem:s21+$0x230] =	vst v7;
	v7 =	vld [tilespmem:$0x1FDA0]  }
0x29d: {  	v11 =	vld.idx.msk [tilespmem:v11+s3+$0x0], $0xffff  }
0x29e: {  	[tilespmem:s21+$0x200] =	vst v6;
	v6 =	vld [tilespmem:$0x1FD80]  }
0x29f: {  	[tilespmem:s21+$0x210] =	vst v8;
	v8 =	vld [tilespmem:$0x1FD90]  }
0x2a0: {  	[tilespmem:s21+$0x220] =	vst v10;
	v10 =	vld [tilespmem:$0x1FDB0]  }
0x2a1: {  	[tilespmem:s21+$0x1E0] =	vst v13  }
0x2a2: {  	[tilespmem:s21+$0x240] =	vst v11;
	v11 =	vld [tilespmem:$0x1FDC0]  }
0x2a3: {  	v3 =	vld.idx.msk [tilespmem:v3+s3+$0x0], $0xffff  }
0x2a4: {  	[tilespmem:s21+$0x250] =	vst v12;
	v7 =	vld.idx.msk [tilespmem:v7+s3+$0x0], $0xffff  }
0x2a5: {  	v1 =	vld.idx.msk [tilespmem:v1+s3+$0x0], $0xffff  }
0x2a6: {  	v6 =	vld.idx.msk [tilespmem:v6+s3+$0x0], $0xffff  }
0x2a7: {  	v8 =	vld.idx.msk [tilespmem:v8+s3+$0x0], $0xffff  }
0x2a8: {  	v10 =	vld.idx.msk [tilespmem:v10+s3+$0x0], $0xffff  }
0x2a9: {  	v26 =	vadd.s32 $0x7530, v4;
	[tilespmem:s21+$0x2A0] =	vst v7;
	v7 =	vld [tilespmem:$0x1FDE0]  }
0x2aa: {  	v30 =	vadd.s32 $0x7530, v47;
	[tilespmem:s21+$0x260] =	vst v3;
	v11 =	vld.idx.msk [tilespmem:v11+s3+$0x0], $0xffff  }
0x2ab: {  	v19 =	vadd.s32 $0x7530, v48;
	v3 =	vld.idx.msk [tilespmem:v33+s3+$0x0], $0xffff;
	[tilespmem:s21+$0x2D0] =	vst v1  }
0x2ac: {  	v1 =	vld.idx.msk [tilespmem:v9+s3+$0x0], $0xffff;
	[tilespmem:s21+$0x280] =	vst v6  }
0x2ad: {  	v6 =	vld.idx.msk [tilespmem:v31+s3+$0x0], $0xffff;
	[tilespmem:s21+$0x290] =	vst v8  }
0x2ae: {  	v63 =	vld.idx.msk [tilespmem:v26+s3+$0x0], $0xffff;
	[tilespmem:s21+$0x2B0] =	vst v10  }
0x2af: {  	v4 =	vadd.s32 $0x7918, v4;
	v10 =	vld.idx.msk [tilespmem:v30+s3+$0x0], $0xffff;
	[tilespmem:s21+$0x2C0] =	vst v11  }
0x2b0: {  	v47 =	vadd.s32 $0x7918, v47;
	v11 =	vld.idx.msk [tilespmem:v19+s3+$0x0], $0xffff  }
0x2b1: {  	s22 =	sadd.s32 $0x8, s22;
	v48 =	vadd.s32 $0x7918, v48;
	[tilespmem:s21+$0x2E0] =	vst v3;
	v7 =	vld.idx.msk [tilespmem:v7+s3+$0x0], $0xffff  }
0x2b2: {  	p0 =	slt.u32 s22, $0x38;
	v5 =	vadd.s32 $0x7918, v5;
	v8 =	vld.idx.msk [tilespmem:v20+s3+$0x0], $0xffff;
	[tilespmem:s21+$0x300] =	vst v6  }
.Ltmp1:
0x2b3: {  	v3 =	vld.idx.msk [tilespmem:v16+s3+$0x0], $0xffff;
	[tilespmem:s21+$0x310] =	vst v63;
	(pc) =	sbr.rel @p0 .LBB2_5-.Ltmp1, $4  }
0x2b4: {  	v6 =	vld.idx.msk [tilespmem:v4+s3+$0x0], $0xffff;
	[tilespmem:s21+$0x330] =	vst v10  }
0x2b5: {  	v9 =	vld.idx.msk [tilespmem:v47+s3+$0x0], $0xffff;
	[tilespmem:s21+$0x340] =	vst v11  }
0x2b6: {  	v10 =	vld.idx.msk [tilespmem:v48+s3+$0x0], $0xffff;
	[tilespmem:s21+$0x320] =	vst v7  }
0x2b7: {  	s23 =	sadd.s32 $0x80, s23;
	[tilespmem:s21+$0x350] =	vst v1;
	v7 =	vld.idx.msk [tilespmem:v5+s3+$0x0], $0xffff  }
0x2b8: {  	_ =	sdelay $0x2  }
0x2b9: {  	[tilespmem:s21+$0x360] =	vst v8  }
0x2ba: {  	[tilespmem:s21+$0x380] =	vst v3;
	v1 =	vld.idx.msk [tilespmem:v2+s3+$0x0], $0xffff  }
0x2bb: {  	[tilespmem:s21+$0x390] =	vst v6;
	v0 =	vld.idx.msk [tilespmem:v0+s3+$0x0], $0xffff  }
0x2bc: {  	[tilespmem:s21+$0x3B0] =	vst v9  }
0x2bd: {  	[tilespmem:s21+$0x3C0] =	vst v10  }
0x2be: {  	s22 =	sadd.s32 s8, s20;
	[tilespmem:s21+$0x3A0] =	vst v7  }
0x2bf: {  	s22 =	sshrl.u32 s22, $0x3;
	[tilespmem:s21+$0x3D0] =	vst v1  }
0x2c0: {  	s30 =	sadd.s32 s2, s22;
	[tilespmem:s21+$0x3E0] =	vst v0  }
0x2c1: {  	[hbm4b:s30+s3] =	stream.linear.scatter [tilespmem:s15], [sflag:$0x3], $0x4000, $0x38;
	[tilespmem:$0x17E00] =	vst v63  }
0x2c2: {  	_ =	swait.ge [sflag:s16], $0x4000  }
0x2c3: {  	[sflag:s16] =	ssyncset.done $0x0  }
0x2c4: {  	s31 =	simm.s32 $0xFA40;
	[sflag:s16] =	ssyncadd.s32 $0xFFFFC000  }
0x2c5: {  	v7 =	vld [tilespmem:s31+$0x30]  }
0x2c6: {  	v5 =	vld [tilespmem:s31+$0xFFFFFFD0]  }
0x2c7: {  	v4 =	vld [tilespmem:s31+$0xFFFFFFE0]  }
0x2c8: {  	v3 =	vld [tilespmem:s31+$0xFFFFFFF0]  }
0x2c9: {  	v2 =	vld [tilespmem:s31+$0x0]  }
0x2ca: {  	v6 =	vld [tilespmem:s31+$0xFFFFFFC0];
	v8 =	vadd.s32 $0x7D00, v7  }
0x2cb: {  	v0 =	vld [tilespmem:s31+$0x10];
	v9 =	vadd.s32 $0x7D00, v5  }
0x2cc: {  	v1 =	vld [tilespmem:s31+$0x20];
	v10 =	vadd.s32 $0x7D00, v4  }
0x2cd: {  	v11 =	vadd.s32 $0x7D00, v3  }
0x2ce: {  	v12 =	vadd.s32 $0x7D00, v2  }
0x2cf: {  	v16 =	vadd.s32 $0x7D00, v6;
	v8 =	vld.idx.msk [tilespmem:v8+s3+$0x0], $0xffff  }
0x2d0: {  	v13 =	vadd.s32 $0x7D00, v0;
	v9 =	vld.idx.msk [tilespmem:v9+s3+$0x0], $0xffff  }
0x2d1: {  	v14 =	vadd.s32 $0x7D00, v1;
	v10 =	vld.idx.msk [tilespmem:v10+s3+$0x0], $0xffff  }
0x2d2: {  	v15 =	vadd.s32 $0x80E8, v7;
	v11 =	vld.idx.msk [tilespmem:v11+s3+$0x0], $0xffff  }
0x2d3: {  	s21 =	simm.s32 $0x11E00;
	v17 =	vadd.s32 $0x80E8, v5;
	v12 =	vld.idx.msk [tilespmem:v12+s3+$0x0], $0xffff  }
0x2d4: {  	v18 =	vadd.s32 $0x80E8, v4;
	v16 =	vld.idx.msk [tilespmem:v16+s3+$0x0], $0xffff;
	[tilespmem:s21+$0xFFFFE070] =	vst v8  }
0x2d5: {  	v35 =	vadd.s32 $0x80E8, v6;
	v13 =	vld.idx.msk [tilespmem:v13+s3+$0x0], $0xffff;
	[tilespmem:s21+$0xFFFFE010] =	vst v9  }
0x2d6: {  	v14 =	vld.idx.msk [tilespmem:v14+s3+$0x0], $0xffff;
	v8 =	vadd.s32 $0x80E8, v3;
	[tilespmem:s21+$0xFFFFE020] =	vst v10  }
0x2d7: {  	v9 =	vadd.s32 $0x80E8, v2;
	[tilespmem:s21+$0xFFFFE030] =	vst v11;
	v15 =	vld.idx.msk [tilespmem:v15+s3+$0x0], $0xffff  }
0x2d8: {  	v10 =	vadd.s32 $0x80E8, v0;
	[tilespmem:s21+$0xFFFFE040] =	vst v12;
	v17 =	vld.idx.msk [tilespmem:v17+s3+$0x0], $0xffff  }
0x2d9: {  	v11 =	vadd.s32 $0x84D0, v7;
	[tilespmem:s21+$0xFFFFE000] =	vst v16;
	v18 =	vld.idx.msk [tilespmem:v18+s3+$0x0], $0xffff  }
0x2da: {  	v38 =	vadd.s32 $0x84D0, v4;
	[tilespmem:s21+$0xFFFFE050] =	vst v13;
	v12 =	vld.idx.msk [tilespmem:v35+s3+$0x0], $0xffff  }
0x2db: {  	v36 =	vadd.s32 $0x80E8, v1;
	[tilespmem:s21+$0xFFFFE060] =	vst v14;
	v8 =	vld.idx.msk [tilespmem:v8+s3+$0x0], $0xffff  }
0x2dc: {  	v37 =	vadd.s32 $0x84D0, v5;
	v9 =	vld.idx.msk [tilespmem:v9+s3+$0x0], $0xffff;
	[tilespmem:s21+$0xFFFFE0F0] =	vst v15  }
0x2dd: {  	v39 =	vadd.s32 $0x84D0, v3;
	v10 =	vld.idx.msk [tilespmem:v10+s3+$0x0], $0xffff;
	[tilespmem:s21+$0xFFFFE090] =	vst v17  }
0x2de: {  	v40 =	vadd.s32 $0x84D0, v2;
	[tilespmem:s21+$0xFFFFE0A0] =	vst v18;
	v11 =	vld.idx.msk [tilespmem:v11+s3+$0x0], $0xffff  }
0x2df: {  	v41 =	vadd.s32 $0x88B8, v7;
	[tilespmem:s21+$0xFFFFE080] =	vst v12;
	v15 =	vld.idx.msk [tilespmem:v38+s3+$0x0], $0xffff  }
0x2e0: {  	v42 =	vadd.s32 $0x88B8, v4;
	v13 =	vld.idx.msk [tilespmem:v36+s3+$0x0], $0xffff;
	[tilespmem:s21+$0xFFFFE0B0] =	vst v8  }
0x2e1: {  	v14 =	vld.idx.msk [tilespmem:v37+s3+$0x0], $0xffff;
	v8 =	vadd.s32 $0x84D0, v6;
	[tilespmem:s21+$0xFFFFE0C0] =	vst v9  }
0x2e2: {  	v9 =	vadd.s32 $0x84D0, v0;
	[tilespmem:s21+$0xFFFFE0D0] =	vst v10;
	v16 =	vld.idx.msk [tilespmem:v39+s3+$0x0], $0xffff  }
0x2e3: {  	v10 =	vadd.s32 $0x84D0, v1;
	v17 =	vld.idx.msk [tilespmem:v40+s3+$0x0], $0xffff;
	[tilespmem:s21+$0xFFFFE170] =	vst v11  }
0x2e4: {  	v11 =	vadd.s32 $0x88B8, v5;
	[tilespmem:s21+$0xFFFFE120] =	vst v15;
	v18 =	vld.idx.msk [tilespmem:v41+s3+$0x0], $0xffff  }
0x2e5: {  	v43 =	vadd.s32 $0x88B8, v3;
	[tilespmem:s21+$0xFFFFE0E0] =	vst v13;
	v12 =	vld.idx.msk [tilespmem:v42+s3+$0x0], $0xffff  }
0x2e6: {  	v46 =	vadd.s32 $0x88B8, v2;
	[tilespmem:s21+$0xFFFFE110] =	vst v14;
	v8 =	vld.idx.msk [tilespmem:v8+s3+$0x0], $0xffff  }
0x2e7: {  	v44 =	vadd.s32 $0x8CA0, v7;
	v9 =	vld.idx.msk [tilespmem:v9+s3+$0x0], $0xffff;
	[tilespmem:s21+$0xFFFFE130] =	vst v16  }
0x2e8: {  	v45 =	vadd.s32 $0x88B8, v6;
	v10 =	vld.idx.msk [tilespmem:v10+s3+$0x0], $0xffff;
	[tilespmem:s21+$0xFFFFE140] =	vst v17  }
0x2e9: {  	v47 =	vadd.s32 $0x88B8, v0;
	v11 =	vld.idx.msk [tilespmem:v11+s3+$0x0], $0xffff;
	[tilespmem:s21+$0xFFFFE1F0] =	vst v18  }
0x2ea: {  	v48 =	vadd.s32 $0x88B8, v1;
	v13 =	vld.idx.msk [tilespmem:v43+s3+$0x0], $0xffff;
	[tilespmem:s21+$0xFFFFE1A0] =	vst v12  }
0x2eb: {  	v49 =	vadd.s32 $0x8CA0, v3;
	v16 =	vld.idx.msk [tilespmem:v46+s3+$0x0], $0xffff;
	[tilespmem:s21+$0xFFFFE100] =	vst v8  }
0x2ec: {  	v14 =	vld.idx.msk [tilespmem:v44+s3+$0x0], $0xffff;
	v8 =	vadd.s32 $0x8CA0, v5;
	[tilespmem:s21+$0xFFFFE150] =	vst v9  }
0x2ed: {  	v9 =	vadd.s32 $0x8CA0, v4;
	[tilespmem:s21+$0xFFFFE160] =	vst v10;
	v15 =	vld.idx.msk [tilespmem:v45+s3+$0x0], $0xffff  }
0x2ee: {  	v10 =	vadd.s32 $0x9088, v7;
	v17 =	vld.idx.msk [tilespmem:v47+s3+$0x0], $0xffff;
	[tilespmem:s21+$0xFFFFE190] =	vst v11  }
0x2ef: {  	v18 =	vld.idx.msk [tilespmem:v48+s3+$0x0], $0xffff;
	v11 =	vadd.s32 $0x8CA0, v6;
	[tilespmem:s21+$0xFFFFE1B0] =	vst v13  }
0x2f0: {  	v52 =	vadd.s32 $0x8CA0, v1;
	[tilespmem:s21+$0xFFFFE1C0] =	vst v16;
	v12 =	vld.idx.msk [tilespmem:v49+s3+$0x0], $0xffff  }
0x2f1: {  	v50 =	vadd.s32 $0x8CA0, v2;
	[tilespmem:s21+$0xFFFFE270] =	vst v14;
	v8 =	vld.idx.msk [tilespmem:v8+s3+$0x0], $0xffff  }
0x2f2: {  	v51 =	vadd.s32 $0x8CA0, v0;
	v9 =	vld.idx.msk [tilespmem:v9+s3+$0x0], $0xffff;
	[tilespmem:s21+$0xFFFFE180] =	vst v15  }
0x2f3: {  	v53 =	vadd.s32 $0x9088, v5;
	v10 =	vld.idx.msk [tilespmem:v10+s3+$0x0], $0xffff;
	[tilespmem:s21+$0xFFFFE1D0] =	vst v17  }
0x2f4: {  	v54 =	vadd.s32 $0x9470, v7;
	[tilespmem:s21+$0xFFFFE1E0] =	vst v18;
	v11 =	vld.idx.msk [tilespmem:v11+s3+$0x0], $0xffff  }
0x2f5: {  	v55 =	vadd.s32 $0x9088, v6;
	v15 =	vld.idx.msk [tilespmem:v52+s3+$0x0], $0xffff;
	[tilespmem:s21+$0xFFFFE230] =	vst v12  }
0x2f6: {  	v56 =	vadd.s32 $0x9088, v1;
	v13 =	vld.idx.msk [tilespmem:v50+s3+$0x0], $0xffff;
	[tilespmem:s21+$0xFFFFE210] =	vst v8  }
0x2f7: {  	v14 =	vld.idx.msk [tilespmem:v51+s3+$0x0], $0xffff;
	v8 =	vadd.s32 $0x9088, v4;
	[tilespmem:s21+$0xFFFFE220] =	vst v9  }
0x2f8: {  	v9 =	vadd.s32 $0x9088, v3;
	[tilespmem:s21+$0xFFFFE2F0] =	vst v10;
	v16 =	vld.idx.msk [tilespmem:v53+s3+$0x0], $0xffff  }
0x2f9: {  	v10 =	vadd.s32 $0x9088, v2;
	v17 =	vld.idx.msk [tilespmem:v54+s3+$0x0], $0xffff;
	[tilespmem:s21+$0xFFFFE200] =	vst v11  }
0x2fa: {  	v11 =	vadd.s32 $0x9088, v0;
	[tilespmem:s21+$0xFFFFE260] =	vst v15;
	v18 =	vld.idx.msk [tilespmem:v55+s3+$0x0], $0xffff  }
0x2fb: {  	v59 =	vadd.s32 $0x9470, v5;
	[tilespmem:s21+$0xFFFFE240] =	vst v13;
	v12 =	vld.idx.msk [tilespmem:v56+s3+$0x0], $0xffff  }
0x2fc: {  	v57 =	vadd.s32 $0x9858, v7;
	[tilespmem:s21+$0xFFFFE250] =	vst v14;
	v8 =	vld.idx.msk [tilespmem:v8+s3+$0x0], $0xffff  }
0x2fd: {  	v58 =	vadd.s32 $0x9470, v6;
	v9 =	vld.idx.msk [tilespmem:v9+s3+$0x0], $0xffff;
	[tilespmem:s21+$0xFFFFE290] =	vst v16  }
0x2fe: {  	v60 =	vadd.s32 $0x9470, v4;
	v10 =	vld.idx.msk [tilespmem:v10+s3+$0x0], $0xffff;
	[tilespmem:s21+$0xFFFFE370] =	vst v17  }
0x2ff: {  	v61 =	vadd.s32 $0x9470, v3;
	v11 =	vld.idx.msk [tilespmem:v11+s3+$0x0], $0xffff;
	[tilespmem:s21+$0xFFFFE280] =	vst v18  }
0x300: {  	v62 =	vadd.s32 $0x9470, v2;
	v15 =	vld.idx.msk [tilespmem:v59+s3+$0x0], $0xffff;
	[tilespmem:s21+$0xFFFFE2E0] =	vst v12  }
0x301: {  	v63 =	vadd.s32 $0x9858, v5;
	v13 =	vld.idx.msk [tilespmem:v57+s3+$0x0], $0xffff;
	[tilespmem:s21+$0xFFFFE2A0] =	vst v8  }
0x302: {  	v14 =	vld.idx.msk [tilespmem:v58+s3+$0x0], $0xffff;
	v8 =	vadd.s32 $0x9470, v0;
	[tilespmem:s21+$0xFFFFE2B0] =	vst v9  }
0x303: {  	v9 =	vadd.s32 $0x9C40, v7;
	[tilespmem:s21+$0xFFFFE2C0] =	vst v10;
	v16 =	vld.idx.msk [tilespmem:v60+s3+$0x0], $0xffff  }
0x304: {  	v10 =	vadd.s32 $0x9470, v1;
	v17 =	vld.idx.msk [tilespmem:v61+s3+$0x0], $0xffff;
	[tilespmem:s21+$0xFFFFE2D0] =	vst v11  }
0x305: {  	v18 =	vld.idx.msk [tilespmem:v62+s3+$0x0], $0xffff;
	v11 =	vadd.s32 $0x9858, v6;
	[tilespmem:s21+$0xFFFFE310] =	vst v15  }
0x306: {  	v23 =	vadd.s32 $0x9858, v2;
	[tilespmem:s21+$0xFFFFE3F0] =	vst v13;
	v12 =	vld.idx.msk [tilespmem:v63+s3+$0x0], $0xffff  }
0x307: {  	v21 =	vadd.s32 $0x9858, v4;
	[tilespmem:s21+$0xFFFFE300] =	vst v14;
	v8 =	vld.idx.msk [tilespmem:v8+s3+$0x0], $0xffff  }
0x308: {  	v22 =	vadd.s32 $0x9858, v3;
	v9 =	vld.idx.msk [tilespmem:v9+s3+$0x0], $0xffff;
	[tilespmem:s21+$0xFFFFE320] =	vst v16  }
0x309: {  	v24 =	vadd.s32 $0xA028, v7;
	v10 =	vld.idx.msk [tilespmem:v10+s3+$0x0], $0xffff;
	[tilespmem:s21+$0xFFFFE330] =	vst v17  }
0x30a: {  	v25 =	vadd.s32 $0x9858, v0;
	[tilespmem:s21+$0xFFFFE340] =	vst v18;
	v11 =	vld.idx.msk [tilespmem:v11+s3+$0x0], $0xffff  }
0x30b: {  	v26 =	vadd.s32 $0x9858, v1;
	v15 =	vld.idx.msk [tilespmem:v23+s3+$0x0], $0xffff;
	[tilespmem:s21+$0xFFFFE390] =	vst v12  }
0x30c: {  	v29 =	vadd.s32 $0x9C40, v2;
	v13 =	vld.idx.msk [tilespmem:v21+s3+$0x0], $0xffff;
	[tilespmem:s21+$0xFFFFE350] =	vst v8  }
0x30d: {  	v14 =	vld.idx.msk [tilespmem:v22+s3+$0x0], $0xffff;
	v8 =	vadd.s32 $0x9C40, v6;
	[tilespmem:s21+$0x70] =	vst v9  }
0x30e: {  	v9 =	vadd.s32 $0x9C40, v5;
	[tilespmem:s21+$0xFFFFE360] =	vst v10;
	v16 =	vld.idx.msk [tilespmem:v24+s3+$0x0], $0xffff  }
0x30f: {  	v10 =	vadd.s32 $0x9C40, v4;
	v17 =	vld.idx.msk [tilespmem:v25+s3+$0x0], $0xffff;
	[tilespmem:s21+$0xFFFFE380] =	vst v11  }
0x310: {  	v27 =	vld.idx.msk [tilespmem:v26+s3+$0x0], $0xffff;
	v11 =	vadd.s32 $0x9C40, v3;
	[tilespmem:s21+$0xFFFFE3C0] =	vst v15  }
0x311: {  	v28 =	vadd.s32 $0xA410, v7;
	[tilespmem:s21+$0xFFFFE3A0] =	vst v13;
	v13 =	vld.idx.msk [tilespmem:v29+s3+$0x0], $0xffff  }
0x312: {  	v31 =	vadd.s32 $0x9C40, v1;
	[tilespmem:s21+$0xFFFFE3B0] =	vst v14;
	v8 =	vld.idx.msk [tilespmem:v8+s3+$0x0], $0xffff  }
0x313: {  	v30 =	vadd.s32 $0x9C40, v0;
	v9 =	vld.idx.msk [tilespmem:v9+s3+$0x0], $0xffff;
	[tilespmem:s21+$0xF0] =	vst v16  }
0x314: {  	v32 =	vadd.s32 $0xA028, v6;
	v10 =	vld.idx.msk [tilespmem:v10+s3+$0x0], $0xffff;
	[tilespmem:s21+$0xFFFFE3D0] =	vst v17  }
0x315: {  	v33 =	vadd.s32 $0xA028, v5;
	[tilespmem:s21+$0xFFFFE3E0] =	vst v27;
	v11 =	vld.idx.msk [tilespmem:v11+s3+$0x0], $0xffff  }
0x316: {  	v34 =	vadd.s32 $0xA028, v4;
	v18 =	vld.idx.msk [tilespmem:v28+s3+$0x0], $0xffff;
	[tilespmem:s21+$0x40] =	vst v13  }
0x317: {  	v35 =	vadd.s32 $0xA7F8, v7;
	v15 =	vld.idx.msk [tilespmem:v31+s3+$0x0], $0xffff;
	[tilespmem:s21+$0x0] =	vst v8  }
0x318: {  	v36 =	vadd.s32 $0xA028, v1;
	v8 =	vld.idx.msk [tilespmem:v30+s3+$0x0], $0xffff;
	[tilespmem:s21+$0x10] =	vst v9  }
0x319: {  	v9 =	vadd.s32 $0xA028, v3;
	[tilespmem:s21+$0x20] =	vst v10;
	v16 =	vld.idx.msk [tilespmem:v32+s3+$0x0], $0xffff  }
0x31a: {  	v10 =	vadd.s32 $0xA028, v2;
	v17 =	vld.idx.msk [tilespmem:v33+s3+$0x0], $0xffff;
	[tilespmem:s21+$0x30] =	vst v11  }
0x31b: {  	v12 =	vld.idx.msk [tilespmem:v34+s3+$0x0], $0xffff;
	v11 =	vadd.s32 $0xA028, v0;
	[tilespmem:s21+$0x170] =	vst v18  }
0x31c: {  	v37 =	vadd.s32 $0xA410, v6;
	[tilespmem:s21+$0x60] =	vst v15;
	v14 =	vld.idx.msk [tilespmem:v35+s3+$0x0], $0xffff  }
0x31d: {  	v39 =	vadd.s32 $0xA410, v4;
	v18 =	vld.idx.msk [tilespmem:v36+s3+$0x0], $0xffff;
	[tilespmem:s21+$0x50] =	vst v8  }
0x31e: {  	v38 =	vadd.s32 $0xABE0, v7;
	v9 =	vld.idx.msk [tilespmem:v9+s3+$0x0], $0xffff;
	[tilespmem:s21+$0x80] =	vst v16  }
0x31f: {  	v8 =	vadd.s32 $0xA410, v5;
	v10 =	vld.idx.msk [tilespmem:v10+s3+$0x0], $0xffff;
	[tilespmem:s21+$0x90] =	vst v17  }
0x320: {  	v40 =	vadd.s32 $0xA410, v3;
	[tilespmem:s21+$0xA0] =	vst v12;
	v11 =	vld.idx.msk [tilespmem:v11+s3+$0x0], $0xffff  }
0x321: {  	v41 =	vadd.s32 $0xA410, v2;
	v13 =	vld.idx.msk [tilespmem:v37+s3+$0x0], $0xffff;
	[tilespmem:s21+$0x1F0] =	vst v14  }
0x322: {  	v42 =	vadd.s32 $0xA410, v0;
	v16 =	vld.idx.msk [tilespmem:v39+s3+$0x0], $0xffff;
	[tilespmem:s21+$0xE0] =	vst v18  }
0x323: {  	v44 =	vadd.s32 $0xA7F8, v4;
	v15 =	vld.idx.msk [tilespmem:v38+s3+$0x0], $0xffff;
	[tilespmem:s21+$0xB0] =	vst v9  }
0x324: {  	v8 =	vld.idx.msk [tilespmem:v8+s3+$0x0], $0xffff;
	v9 =	vadd.s32 $0xA410, v1;
	[tilespmem:s21+$0xC0] =	vst v10  }
0x325: {  	v10 =	vadd.s32 $0xA7F8, v6;
	v17 =	vld.idx.msk [tilespmem:v40+s3+$0x0], $0xffff;
	[tilespmem:s21+$0xD0] =	vst v11  }
0x326: {  	v43 =	vadd.s32 $0xA7F8, v5;
	v12 =	vld.idx.msk [tilespmem:v41+s3+$0x0], $0xffff;
	[tilespmem:s21+$0x100] =	vst v13  }
0x327: {  	v11 =	vadd.s32 $0xAFC8, v7;
	[tilespmem:s21+$0x120] =	vst v16;
	v14 =	vld.idx.msk [tilespmem:v42+s3+$0x0], $0xffff  }
0x328: {  	v45 =	vadd.s32 $0xA7F8, v2;
	v13 =	vld.idx.msk [tilespmem:v44+s3+$0x0], $0xffff;
	[tilespmem:s21+$0x270] =	vst v15  }
0x329: {  	v46 =	vadd.s32 $0xA7F8, v0;
	[tilespmem:s21+$0x110] =	vst v8;
	v9 =	vld.idx.msk [tilespmem:v9+s3+$0x0], $0xffff  }
0x32a: {  	v8 =	vadd.s32 $0xA7F8, v3;
	v10 =	vld.idx.msk [tilespmem:v10+s3+$0x0], $0xffff;
	[tilespmem:s21+$0x130] =	vst v17  }
0x32b: {  	v47 =	vadd.s32 $0xA7F8, v1;
	v18 =	vld.idx.msk [tilespmem:v43+s3+$0x0], $0xffff;
	[tilespmem:s21+$0x140] =	vst v12  }
0x32c: {  	v49 =	vadd.s32 $0xABE0, v6;
	v11 =	vld.idx.msk [tilespmem:v11+s3+$0x0], $0xffff;
	[tilespmem:s21+$0x150] =	vst v14  }
0x32d: {  	v48 =	vadd.s32 $0xB3B0, v7;
	v15 =	vld.idx.msk [tilespmem:v45+s3+$0x0], $0xffff;
	[tilespmem:s21+$0x1A0] =	vst v13  }
0x32e: {  	v50 =	vadd.s32 $0xABE0, v2;
	v16 =	vld.idx.msk [tilespmem:v46+s3+$0x0], $0xffff;
	[tilespmem:s21+$0x160] =	vst v9  }
0x32f: {  	v8 =	vld.idx.msk [tilespmem:v8+s3+$0x0], $0xffff;
	v9 =	vadd.s32 $0xABE0, v5;
	[tilespmem:s21+$0x180] =	vst v10  }
0x330: {  	v10 =	vadd.s32 $0xABE0, v4;
	v17 =	vld.idx.msk [tilespmem:v47+s3+$0x0], $0xffff;
	[tilespmem:s21+$0x190] =	vst v18  }
0x331: {  	v51 =	vadd.s32 $0xABE0, v0;
	v14 =	vld.idx.msk [tilespmem:v49+s3+$0x0], $0xffff;
	[tilespmem:s21+$0x2F0] =	vst v11  }
0x332: {  	v11 =	vadd.s32 $0xABE0, v3;
	[tilespmem:s21+$0x1C0] =	vst v15;
	v12 =	vld.idx.msk [tilespmem:v48+s3+$0x0], $0xffff  }
0x333: {  	v52 =	vadd.s32 $0xAFC8, v6;
	v54 =	vld.idx.msk [tilespmem:v50+s3+$0x0], $0xffff;
	[tilespmem:s21+$0x1D0] =	vst v16  }
0x334: {  	v7 =	vadd.s32 $0xB798, v7;
	[tilespmem:s21+$0x1B0] =	vst v8;
	v8 =	vld.idx.msk [tilespmem:v9+s3+$0x0], $0xffff  }
0x335: {  	v9 =	vadd.s32 $0xABE0, v1;
	v10 =	vld.idx.msk [tilespmem:v10+s3+$0x0], $0xffff;
	[tilespmem:s21+$0x1E0] =	vst v17  }
0x336: {  	v53 =	vadd.s32 $0xAFC8, v5;
	v13 =	vld.idx.msk [tilespmem:v51+s3+$0x0], $0xffff;
	[tilespmem:s21+$0x200] =	vst v14  }
0x337: {  	v55 =	vadd.s32 $0xAFC8, v4;
	v11 =	vld.idx.msk [tilespmem:v11+s3+$0x0], $0xffff;
	[tilespmem:s21+$0x370] =	vst v12  }
0x338: {  	v56 =	vadd.s32 $0xAFC8, v3;
	v15 =	vld.idx.msk [tilespmem:v52+s3+$0x0], $0xffff;
	[tilespmem:s21+$0x240] =	vst v54  }
0x339: {  	v57 =	vadd.s32 $0xB3B0, v6;
	v7 =	vld.idx.msk [tilespmem:v7+s3+$0x0], $0xffff;
	[tilespmem:s21+$0x210] =	vst v8  }
0x33a: {  	v8 =	vadd.s32 $0xAFC8, v2;
	v9 =	vld.idx.msk [tilespmem:v9+s3+$0x0], $0xffff;
	[tilespmem:s21+$0x220] =	vst v10  }
0x33b: {  	v10 =	vadd.s32 $0xAFC8, v0;
	[tilespmem:s21+$0x250] =	vst v13;
	v16 =	vld.idx.msk [tilespmem:v53+s3+$0x0], $0xffff  }
0x33c: {  	v12 =	vld.idx.msk [tilespmem:v55+s3+$0x0], $0xffff;
	[tilespmem:s21+$0x230] =	vst v11;
	v11 =	vadd.s32 $0xAFC8, v1  }
0x33d: {  	v58 =	vadd.s32 $0xB3B0, v5;
	[tilespmem:s21+$0x280] =	vst v15;
	v14 =	vld.idx.msk [tilespmem:v56+s3+$0x0], $0xffff  }
0x33e: {  	v17 =	vld.idx.msk [tilespmem:v57+s3+$0x0], $0xffff;
	[tilespmem:s21+$0x3F0] =	vst v7;
	v7 =	vadd.s32 $0xB3B0, v4  }
0x33f: {  	v8 =	vld.idx.msk [tilespmem:v8+s3+$0x0], $0xffff;
	[tilespmem:s21+$0x260] =	vst v9;
	v9 =	vadd.s32 $0xB3B0, v3  }
0x340: {  	v59 =	vadd.s32 $0xB3B0, v2;
	v10 =	vld.idx.msk [tilespmem:v10+s3+$0x0], $0xffff;
	[tilespmem:s21+$0x290] =	vst v16  }
0x341: {  	v60 =	vadd.s32 $0xB3B0, v0;
	[tilespmem:s21+$0x2A0] =	vst v12;
	v11 =	vld.idx.msk [tilespmem:v11+s3+$0x0], $0xffff  }
0x342: {  	v6 =	vadd.s32 $0xB798, v6;
	v13 =	vld.idx.msk [tilespmem:v58+s3+$0x0], $0xffff;
	[tilespmem:s21+$0x2B0] =	vst v14  }
0x343: {  	v61 =	vadd.s32 $0xB3B0, v1;
	[tilespmem:s21+$0x300] =	vst v17;
	v7 =	vld.idx.msk [tilespmem:v7+s3+$0x0], $0xffff  }
0x344: {  	v5 =	vadd.s32 $0xB798, v5;
	[tilespmem:s21+$0x2C0] =	vst v8;
	v9 =	vld.idx.msk [tilespmem:v9+s3+$0x0], $0xffff  }
0x345: {  	v4 =	vadd.s32 $0xB798, v4;
	[tilespmem:s21+$0x2D0] =	vst v10;
	v10 =	vld.idx.msk [tilespmem:v59+s3+$0x0], $0xffff  }
0x346: {  	v62 =	vld.idx.msk [tilespmem:v60+s3+$0x0], $0xffff;
	[tilespmem:s21+$0x2E0] =	vst v11;
	v11 =	vadd.s32 $0xB798, v3  }
0x347: {  	v63 =	vadd.s32 $0xB798, v2;
	v3 =	vld.idx.msk [tilespmem:v6+s3+$0x0], $0xffff  }
0x348: {  	[tilespmem:s21+$0x310] =	vst v13;
	v8 =	vld.idx.msk [tilespmem:v61+s3+$0x0], $0xffff  }
0x349: {  	v6 =	vld.idx.msk [tilespmem:v5+s3+$0x0], $0xffff;
	[tilespmem:s21+$0x320] =	vst v7  }
0x34a: {  	[tilespmem:s21+$0x330] =	vst v9;
	v7 =	vld.idx.msk [tilespmem:v4+s3+$0x0], $0xffff  }
0x34b: {  	[tilespmem:s21+$0x340] =	vst v10;
	v9 =	vld.idx.msk [tilespmem:v11+s3+$0x0], $0xffff  }
0x34c: {  	s23 =	simm.s32 $0xFAC0;
	s22 =	simm.s32 $0x0;
	v2 =	vadd.s32 $0xB798, v0;
	v0 =	vadd.s32 $0xB798, v1;
	[tilespmem:s21+$0x350] =	vst v62;
	v10 =	vld.idx.msk [tilespmem:v63+s3+$0x0], $0xffff  }
.LBB2_7:
0x34d: {  	v1 =	vld [tilespmem:s23+$0x30]  }
0x34e: {  	v4 =	vld [tilespmem:s23+$0xFFFFFFD0]  }
0x34f: {  	v5 =	vld [tilespmem:s23+$0xFFFFFFE0]  }
0x350: {  	v47 =	vld [tilespmem:s23+$0xFFFFFFF0]  }
0x351: {  	v48 =	vld [tilespmem:s23+$0x0];
	[tilespmem:s21+$0x360] =	vst v8  }
0x352: {  	v51 =	vld [tilespmem:s23+$0x10];
	[tilespmem:s21+$0x380] =	vst v3  }
0x353: {  	v11 =	vld.idx.msk [tilespmem:v2+s3+$0x0], $0xffff;
	[tilespmem:s21+$0x390] =	vst v6  }
0x354: {  	[tilespmem:s21+$0x3A0] =	vst v7;
	v6 =	vadd.s32 $0x7D00, v1;
	v55 =	vld [tilespmem:s23+$0x20]  }
0x355: {  	[tilespmem:s21+$0x3B0] =	vst v9;
	v7 =	vadd.s32 $0x7D00, v4;
	v9 =	vld [tilespmem:s23+$0xFFFFFFC0]  }
0x356: {  	v8 =	vadd.s32 $0x7D00, v5;
	v14 =	vld.idx.msk [tilespmem:v0+s3+$0x0], $0xffff  }
0x357: {  	[tilespmem:s21+$0x3C0] =	vst v10;
	v10 =	vadd.s32 $0x7D00, v47  }
0x358: {  	v12 =	vadd.s32 $0x7D00, v48  }
0x359: {  	v13 =	vadd.s32 $0x7D00, v51;
	[tilespmem:s21+$0x3D0] =	vst v11;
	v0 =	vadd.s32 $0x9C40, v4;
	v15 =	vld.idx.msk [tilespmem:v6+s3+$0x0], $0xffff  }
0x35a: {  	[tilespmem:$0x1FA10] =	vst v0;
	v17 =	vld.idx.msk [tilespmem:v7+s3+$0x0], $0xffff;
	v18 =	vadd.s32 $0x7D00, v55  }
0x35b: {  	v22 =	vadd.s32 $0x7D00, v9;
	v23 =	vld.idx.msk [tilespmem:v8+s3+$0x0], $0xffff;
	[tilespmem:s21+$0x3E0] =	vst v14;
	v2 =	vadd.s32 $0xA028, v9  }
0x35c: {  	v24 =	vadd.s32 $0x80E8, v1;
	v27 =	vld.idx.msk [tilespmem:v10+s3+$0x0], $0xffff;
	[tilespmem:$0x1FA20] =	vst v2;
	v2 =	vadd.s32 $0xA028, v4  }
0x35d: {  	v21 =	vadd.s32 $0x80E8, v4;
	v28 =	vld.idx.msk [tilespmem:v12+s3+$0x0], $0xffff;
	s21 =	sadd.s32 $0x400, s21;
	[tilespmem:$0x1FA30] =	vst v2  }
0x35e: {  	v25 =	vadd.s32 $0x80E8, v5;
	v34 =	vld.idx.msk [tilespmem:v13+s3+$0x0], $0xffff;
	[tilespmem:s21+$0xFFFFE070] =	vst v15  }
0x35f: {  	v29 =	vadd.s32 $0x80E8, v47;
	v36 =	vld.idx.msk [tilespmem:v18+s3+$0x0], $0xffff;
	[tilespmem:s21+$0xFFFFE010] =	vst v17  }
0x360: {  	v32 =	vadd.s32 $0x80E8, v48;
	v45 =	vld.idx.msk [tilespmem:v22+s3+$0x0], $0xffff;
	[tilespmem:s21+$0xFFFFE020] =	vst v23  }
0x361: {  	v35 =	vadd.s32 $0x80E8, v51;
	[tilespmem:s21+$0xFFFFE030] =	vst v27;
	v44 =	vld.idx.msk [tilespmem:v24+s3+$0x0], $0xffff  }
0x362: {  	[tilespmem:s21+$0xFFFFE040] =	vst v28;
	v46 =	vld.idx.msk [tilespmem:v21+s3+$0x0], $0xffff  }
0x363: {  	[tilespmem:s21+$0xFFFFE050] =	vst v34;
	v50 =	vld.idx.msk [tilespmem:v25+s3+$0x0], $0xffff  }
0x364: {  	v52 =	vld.idx.msk [tilespmem:v29+s3+$0x0], $0xffff;
	[tilespmem:s21+$0xFFFFE060] =	vst v36  }
0x365: {  	v43 =	vadd.s32 $0x80E8, v9;
	v38 =	vld.idx.msk [tilespmem:v32+s3+$0x0], $0xffff;
	[tilespmem:s21+$0xFFFFE000] =	vst v45  }
0x366: {  	v42 =	vadd.s32 $0x80E8, v55;
	v7 =	vld.idx.msk [tilespmem:v35+s3+$0x0], $0xffff;
	[tilespmem:s21+$0xFFFFE0F0] =	vst v44  }
0x367: {  	v49 =	vadd.s32 $0x84D0, v1;
	[tilespmem:s21+$0xFFFFE090] =	vst v46  }
0x368: {  	[tilespmem:s21+$0xFFFFE0A0] =	vst v50  }
0x369: {  	v53 =	vadd.s32 $0x84D0, v4;
	[tilespmem:s21+$0xFFFFE0B0] =	vst v52  }
0x36a: {  	v39 =	vadd.s32 $0x84D0, v5;
	v3 =	vld.idx.msk [tilespmem:v43+s3+$0x0], $0xffff;
	[tilespmem:s21+$0xFFFFE0C0] =	vst v38  }
0x36b: {  	v40 =	vadd.s32 $0x84D0, v47;
	v6 =	vld.idx.msk [tilespmem:v42+s3+$0x0], $0xffff;
	[tilespmem:s21+$0xFFFFE0D0] =	vst v7;
	v7 =	vadd.s32 $0xA028, v51  }
0x36c: {  	v10 =	vld.idx.msk [tilespmem:v49+s3+$0x0], $0xffff;
	[tilespmem:$0x1FA40] =	vst v7;
	v7 =	vadd.s32 $0xA410, v9  }
0x36d: {  	[tilespmem:$0x1FA50] =	vst v7;
	v7 =	vadd.s32 $0xA410, v4  }
0x36e: {  	v8 =	vld.idx.msk [tilespmem:v53+s3+$0x0], $0xffff;
	[tilespmem:$0x1FA60] =	vst v7  }
0x36f: {  	v2 =	vld.idx.msk [tilespmem:v39+s3+$0x0], $0xffff;
	[tilespmem:s21+$0xFFFFE080] =	vst v3  }
0x370: {  	v11 =	vld.idx.msk [tilespmem:v40+s3+$0x0], $0xffff;
	[tilespmem:s21+$0xFFFFE0E0] =	vst v6  }
0x371: {  	v6 =	vadd.s32 $0xA410, v55;
	[tilespmem:s21+$0xFFFFE170] =	vst v10  }
0x372: {  	[tilespmem:$0x1FAA0] =	vst v6  }
0x373: {  	v41 =	vadd.s32 $0x84D0, v48;
	[tilespmem:s21+$0xFFFFE110] =	vst v8  }
0x374: {  	[tilespmem:s21+$0xFFFFE120] =	vst v2  }
0x375: {  	v10 =	vadd.s32 $0xA410, v47;
	[tilespmem:s21+$0xFFFFE130] =	vst v11  }
0x376: {  	v6 =	vadd.s32 $0xA7F8, v4;
	[tilespmem:$0x1FA70] =	vst v10  }
0x377: {  	v2 =	vadd.s32 $0xA7F8, v47;
	[tilespmem:$0x1FAC0] =	vst v6  }
0x378: {  	v16 =	vadd.s32 $0x84D0, v9;
	v7 =	vld.idx.msk [tilespmem:v41+s3+$0x0], $0xffff;
	v11 =	vadd.s32 $0xA7F8, v55;
	[tilespmem:$0x1FAE0] =	vst v2  }
0x379: {  	v0 =	vadd.s32 $0x88B8, v1;
	v10 =	vadd.s32 $0xA410, v48;
	[tilespmem:$0x1FB10] =	vst v11  }
0x37a: {  	v20 =	vadd.s32 $0x88B8, v5;
	v6 =	vadd.s32 $0xA7F8, v5;
	[tilespmem:$0x1FA80] =	vst v10  }
0x37b: {  	v2 =	vadd.s32 $0xA7F8, v48;
	[tilespmem:$0x1FAD0] =	vst v6  }
0x37c: {  	[tilespmem:$0x1FAF0] =	vst v2  }
0x37d: {  	v26 =	vadd.s32 $0x84D0, v51;
	v10 =	vld.idx.msk [tilespmem:v16+s3+$0x0], $0xffff;
	v16 =	vadd.s32 $0xA7F8, v9;
	[tilespmem:s21+$0xFFFFE140] =	vst v7  }
0x37e: {  	v0 =	vld.idx.msk [tilespmem:v0+s3+$0x0], $0xffff;
	v2 =	vadd.s32 $0xA7F8, v51;
	[tilespmem:$0x1FAB0] =	vst v16  }
0x37f: {  	v30 =	vadd.s32 $0x84D0, v55;
	v11 =	vld.idx.msk [tilespmem:v20+s3+$0x0], $0xffff;
	v7 =	vadd.s32 $0xABE0, v48;
	[tilespmem:$0x1FB00] =	vst v2  }
0x380: {  	v16 =	vadd.s32 $0xA410, v51;
	[tilespmem:$0x1FB60] =	vst v7  }
0x381: {  	v19 =	vadd.s32 $0x88B8, v4;
	v7 =	vadd.s32 $0xAFC8, v9;
	[tilespmem:$0x1FA90] =	vst v16  }
0x382: {  	v31 =	vadd.s32 $0x88B8, v47;
	v6 =	vld.idx.msk [tilespmem:v26+s3+$0x0], $0xffff;
	[tilespmem:$0x1FB90] =	vst v7  }
0x383: {  	[tilespmem:s21+$0xFFFFE1F0] =	vst v0  }
0x384: {  	v8 =	vadd.s32 $0x8CA0, v1;
	v2 =	vld.idx.msk [tilespmem:v30+s3+$0x0], $0xffff;
	[tilespmem:s21+$0xFFFFE1A0] =	vst v11  }
0x385: {  	v12 =	vadd.s32 $0x88B8, v48;
	v0 =	vadd.s32 $0xAFC8, v4;
	[tilespmem:s21+$0xFFFFE100] =	vst v10  }
0x386: {  	v33 =	vadd.s32 $0x88B8, v9;
	v16 =	vld.idx.msk [tilespmem:v19+s3+$0x0], $0xffff;
	[tilespmem:$0x1FBA0] =	vst v0  }
0x387: {  	v13 =	vadd.s32 $0x88B8, v51;
	v7 =	vld.idx.msk [tilespmem:v31+s3+$0x0], $0xffff;
	v0 =	vadd.s32 $0xAFC8, v5;
	[tilespmem:s21+$0xFFFFE150] =	vst v6  }
0x388: {  	v37 =	vadd.s32 $0x88B8, v55;
	[tilespmem:$0x1FBB0] =	vst v0  }
0x389: {  	v54 =	vadd.s32 $0x8CA0, v5;
	v8 =	vld.idx.msk [tilespmem:v8+s3+$0x0], $0xffff;
	v0 =	vadd.s32 $0xAFC8, v47;
	[tilespmem:s21+$0xFFFFE160] =	vst v2  }
0x38a: {  	v14 =	vadd.s32 $0x8CA0, v4;
	v6 =	vld.idx.msk [tilespmem:v12+s3+$0x0], $0xffff;
	[tilespmem:$0x1FBC0] =	vst v0  }
0x38b: {  	v56 =	vadd.s32 $0x8CA0, v47;
	v10 =	vld.idx.msk [tilespmem:v33+s3+$0x0], $0xffff;
	[tilespmem:s21+$0xFFFFE190] =	vst v16  }
0x38c: {  	v58 =	vadd.s32 $0x8CA0, v9;
	v13 =	vld.idx.msk [tilespmem:v13+s3+$0x0], $0xffff;
	v0 =	vadd.s32 $0xAFC8, v48;
	[tilespmem:s21+$0xFFFFE1B0] =	vst v7  }
0x38d: {  	v57 =	vadd.s32 $0x8CA0, v55;
	v12 =	vadd.s32 $0x9088, v1;
	v11 =	vld.idx.msk [tilespmem:v37+s3+$0x0], $0xffff;
	[tilespmem:$0x1FBD0] =	vst v0;
	v0 =	vadd.s32 $0xAFC8, v51  }
0x38e: {  	v15 =	vadd.s32 $0x8CA0, v48;
	v18 =	vadd.s32 $0x8CA0, v51;
	v7 =	vld.idx.msk [tilespmem:v54+s3+$0x0], $0xffff;
	[tilespmem:$0x1FBE0] =	vst v0;
	v0 =	vadd.s32 $0xB3B0, v5  }
0x38f: {  	v25 =	vadd.s32 $0x9088, v55;
	v36 =	vadd.s32 $0x9470, v55;
	v43 =	vadd.s32 $0x9858, v55;
	v14 =	vld.idx.msk [tilespmem:v14+s3+$0x0], $0xffff;
	[tilespmem:$0x1FBF0] =	vst v0  }
0x390: {  	v53 =	vadd.s32 $0x9C40, v55;
	v41 =	vadd.s32 $0xA028, v55;
	v20 =	vadd.s32 $0xB3B0, v55;
	[tilespmem:s21+$0xFFFFE1C0] =	vst v6;
	v6 =	vld.idx.msk [tilespmem:v56+s3+$0x0], $0xffff  }
0x391: {  	v31 =	vadd.s32 $0xABE0, v55;
	v33 =	vadd.s32 $0xAFC8, v55;
	v0 =	vadd.s32 $0xB798, v55;
	[tilespmem:s21+$0xFFFFE270] =	vst v8;
	v55 =	vld [tilespmem:$0x1FA40]  }
0x392: {  	[tilespmem:s21+$0xFFFFE180] =	vst v10;
	v8 =	vld.idx.msk [tilespmem:v12+s3+$0x0], $0xffff  }
0x393: {  	v17 =	vadd.s32 $0x9088, v4;
	v10 =	vld.idx.msk [tilespmem:v58+s3+$0x0], $0xffff  }
0x394: {  	v23 =	vadd.s32 $0x9088, v5;
	[tilespmem:s21+$0xFFFFE1D0] =	vst v13;
	v58 =	vld.idx.msk [tilespmem:v15+s3+$0x0], $0xffff  }
0x395: {  	v24 =	vadd.s32 $0x9088, v47;
	[tilespmem:s21+$0xFFFFE1E0] =	vst v11;
	v11 =	vld.idx.msk [tilespmem:v18+s3+$0x0], $0xffff  }
0x396: {  	v56 =	vadd.s32 $0x9470, v1;
	[tilespmem:s21+$0xFFFFE220] =	vst v7;
	v7 =	vld.idx.msk [tilespmem:v57+s3+$0x0], $0xffff  }
0x397: {  	[tilespmem:s21+$0xFFFFE210] =	vst v14;
	v57 =	vld [tilespmem:$0x1FA60]  }
0x398: {  	v14 =	vld.idx.msk [tilespmem:v17+s3+$0x0], $0xffff  }
0x399: {  	v22 =	vadd.s32 $0x9088, v9;
	[tilespmem:s21+$0xFFFFE230] =	vst v6;
	v6 =	vld.idx.msk [tilespmem:v23+s3+$0x0], $0xffff  }
0x39a: {  	v27 =	vadd.s32 $0x9088, v48;
	[tilespmem:s21+$0xFFFFE2F0] =	vst v8;
	v24 =	vld.idx.msk [tilespmem:v24+s3+$0x0], $0xffff  }
0x39b: {  	v21 =	vadd.s32 $0x9088, v51;
	v8 =	vld.idx.msk [tilespmem:v56+s3+$0x0], $0xffff  }
0x39c: {  	[tilespmem:s21+$0xFFFFE200] =	vst v10;
	v56 =	vld [tilespmem:$0x1FA50]  }
0x39d: {  	v28 =	vadd.s32 $0x9470, v4;
	v30 =	vadd.s32 $0xABE0, v9;
	[tilespmem:s21+$0xFFFFE240] =	vst v58;
	v58 =	vld [tilespmem:$0x1FAA0]  }
0x39e: {  	v60 =	vadd.s32 $0x9470, v5;
	[tilespmem:$0x1FB20] =	vst v30;
	v10 =	vld.idx.msk [tilespmem:v22+s3+$0x0], $0xffff  }
0x39f: {  	[tilespmem:s21+$0xFFFFE250] =	vst v11;
	v11 =	vld.idx.msk [tilespmem:v27+s3+$0x0], $0xffff  }
0x3a0: {  	v23 =	vadd.s32 $0x9858, v1;
	[tilespmem:s21+$0xFFFFE260] =	vst v7;
	v7 =	vld.idx.msk [tilespmem:v21+s3+$0x0], $0xffff  }
0x3a1: {  	v61 =	vadd.s32 $0x9470, v47;
	[tilespmem:s21+$0xFFFFE290] =	vst v14;
	v25 =	vld.idx.msk [tilespmem:v25+s3+$0x0], $0xffff  }
0x3a2: {  	v29 =	vadd.s32 $0x9470, v48;
	v30 =	vadd.s32 $0xABE0, v5;
	[tilespmem:s21+$0xFFFFE2A0] =	vst v6;
	v6 =	vld.idx.msk [tilespmem:v28+s3+$0x0], $0xffff  }
0x3a3: {  	[tilespmem:$0x1FB40] =	vst v30;
	v28 =	vld.idx.msk [tilespmem:v60+s3+$0x0], $0xffff  }
0x3a4: {  	v59 =	vadd.s32 $0x9470, v9;
	v60 =	vld [tilespmem:$0x1FB00];
	[tilespmem:s21+$0xFFFFE370] =	vst v8  }
0x3a5: {  	v32 =	vadd.s32 $0x9470, v51;
	[tilespmem:s21+$0xFFFFE2B0] =	vst v24;
	v8 =	vld.idx.msk [tilespmem:v23+s3+$0x0], $0xffff  }
0x3a6: {  	v63 =	vadd.s32 $0x9858, v5;
	[tilespmem:s21+$0xFFFFE2C0] =	vst v11;
	v11 =	vld.idx.msk [tilespmem:v61+s3+$0x0], $0xffff  }
0x3a7: {  	v35 =	vadd.s32 $0x9858, v47;
	[tilespmem:s21+$0xFFFFE2D0] =	vst v7;
	v7 =	vld.idx.msk [tilespmem:v29+s3+$0x0], $0xffff  }
0x3a8: {  	[tilespmem:s21+$0xFFFFE280] =	vst v10;
	v61 =	vld [tilespmem:$0x1FB10]  }
0x3a9: {  	v62 =	vadd.s32 $0x9858, v4;
	v10 =	vld.idx.msk [tilespmem:v59+s3+$0x0], $0xffff;
	[tilespmem:s21+$0xFFFFE2E0] =	vst v25  }
0x3aa: {  	v27 =	vadd.s32 $0x9C40, v1;
	v32 =	vld.idx.msk [tilespmem:v32+s3+$0x0], $0xffff;
	[tilespmem:s21+$0xFFFFE320] =	vst v28  }
0x3ab: {  	[tilespmem:s21+$0xFFFFE330] =	vst v11;
	v11 =	vld.idx.msk [tilespmem:v63+s3+$0x0], $0xffff  }
0x3ac: {  	v46 =	vadd.s32 $0x9C40, v5;
	[tilespmem:s21+$0xFFFFE340] =	vst v7;
	v7 =	vld.idx.msk [tilespmem:v35+s3+$0x0], $0xffff  }
0x3ad: {  	v34 =	vadd.s32 $0x9858, v9;
	[tilespmem:s21+$0xFFFFE310] =	vst v6;
	v6 =	vld.idx.msk [tilespmem:v36+s3+$0x0], $0xffff  }
0x3ae: {  	v37 =	vld.idx.msk [tilespmem:v62+s3+$0x0], $0xffff;
	[tilespmem:s21+$0xFFFFE3F0] =	vst v8  }
0x3af: {  	v44 =	vadd.s32 $0x9858, v48;
	[tilespmem:s21+$0xFFFFE300] =	vst v10;
	v8 =	vld.idx.msk [tilespmem:v27+s3+$0x0], $0xffff  }
0x3b0: {  	v45 =	vadd.s32 $0x9858, v51;
	[tilespmem:s21+$0xFFFFE3A0] =	vst v11;
	v11 =	vld [tilespmem:$0x1FA10]  }
0x3b1: {  	[tilespmem:s21+$0xFFFFE3B0] =	vst v7;
	v7 =	vld.idx.msk [tilespmem:v46+s3+$0x0], $0xffff  }
0x3b2: {  	[tilespmem:s21+$0xFFFFE350] =	vst v32;
	v10 =	vld.idx.msk [tilespmem:v34+s3+$0x0], $0xffff  }
0x3b3: {  	v59 =	vld [tilespmem:$0x1FAB0];
	[tilespmem:s21+$0xFFFFE360] =	vst v6  }
0x3b4: {  	v44 =	vld.idx.msk [tilespmem:v44+s3+$0x0], $0xffff;
	[tilespmem:s21+$0xFFFFE390] =	vst v37  }
0x3b5: {  	v36 =	vadd.s32 $0xA028, v1;
	[tilespmem:s21+$0x70] =	vst v8;
	v8 =	vld.idx.msk [tilespmem:v45+s3+$0x0], $0xffff  }
0x3b6: {  	v50 =	vadd.s32 $0x9C40, v47;
	[tilespmem:s21+$0x20] =	vst v7;
	v7 =	vld [tilespmem:$0x1FA30]  }
0x3b7: {  	v42 =	vadd.s32 $0x9C40, v48;
	v30 =	vadd.s32 $0xABE0, v51;
	[tilespmem:s21+$0xFFFFE380] =	vst v10;
	v10 =	vld.idx.msk [tilespmem:v43+s3+$0x0], $0xffff  }
0x3b8: {  	[tilespmem:$0x1FB70] =	vst v30;
	v11 =	vld.idx.msk [tilespmem:v11+s3+$0x0], $0xffff  }
0x3b9: {  	[tilespmem:$0x1FB80] =	vst v31;
	v62 =	vld [tilespmem:$0x1FB70]  }
0x3ba: {  	v52 =	vadd.s32 $0x9C40, v51;
	v49 =	vadd.s32 $0x9C40, v9;
	v31 =	vadd.s32 $0xB3B0, v9;
	v6 =	vld.idx.msk [tilespmem:v36+s3+$0x0], $0xffff;
	[tilespmem:s21+$0xFFFFE3C0] =	vst v44  }
0x3bb: {  	v2 =	vadd.s32 $0xB798, v51;
	v16 =	vadd.s32 $0xB798, v9;
	v9 =	vadd.s32 $0xB3B0, v51;
	v51 =	vld.idx.msk [tilespmem:v50+s3+$0x0], $0xffff;
	[tilespmem:s21+$0xFFFFE3D0] =	vst v8  }
0x3bc: {  	v45 =	vadd.s32 $0xA410, v1;
	v8 =	vld.idx.msk [tilespmem:v42+s3+$0x0], $0xffff;
	[tilespmem:s21+$0xFFFFE3E0] =	vst v10  }
0x3bd: {  	v38 =	vadd.s32 $0xA028, v47;
	[tilespmem:s21+$0x10] =	vst v11;
	v11 =	vld.idx.msk [tilespmem:v53+s3+$0x0], $0xffff  }
0x3be: {  	v7 =	vld.idx.msk [tilespmem:v7+s3+$0x0], $0xffff  }
0x3bf: {  	v49 =	vld.idx.msk [tilespmem:v49+s3+$0x0], $0xffff;
	[tilespmem:s21+$0xF0] =	vst v6  }
0x3c0: {  	v39 =	vadd.s32 $0xA028, v5;
	v10 =	vld.idx.msk [tilespmem:v52+s3+$0x0], $0xffff;
	[tilespmem:s21+$0x30] =	vst v51  }
0x3c1: {  	v40 =	vadd.s32 $0xA028, v48;
	v6 =	vld.idx.msk [tilespmem:v45+s3+$0x0], $0xffff;
	[tilespmem:s21+$0x40] =	vst v8  }
0x3c2: {  	v52 =	vadd.s32 $0xA7F8, v1;
	v8 =	vld.idx.msk [tilespmem:v38+s3+$0x0], $0xffff;
	[tilespmem:s21+$0x60] =	vst v11  }
0x3c3: {  	[tilespmem:s21+$0x90] =	vst v7;
	v7 =	vld.idx.msk [tilespmem:v41+s3+$0x0], $0xffff  }
0x3c4: {  	v53 =	vld [tilespmem:$0x1FA20]  }
0x3c5: {  	v54 =	vld.idx.msk [tilespmem:v39+s3+$0x0], $0xffff;
	[tilespmem:s21+$0x50] =	vst v10  }
0x3c6: {  	v3 =	vadd.s32 $0xA410, v5;
	v10 =	vld.idx.msk [tilespmem:v40+s3+$0x0], $0xffff;
	[tilespmem:s21+$0x170] =	vst v6  }
0x3c7: {  	v6 =	vld.idx.msk [tilespmem:v52+s3+$0x0], $0xffff  }
0x3c8: {  	v11 =	vadd.s32 $0xABE0, v1;
	[tilespmem:s21+$0xE0] =	vst v7;
	v7 =	vld [tilespmem:$0x1FA90]  }
0x3c9: {  	[tilespmem:s21+$0xB0] =	vst v8;
	v8 =	vld [tilespmem:$0x1FA70]  }
0x3ca: {  	[tilespmem:s21+$0xA0] =	vst v54;
	v12 =	vld.idx.msk [tilespmem:v55+s3+$0x0], $0xffff  }
0x3cb: {  	[tilespmem:s21+$0x0] =	vst v49;
	v3 =	vld.idx.msk [tilespmem:v3+s3+$0x0], $0xffff  }
0x3cc: {  	[tilespmem:s21+$0x1F0] =	vst v6;
	v13 =	vld.idx.msk [tilespmem:v53+s3+$0x0], $0xffff  }
0x3cd: {  	v6 =	vld.idx.msk [tilespmem:v11+s3+$0x0], $0xffff  }
0x3ce: {  	[tilespmem:s21+$0xC0] =	vst v10;
	v11 =	vld [tilespmem:$0x1FA80]  }
0x3cf: {  	v10 =	vadd.s32 $0xAFC8, v1;
	[tilespmem:s21+$0xD0] =	vst v12;
	v14 =	vld.idx.msk [tilespmem:v57+s3+$0x0], $0xffff  }
0x3d0: {  	v7 =	vld.idx.msk [tilespmem:v7+s3+$0x0], $0xffff  }
0x3d1: {  	v8 =	vld.idx.msk [tilespmem:v8+s3+$0x0], $0xffff;
	[tilespmem:s21+$0x80] =	vst v13  }
0x3d2: {  	v13 =	vld.idx.msk [tilespmem:v56+s3+$0x0], $0xffff  }
0x3d3: {  	[tilespmem:s21+$0x270] =	vst v6;
	v6 =	vld [tilespmem:$0x1FAC0]  }
0x3d4: {  	[tilespmem:s21+$0x120] =	vst v3;
	v3 =	vld.idx.msk [tilespmem:v10+s3+$0x0], $0xffff  }
0x3d5: {  	v10 =	vadd.s32 $0xB3B0, v1;
	[tilespmem:s21+$0x150] =	vst v7;
	v7 =	vld [tilespmem:$0x1FAF0]  }
0x3d6: {  	v11 =	vld.idx.msk [tilespmem:v11+s3+$0x0], $0xffff  }
0x3d7: {  	[tilespmem:s21+$0x130] =	vst v8;
	v8 =	vld [tilespmem:$0x1FAD0]  }
0x3d8: {  	v12 =	vld.idx.msk [tilespmem:v58+s3+$0x0], $0xffff;
	[tilespmem:s21+$0x100] =	vst v13  }
0x3d9: {  	v13 =	vld.idx.msk [tilespmem:v59+s3+$0x0], $0xffff;
	[tilespmem:s21+$0x2F0] =	vst v3  }
0x3da: {  	v3 =	vld.idx.msk [tilespmem:v10+s3+$0x0], $0xffff  }
0x3db: {  	[tilespmem:s21+$0x140] =	vst v11;
	v11 =	vld [tilespmem:$0x1FAE0]  }
0x3dc: {  	v10 =	vld [tilespmem:$0x1FB40]  }
0x3dd: {  	v26 =	vadd.s32 $0xABE0, v4;
	[tilespmem:s21+$0x110] =	vst v14;
	v7 =	vld.idx.msk [tilespmem:v7+s3+$0x0], $0xffff  }
0x3de: {  	[tilespmem:$0x1FB30] =	vst v26;
	v26 =	vadd.s32 $0xABE0, v47;
	v6 =	vld.idx.msk [tilespmem:v6+s3+$0x0], $0xffff  }
0x3df: {  	[tilespmem:$0x1FB50] =	vst v26;
	v8 =	vld.idx.msk [tilespmem:v8+s3+$0x0], $0xffff  }
0x3e0: {  	[tilespmem:s21+$0x160] =	vst v12;
	v12 =	vld.idx.msk [tilespmem:v60+s3+$0x0], $0xffff  }
0x3e1: {  	[tilespmem:s21+$0x180] =	vst v13;
	v13 =	vld.idx.msk [tilespmem:v61+s3+$0x0], $0xffff  }
0x3e2: {  	v1 =	vadd.s32 $0xB798, v1;
	[tilespmem:s21+$0x1C0] =	vst v7;
	v7 =	vld [tilespmem:$0x1FB50]  }
0x3e3: {  	v11 =	vld.idx.msk [tilespmem:v11+s3+$0x0], $0xffff  }
0x3e4: {  	[tilespmem:s21+$0x190] =	vst v6;
	v6 =	vld [tilespmem:$0x1FB20]  }
0x3e5: {  	[tilespmem:s21+$0x1A0] =	vst v8;
	v8 =	vld [tilespmem:$0x1FB30]  }
0x3e6: {  	[tilespmem:s21+$0x370] =	vst v3;
	v3 =	vld [tilespmem:$0x1FB80]  }
0x3e7: {  	v1 =	vld.idx.msk [tilespmem:v1+s3+$0x0], $0xffff  }
0x3e8: {  	[tilespmem:s21+$0x1B0] =	vst v11;
	v11 =	vld [tilespmem:$0x1FB60]  }
0x3e9: {  	v10 =	vld.idx.msk [tilespmem:v10+s3+$0x0], $0xffff  }
0x3ea: {  	[tilespmem:s21+$0x1D0] =	vst v12;
	v7 =	vld.idx.msk [tilespmem:v7+s3+$0x0], $0xffff  }
0x3eb: {  	v12 =	vld.idx.msk [tilespmem:v62+s3+$0x0], $0xffff  }
0x3ec: {  	v6 =	vld.idx.msk [tilespmem:v6+s3+$0x0], $0xffff  }
0x3ed: {  	v8 =	vld.idx.msk [tilespmem:v8+s3+$0x0], $0xffff  }
0x3ee: {  	[tilespmem:s21+$0x3F0] =	vst v1;
	v1 =	vld [tilespmem:$0x1FBE0]  }
0x3ef: {  	[tilespmem:s21+$0x230] =	vst v7;
	v7 =	vld [tilespmem:$0x1FBB0]  }
0x3f0: {  	v11 =	vld.idx.msk [tilespmem:v11+s3+$0x0], $0xffff  }
0x3f1: {  	[tilespmem:s21+$0x200] =	vst v6;
	v6 =	vld [tilespmem:$0x1FB90]  }
0x3f2: {  	[tilespmem:s21+$0x210] =	vst v8;
	v8 =	vld [tilespmem:$0x1FBA0]  }
0x3f3: {  	[tilespmem:s21+$0x220] =	vst v10;
	v10 =	vld [tilespmem:$0x1FBC0]  }
0x3f4: {  	[tilespmem:s21+$0x1E0] =	vst v13  }
0x3f5: {  	[tilespmem:s21+$0x240] =	vst v11;
	v11 =	vld [tilespmem:$0x1FBD0]  }
0x3f6: {  	v3 =	vld.idx.msk [tilespmem:v3+s3+$0x0], $0xffff  }
0x3f7: {  	[tilespmem:s21+$0x250] =	vst v12;
	v7 =	vld.idx.msk [tilespmem:v7+s3+$0x0], $0xffff  }
0x3f8: {  	v1 =	vld.idx.msk [tilespmem:v1+s3+$0x0], $0xffff  }
0x3f9: {  	v6 =	vld.idx.msk [tilespmem:v6+s3+$0x0], $0xffff  }
0x3fa: {  	v8 =	vld.idx.msk [tilespmem:v8+s3+$0x0], $0xffff  }
0x3fb: {  	v10 =	vld.idx.msk [tilespmem:v10+s3+$0x0], $0xffff  }
0x3fc: {  	v26 =	vadd.s32 $0xB3B0, v4;
	[tilespmem:s21+$0x2A0] =	vst v7;
	v7 =	vld [tilespmem:$0x1FBF0]  }
0x3fd: {  	v30 =	vadd.s32 $0xB3B0, v47;
	[tilespmem:s21+$0x260] =	vst v3;
	v11 =	vld.idx.msk [tilespmem:v11+s3+$0x0], $0xffff  }
0x3fe: {  	v19 =	vadd.s32 $0xB3B0, v48;
	v3 =	vld.idx.msk [tilespmem:v33+s3+$0x0], $0xffff;
	[tilespmem:s21+$0x2D0] =	vst v1  }
0x3ff: {  	v1 =	vld.idx.msk [tilespmem:v9+s3+$0x0], $0xffff;
	[tilespmem:s21+$0x280] =	vst v6  }
0x400: {  	v6 =	vld.idx.msk [tilespmem:v31+s3+$0x0], $0xffff;
	[tilespmem:s21+$0x290] =	vst v8  }
0x401: {  	v63 =	vld.idx.msk [tilespmem:v26+s3+$0x0], $0xffff;
	[tilespmem:s21+$0x2B0] =	vst v10  }
0x402: {  	v4 =	vadd.s32 $0xB798, v4;
	v10 =	vld.idx.msk [tilespmem:v30+s3+$0x0], $0xffff;
	[tilespmem:s21+$0x2C0] =	vst v11  }
0x403: {  	v47 =	vadd.s32 $0xB798, v47;
	v11 =	vld.idx.msk [tilespmem:v19+s3+$0x0], $0xffff  }
0x404: {  	s22 =	sadd.s32 $0x8, s22;
	v48 =	vadd.s32 $0xB798, v48;
	[tilespmem:s21+$0x2E0] =	vst v3;
	v7 =	vld.idx.msk [tilespmem:v7+s3+$0x0], $0xffff  }
0x405: {  	p0 =	slt.u32 s22, $0x38;
	v5 =	vadd.s32 $0xB798, v5;
	v8 =	vld.idx.msk [tilespmem:v20+s3+$0x0], $0xffff;
	[tilespmem:s21+$0x300] =	vst v6  }
.Ltmp2:
0x406: {  	v3 =	vld.idx.msk [tilespmem:v16+s3+$0x0], $0xffff;
	[tilespmem:s21+$0x310] =	vst v63;
	(pc) =	sbr.rel @p0 .LBB2_7-.Ltmp2, $4  }
0x407: {  	v6 =	vld.idx.msk [tilespmem:v4+s3+$0x0], $0xffff;
	[tilespmem:s21+$0x330] =	vst v10  }
0x408: {  	v9 =	vld.idx.msk [tilespmem:v47+s3+$0x0], $0xffff;
	[tilespmem:s21+$0x340] =	vst v11  }
0x409: {  	v10 =	vld.idx.msk [tilespmem:v48+s3+$0x0], $0xffff;
	[tilespmem:s21+$0x320] =	vst v7  }
0x40a: {  	s23 =	sadd.s32 $0x80, s23;
	[tilespmem:s21+$0x350] =	vst v1;
	v7 =	vld.idx.msk [tilespmem:v5+s3+$0x0], $0xffff  }
0x40b: {  	_ =	sdelay $0x2  }
0x40c: {  	[tilespmem:s21+$0x360] =	vst v8  }
0x40d: {  	[tilespmem:s21+$0x380] =	vst v3;
	v1 =	vld.idx.msk [tilespmem:v2+s3+$0x0], $0xffff  }
0x40e: {  	[tilespmem:s21+$0x390] =	vst v6;
	v0 =	vld.idx.msk [tilespmem:v0+s3+$0x0], $0xffff  }
0x40f: {  	[tilespmem:s21+$0x3B0] =	vst v9  }
0x410: {  	[tilespmem:s21+$0x3C0] =	vst v10  }
0x411: {  	s22 =	sadd.s32 s9, s20;
	[tilespmem:s21+$0x3A0] =	vst v7  }
0x412: {  	s22 =	sshrl.u32 s22, $0x3;
	[tilespmem:s21+$0x3D0] =	vst v1  }
0x413: {  	s30 =	sadd.s32 s2, s22;
	[tilespmem:s21+$0x3E0] =	vst v0  }
0x414: {  	[hbm4b:s30+s3] =	stream.linear.scatter [tilespmem:s14], [sflag:$0x2], $0x4000, $0x38;
	[tilespmem:$0x17E00] =	vst v63  }
0x415: {  	_ =	swait.ge [sflag:s17], $0x4000  }
0x416: {  	[sflag:s17] =	ssyncset.done $0x0  }
0x417: {  	s31 =	simm.s32 $0xFA40;
	[sflag:s17] =	ssyncadd.s32 $0xFFFFC000  }
0x418: {  	v7 =	vld [tilespmem:s31+$0x30]  }
0x419: {  	v5 =	vld [tilespmem:s31+$0xFFFFFFD0]  }
0x41a: {  	v4 =	vld [tilespmem:s31+$0xFFFFFFE0]  }
0x41b: {  	v3 =	vld [tilespmem:s31+$0xFFFFFFF0]  }
0x41c: {  	v2 =	vld [tilespmem:s31+$0x0]  }
0x41d: {  	v6 =	vld [tilespmem:s31+$0xFFFFFFC0];
	v8 =	vadd.s32 $0xBB80, v7  }
0x41e: {  	v0 =	vld [tilespmem:s31+$0x10];
	v9 =	vadd.s32 $0xBB80, v5  }
0x41f: {  	v1 =	vld [tilespmem:s31+$0x20];
	v10 =	vadd.s32 $0xBB80, v4  }
0x420: {  	v11 =	vadd.s32 $0xBB80, v3  }
0x421: {  	v12 =	vadd.s32 $0xBB80, v2  }
0x422: {  	v16 =	vadd.s32 $0xBB80, v6;
	v8 =	vld.idx.msk [tilespmem:v8+s3+$0x0], $0xffff  }
0x423: {  	v13 =	vadd.s32 $0xBB80, v0;
	v9 =	vld.idx.msk [tilespmem:v9+s3+$0x0], $0xffff  }
0x424: {  	v14 =	vadd.s32 $0xBB80, v1;
	v10 =	vld.idx.msk [tilespmem:v10+s3+$0x0], $0xffff  }
0x425: {  	v15 =	vadd.s32 $0xBF68, v7;
	v11 =	vld.idx.msk [tilespmem:v11+s3+$0x0], $0xffff  }
0x426: {  	s21 =	simm.s32 $0x15E00;
	v17 =	vadd.s32 $0xBF68, v5;
	v12 =	vld.idx.msk [tilespmem:v12+s3+$0x0], $0xffff  }
0x427: {  	v18 =	vadd.s32 $0xBF68, v4;
	v16 =	vld.idx.msk [tilespmem:v16+s3+$0x0], $0xffff;
	[tilespmem:s21+$0xFFFFE070] =	vst v8  }
0x428: {  	v35 =	vadd.s32 $0xBF68, v6;
	v13 =	vld.idx.msk [tilespmem:v13+s3+$0x0], $0xffff;
	[tilespmem:s21+$0xFFFFE010] =	vst v9  }
0x429: {  	v14 =	vld.idx.msk [tilespmem:v14+s3+$0x0], $0xffff;
	v8 =	vadd.s32 $0xBF68, v3;
	[tilespmem:s21+$0xFFFFE020] =	vst v10  }
0x42a: {  	v9 =	vadd.s32 $0xBF68, v2;
	[tilespmem:s21+$0xFFFFE030] =	vst v11;
	v15 =	vld.idx.msk [tilespmem:v15+s3+$0x0], $0xffff  }
0x42b: {  	v10 =	vadd.s32 $0xBF68, v0;
	[tilespmem:s21+$0xFFFFE040] =	vst v12;
	v17 =	vld.idx.msk [tilespmem:v17+s3+$0x0], $0xffff  }
0x42c: {  	v11 =	vadd.s32 $0xC350, v7;
	[tilespmem:s21+$0xFFFFE000] =	vst v16;
	v18 =	vld.idx.msk [tilespmem:v18+s3+$0x0], $0xffff  }
0x42d: {  	v38 =	vadd.s32 $0xC350, v4;
	[tilespmem:s21+$0xFFFFE050] =	vst v13;
	v12 =	vld.idx.msk [tilespmem:v35+s3+$0x0], $0xffff  }
0x42e: {  	v36 =	vadd.s32 $0xBF68, v1;
	[tilespmem:s21+$0xFFFFE060] =	vst v14;
	v8 =	vld.idx.msk [tilespmem:v8+s3+$0x0], $0xffff  }
0x42f: {  	v37 =	vadd.s32 $0xC350, v5;
	v9 =	vld.idx.msk [tilespmem:v9+s3+$0x0], $0xffff;
	[tilespmem:s21+$0xFFFFE0F0] =	vst v15  }
0x430: {  	v39 =	vadd.s32 $0xC350, v3;
	v10 =	vld.idx.msk [tilespmem:v10+s3+$0x0], $0xffff;
	[tilespmem:s21+$0xFFFFE090] =	vst v17  }
0x431: {  	v40 =	vadd.s32 $0xC350, v2;
	[tilespmem:s21+$0xFFFFE0A0] =	vst v18;
	v11 =	vld.idx.msk [tilespmem:v11+s3+$0x0], $0xffff  }
0x432: {  	v41 =	vadd.s32 $0xC738, v7;
	[tilespmem:s21+$0xFFFFE080] =	vst v12;
	v15 =	vld.idx.msk [tilespmem:v38+s3+$0x0], $0xffff  }
0x433: {  	v42 =	vadd.s32 $0xC738, v4;
	v13 =	vld.idx.msk [tilespmem:v36+s3+$0x0], $0xffff;
	[tilespmem:s21+$0xFFFFE0B0] =	vst v8  }
0x434: {  	v14 =	vld.idx.msk [tilespmem:v37+s3+$0x0], $0xffff;
	v8 =	vadd.s32 $0xC350, v6;
	[tilespmem:s21+$0xFFFFE0C0] =	vst v9  }
0x435: {  	v9 =	vadd.s32 $0xC350, v0;
	[tilespmem:s21+$0xFFFFE0D0] =	vst v10;
	v16 =	vld.idx.msk [tilespmem:v39+s3+$0x0], $0xffff  }
0x436: {  	v10 =	vadd.s32 $0xC350, v1;
	v17 =	vld.idx.msk [tilespmem:v40+s3+$0x0], $0xffff;
	[tilespmem:s21+$0xFFFFE170] =	vst v11  }
0x437: {  	v11 =	vadd.s32 $0xC738, v5;
	[tilespmem:s21+$0xFFFFE120] =	vst v15;
	v18 =	vld.idx.msk [tilespmem:v41+s3+$0x0], $0xffff  }
0x438: {  	v43 =	vadd.s32 $0xC738, v3;
	[tilespmem:s21+$0xFFFFE0E0] =	vst v13;
	v12 =	vld.idx.msk [tilespmem:v42+s3+$0x0], $0xffff  }
0x439: {  	v46 =	vadd.s32 $0xC738, v2;
	[tilespmem:s21+$0xFFFFE110] =	vst v14;
	v8 =	vld.idx.msk [tilespmem:v8+s3+$0x0], $0xffff  }
0x43a: {  	v44 =	vadd.s32 $0xCB20, v7;
	v9 =	vld.idx.msk [tilespmem:v9+s3+$0x0], $0xffff;
	[tilespmem:s21+$0xFFFFE130] =	vst v16  }
0x43b: {  	v45 =	vadd.s32 $0xC738, v6;
	v10 =	vld.idx.msk [tilespmem:v10+s3+$0x0], $0xffff;
	[tilespmem:s21+$0xFFFFE140] =	vst v17  }
0x43c: {  	v47 =	vadd.s32 $0xC738, v0;
	v11 =	vld.idx.msk [tilespmem:v11+s3+$0x0], $0xffff;
	[tilespmem:s21+$0xFFFFE1F0] =	vst v18  }
0x43d: {  	v48 =	vadd.s32 $0xC738, v1;
	v13 =	vld.idx.msk [tilespmem:v43+s3+$0x0], $0xffff;
	[tilespmem:s21+$0xFFFFE1A0] =	vst v12  }
0x43e: {  	v49 =	vadd.s32 $0xCB20, v3;
	v16 =	vld.idx.msk [tilespmem:v46+s3+$0x0], $0xffff;
	[tilespmem:s21+$0xFFFFE100] =	vst v8  }
0x43f: {  	v14 =	vld.idx.msk [tilespmem:v44+s3+$0x0], $0xffff;
	v8 =	vadd.s32 $0xCB20, v5;
	[tilespmem:s21+$0xFFFFE150] =	vst v9  }
0x440: {  	v9 =	vadd.s32 $0xCB20, v4;
	[tilespmem:s21+$0xFFFFE160] =	vst v10;
	v15 =	vld.idx.msk [tilespmem:v45+s3+$0x0], $0xffff  }
0x441: {  	v10 =	vadd.s32 $0xCF08, v7;
	v17 =	vld.idx.msk [tilespmem:v47+s3+$0x0], $0xffff;
	[tilespmem:s21+$0xFFFFE190] =	vst v11  }
0x442: {  	v18 =	vld.idx.msk [tilespmem:v48+s3+$0x0], $0xffff;
	v11 =	vadd.s32 $0xCB20, v6;
	[tilespmem:s21+$0xFFFFE1B0] =	vst v13  }
0x443: {  	v52 =	vadd.s32 $0xCB20, v1;
	[tilespmem:s21+$0xFFFFE1C0] =	vst v16;
	v12 =	vld.idx.msk [tilespmem:v49+s3+$0x0], $0xffff  }
0x444: {  	v50 =	vadd.s32 $0xCB20, v2;
	[tilespmem:s21+$0xFFFFE270] =	vst v14;
	v8 =	vld.idx.msk [tilespmem:v8+s3+$0x0], $0xffff  }
0x445: {  	v51 =	vadd.s32 $0xCB20, v0;
	v9 =	vld.idx.msk [tilespmem:v9+s3+$0x0], $0xffff;
	[tilespmem:s21+$0xFFFFE180] =	vst v15  }
0x446: {  	v53 =	vadd.s32 $0xCF08, v5;
	v10 =	vld.idx.msk [tilespmem:v10+s3+$0x0], $0xffff;
	[tilespmem:s21+$0xFFFFE1D0] =	vst v17  }
0x447: {  	v54 =	vadd.s32 $0xD2F0, v7;
	[tilespmem:s21+$0xFFFFE1E0] =	vst v18;
	v11 =	vld.idx.msk [tilespmem:v11+s3+$0x0], $0xffff  }
0x448: {  	v55 =	vadd.s32 $0xCF08, v6;
	v15 =	vld.idx.msk [tilespmem:v52+s3+$0x0], $0xffff;
	[tilespmem:s21+$0xFFFFE230] =	vst v12  }
0x449: {  	v56 =	vadd.s32 $0xCF08, v1;
	v13 =	vld.idx.msk [tilespmem:v50+s3+$0x0], $0xffff;
	[tilespmem:s21+$0xFFFFE210] =	vst v8  }
0x44a: {  	v14 =	vld.idx.msk [tilespmem:v51+s3+$0x0], $0xffff;
	v8 =	vadd.s32 $0xCF08, v4;
	[tilespmem:s21+$0xFFFFE220] =	vst v9  }
0x44b: {  	v9 =	vadd.s32 $0xCF08, v3;
	[tilespmem:s21+$0xFFFFE2F0] =	vst v10;
	v16 =	vld.idx.msk [tilespmem:v53+s3+$0x0], $0xffff  }
0x44c: {  	v10 =	vadd.s32 $0xCF08, v2;
	v17 =	vld.idx.msk [tilespmem:v54+s3+$0x0], $0xffff;
	[tilespmem:s21+$0xFFFFE200] =	vst v11  }
0x44d: {  	v11 =	vadd.s32 $0xCF08, v0;
	[tilespmem:s21+$0xFFFFE260] =	vst v15;
	v18 =	vld.idx.msk [tilespmem:v55+s3+$0x0], $0xffff  }
0x44e: {  	v59 =	vadd.s32 $0xD2F0, v5;
	[tilespmem:s21+$0xFFFFE240] =	vst v13;
	v12 =	vld.idx.msk [tilespmem:v56+s3+$0x0], $0xffff  }
0x44f: {  	v57 =	vadd.s32 $0xD6D8, v7;
	[tilespmem:s21+$0xFFFFE250] =	vst v14;
	v8 =	vld.idx.msk [tilespmem:v8+s3+$0x0], $0xffff  }
0x450: {  	v58 =	vadd.s32 $0xD2F0, v6;
	v9 =	vld.idx.msk [tilespmem:v9+s3+$0x0], $0xffff;
	[tilespmem:s21+$0xFFFFE290] =	vst v16  }
0x451: {  	v60 =	vadd.s32 $0xD2F0, v4;
	v10 =	vld.idx.msk [tilespmem:v10+s3+$0x0], $0xffff;
	[tilespmem:s21+$0xFFFFE370] =	vst v17  }
0x452: {  	v61 =	vadd.s32 $0xD2F0, v3;
	v11 =	vld.idx.msk [tilespmem:v11+s3+$0x0], $0xffff;
	[tilespmem:s21+$0xFFFFE280] =	vst v18  }
0x453: {  	v62 =	vadd.s32 $0xD2F0, v2;
	v15 =	vld.idx.msk [tilespmem:v59+s3+$0x0], $0xffff;
	[tilespmem:s21+$0xFFFFE2E0] =	vst v12  }
0x454: {  	v63 =	vadd.s32 $0xD6D8, v5;
	v13 =	vld.idx.msk [tilespmem:v57+s3+$0x0], $0xffff;
	[tilespmem:s21+$0xFFFFE2A0] =	vst v8  }
0x455: {  	v14 =	vld.idx.msk [tilespmem:v58+s3+$0x0], $0xffff;
	v8 =	vadd.s32 $0xD2F0, v0;
	[tilespmem:s21+$0xFFFFE2B0] =	vst v9  }
0x456: {  	v9 =	vadd.s32 $0xDAC0, v7;
	[tilespmem:s21+$0xFFFFE2C0] =	vst v10;
	v16 =	vld.idx.msk [tilespmem:v60+s3+$0x0], $0xffff  }
0x457: {  	v10 =	vadd.s32 $0xD2F0, v1;
	v17 =	vld.idx.msk [tilespmem:v61+s3+$0x0], $0xffff;
	[tilespmem:s21+$0xFFFFE2D0] =	vst v11  }
0x458: {  	v18 =	vld.idx.msk [tilespmem:v62+s3+$0x0], $0xffff;
	v11 =	vadd.s32 $0xD6D8, v6;
	[tilespmem:s21+$0xFFFFE310] =	vst v15  }
0x459: {  	v23 =	vadd.s32 $0xD6D8, v2;
	[tilespmem:s21+$0xFFFFE3F0] =	vst v13;
	v12 =	vld.idx.msk [tilespmem:v63+s3+$0x0], $0xffff  }
0x45a: {  	v21 =	vadd.s32 $0xD6D8, v4;
	[tilespmem:s21+$0xFFFFE300] =	vst v14;
	v8 =	vld.idx.msk [tilespmem:v8+s3+$0x0], $0xffff  }
0x45b: {  	v22 =	vadd.s32 $0xD6D8, v3;
	v9 =	vld.idx.msk [tilespmem:v9+s3+$0x0], $0xffff;
	[tilespmem:s21+$0xFFFFE320] =	vst v16  }
0x45c: {  	v24 =	vadd.s32 $0xDEA8, v7;
	v10 =	vld.idx.msk [tilespmem:v10+s3+$0x0], $0xffff;
	[tilespmem:s21+$0xFFFFE330] =	vst v17  }
0x45d: {  	v25 =	vadd.s32 $0xD6D8, v0;
	[tilespmem:s21+$0xFFFFE340] =	vst v18;
	v11 =	vld.idx.msk [tilespmem:v11+s3+$0x0], $0xffff  }
0x45e: {  	v26 =	vadd.s32 $0xD6D8, v1;
	v15 =	vld.idx.msk [tilespmem:v23+s3+$0x0], $0xffff;
	[tilespmem:s21+$0xFFFFE390] =	vst v12  }
0x45f: {  	v29 =	vadd.s32 $0xDAC0, v2;
	v13 =	vld.idx.msk [tilespmem:v21+s3+$0x0], $0xffff;
	[tilespmem:s21+$0xFFFFE350] =	vst v8  }
0x460: {  	v14 =	vld.idx.msk [tilespmem:v22+s3+$0x0], $0xffff;
	v8 =	vadd.s32 $0xDAC0, v6;
	[tilespmem:s21+$0x70] =	vst v9  }
0x461: {  	v9 =	vadd.s32 $0xDAC0, v5;
	[tilespmem:s21+$0xFFFFE360] =	vst v10;
	v16 =	vld.idx.msk [tilespmem:v24+s3+$0x0], $0xffff  }
0x462: {  	v10 =	vadd.s32 $0xDAC0, v4;
	v17 =	vld.idx.msk [tilespmem:v25+s3+$0x0], $0xffff;
	[tilespmem:s21+$0xFFFFE380] =	vst v11  }
0x463: {  	v27 =	vld.idx.msk [tilespmem:v26+s3+$0x0], $0xffff;
	v11 =	vadd.s32 $0xDAC0, v3;
	[tilespmem:s21+$0xFFFFE3C0] =	vst v15  }
0x464: {  	v28 =	vadd.s32 $0xE290, v7;
	[tilespmem:s21+$0xFFFFE3A0] =	vst v13;
	v13 =	vld.idx.msk [tilespmem:v29+s3+$0x0], $0xffff  }
0x465: {  	v31 =	vadd.s32 $0xDAC0, v1;
	[tilespmem:s21+$0xFFFFE3B0] =	vst v14;
	v8 =	vld.idx.msk [tilespmem:v8+s3+$0x0], $0xffff  }
0x466: {  	v30 =	vadd.s32 $0xDAC0, v0;
	v9 =	vld.idx.msk [tilespmem:v9+s3+$0x0], $0xffff;
	[tilespmem:s21+$0xF0] =	vst v16  }
0x467: {  	v32 =	vadd.s32 $0xDEA8, v6;
	v10 =	vld.idx.msk [tilespmem:v10+s3+$0x0], $0xffff;
	[tilespmem:s21+$0xFFFFE3D0] =	vst v17  }
0x468: {  	v33 =	vadd.s32 $0xDEA8, v5;
	[tilespmem:s21+$0xFFFFE3E0] =	vst v27;
	v11 =	vld.idx.msk [tilespmem:v11+s3+$0x0], $0xffff  }
0x469: {  	v34 =	vadd.s32 $0xDEA8, v4;
	v18 =	vld.idx.msk [tilespmem:v28+s3+$0x0], $0xffff;
	[tilespmem:s21+$0x40] =	vst v13  }
0x46a: {  	v35 =	vadd.s32 $0xE678, v7;
	v15 =	vld.idx.msk [tilespmem:v31+s3+$0x0], $0xffff;
	[tilespmem:s21+$0x0] =	vst v8  }
0x46b: {  	v36 =	vadd.s32 $0xDEA8, v1;
	v8 =	vld.idx.msk [tilespmem:v30+s3+$0x0], $0xffff;
	[tilespmem:s21+$0x10] =	vst v9  }
0x46c: {  	v9 =	vadd.s32 $0xDEA8, v3;
	[tilespmem:s21+$0x20] =	vst v10;
	v16 =	vld.idx.msk [tilespmem:v32+s3+$0x0], $0xffff  }
0x46d: {  	v10 =	vadd.s32 $0xDEA8, v2;
	v17 =	vld.idx.msk [tilespmem:v33+s3+$0x0], $0xffff;
	[tilespmem:s21+$0x30] =	vst v11  }
0x46e: {  	v12 =	vld.idx.msk [tilespmem:v34+s3+$0x0], $0xffff;
	v11 =	vadd.s32 $0xDEA8, v0;
	[tilespmem:s21+$0x170] =	vst v18  }
0x46f: {  	v37 =	vadd.s32 $0xE290, v6;
	[tilespmem:s21+$0x60] =	vst v15;
	v14 =	vld.idx.msk [tilespmem:v35+s3+$0x0], $0xffff  }
0x470: {  	v39 =	vadd.s32 $0xE290, v4;
	v18 =	vld.idx.msk [tilespmem:v36+s3+$0x0], $0xffff;
	[tilespmem:s21+$0x50] =	vst v8  }
0x471: {  	v38 =	vadd.s32 $0xEA60, v7;
	v9 =	vld.idx.msk [tilespmem:v9+s3+$0x0], $0xffff;
	[tilespmem:s21+$0x80] =	vst v16  }
0x472: {  	v8 =	vadd.s32 $0xE290, v5;
	v10 =	vld.idx.msk [tilespmem:v10+s3+$0x0], $0xffff;
	[tilespmem:s21+$0x90] =	vst v17  }
0x473: {  	v40 =	vadd.s32 $0xE290, v3;
	[tilespmem:s21+$0xA0] =	vst v12;
	v11 =	vld.idx.msk [tilespmem:v11+s3+$0x0], $0xffff  }
0x474: {  	v41 =	vadd.s32 $0xE290, v2;
	v13 =	vld.idx.msk [tilespmem:v37+s3+$0x0], $0xffff;
	[tilespmem:s21+$0x1F0] =	vst v14  }
0x475: {  	v42 =	vadd.s32 $0xE290, v0;
	v16 =	vld.idx.msk [tilespmem:v39+s3+$0x0], $0xffff;
	[tilespmem:s21+$0xE0] =	vst v18  }
0x476: {  	v44 =	vadd.s32 $0xE678, v4;
	v15 =	vld.idx.msk [tilespmem:v38+s3+$0x0], $0xffff;
	[tilespmem:s21+$0xB0] =	vst v9  }
0x477: {  	v8 =	vld.idx.msk [tilespmem:v8+s3+$0x0], $0xffff;
	v9 =	vadd.s32 $0xE290, v1;
	[tilespmem:s21+$0xC0] =	vst v10  }
0x478: {  	v10 =	vadd.s32 $0xE678, v6;
	v17 =	vld.idx.msk [tilespmem:v40+s3+$0x0], $0xffff;
	[tilespmem:s21+$0xD0] =	vst v11  }
0x479: {  	v43 =	vadd.s32 $0xE678, v5;
	v12 =	vld.idx.msk [tilespmem:v41+s3+$0x0], $0xffff;
	[tilespmem:s21+$0x100] =	vst v13  }
0x47a: {  	v11 =	vadd.s32 $0xEE48, v7;
	[tilespmem:s21+$0x120] =	vst v16;
	v14 =	vld.idx.msk [tilespmem:v42+s3+$0x0], $0xffff  }
0x47b: {  	v45 =	vadd.s32 $0xE678, v2;
	v13 =	vld.idx.msk [tilespmem:v44+s3+$0x0], $0xffff;
	[tilespmem:s21+$0x270] =	vst v15  }
0x47c: {  	v46 =	vadd.s32 $0xE678, v0;
	[tilespmem:s21+$0x110] =	vst v8;
	v9 =	vld.idx.msk [tilespmem:v9+s3+$0x0], $0xffff  }
0x47d: {  	v8 =	vadd.s32 $0xE678, v3;
	v10 =	vld.idx.msk [tilespmem:v10+s3+$0x0], $0xffff;
	[tilespmem:s21+$0x130] =	vst v17  }
0x47e: {  	v47 =	vadd.s32 $0xE678, v1;
	v18 =	vld.idx.msk [tilespmem:v43+s3+$0x0], $0xffff;
	[tilespmem:s21+$0x140] =	vst v12  }
0x47f: {  	v49 =	vadd.s32 $0xEA60, v6;
	v11 =	vld.idx.msk [tilespmem:v11+s3+$0x0], $0xffff;
	[tilespmem:s21+$0x150] =	vst v14  }
0x480: {  	v48 =	vadd.s32 $0xF230, v7;
	v15 =	vld.idx.msk [tilespmem:v45+s3+$0x0], $0xffff;
	[tilespmem:s21+$0x1A0] =	vst v13  }
0x481: {  	v50 =	vadd.s32 $0xEA60, v2;
	v16 =	vld.idx.msk [tilespmem:v46+s3+$0x0], $0xffff;
	[tilespmem:s21+$0x160] =	vst v9  }
0x482: {  	v8 =	vld.idx.msk [tilespmem:v8+s3+$0x0], $0xffff;
	v9 =	vadd.s32 $0xEA60, v5;
	[tilespmem:s21+$0x180] =	vst v10  }
0x483: {  	v10 =	vadd.s32 $0xEA60, v4;
	v17 =	vld.idx.msk [tilespmem:v47+s3+$0x0], $0xffff;
	[tilespmem:s21+$0x190] =	vst v18  }
0x484: {  	v51 =	vadd.s32 $0xEA60, v0;
	v14 =	vld.idx.msk [tilespmem:v49+s3+$0x0], $0xffff;
	[tilespmem:s21+$0x2F0] =	vst v11  }
0x485: {  	v11 =	vadd.s32 $0xEA60, v3;
	[tilespmem:s21+$0x1C0] =	vst v15;
	v12 =	vld.idx.msk [tilespmem:v48+s3+$0x0], $0xffff  }
0x486: {  	v52 =	vadd.s32 $0xEE48, v6;
	v54 =	vld.idx.msk [tilespmem:v50+s3+$0x0], $0xffff;
	[tilespmem:s21+$0x1D0] =	vst v16  }
0x487: {  	v7 =	vadd.s32 $0xF618, v7;
	[tilespmem:s21+$0x1B0] =	vst v8;
	v8 =	vld.idx.msk [tilespmem:v9+s3+$0x0], $0xffff  }
0x488: {  	v9 =	vadd.s32 $0xEA60, v1;
	v10 =	vld.idx.msk [tilespmem:v10+s3+$0x0], $0xffff;
	[tilespmem:s21+$0x1E0] =	vst v17  }
0x489: {  	v53 =	vadd.s32 $0xEE48, v5;
	v13 =	vld.idx.msk [tilespmem:v51+s3+$0x0], $0xffff;
	[tilespmem:s21+$0x200] =	vst v14  }
0x48a: {  	v55 =	vadd.s32 $0xEE48, v4;
	v11 =	vld.idx.msk [tilespmem:v11+s3+$0x0], $0xffff;
	[tilespmem:s21+$0x370] =	vst v12  }
0x48b: {  	v56 =	vadd.s32 $0xEE48, v3;
	v15 =	vld.idx.msk [tilespmem:v52+s3+$0x0], $0xffff;
	[tilespmem:s21+$0x240] =	vst v54  }
0x48c: {  	v57 =	vadd.s32 $0xF230, v6;
	v7 =	vld.idx.msk [tilespmem:v7+s3+$0x0], $0xffff;
	[tilespmem:s21+$0x210] =	vst v8  }
0x48d: {  	v8 =	vadd.s32 $0xEE48, v2;
	v9 =	vld.idx.msk [tilespmem:v9+s3+$0x0], $0xffff;
	[tilespmem:s21+$0x220] =	vst v10  }
0x48e: {  	v10 =	vadd.s32 $0xEE48, v0;
	[tilespmem:s21+$0x250] =	vst v13;
	v16 =	vld.idx.msk [tilespmem:v53+s3+$0x0], $0xffff  }
0x48f: {  	v12 =	vld.idx.msk [tilespmem:v55+s3+$0x0], $0xffff;
	[tilespmem:s21+$0x230] =	vst v11;
	v11 =	vadd.s32 $0xEE48, v1  }
0x490: {  	v58 =	vadd.s32 $0xF230, v5;
	[tilespmem:s21+$0x280] =	vst v15;
	v14 =	vld.idx.msk [tilespmem:v56+s3+$0x0], $0xffff  }
0x491: {  	v17 =	vld.idx.msk [tilespmem:v57+s3+$0x0], $0xffff;
	[tilespmem:s21+$0x3F0] =	vst v7;
	v7 =	vadd.s32 $0xF230, v4  }
0x492: {  	v8 =	vld.idx.msk [tilespmem:v8+s3+$0x0], $0xffff;
	[tilespmem:s21+$0x260] =	vst v9;
	v9 =	vadd.s32 $0xF230, v3  }
0x493: {  	v59 =	vadd.s32 $0xF230, v2;
	v10 =	vld.idx.msk [tilespmem:v10+s3+$0x0], $0xffff;
	[tilespmem:s21+$0x290] =	vst v16  }
0x494: {  	v60 =	vadd.s32 $0xF230, v0;
	[tilespmem:s21+$0x2A0] =	vst v12;
	v11 =	vld.idx.msk [tilespmem:v11+s3+$0x0], $0xffff  }
0x495: {  	v6 =	vadd.s32 $0xF618, v6;
	v13 =	vld.idx.msk [tilespmem:v58+s3+$0x0], $0xffff;
	[tilespmem:s21+$0x2B0] =	vst v14  }
0x496: {  	v61 =	vadd.s32 $0xF230, v1;
	[tilespmem:s21+$0x300] =	vst v17;
	v7 =	vld.idx.msk [tilespmem:v7+s3+$0x0], $0xffff  }
0x497: {  	v5 =	vadd.s32 $0xF618, v5;
	[tilespmem:s21+$0x2C0] =	vst v8;
	v9 =	vld.idx.msk [tilespmem:v9+s3+$0x0], $0xffff  }
0x498: {  	v4 =	vadd.s32 $0xF618, v4;
	[tilespmem:s21+$0x2D0] =	vst v10;
	v10 =	vld.idx.msk [tilespmem:v59+s3+$0x0], $0xffff  }
0x499: {  	v62 =	vld.idx.msk [tilespmem:v60+s3+$0x0], $0xffff;
	[tilespmem:s21+$0x2E0] =	vst v11;
	v11 =	vadd.s32 $0xF618, v3  }
0x49a: {  	v63 =	vadd.s32 $0xF618, v2;
	v3 =	vld.idx.msk [tilespmem:v6+s3+$0x0], $0xffff  }
0x49b: {  	[tilespmem:s21+$0x310] =	vst v13;
	v8 =	vld.idx.msk [tilespmem:v61+s3+$0x0], $0xffff  }
0x49c: {  	v6 =	vld.idx.msk [tilespmem:v5+s3+$0x0], $0xffff;
	[tilespmem:s21+$0x320] =	vst v7  }
0x49d: {  	[tilespmem:s21+$0x330] =	vst v9;
	v7 =	vld.idx.msk [tilespmem:v4+s3+$0x0], $0xffff  }
0x49e: {  	[tilespmem:s21+$0x340] =	vst v10;
	v9 =	vld.idx.msk [tilespmem:v11+s3+$0x0], $0xffff  }
0x49f: {  	s23 =	simm.s32 $0xFAC0;
	s22 =	simm.s32 $0x0;
	v2 =	vadd.s32 $0xF618, v0;
	v0 =	vadd.s32 $0xF618, v1;
	[tilespmem:s21+$0x350] =	vst v62;
	v10 =	vld.idx.msk [tilespmem:v63+s3+$0x0], $0xffff  }
.LBB2_9:
0x4a0: {  	v1 =	vld [tilespmem:s23+$0x30]  }
0x4a1: {  	v4 =	vld [tilespmem:s23+$0xFFFFFFD0]  }
0x4a2: {  	v5 =	vld [tilespmem:s23+$0xFFFFFFE0]  }
0x4a3: {  	v47 =	vld [tilespmem:s23+$0xFFFFFFF0]  }
0x4a4: {  	v48 =	vld [tilespmem:s23+$0x0];
	[tilespmem:s21+$0x360] =	vst v8  }
0x4a5: {  	v51 =	vld [tilespmem:s23+$0x10];
	[tilespmem:s21+$0x380] =	vst v3  }
0x4a6: {  	v11 =	vld.idx.msk [tilespmem:v2+s3+$0x0], $0xffff;
	[tilespmem:s21+$0x390] =	vst v6  }
0x4a7: {  	[tilespmem:s21+$0x3A0] =	vst v7;
	v6 =	vadd.s32 $0xBB80, v1;
	v55 =	vld [tilespmem:s23+$0x20]  }
0x4a8: {  	[tilespmem:s21+$0x3B0] =	vst v9;
	v7 =	vadd.s32 $0xBB80, v4;
	v9 =	vld [tilespmem:s23+$0xFFFFFFC0]  }
0x4a9: {  	v8 =	vadd.s32 $0xBB80, v5;
	v14 =	vld.idx.msk [tilespmem:v0+s3+$0x0], $0xffff  }
0x4aa: {  	[tilespmem:s21+$0x3C0] =	vst v10;
	v10 =	vadd.s32 $0xBB80, v47  }
0x4ab: {  	v12 =	vadd.s32 $0xBB80, v48  }
0x4ac: {  	v13 =	vadd.s32 $0xBB80, v51;
	[tilespmem:s21+$0x3D0] =	vst v11;
	v0 =	vadd.s32 $0xDAC0, v4;
	v15 =	vld.idx.msk [tilespmem:v6+s3+$0x0], $0xffff  }
0x4ad: {  	[tilespmem:$0x1F820] =	vst v0;
	v17 =	vld.idx.msk [tilespmem:v7+s3+$0x0], $0xffff;
	v18 =	vadd.s32 $0xBB80, v55  }
0x4ae: {  	v22 =	vadd.s32 $0xBB80, v9;
	v23 =	vld.idx.msk [tilespmem:v8+s3+$0x0], $0xffff;
	[tilespmem:s21+$0x3E0] =	vst v14;
	v2 =	vadd.s32 $0xDEA8, v9  }
0x4af: {  	v24 =	vadd.s32 $0xBF68, v1;
	v27 =	vld.idx.msk [tilespmem:v10+s3+$0x0], $0xffff;
	[tilespmem:$0x1F830] =	vst v2;
	v2 =	vadd.s32 $0xDEA8, v4  }
0x4b0: {  	v21 =	vadd.s32 $0xBF68, v4;
	v28 =	vld.idx.msk [tilespmem:v12+s3+$0x0], $0xffff;
	s21 =	sadd.s32 $0x400, s21;
	[tilespmem:$0x1F840] =	vst v2  }
0x4b1: {  	v25 =	vadd.s32 $0xBF68, v5;
	v34 =	vld.idx.msk [tilespmem:v13+s3+$0x0], $0xffff;
	[tilespmem:s21+$0xFFFFE070] =	vst v15  }
0x4b2: {  	v29 =	vadd.s32 $0xBF68, v47;
	v36 =	vld.idx.msk [tilespmem:v18+s3+$0x0], $0xffff;
	[tilespmem:s21+$0xFFFFE010] =	vst v17  }
0x4b3: {  	v32 =	vadd.s32 $0xBF68, v48;
	v45 =	vld.idx.msk [tilespmem:v22+s3+$0x0], $0xffff;
	[tilespmem:s21+$0xFFFFE020] =	vst v23  }
0x4b4: {  	v35 =	vadd.s32 $0xBF68, v51;
	[tilespmem:s21+$0xFFFFE030] =	vst v27;
	v44 =	vld.idx.msk [tilespmem:v24+s3+$0x0], $0xffff  }
0x4b5: {  	[tilespmem:s21+$0xFFFFE040] =	vst v28;
	v46 =	vld.idx.msk [tilespmem:v21+s3+$0x0], $0xffff  }
0x4b6: {  	[tilespmem:s21+$0xFFFFE050] =	vst v34;
	v50 =	vld.idx.msk [tilespmem:v25+s3+$0x0], $0xffff  }
0x4b7: {  	v52 =	vld.idx.msk [tilespmem:v29+s3+$0x0], $0xffff;
	[tilespmem:s21+$0xFFFFE060] =	vst v36  }
0x4b8: {  	v43 =	vadd.s32 $0xBF68, v9;
	v38 =	vld.idx.msk [tilespmem:v32+s3+$0x0], $0xffff;
	[tilespmem:s21+$0xFFFFE000] =	vst v45  }
0x4b9: {  	v42 =	vadd.s32 $0xBF68, v55;
	v7 =	vld.idx.msk [tilespmem:v35+s3+$0x0], $0xffff;
	[tilespmem:s21+$0xFFFFE0F0] =	vst v44  }
0x4ba: {  	v49 =	vadd.s32 $0xC350, v1;
	[tilespmem:s21+$0xFFFFE090] =	vst v46  }
0x4bb: {  	[tilespmem:s21+$0xFFFFE0A0] =	vst v50  }
0x4bc: {  	v53 =	vadd.s32 $0xC350, v4;
	[tilespmem:s21+$0xFFFFE0B0] =	vst v52  }
0x4bd: {  	v39 =	vadd.s32 $0xC350, v5;
	v3 =	vld.idx.msk [tilespmem:v43+s3+$0x0], $0xffff;
	[tilespmem:s21+$0xFFFFE0C0] =	vst v38  }
0x4be: {  	v40 =	vadd.s32 $0xC350, v47;
	v6 =	vld.idx.msk [tilespmem:v42+s3+$0x0], $0xffff;
	[tilespmem:s21+$0xFFFFE0D0] =	vst v7;
	v7 =	vadd.s32 $0xDEA8, v51  }
0x4bf: {  	v10 =	vld.idx.msk [tilespmem:v49+s3+$0x0], $0xffff;
	[tilespmem:$0x1F850] =	vst v7;
	v7 =	vadd.s32 $0xE290, v9  }
0x4c0: {  	[tilespmem:$0x1F860] =	vst v7;
	v7 =	vadd.s32 $0xE290, v4  }
0x4c1: {  	v8 =	vld.idx.msk [tilespmem:v53+s3+$0x0], $0xffff;
	[tilespmem:$0x1F870] =	vst v7  }
0x4c2: {  	v2 =	vld.idx.msk [tilespmem:v39+s3+$0x0], $0xffff;
	[tilespmem:s21+$0xFFFFE080] =	vst v3  }
0x4c3: {  	v11 =	vld.idx.msk [tilespmem:v40+s3+$0x0], $0xffff;
	[tilespmem:s21+$0xFFFFE0E0] =	vst v6  }
0x4c4: {  	v6 =	vadd.s32 $0xE290, v55;
	[tilespmem:s21+$0xFFFFE170] =	vst v10  }
0x4c5: {  	[tilespmem:$0x1F8B0] =	vst v6  }
0x4c6: {  	v41 =	vadd.s32 $0xC350, v48;
	[tilespmem:s21+$0xFFFFE110] =	vst v8  }
0x4c7: {  	[tilespmem:s21+$0xFFFFE120] =	vst v2  }
0x4c8: {  	v10 =	vadd.s32 $0xE290, v47;
	[tilespmem:s21+$0xFFFFE130] =	vst v11  }
0x4c9: {  	v6 =	vadd.s32 $0xE678, v4;
	[tilespmem:$0x1F880] =	vst v10  }
0x4ca: {  	v2 =	vadd.s32 $0xE678, v47;
	[tilespmem:$0x1F8D0] =	vst v6  }
0x4cb: {  	v16 =	vadd.s32 $0xC350, v9;
	v7 =	vld.idx.msk [tilespmem:v41+s3+$0x0], $0xffff;
	v11 =	vadd.s32 $0xE678, v55;
	[tilespmem:$0x1F8F0] =	vst v2  }
0x4cc: {  	v0 =	vadd.s32 $0xC738, v1;
	v10 =	vadd.s32 $0xE290, v48;
	[tilespmem:$0x1F920] =	vst v11  }
0x4cd: {  	v20 =	vadd.s32 $0xC738, v5;
	v6 =	vadd.s32 $0xE678, v5;
	[tilespmem:$0x1F890] =	vst v10  }
0x4ce: {  	v2 =	vadd.s32 $0xE678, v48;
	[tilespmem:$0x1F8E0] =	vst v6  }
0x4cf: {  	[tilespmem:$0x1F900] =	vst v2  }
0x4d0: {  	v26 =	vadd.s32 $0xC350, v51;
	v10 =	vld.idx.msk [tilespmem:v16+s3+$0x0], $0xffff;
	v16 =	vadd.s32 $0xE678, v9;
	[tilespmem:s21+$0xFFFFE140] =	vst v7  }
0x4d1: {  	v0 =	vld.idx.msk [tilespmem:v0+s3+$0x0], $0xffff;
	v2 =	vadd.s32 $0xE678, v51;
	[tilespmem:$0x1F8C0] =	vst v16  }
0x4d2: {  	v30 =	vadd.s32 $0xC350, v55;
	v11 =	vld.idx.msk [tilespmem:v20+s3+$0x0], $0xffff;
	v7 =	vadd.s32 $0xEA60, v48;
	[tilespmem:$0x1F910] =	vst v2  }
0x4d3: {  	v16 =	vadd.s32 $0xE290, v51;
	[tilespmem:$0x1F970] =	vst v7  }
0x4d4: {  	v19 =	vadd.s32 $0xC738, v4;
	v7 =	vadd.s32 $0xEE48, v9;
	[tilespmem:$0x1F8A0] =	vst v16  }
0x4d5: {  	v31 =	vadd.s32 $0xC738, v47;
	v6 =	vld.idx.msk [tilespmem:v26+s3+$0x0], $0xffff;
	[tilespmem:$0x1F9A0] =	vst v7  }
0x4d6: {  	[tilespmem:s21+$0xFFFFE1F0] =	vst v0  }
0x4d7: {  	v8 =	vadd.s32 $0xCB20, v1;
	v2 =	vld.idx.msk [tilespmem:v30+s3+$0x0], $0xffff;
	[tilespmem:s21+$0xFFFFE1A0] =	vst v11  }
0x4d8: {  	v12 =	vadd.s32 $0xC738, v48;
	v0 =	vadd.s32 $0xEE48, v4;
	[tilespmem:s21+$0xFFFFE100] =	vst v10  }
0x4d9: {  	v33 =	vadd.s32 $0xC738, v9;
	v16 =	vld.idx.msk [tilespmem:v19+s3+$0x0], $0xffff;
	[tilespmem:$0x1F9B0] =	vst v0  }
0x4da: {  	v13 =	vadd.s32 $0xC738, v51;
	v7 =	vld.idx.msk [tilespmem:v31+s3+$0x0], $0xffff;
	v0 =	vadd.s32 $0xEE48, v5;
	[tilespmem:s21+$0xFFFFE150] =	vst v6  }
0x4db: {  	v37 =	vadd.s32 $0xC738, v55;
	[tilespmem:$0x1F9C0] =	vst v0  }
0x4dc: {  	v54 =	vadd.s32 $0xCB20, v5;
	v8 =	vld.idx.msk [tilespmem:v8+s3+$0x0], $0xffff;
	v0 =	vadd.s32 $0xEE48, v47;
	[tilespmem:s21+$0xFFFFE160] =	vst v2  }
0x4dd: {  	v14 =	vadd.s32 $0xCB20, v4;
	v6 =	vld.idx.msk [tilespmem:v12+s3+$0x0], $0xffff;
	[tilespmem:$0x1F9D0] =	vst v0  }
0x4de: {  	v56 =	vadd.s32 $0xCB20, v47;
	v10 =	vld.idx.msk [tilespmem:v33+s3+$0x0], $0xffff;
	[tilespmem:s21+$0xFFFFE190] =	vst v16  }
0x4df: {  	v58 =	vadd.s32 $0xCB20, v9;
	v13 =	vld.idx.msk [tilespmem:v13+s3+$0x0], $0xffff;
	v0 =	vadd.s32 $0xEE48, v48;
	[tilespmem:s21+$0xFFFFE1B0] =	vst v7  }
0x4e0: {  	v57 =	vadd.s32 $0xCB20, v55;
	v12 =	vadd.s32 $0xCF08, v1;
	v11 =	vld.idx.msk [tilespmem:v37+s3+$0x0], $0xffff;
	[tilespmem:$0x1F9E0] =	vst v0;
	v0 =	vadd.s32 $0xEE48, v51  }
0x4e1: {  	v15 =	vadd.s32 $0xCB20, v48;
	v18 =	vadd.s32 $0xCB20, v51;
	v7 =	vld.idx.msk [tilespmem:v54+s3+$0x0], $0xffff;
	[tilespmem:$0x1F9F0] =	vst v0;
	v0 =	vadd.s32 $0xF230, v5  }
0x4e2: {  	v25 =	vadd.s32 $0xCF08, v55;
	v36 =	vadd.s32 $0xD2F0, v55;
	v43 =	vadd.s32 $0xD6D8, v55;
	v14 =	vld.idx.msk [tilespmem:v14+s3+$0x0], $0xffff;
	[tilespmem:$0x1FA00] =	vst v0  }
0x4e3: {  	v53 =	vadd.s32 $0xDAC0, v55;
	v41 =	vadd.s32 $0xDEA8, v55;
	v20 =	vadd.s32 $0xF230, v55;
	[tilespmem:s21+$0xFFFFE1C0] =	vst v6;
	v6 =	vld.idx.msk [tilespmem:v56+s3+$0x0], $0xffff  }
0x4e4: {  	v31 =	vadd.s32 $0xEA60, v55;
	v33 =	vadd.s32 $0xEE48, v55;
	v0 =	vadd.s32 $0xF618, v55;
	[tilespmem:s21+$0xFFFFE270] =	vst v8;
	v55 =	vld [tilespmem:$0x1F850]  }
0x4e5: {  	[tilespmem:s21+$0xFFFFE180] =	vst v10;
	v8 =	vld.idx.msk [tilespmem:v12+s3+$0x0], $0xffff  }
0x4e6: {  	v17 =	vadd.s32 $0xCF08, v4;
	v10 =	vld.idx.msk [tilespmem:v58+s3+$0x0], $0xffff  }
0x4e7: {  	v23 =	vadd.s32 $0xCF08, v5;
	[tilespmem:s21+$0xFFFFE1D0] =	vst v13;
	v58 =	vld.idx.msk [tilespmem:v15+s3+$0x0], $0xffff  }
0x4e8: {  	v24 =	vadd.s32 $0xCF08, v47;
	[tilespmem:s21+$0xFFFFE1E0] =	vst v11;
	v11 =	vld.idx.msk [tilespmem:v18+s3+$0x0], $0xffff  }
0x4e9: {  	v56 =	vadd.s32 $0xD2F0, v1;
	[tilespmem:s21+$0xFFFFE220] =	vst v7;
	v7 =	vld.idx.msk [tilespmem:v57+s3+$0x0], $0xffff  }
0x4ea: {  	[tilespmem:s21+$0xFFFFE210] =	vst v14;
	v57 =	vld [tilespmem:$0x1F870]  }
0x4eb: {  	v14 =	vld.idx.msk [tilespmem:v17+s3+$0x0], $0xffff  }
0x4ec: {  	v22 =	vadd.s32 $0xCF08, v9;
	[tilespmem:s21+$0xFFFFE230] =	vst v6;
	v6 =	vld.idx.msk [tilespmem:v23+s3+$0x0], $0xffff  }
0x4ed: {  	v27 =	vadd.s32 $0xCF08, v48;
	[tilespmem:s21+$0xFFFFE2F0] =	vst v8;
	v24 =	vld.idx.msk [tilespmem:v24+s3+$0x0], $0xffff  }
0x4ee: {  	v21 =	vadd.s32 $0xCF08, v51;
	v8 =	vld.idx.msk [tilespmem:v56+s3+$0x0], $0xffff  }
0x4ef: {  	[tilespmem:s21+$0xFFFFE200] =	vst v10;
	v56 =	vld [tilespmem:$0x1F860]  }
0x4f0: {  	v28 =	vadd.s32 $0xD2F0, v4;
	v30 =	vadd.s32 $0xEA60, v9;
	[tilespmem:s21+$0xFFFFE240] =	vst v58;
	v58 =	vld [tilespmem:$0x1F8B0]  }
0x4f1: {  	v60 =	vadd.s32 $0xD2F0, v5;
	[tilespmem:$0x1F930] =	vst v30;
	v10 =	vld.idx.msk [tilespmem:v22+s3+$0x0], $0xffff  }
0x4f2: {  	[tilespmem:s21+$0xFFFFE250] =	vst v11;
	v11 =	vld.idx.msk [tilespmem:v27+s3+$0x0], $0xffff  }
0x4f3: {  	v23 =	vadd.s32 $0xD6D8, v1;
	[tilespmem:s21+$0xFFFFE260] =	vst v7;
	v7 =	vld.idx.msk [tilespmem:v21+s3+$0x0], $0xffff  }
0x4f4: {  	v61 =	vadd.s32 $0xD2F0, v47;
	[tilespmem:s21+$0xFFFFE290] =	vst v14;
	v25 =	vld.idx.msk [tilespmem:v25+s3+$0x0], $0xffff  }
0x4f5: {  	v29 =	vadd.s32 $0xD2F0, v48;
	v30 =	vadd.s32 $0xEA60, v5;
	[tilespmem:s21+$0xFFFFE2A0] =	vst v6;
	v6 =	vld.idx.msk [tilespmem:v28+s3+$0x0], $0xffff  }
0x4f6: {  	[tilespmem:$0x1F950] =	vst v30;
	v28 =	vld.idx.msk [tilespmem:v60+s3+$0x0], $0xffff  }
0x4f7: {  	v59 =	vadd.s32 $0xD2F0, v9;
	v60 =	vld [tilespmem:$0x1F910];
	[tilespmem:s21+$0xFFFFE370] =	vst v8  }
0x4f8: {  	v32 =	vadd.s32 $0xD2F0, v51;
	[tilespmem:s21+$0xFFFFE2B0] =	vst v24;
	v8 =	vld.idx.msk [tilespmem:v23+s3+$0x0], $0xffff  }
0x4f9: {  	v63 =	vadd.s32 $0xD6D8, v5;
	[tilespmem:s21+$0xFFFFE2C0] =	vst v11;
	v11 =	vld.idx.msk [tilespmem:v61+s3+$0x0], $0xffff  }
0x4fa: {  	v35 =	vadd.s32 $0xD6D8, v47;
	[tilespmem:s21+$0xFFFFE2D0] =	vst v7;
	v7 =	vld.idx.msk [tilespmem:v29+s3+$0x0], $0xffff  }
0x4fb: {  	[tilespmem:s21+$0xFFFFE280] =	vst v10;
	v61 =	vld [tilespmem:$0x1F920]  }
0x4fc: {  	v62 =	vadd.s32 $0xD6D8, v4;
	v10 =	vld.idx.msk [tilespmem:v59+s3+$0x0], $0xffff;
	[tilespmem:s21+$0xFFFFE2E0] =	vst v25  }
0x4fd: {  	v27 =	vadd.s32 $0xDAC0, v1;
	v32 =	vld.idx.msk [tilespmem:v32+s3+$0x0], $0xffff;
	[tilespmem:s21+$0xFFFFE320] =	vst v28  }
0x4fe: {  	[tilespmem:s21+$0xFFFFE330] =	vst v11;
	v11 =	vld.idx.msk [tilespmem:v63+s3+$0x0], $0xffff  }
0x4ff: {  	v46 =	vadd.s32 $0xDAC0, v5;
	[tilespmem:s21+$0xFFFFE340] =	vst v7;
	v7 =	vld.idx.msk [tilespmem:v35+s3+$0x0], $0xffff  }
0x500: {  	v34 =	vadd.s32 $0xD6D8, v9;
	[tilespmem:s21+$0xFFFFE310] =	vst v6;
	v6 =	vld.idx.msk [tilespmem:v36+s3+$0x0], $0xffff  }
0x501: {  	v37 =	vld.idx.msk [tilespmem:v62+s3+$0x0], $0xffff;
	[tilespmem:s21+$0xFFFFE3F0] =	vst v8  }
0x502: {  	v44 =	vadd.s32 $0xD6D8, v48;
	[tilespmem:s21+$0xFFFFE300] =	vst v10;
	v8 =	vld.idx.msk [tilespmem:v27+s3+$0x0], $0xffff  }
0x503: {  	v45 =	vadd.s32 $0xD6D8, v51;
	[tilespmem:s21+$0xFFFFE3A0] =	vst v11;
	v11 =	vld [tilespmem:$0x1F820]  }
0x504: {  	[tilespmem:s21+$0xFFFFE3B0] =	vst v7;
	v7 =	vld.idx.msk [tilespmem:v46+s3+$0x0], $0xffff  }
0x505: {  	[tilespmem:s21+$0xFFFFE350] =	vst v32;
	v10 =	vld.idx.msk [tilespmem:v34+s3+$0x0], $0xffff  }
0x506: {  	v59 =	vld [tilespmem:$0x1F8C0];
	[tilespmem:s21+$0xFFFFE360] =	vst v6  }
0x507: {  	v44 =	vld.idx.msk [tilespmem:v44+s3+$0x0], $0xffff;
	[tilespmem:s21+$0xFFFFE390] =	vst v37  }
0x508: {  	v36 =	vadd.s32 $0xDEA8, v1;
	[tilespmem:s21+$0x70] =	vst v8;
	v8 =	vld.idx.msk [tilespmem:v45+s3+$0x0], $0xffff  }
0x509: {  	v50 =	vadd.s32 $0xDAC0, v47;
	[tilespmem:s21+$0x20] =	vst v7;
	v7 =	vld [tilespmem:$0x1F840]  }
0x50a: {  	v42 =	vadd.s32 $0xDAC0, v48;
	v30 =	vadd.s32 $0xEA60, v51;
	[tilespmem:s21+$0xFFFFE380] =	vst v10;
	v10 =	vld.idx.msk [tilespmem:v43+s3+$0x0], $0xffff  }
0x50b: {  	[tilespmem:$0x1F980] =	vst v30;
	v11 =	vld.idx.msk [tilespmem:v11+s3+$0x0], $0xffff  }
0x50c: {  	[tilespmem:$0x1F990] =	vst v31;
	v62 =	vld [tilespmem:$0x1F980]  }
0x50d: {  	v52 =	vadd.s32 $0xDAC0, v51;
	v49 =	vadd.s32 $0xDAC0, v9;
	v31 =	vadd.s32 $0xF230, v9;
	v6 =	vld.idx.msk [tilespmem:v36+s3+$0x0], $0xffff;
	[tilespmem:s21+$0xFFFFE3C0] =	vst v44  }
0x50e: {  	v2 =	vadd.s32 $0xF618, v51;
	v16 =	vadd.s32 $0xF618, v9;
	v9 =	vadd.s32 $0xF230, v51;
	v51 =	vld.idx.msk [tilespmem:v50+s3+$0x0], $0xffff;
	[tilespmem:s21+$0xFFFFE3D0] =	vst v8  }
0x50f: {  	v45 =	vadd.s32 $0xE290, v1;
	v8 =	vld.idx.msk [tilespmem:v42+s3+$0x0], $0xffff;
	[tilespmem:s21+$0xFFFFE3E0] =	vst v10  }
0x510: {  	v38 =	vadd.s32 $0xDEA8, v47;
	[tilespmem:s21+$0x10] =	vst v11;
	v11 =	vld.idx.msk [tilespmem:v53+s3+$0x0], $0xffff  }
0x511: {  	v7 =	vld.idx.msk [tilespmem:v7+s3+$0x0], $0xffff  }
0x512: {  	v49 =	vld.idx.msk [tilespmem:v49+s3+$0x0], $0xffff;
	[tilespmem:s21+$0xF0] =	vst v6  }
0x513: {  	v39 =	vadd.s32 $0xDEA8, v5;
	v10 =	vld.idx.msk [tilespmem:v52+s3+$0x0], $0xffff;
	[tilespmem:s21+$0x30] =	vst v51  }
0x514: {  	v40 =	vadd.s32 $0xDEA8, v48;
	v6 =	vld.idx.msk [tilespmem:v45+s3+$0x0], $0xffff;
	[tilespmem:s21+$0x40] =	vst v8  }
0x515: {  	v52 =	vadd.s32 $0xE678, v1;
	v8 =	vld.idx.msk [tilespmem:v38+s3+$0x0], $0xffff;
	[tilespmem:s21+$0x60] =	vst v11  }
0x516: {  	[tilespmem:s21+$0x90] =	vst v7;
	v7 =	vld.idx.msk [tilespmem:v41+s3+$0x0], $0xffff  }
0x517: {  	v53 =	vld [tilespmem:$0x1F830]  }
0x518: {  	v54 =	vld.idx.msk [tilespmem:v39+s3+$0x0], $0xffff;
	[tilespmem:s21+$0x50] =	vst v10  }
0x519: {  	v3 =	vadd.s32 $0xE290, v5;
	v10 =	vld.idx.msk [tilespmem:v40+s3+$0x0], $0xffff;
	[tilespmem:s21+$0x170] =	vst v6  }
0x51a: {  	v6 =	vld.idx.msk [tilespmem:v52+s3+$0x0], $0xffff  }
0x51b: {  	v11 =	vadd.s32 $0xEA60, v1;
	[tilespmem:s21+$0xE0] =	vst v7;
	v7 =	vld [tilespmem:$0x1F8A0]  }
0x51c: {  	[tilespmem:s21+$0xB0] =	vst v8;
	v8 =	vld [tilespmem:$0x1F880]  }
0x51d: {  	[tilespmem:s21+$0xA0] =	vst v54;
	v12 =	vld.idx.msk [tilespmem:v55+s3+$0x0], $0xffff  }
0x51e: {  	[tilespmem:s21+$0x0] =	vst v49;
	v3 =	vld.idx.msk [tilespmem:v3+s3+$0x0], $0xffff  }
0x51f: {  	[tilespmem:s21+$0x1F0] =	vst v6;
	v13 =	vld.idx.msk [tilespmem:v53+s3+$0x0], $0xffff  }
0x520: {  	v6 =	vld.idx.msk [tilespmem:v11+s3+$0x0], $0xffff  }
0x521: {  	[tilespmem:s21+$0xC0] =	vst v10;
	v11 =	vld [tilespmem:$0x1F890]  }
0x522: {  	v10 =	vadd.s32 $0xEE48, v1;
	[tilespmem:s21+$0xD0] =	vst v12;
	v14 =	vld.idx.msk [tilespmem:v57+s3+$0x0], $0xffff  }
0x523: {  	v7 =	vld.idx.msk [tilespmem:v7+s3+$0x0], $0xffff  }
0x524: {  	v8 =	vld.idx.msk [tilespmem:v8+s3+$0x0], $0xffff;
	[tilespmem:s21+$0x80] =	vst v13  }
0x525: {  	v13 =	vld.idx.msk [tilespmem:v56+s3+$0x0], $0xffff  }
0x526: {  	[tilespmem:s21+$0x270] =	vst v6;
	v6 =	vld [tilespmem:$0x1F8D0]  }
0x527: {  	[tilespmem:s21+$0x120] =	vst v3;
	v3 =	vld.idx.msk [tilespmem:v10+s3+$0x0], $0xffff  }
0x528: {  	v10 =	vadd.s32 $0xF230, v1;
	[tilespmem:s21+$0x150] =	vst v7;
	v7 =	vld [tilespmem:$0x1F900]  }
0x529: {  	v11 =	vld.idx.msk [tilespmem:v11+s3+$0x0], $0xffff  }
0x52a: {  	[tilespmem:s21+$0x130] =	vst v8;
	v8 =	vld [tilespmem:$0x1F8E0]  }
0x52b: {  	v12 =	vld.idx.msk [tilespmem:v58+s3+$0x0], $0xffff;
	[tilespmem:s21+$0x100] =	vst v13  }
0x52c: {  	v13 =	vld.idx.msk [tilespmem:v59+s3+$0x0], $0xffff;
	[tilespmem:s21+$0x2F0] =	vst v3  }
0x52d: {  	v3 =	vld.idx.msk [tilespmem:v10+s3+$0x0], $0xffff  }
0x52e: {  	[tilespmem:s21+$0x140] =	vst v11;
	v11 =	vld [tilespmem:$0x1F8F0]  }
0x52f: {  	v10 =	vld [tilespmem:$0x1F950]  }
0x530: {  	v26 =	vadd.s32 $0xEA60, v4;
	[tilespmem:s21+$0x110] =	vst v14;
	v7 =	vld.idx.msk [tilespmem:v7+s3+$0x0], $0xffff  }
0x531: {  	[tilespmem:$0x1F940] =	vst v26;
	v26 =	vadd.s32 $0xEA60, v47;
	v6 =	vld.idx.msk [tilespmem:v6+s3+$0x0], $0xffff  }
0x532: {  	[tilespmem:$0x1F960] =	vst v26;
	v8 =	vld.idx.msk [tilespmem:v8+s3+$0x0], $0xffff  }
0x533: {  	[tilespmem:s21+$0x160] =	vst v12;
	v12 =	vld.idx.msk [tilespmem:v60+s3+$0x0], $0xffff  }
0x534: {  	[tilespmem:s21+$0x180] =	vst v13;
	v13 =	vld.idx.msk [tilespmem:v61+s3+$0x0], $0xffff  }
0x535: {  	v1 =	vadd.s32 $0xF618, v1;
	[tilespmem:s21+$0x1C0] =	vst v7;
	v7 =	vld [tilespmem:$0x1F960]  }
0x536: {  	v11 =	vld.idx.msk [tilespmem:v11+s3+$0x0], $0xffff  }
0x537: {  	[tilespmem:s21+$0x190] =	vst v6;
	v6 =	vld [tilespmem:$0x1F930]  }
0x538: {  	[tilespmem:s21+$0x1A0] =	vst v8;
	v8 =	vld [tilespmem:$0x1F940]  }
0x539: {  	[tilespmem:s21+$0x370] =	vst v3;
	v3 =	vld [tilespmem:$0x1F990]  }
0x53a: {  	v1 =	vld.idx.msk [tilespmem:v1+s3+$0x0], $0xffff  }
0x53b: {  	[tilespmem:s21+$0x1B0] =	vst v11;
	v11 =	vld [tilespmem:$0x1F970]  }
0x53c: {  	v10 =	vld.idx.msk [tilespmem:v10+s3+$0x0], $0xffff  }
0x53d: {  	[tilespmem:s21+$0x1D0] =	vst v12;
	v7 =	vld.idx.msk [tilespmem:v7+s3+$0x0], $0xffff  }
0x53e: {  	v12 =	vld.idx.msk [tilespmem:v62+s3+$0x0], $0xffff  }
0x53f: {  	v6 =	vld.idx.msk [tilespmem:v6+s3+$0x0], $0xffff  }
0x540: {  	v8 =	vld.idx.msk [tilespmem:v8+s3+$0x0], $0xffff  }
0x541: {  	[tilespmem:s21+$0x3F0] =	vst v1;
	v1 =	vld [tilespmem:$0x1F9F0]  }
0x542: {  	[tilespmem:s21+$0x230] =	vst v7;
	v7 =	vld [tilespmem:$0x1F9C0]  }
0x543: {  	v11 =	vld.idx.msk [tilespmem:v11+s3+$0x0], $0xffff  }
0x544: {  	[tilespmem:s21+$0x200] =	vst v6;
	v6 =	vld [tilespmem:$0x1F9A0]  }
0x545: {  	[tilespmem:s21+$0x210] =	vst v8;
	v8 =	vld [tilespmem:$0x1F9B0]  }
0x546: {  	[tilespmem:s21+$0x220] =	vst v10;
	v10 =	vld [tilespmem:$0x1F9D0]  }
0x547: {  	[tilespmem:s21+$0x1E0] =	vst v13  }
0x548: {  	[tilespmem:s21+$0x240] =	vst v11;
	v11 =	vld [tilespmem:$0x1F9E0]  }
0x549: {  	v3 =	vld.idx.msk [tilespmem:v3+s3+$0x0], $0xffff  }
0x54a: {  	[tilespmem:s21+$0x250] =	vst v12;
	v7 =	vld.idx.msk [tilespmem:v7+s3+$0x0], $0xffff  }
0x54b: {  	v1 =	vld.idx.msk [tilespmem:v1+s3+$0x0], $0xffff  }
0x54c: {  	v6 =	vld.idx.msk [tilespmem:v6+s3+$0x0], $0xffff  }
0x54d: {  	v8 =	vld.idx.msk [tilespmem:v8+s3+$0x0], $0xffff  }
0x54e: {  	v10 =	vld.idx.msk [tilespmem:v10+s3+$0x0], $0xffff  }
0x54f: {  	v26 =	vadd.s32 $0xF230, v4;
	[tilespmem:s21+$0x2A0] =	vst v7;
	v7 =	vld [tilespmem:$0x1FA00]  }
0x550: {  	v30 =	vadd.s32 $0xF230, v47;
	[tilespmem:s21+$0x260] =	vst v3;
	v11 =	vld.idx.msk [tilespmem:v11+s3+$0x0], $0xffff  }
0x551: {  	v19 =	vadd.s32 $0xF230, v48;
	v3 =	vld.idx.msk [tilespmem:v33+s3+$0x0], $0xffff;
	[tilespmem:s21+$0x2D0] =	vst v1  }
0x552: {  	v1 =	vld.idx.msk [tilespmem:v9+s3+$0x0], $0xffff;
	[tilespmem:s21+$0x280] =	vst v6  }
0x553: {  	v6 =	vld.idx.msk [tilespmem:v31+s3+$0x0], $0xffff;
	[tilespmem:s21+$0x290] =	vst v8  }
0x554: {  	v63 =	vld.idx.msk [tilespmem:v26+s3+$0x0], $0xffff;
	[tilespmem:s21+$0x2B0] =	vst v10  }
0x555: {  	v4 =	vadd.s32 $0xF618, v4;
	v10 =	vld.idx.msk [tilespmem:v30+s3+$0x0], $0xffff;
	[tilespmem:s21+$0x2C0] =	vst v11  }
0x556: {  	v47 =	vadd.s32 $0xF618, v47;
	v11 =	vld.idx.msk [tilespmem:v19+s3+$0x0], $0xffff  }
0x557: {  	s22 =	sadd.s32 $0x8, s22;
	v48 =	vadd.s32 $0xF618, v48;
	[tilespmem:s21+$0x2E0] =	vst v3;
	v7 =	vld.idx.msk [tilespmem:v7+s3+$0x0], $0xffff  }
0x558: {  	p0 =	slt.u32 s22, $0x38;
	v5 =	vadd.s32 $0xF618, v5;
	v8 =	vld.idx.msk [tilespmem:v20+s3+$0x0], $0xffff;
	[tilespmem:s21+$0x300] =	vst v6  }
.Ltmp3:
0x559: {  	v3 =	vld.idx.msk [tilespmem:v16+s3+$0x0], $0xffff;
	[tilespmem:s21+$0x310] =	vst v63;
	(pc) =	sbr.rel @p0 .LBB2_9-.Ltmp3, $4  }
0x55a: {  	v6 =	vld.idx.msk [tilespmem:v4+s3+$0x0], $0xffff;
	[tilespmem:s21+$0x330] =	vst v10  }
0x55b: {  	v9 =	vld.idx.msk [tilespmem:v47+s3+$0x0], $0xffff;
	[tilespmem:s21+$0x340] =	vst v11  }
0x55c: {  	v10 =	vld.idx.msk [tilespmem:v48+s3+$0x0], $0xffff;
	[tilespmem:s21+$0x320] =	vst v7  }
0x55d: {  	s23 =	sadd.s32 $0x80, s23;
	[tilespmem:s21+$0x350] =	vst v1;
	v7 =	vld.idx.msk [tilespmem:v5+s3+$0x0], $0xffff  }
0x55e: {  	_ =	sdelay $0x2  }
0x55f: {  	[tilespmem:s21+$0x360] =	vst v8  }
0x560: {  	[tilespmem:s21+$0x380] =	vst v3;
	v1 =	vld.idx.msk [tilespmem:v2+s3+$0x0], $0xffff  }
0x561: {  	s19 =	sadd.s32 $0x1, s19;
	[tilespmem:s21+$0x390] =	vst v6;
	v0 =	vld.idx.msk [tilespmem:v0+s3+$0x0], $0xffff  }
0x562: {  	p0 =	sne.s32 s19, $0x19;
	[tilespmem:s21+$0x3B0] =	vst v9  }
.Ltmp4:
0x563: {  	[tilespmem:s21+$0x3C0] =	vst v10;
	(pc) =	sbr.rel @p0 .LBB2_2-.Ltmp4, $4  }
0x564: {  	s20 =	sadd.s32 s10, s20;
	[tilespmem:s21+$0x3A0] =	vst v7  }
0x565: {  	s20 =	sshrl.u32 s20, $0x3;
	[tilespmem:s21+$0x3D0] =	vst v1  }
0x566: {  	s20 =	sadd.s32 s2, s20;
	[tilespmem:s21+$0x3E0] =	vst v0  }
0x567: {  	[hbm4b:s20+s3] =	stream.linear.scatter [tilespmem:s15], [sflag:$0x3], $0x4000, $0x38;
	[tilespmem:$0x17E00] =	vst v63  }
0x568: {  	s18 =	sadd.s32 $0x1, s18  }
0x569: {  	_ =	swait.ge [sflag:s16], $0x4000;
	p0 =	sne.s32 s18, s11  }
.Ltmp5:
0x56a: {  	[sflag:s16] =	ssyncset.done $0x0;
	(pc) =	sbr.rel @p0 .LBB2_1-.Ltmp5, $4  }
0x56b: {  	[sflag:s16] =	ssyncadd.s32 $0xFFFFC000  }
0x56c: {  	_ =	swait.ge [sflag:s17], $0x4000  }
0x56d: {  	[sflag:s17] =	ssyncset.done $0x0  }
0x56e: {  	[sflag:s17] =	ssyncadd.s32 $0xFFFFC000  }
0x56f: {  	_ =	sfence.sel $0x180000  }
0x570: {  	[bflag:$0x0] =	sbarrier.arrive $0xFFFF  }
0x571: {  	p0 =	sne.s32 s1, $0x0;
	_ =	strace $0x90000047  }
0x572: {  	s0 =	sadd.s32 @!p0 $0x100000, s0;
	[bflag:$0x2] =	sbarrier.arrive $0xFFFF  }
0x573: {  	[sflag:s0] =	ssyncadd.tile.s32 @!p0 $0x1;
	_ =	shalt  }
.Lfunc_end2:
_tile_overlayer_lowered:
.L_overlay_start_2:
0x574: {  	(tag) =	ssettag $0x2  }
0x575: {  	s0 =	rddreg [dreg:$0x0];
	s2 =	stileid.u32  }
0x576: {  	s1 =	rddreg [dreg:$0x1];
	p0 =	sne.s32 s2, $0x0  }
0x577: {  	s3 =	rddreg [dreg:$0x2];
	[bflag:$0x3] =	sbarrier.arrive $0xFFFF;
	s2 =	simm.s32 @!p0 $0x1C04  }
0x578: {  	[timem:s3], [sflag:s2] =	dma.local @!p0 [hbm:s0], s1  }
0x579: {  	s0 =	simm.s32 @!p0 $0x4  }
0x57a: {  	_ =	swait.ge @!p0 [sflag:s0], s1  }
0x57b: {  	s1 =	ssub.s32 @!p0 $0x0, s1;
	[sflag:s0] =	ssyncset.done @!p0 $0x0  }
0x57c: {  	[sflag:s0] =	ssyncadd.s32 @!p0 s1  }
0x57d: {  	[bflag:$0x3] =	sbarrier.arrive $0xFFFF  }
0x57e: {  	_ =	shalt  }

</sc_bundles>
